<compile_context>
chip_gen: v7x
topology: tpu7x:2x2x1
jax: 0.10.2.dev20260603
libtpu: 0.0.44.dev20260713+nightly
codegen_flags: <defaults>
</compile_context>

<pallas_src>
import functools

import jax
import jax.numpy as jnp
from jax import lax
from jax.experimental import pallas as pl
from jax.experimental.pallas import tpu as pltpu
from jax.experimental.pallas import tpu_sc as plsc

INPUT_DIM = 2048
OUTPUT_DIM = 512
K_DIM = 256
N_KEYS = 512
HEADS = 4
KNN = 8
HALF = K_DIM // 2
NSLOT = HEADS * KNN

NEG = -1e30


BB = 512


def _extract_top8(s, vals, idxs, idx_src=None):
    n = s.shape[1]
    iota = lax.broadcasted_iota(jnp.int32, s.shape, 1)
    for _ in range(KNN):
        m = jnp.max(s, axis=1, keepdims=True)
        p = jnp.argmax(s, axis=1, keepdims=True).astype(jnp.int32)
        hit = iota == p
        if idx_src is None:
            idxs.append(p)
        else:
            idxs.append(jnp.sum(jnp.where(hit, idx_src, 0), axis=1,
                                keepdims=True))
        vals.append(m)
        s = jnp.where(hit, NEG, s)


def _tc_body(x_ref, wq_ref, bq_ref, keys_ref, idx_ref, wb_ref):
    q = lax.dot_general(
        x_ref[...], wq_ref[...], (((1,), (1,)), ((), ())),
        preferred_element_type=jnp.float32,
    ) + bq_ref[...]

    idx_cols = []
    wb_cols = []
    for h in range(HEADS):
        q1 = q[:, h * K_DIM: h * K_DIM + HALF]
        q2 = q[:, h * K_DIM + HALF: (h + 1) * K_DIM]
        s1 = lax.dot_general(
            q1, keys_ref[h, 0], (((1,), (1,)), ((), ())),
            preferred_element_type=jnp.float32)
        s2 = lax.dot_general(
            q2, keys_ref[h, 1], (((1,), (1,)), ((), ())),
            preferred_element_type=jnp.float32)

        v1, i1 = [], []
        _extract_top8(s1, v1, i1)
        v2, i2 = [], []
        _extract_top8(s2, v2, i2)

        s2cat = jnp.concatenate(v2, axis=1)
        i2cat = jnp.concatenate(i2, axis=1)
        all_s = jnp.concatenate([v1[i] + s2cat for i in range(KNN)], axis=1)
        all_i = jnp.concatenate(
            [i1[i] * N_KEYS + i2cat for i in range(KNN)], axis=1)

        sv, si = [], []
        _extract_top8(all_s, sv, si, idx_src=all_i)
        svc = jnp.concatenate(sv, axis=1)
        e = jnp.exp(svc - svc[:, 0:1])
        w = e / jnp.sum(e, axis=1, keepdims=True)

        idx_cols.extend(si)
        for k in range(KNN):
            wb_cols.append(jnp.broadcast_to(w[:, k:k + 1], (BB, 16)))

    idx_ref[...] = jnp.concatenate(idx_cols, axis=1)
    wb_ref[...] = jnp.concatenate(wb_cols, axis=1)


def _tc_call(x, Wq, bq2, keys):
    b = x.shape[0]
    return pl.pallas_call(
        _tc_body,
        grid=(b // BB,),
        in_specs=[
            pl.BlockSpec((BB, INPUT_DIM), lambda i: (i, 0)),
            pl.BlockSpec((HEADS * K_DIM, INPUT_DIM), lambda i: (0, 0)),
            pl.BlockSpec((1, HEADS * K_DIM), lambda i: (0, 0)),
            pl.BlockSpec((HEADS, 2, N_KEYS, HALF), lambda i: (0, 0, 0, 0)),
        ],
        out_specs=[
            pl.BlockSpec((BB, NSLOT), lambda i: (i, 0)),
            pl.BlockSpec((BB, 16 * NSLOT), lambda i: (i, 0)),
        ],
        out_shape=[
            jax.ShapeDtypeStruct((b, NSLOT), jnp.int32),
            jax.ShapeDtypeStruct((b, 16 * NSLOT), jnp.float32),
        ],
    )(x, Wq, bq2, keys)



NC, NS, L = 2, 16, 16
NW = NC * NS
C = 2
DB = OUTPUT_DIM // L


def _sc_embed(values, idx2, wb, b):
    bpw = b // NW
    nchunk = bpw // C

    mesh = plsc.VectorSubcoreMesh(
        core_axis_name="c", subcore_axis_name="s",
        num_cores=NC, num_subcores=NS)

    @functools.partial(
        pl.kernel,
        out_type=jax.ShapeDtypeStruct((b, OUTPUT_DIM), jnp.float32),
        mesh=mesh,
        scratch_types=[
            pltpu.VMEM((nchunk, C * NSLOT), jnp.int32),
            pltpu.VMEM((2, C * NSLOT, OUTPUT_DIM), jnp.float32),
            pltpu.VMEM((2, C, OUTPUT_DIM), jnp.float32),
            pltpu.VMEM((2, C, OUTPUT_DIM), jnp.float32),
            pltpu.SemaphoreType.DMA((2,)),
            pltpu.SemaphoreType.DMA((2,)),
            pltpu.SemaphoreType.DMA((2,)),
        ],
    )
    def k(values_hbm, idx_hbm, wb_hbm, out_hbm,
          idx_v, rows_v, wbuf, obuf, sem_g, sem_w, sem_o):
        wid = lax.axis_index("s") * NC + lax.axis_index("c")
        base_chunk = wid * nchunk
        base_item = wid * bpw

        pltpu.sync_copy(idx_hbm.at[pl.ds(base_chunk, nchunk)], idx_v)

        def start(g, buf):
            pltpu.async_copy(values_hbm.at[idx_v.at[g]], rows_v.at[buf],
                             sem_g.at[buf])
            pltpu.async_copy(wb_hbm.at[pl.ds(base_item + g * C, C)],
                             wbuf.at[buf], sem_w.at[buf])

        def compute(g, buf):
            for ci in range(C):
                def kbody(kk, accs):
                    wv = wbuf[buf, ci, pl.ds(kk * L, L)]
                    row = ci * NSLOT + kk
                    return tuple(
                        accs[d] + rows_v[buf, row, pl.ds(d * L, L)] * wv
                        for d in range(DB))
                accs = lax.fori_loop(
                    0, NSLOT, kbody,
                    tuple(jnp.zeros((L,), jnp.float32) for _ in range(DB)))
                for d in range(DB):
                    obuf[buf, ci, pl.ds(d * L, L)] = accs[d]

        start(0, 0)
        start(1, 1)

        def outer(g2, carry):
            for buf in range(2):
                g = g2 * 2 + buf
                item0 = base_item + g * C
                pltpu.make_async_copy(values_hbm.at[idx_v.at[g]],
                                      rows_v.at[buf], sem_g.at[buf]).wait()
                pltpu.make_async_copy(wb_hbm.at[pl.ds(item0, C)],
                                      wbuf.at[buf], sem_w.at[buf]).wait()

                @pl.when(g2 > 0)
                def _():
                    pltpu.make_async_copy(
                        obuf.at[buf], out_hbm.at[pl.ds(item0 - 2 * C, C)],
                        sem_o.at[buf]).wait()

                compute(g, buf)

                @pl.when(g2 < nchunk // 2 - 1)
                def _():
                    start(g + 2, buf)

                pltpu.async_copy(obuf.at[buf], out_hbm.at[pl.ds(item0, C)],
                                 sem_o.at[buf])
            return carry

        lax.fori_loop(0, nchunk // 2, outer, 0)

        for buf in range(2):
            g = nchunk - 2 + buf
            pltpu.make_async_copy(
                obuf.at[buf], out_hbm.at[pl.ds(base_item + g * C, C)],
                sem_o.at[buf]).wait()

    return k(values, idx2, wb)




def kernel(x, Wq, bq, keys, values):
    b = x.shape[0]
    idx, wb = _tc_call(x, Wq, bq.reshape(1, -1), keys)
    idx2 = idx.reshape(b // C, C * NSLOT)
    return _sc_embed(values, idx2, wb, b)

# --- scband reference (transcript-rebuilt; emitter-appended) ---
"""Pipeline reference for scband-hashing-memory-53163105190602 (READ-ONLY COPY).

The authoritative reference and input builder live on the scoring server;
editing this copy changes nothing except your own understanding.
"""

import jax, jax.numpy as jnp
import numpy as np
import math

INPUT_DIM = 2048
OUTPUT_DIM = 512
K_DIM = 256
N_KEYS = 512
HEADS = 4
KNN = 8
HALF = K_DIM // 2
SIZE = N_KEYS * N_KEYS


def get_uniform_keys(n_keys, dim, seed):
    rng = np.random.RandomState(seed)
    bound = 1.0 / math.sqrt(dim)
    return rng.uniform(-bound, bound, (n_keys, dim)).astype(np.float32)


def setup_inputs(seed: int = 0):
    key = jax.random.key(seed)
    k1, k2, k3 = jax.random.split(key, 3)
    x = jax.random.normal(k1, (4096, INPUT_DIM), dtype=jnp.float32)
    bound = 1.0 / math.sqrt(INPUT_DIM)
    Wq = jax.random.uniform(k2, (HEADS * K_DIM, INPUT_DIM), minval=-bound, maxval=bound, dtype=jnp.float32)
    bq = jnp.zeros((HEADS * K_DIM,), dtype=jnp.float32)
    keys = jnp.asarray(np.stack([get_uniform_keys(N_KEYS, HALF, seed=2 * i + j) for i in range(HEADS) for j in range(2)]).reshape(HEADS, 2, N_KEYS, HALF))
    values = jax.random.normal(k3, (SIZE, OUTPUT_DIM), dtype=jnp.float32) * (OUTPUT_DIM ** -0.5)
    return {"x": x, "Wq": Wq, "bq": bq, "keys": keys, "values": values}


def _get_indices_head(q, subkeys):
    # q: (bs, K_DIM); subkeys: (2, N_KEYS, HALF)
    bs = q.shape[0]
    q1 = q[:, :HALF]
    q2 = q[:, HALF:]
    scores1 = q1 @ subkeys[0].T  # (bs, N_KEYS)
    scores2 = q2 @ subkeys[1].T  # (bs, N_KEYS)
    s1, i1 = jax.lax.top_k(scores1, KNN)
    s2, i2 = jax.lax.top_k(scores2, KNN)
    all_scores = (s1[:, :, None] + s2[:, None, :]).reshape(bs, KNN * KNN)
    all_indices = (i1[:, :, None] * N_KEYS + i2[:, None, :]).reshape(bs, KNN * KNN)
    scores, best = jax.lax.top_k(all_scores, KNN)
    indices = jnp.take_along_axis(all_indices, best, axis=1)
    return scores, indices


def reference(x, Wq, bq, keys, values):
    bs = x.shape[0]
    query = x @ Wq.T + bq  # (bs, HEADS*K_DIM)
    query = query.reshape(bs, HEADS, K_DIM)
    outs = [_get_indices_head(query[:, h], keys[h]) for h in range(HEADS)]
    scores = jnp.stack([s for s, _ in outs], axis=1)   # (bs, HEADS, KNN)
    indices = jnp.stack([i for _, i in outs], axis=1)  # (bs, HEADS, KNN)
    scores = jax.nn.softmax(scores, axis=-1)           # softmax over knn per head
    indices = indices.reshape(bs, HEADS * KNN)
    scores = scores.reshape(bs, HEADS * KNN)
    gathered = jnp.take(values, indices, axis=0)       # (bs, HEADS*KNN, OUTPUT_DIM)
    output = jnp.einsum('bk,bkd->bd', scores, gathered)  # EmbeddingBag sum with per_sample_weights
    return output

if __name__ == "__main__":
    import jax
    _d = setup_inputs()
    print(jax.jit(kernel)(*tuple(_d.values())))

</pallas_src>

<mosaic_0001>
#map = affine_map<(d0, d1) -> (0, 0)>
module attributes {stable_mosaic.version = 14 : i64} {
  func.func @k(%arg0: i32, %arg1: i32, %arg2: memref<262144x512xf32, #tpu.memory_space<hbm>>, %arg3: memref<2048x64xi32, #tpu.memory_space<hbm>>, %arg4: memref<4096x512xf32, #tpu.memory_space<hbm>>, %arg5: memref<4096x512xf32, #tpu.memory_space<hbm>>, %arg6: memref<64x64xi32, #tpu.memory_space<vmem>>, %arg7: memref<2x64x512xf32, #tpu.memory_space<vmem>>, %arg8: memref<2x2x512xf32, #tpu.memory_space<vmem>>, %arg9: memref<2x2x512xf32, #tpu.memory_space<vmem>>, %arg10: memref<2x!tpu.dma_semaphore, #tpu.memory_space<semaphore_mem>>, %arg11: memref<2x!tpu.dma_semaphore, #tpu.memory_space<semaphore_mem>>, %arg12: memref<2x!tpu.dma_semaphore, #tpu.memory_space<semaphore_mem>>) attributes {dimension_semantics = [#tpu.dimension_semantics<core_parallel>, #tpu.dimension_semantics<subcore_parallel>], iteration_bounds = array<i64: 2, 16>, scalar_prefetch = 0 : i64, scratch_operands = 7 : i64, tpu.core_type = #tpu.core_type<sc_vector_subcore>, window_params = [{transform_indices = #map}, {transform_indices = #map}, {transform_indices = #map}, {transform_indices = #map}]} {
    %mul3A = arith.constant 2 : i32
    %mul3A_0 = arith.muli %arg1, %mul3A : i32
    %add3A = arith.addi %mul3A_0, %arg0 : i32
    %mul3A_1 = arith.constant 64 : i32
    %mul3A_2 = arith.muli %add3A, %mul3A_1 : i32
    %mul3A_3 = arith.constant 128 : i32
    %mul3A_4 = arith.muli %add3A, %mul3A_3 : i32
    "tpu.region"() ({
      %run_scoped3A = tpu.sem_alloc : memref<!tpu.dma_semaphore, #tpu.memory_space<semaphore_mem>>
      %dma_start3A_110 = arith.constant 0 : i32
      %dma_start3A_111 = tpu.memref_slice %arg3[%mul3A_2, %dma_start3A_110] : memref<2048x64xi32, #tpu.memory_space<hbm>> -> memref<64x64xi32, #tpu.memory_space<hbm>>
      %dma_start3A_112 = arith.constant 0 : i32
      %dma_start3A_113 = tpu.memref_slice %arg3[%mul3A_2, %dma_start3A_112] : memref<2048x64xi32, #tpu.memory_space<hbm>> -> memref<64x64xi32, #tpu.memory_space<hbm>>
      tpu.enqueue_dma source(%dma_start3A_113 : memref<64x64xi32, #tpu.memory_space<hbm>>) target(%arg6 : memref<64x64xi32, #tpu.memory_space<vmem>>) target_semaphore(%run_scoped3A : memref<!tpu.dma_semaphore, #tpu.memory_space<semaphore_mem>>)
      %dma_wait3A_114 = arith.constant 0 : i32
      %dma_wait3A_115 = tpu.memref_slice %arg3[%mul3A_2, %dma_wait3A_114] : memref<2048x64xi32, #tpu.memory_space<hbm>> -> memref<64x64xi32, #tpu.memory_space<hbm>>
      %dma_wait3A_116 = arith.constant 0 : i32
      %dma_wait3A_117 = tpu.memref_slice %arg3[%mul3A_2, %dma_wait3A_116] : memref<2048x64xi32, #tpu.memory_space<hbm>> -> memref<64x64xi32, #tpu.memory_space<hbm>>
      tpu.wait_dma2 semaphore(%run_scoped3A : memref<!tpu.dma_semaphore, #tpu.memory_space<semaphore_mem>>) src(%dma_wait3A_117 : memref<64x64xi32, #tpu.memory_space<hbm>>) dst(%arg6 : memref<64x64xi32, #tpu.memory_space<vmem>>)
      tpu.yield
    }) : () -> ()
    %dma_start3A = arith.constant 0 : i32
    %dma_start3A_5 = arith.constant 0 : i32
    %dma_start3A_6 = arith.constant 0 : i32
    %dma_start3A_7 = arith.constant 0 : i32
    %dma_start3A_8 = arith.constant 0 : i32
    %dma_start3A_9 = tpu.memref_slice %arg7[%dma_start3A_5, %dma_start3A_7, %dma_start3A_8] : memref<2x64x512xf32, #tpu.memory_space<vmem>> -> memref<1x64x512xf32, #tpu.memory_space<vmem>>
    %dma_start3A_10 = tpu.memref_squeeze %dma_start3A_9 : memref<1x64x512xf32, #tpu.memory_space<vmem>> -> memref<64x512xf32, #tpu.memory_space<vmem>>
    %dma_start3A_11 = arith.constant 0 : i32
    %dma_start3A_12 = tpu.memref_slice %arg6[%dma_start3A, %dma_start3A_11] : memref<64x64xi32, #tpu.memory_space<vmem>> -> memref<1x64xi32, #tpu.memory_space<vmem>>
    %dma_start3A_13 = tpu.memref_squeeze %dma_start3A_12 : memref<1x64xi32, #tpu.memory_space<vmem>> -> memref<64xi32, #tpu.memory_space<vmem>>
    %dma_start3A_14 = arith.constant 0 : i32
    %dma_start3A_15 = arith.constant 0 : i32
    %dma_start3A_16 = tpu.memref_slice %arg2[%dma_start3A_14, %dma_start3A_15] : memref<262144x512xf32, #tpu.memory_space<hbm>> -> memref<262144x512xf32, #tpu.memory_space<hbm>>
    %dma_start3A_17 = tpu.memref_slice %arg10[%dma_start3A_6] : memref<2x!tpu.dma_semaphore, #tpu.memory_space<semaphore_mem>> -> memref<1x!tpu.dma_semaphore, #tpu.memory_space<semaphore_mem>>
    %dma_start3A_18 = tpu.memref_squeeze %dma_start3A_17 : memref<1x!tpu.dma_semaphore, #tpu.memory_space<semaphore_mem>> -> memref<!tpu.dma_semaphore, #tpu.memory_space<semaphore_mem>>
    tpu.enqueue_indirect_dma source(%dma_start3A_16 : memref<262144x512xf32, #tpu.memory_space<hbm>>) target(%dma_start3A_10 : memref<64x512xf32, #tpu.memory_space<vmem>>) offsets(%dma_start3A_13 : memref<64xi32, #tpu.memory_space<vmem>>) semaphore(%dma_start3A_18 : memref<!tpu.dma_semaphore, #tpu.memory_space<semaphore_mem>>)
    %add3A_19 = arith.constant 0 : i32
    %add3A_20 = arith.addi %mul3A_4, %add3A_19 : i32
    %dma_start3A_21 = arith.constant 0 : i32
    %dma_start3A_22 = arith.constant 0 : i32
    %dma_start3A_23 = arith.constant 0 : i32
    %dma_start3A_24 = arith.constant 0 : i32
    %dma_start3A_25 = tpu.memref_slice %arg8[%dma_start3A_21, %dma_start3A_23, %dma_start3A_24] : memref<2x2x512xf32, #tpu.memory_space<vmem>> -> memref<1x2x512xf32, #tpu.memory_space<vmem>>
    %dma_start3A_26 = tpu.memref_squeeze %dma_start3A_25 : memref<1x2x512xf32, #tpu.memory_space<vmem>> -> memref<2x512xf32, #tpu.memory_space<vmem>>
    %dma_start3A_27 = arith.constant 0 : i32
    %dma_start3A_28 = tpu.memref_slice %arg4[%add3A_20, %dma_start3A_27] : memref<4096x512xf32, #tpu.memory_space<hbm>> -> memref<2x512xf32, #tpu.memory_space<hbm>>
    %dma_start3A_29 = tpu.memref_slice %arg11[%dma_start3A_22] : memref<2x!tpu.dma_semaphore, #tpu.memory_space<semaphore_mem>> -> memref<1x!tpu.dma_semaphore, #tpu.memory_space<semaphore_mem>>
    %dma_start3A_30 = tpu.memref_squeeze %dma_start3A_29 : memref<1x!tpu.dma_semaphore, #tpu.memory_space<semaphore_mem>> -> memref<!tpu.dma_semaphore, #tpu.memory_space<semaphore_mem>>
    %dma_start3A_31 = arith.constant 0 : i32
    %dma_start3A_32 = arith.constant 0 : i32
    %dma_start3A_33 = tpu.memref_slice %arg8[%dma_start3A_21, %dma_start3A_31, %dma_start3A_32] : memref<2x2x512xf32, #tpu.memory_space<vmem>> -> memref<1x2x512xf32, #tpu.memory_space<vmem>>
    %dma_start3A_34 = tpu.memref_squeeze %dma_start3A_33 : memref<1x2x512xf32, #tpu.memory_space<vmem>> -> memref<2x512xf32, #tpu.memory_space<vmem>>
    %dma_start3A_35 = arith.constant 0 : i32
    %dma_start3A_36 = tpu.memref_slice %arg4[%add3A_20, %dma_start3A_35] : memref<4096x512xf32, #tpu.memory_space<hbm>> -> memref<2x512xf32, #tpu.memory_space<hbm>>
    tpu.enqueue_dma source(%dma_start3A_36 : memref<2x512xf32, #tpu.memory_space<hbm>>) target(%dma_start3A_34 : memref<2x512xf32, #tpu.memory_space<vmem>>) target_semaphore(%dma_start3A_30 : memref<!tpu.dma_semaphore, #tpu.memory_space<semaphore_mem>>)
    %dma_start3A_37 = arith.constant 1 : i32
    %dma_start3A_38 = arith.constant 1 : i32
    %dma_start3A_39 = arith.constant 1 : i32
    %dma_start3A_40 = arith.constant 0 : i32
    %dma_start3A_41 = arith.constant 0 : i32
    %dma_start3A_42 = tpu.memref_slice %arg7[%dma_start3A_38, %dma_start3A_40, %dma_start3A_41] : memref<2x64x512xf32, #tpu.memory_space<vmem>> -> memref<1x64x512xf32, #tpu.memory_space<vmem>>
    %dma_start3A_43 = tpu.memref_squeeze %dma_start3A_42 : memref<1x64x512xf32, #tpu.memory_space<vmem>> -> memref<64x512xf32, #tpu.memory_space<vmem>>
    %dma_start3A_44 = arith.constant 0 : i32
    %dma_start3A_45 = tpu.memref_slice %arg6[%dma_start3A_37, %dma_start3A_44] : memref<64x64xi32, #tpu.memory_space<vmem>> -> memref<1x64xi32, #tpu.memory_space<vmem>>
    %dma_start3A_46 = tpu.memref_squeeze %dma_start3A_45 : memref<1x64xi32, #tpu.memory_space<vmem>> -> memref<64xi32, #tpu.memory_space<vmem>>
    %dma_start3A_47 = arith.constant 0 : i32
    %dma_start3A_48 = arith.constant 0 : i32
    %dma_start3A_49 = tpu.memref_slice %arg2[%dma_start3A_47, %dma_start3A_48] : memref<262144x512xf32, #tpu.memory_space<hbm>> -> memref<262144x512xf32, #tpu.memory_space<hbm>>
    %dma_start3A_50 = tpu.memref_slice %arg10[%dma_start3A_39] : memref<2x!tpu.dma_semaphore, #tpu.memory_space<semaphore_mem>> -> memref<1x!tpu.dma_semaphore, #tpu.memory_space<semaphore_mem>>
    %dma_start3A_51 = tpu.memref_squeeze %dma_start3A_50 : memref<1x!tpu.dma_semaphore, #tpu.memory_space<semaphore_mem>> -> memref<!tpu.dma_semaphore, #tpu.memory_space<semaphore_mem>>
    tpu.enqueue_indirect_dma source(%dma_start3A_49 : memref<262144x512xf32, #tpu.memory_space<hbm>>) target(%dma_start3A_43 : memref<64x512xf32, #tpu.memory_space<vmem>>) offsets(%dma_start3A_46 : memref<64xi32, #tpu.memory_space<vmem>>) semaphore(%dma_start3A_51 : memref<!tpu.dma_semaphore, #tpu.memory_space<semaphore_mem>>)
    %add3A_52 = arith.constant 2 : i32
    %add3A_53 = arith.addi %mul3A_4, %add3A_52 : i32
    %dma_start3A_54 = arith.constant 1 : i32
    %dma_start3A_55 = arith.constant 1 : i32
    %dma_start3A_56 = arith.constant 0 : i32
    %dma_start3A_57 = arith.constant 0 : i32
    %dma_start3A_58 = tpu.memref_slice %arg8[%dma_start3A_54, %dma_start3A_56, %dma_start3A_57] : memref<2x2x512xf32, #tpu.memory_space<vmem>> -> memref<1x2x512xf32, #tpu.memory_space<vmem>>
    %dma_start3A_59 = tpu.memref_squeeze %dma_start3A_58 : memref<1x2x512xf32, #tpu.memory_space<vmem>> -> memref<2x512xf32, #tpu.memory_space<vmem>>
    %dma_start3A_60 = arith.constant 0 : i32
    %dma_start3A_61 = tpu.memref_slice %arg4[%add3A_53, %dma_start3A_60] : memref<4096x512xf32, #tpu.memory_space<hbm>> -> memref<2x512xf32, #tpu.memory_space<hbm>>
    %dma_start3A_62 = tpu.memref_slice %arg11[%dma_start3A_55] : memref<2x!tpu.dma_semaphore, #tpu.memory_space<semaphore_mem>> -> memref<1x!tpu.dma_semaphore, #tpu.memory_space<semaphore_mem>>
    %dma_start3A_63 = tpu.memref_squeeze %dma_start3A_62 : memref<1x!tpu.dma_semaphore, #tpu.memory_space<semaphore_mem>> -> memref<!tpu.dma_semaphore, #tpu.memory_space<semaphore_mem>>
    %dma_start3A_64 = arith.constant 0 : i32
    %dma_start3A_65 = arith.constant 0 : i32
    %dma_start3A_66 = tpu.memref_slice %arg8[%dma_start3A_54, %dma_start3A_64, %dma_start3A_65] : memref<2x2x512xf32, #tpu.memory_space<vmem>> -> memref<1x2x512xf32, #tpu.memory_space<vmem>>
    %dma_start3A_67 = tpu.memref_squeeze %dma_start3A_66 : memref<1x2x512xf32, #tpu.memory_space<vmem>> -> memref<2x512xf32, #tpu.memory_space<vmem>>
    %dma_start3A_68 = arith.constant 0 : i32
    %dma_start3A_69 = tpu.memref_slice %arg4[%add3A_53, %dma_start3A_68] : memref<4096x512xf32, #tpu.memory_space<hbm>> -> memref<2x512xf32, #tpu.memory_space<hbm>>
    tpu.enqueue_dma source(%dma_start3A_69 : memref<2x512xf32, #tpu.memory_space<hbm>>) target(%dma_start3A_67 : memref<2x512xf32, #tpu.memory_space<vmem>>) target_semaphore(%dma_start3A_63 : memref<!tpu.dma_semaphore, #tpu.memory_space<semaphore_mem>>)
    %scan3A = arith.constant 0 : i32
    %scan3A_70 = arith.constant 0 : i32
    %scan3A_71 = arith.constant 32 : i32
    %scan3A_72 = arith.addi %scan3A_70, %scan3A_71 : i32
    %scan3A_73 = arith.constant 1 : i32
    scf.for %scan3A_110 = %scan3A_70 to %scan3A_72 step %scan3A_73  : i32 {
      %mul3A_111 = arith.constant 2 : i32
      %mul3A_112 = arith.muli %scan3A_110, %mul3A_111 : i32
      %add3A_113 = arith.constant 0 : i32
      %add3A_114 = arith.addi %mul3A_112, %add3A_113 : i32
      %mul3A_115 = arith.constant 2 : i32
      %mul3A_116 = arith.muli %add3A_114, %mul3A_115 : i32
      %add3A_117 = arith.addi %mul3A_4, %mul3A_116 : i32
      %dma_wait3A_118 = arith.constant 0 : i32
      %dma_wait3A_119 = arith.constant 0 : i32
      %dma_wait3A_120 = arith.constant 0 : i32
      %dma_wait3A_121 = arith.constant 0 : i32
      %dma_wait3A_122 = tpu.memref_slice %arg7[%dma_wait3A_118, %dma_wait3A_120, %dma_wait3A_121] : memref<2x64x512xf32, #tpu.memory_space<vmem>> -> memref<1x64x512xf32, #tpu.memory_space<vmem>>
      %dma_wait3A_123 = tpu.memref_squeeze %dma_wait3A_122 : memref<1x64x512xf32, #tpu.memory_space<vmem>> -> memref<64x512xf32, #tpu.memory_space<vmem>>
      %dma_wait3A_124 = arith.constant 0 : i32
      %dma_wait3A_125 = tpu.memref_slice %arg6[%add3A_114, %dma_wait3A_124] : memref<64x64xi32, #tpu.memory_space<vmem>> -> memref<1x64xi32, #tpu.memory_space<vmem>>
      %dma_wait3A_126 = tpu.memref_squeeze %dma_wait3A_125 : memref<1x64xi32, #tpu.memory_space<vmem>> -> memref<64xi32, #tpu.memory_space<vmem>>
      %dma_wait3A_127 = arith.constant 0 : i32
      %dma_wait3A_128 = arith.constant 0 : i32
      %dma_wait3A_129 = tpu.memref_slice %arg2[%dma_wait3A_127, %dma_wait3A_128] : memref<262144x512xf32, #tpu.memory_space<hbm>> -> memref<262144x512xf32, #tpu.memory_space<hbm>>
      %dma_wait3A_130 = tpu.memref_slice %arg10[%dma_wait3A_119] : memref<2x!tpu.dma_semaphore, #tpu.memory_space<semaphore_mem>> -> memref<1x!tpu.dma_semaphore, #tpu.memory_space<semaphore_mem>>
      %dma_wait3A_131 = tpu.memref_squeeze %dma_wait3A_130 : memref<1x!tpu.dma_semaphore, #tpu.memory_space<semaphore_mem>> -> memref<!tpu.dma_semaphore, #tpu.memory_space<semaphore_mem>>
      tpu.wait_indirect_dma semaphore(%dma_wait3A_131 : memref<!tpu.dma_semaphore, #tpu.memory_space<semaphore_mem>>) src(%dma_wait3A_129 : memref<262144x512xf32, #tpu.memory_space<hbm>>) dst(%dma_wait3A_123 : memref<64x512xf32, #tpu.memory_space<vmem>>)
      %dma_wait3A_132 = arith.constant 0 : i32
      %dma_wait3A_133 = arith.constant 0 : i32
      %dma_wait3A_134 = arith.constant 0 : i32
      %dma_wait3A_135 = arith.constant 0 : i32
      %dma_wait3A_136 = tpu.memref_slice %arg8[%dma_wait3A_132, %dma_wait3A_134, %dma_wait3A_135] : memref<2x2x512xf32, #tpu.memory_space<vmem>> -> memref<1x2x512xf32, #tpu.memory_space<vmem>>
      %dma_wait3A_137 = tpu.memref_squeeze %dma_wait3A_136 : memref<1x2x512xf32, #tpu.memory_space<vmem>> -> memref<2x512xf32, #tpu.memory_space<vmem>>
      %dma_wait3A_138 = arith.constant 0 : i32
      %dma_wait3A_139 = tpu.memref_slice %arg4[%add3A_117, %dma_wait3A_138] : memref<4096x512xf32, #tpu.memory_space<hbm>> -> memref<2x512xf32, #tpu.memory_space<hbm>>
      %dma_wait3A_140 = tpu.memref_slice %arg11[%dma_wait3A_133] : memref<2x!tpu.dma_semaphore, #tpu.memory_space<semaphore_mem>> -> memref<1x!tpu.dma_semaphore, #tpu.memory_space<semaphore_mem>>
      %dma_wait3A_141 = tpu.memref_squeeze %dma_wait3A_140 : memref<1x!tpu.dma_semaphore, #tpu.memory_space<semaphore_mem>> -> memref<!tpu.dma_semaphore, #tpu.memory_space<semaphore_mem>>
      %dma_wait3A_142 = arith.constant 0 : i32
      %dma_wait3A_143 = arith.constant 0 : i32
      %dma_wait3A_144 = tpu.memref_slice %arg8[%dma_wait3A_132, %dma_wait3A_142, %dma_wait3A_143] : memref<2x2x512xf32, #tpu.memory_space<vmem>> -> memref<1x2x512xf32, #tpu.memory_space<vmem>>
      %dma_wait3A_145 = tpu.memref_squeeze %dma_wait3A_144 : memref<1x2x512xf32, #tpu.memory_space<vmem>> -> memref<2x512xf32, #tpu.memory_space<vmem>>
      %dma_wait3A_146 = arith.constant 0 : i32
      %dma_wait3A_147 = tpu.memref_slice %arg4[%add3A_117, %dma_wait3A_146] : memref<4096x512xf32, #tpu.memory_space<hbm>> -> memref<2x512xf32, #tpu.memory_space<hbm>>
      tpu.wait_dma2 semaphore(%dma_wait3A_141 : memref<!tpu.dma_semaphore, #tpu.memory_space<semaphore_mem>>) src(%dma_wait3A_147 : memref<2x512xf32, #tpu.memory_space<hbm>>) dst(%dma_wait3A_145 : memref<2x512xf32, #tpu.memory_space<vmem>>)
      %gt3A = arith.constant 0 : i32
      %gt3A_148 = arith.cmpi sgt, %scan3A_110, %gt3A : i32
      %convert_element_type3A = arith.extui %gt3A_148 : i1 to i32
      %cond3A = arith.constant 0 : i32
      %cond3A_149 = arith.cmpi ne, %convert_element_type3A, %cond3A : i32
      scf.if %cond3A_149 {
        %sub3A = arith.constant 4 : i32
        %sub3A_1535 = arith.subi %add3A_117, %sub3A : i32
        %dma_wait3A_1536 = arith.constant 0 : i32
        %dma_wait3A_1537 = arith.constant 0 : i32
        %dma_wait3A_1538 = arith.constant 0 : i32
        %dma_wait3A_1539 = arith.constant 0 : i32
        %dma_wait3A_1540 = tpu.memref_slice %arg9[%dma_wait3A_1536, %dma_wait3A_1538, %dma_wait3A_1539] : memref<2x2x512xf32, #tpu.memory_space<vmem>> -> memref<1x2x512xf32, #tpu.memory_space<vmem>>
        %dma_wait3A_1541 = tpu.memref_squeeze %dma_wait3A_1540 : memref<1x2x512xf32, #tpu.memory_space<vmem>> -> memref<2x512xf32, #tpu.memory_space<vmem>>
        %dma_wait3A_1542 = arith.constant 0 : i32
        %dma_wait3A_1543 = tpu.memref_slice %arg5[%sub3A_1535, %dma_wait3A_1542] : memref<4096x512xf32, #tpu.memory_space<hbm>> -> memref<2x512xf32, #tpu.memory_space<hbm>>
        %dma_wait3A_1544 = tpu.memref_slice %arg12[%dma_wait3A_1537] : memref<2x!tpu.dma_semaphore, #tpu.memory_space<semaphore_mem>> -> memref<1x!tpu.dma_semaphore, #tpu.memory_space<semaphore_mem>>
        %dma_wait3A_1545 = tpu.memref_squeeze %dma_wait3A_1544 : memref<1x!tpu.dma_semaphore, #tpu.memory_space<semaphore_mem>> -> memref<!tpu.dma_semaphore, #tpu.memory_space<semaphore_mem>>
        %dma_wait3A_1546 = arith.constant 0 : i32
        %dma_wait3A_1547 = tpu.memref_slice %arg5[%sub3A_1535, %dma_wait3A_1546] : memref<4096x512xf32, #tpu.memory_space<hbm>> -> memref<2x512xf32, #tpu.memory_space<hbm>>
        %dma_wait3A_1548 = arith.constant 0 : i32
        %dma_wait3A_1549 = arith.constant 0 : i32
        %dma_wait3A_1550 = tpu.memref_slice %arg9[%dma_wait3A_1536, %dma_wait3A_1548, %dma_wait3A_1549] : memref<2x2x512xf32, #tpu.memory_space<vmem>> -> memref<1x2x512xf32, #tpu.memory_space<vmem>>
        %dma_wait3A_1551 = tpu.memref_squeeze %dma_wait3A_1550 : memref<1x2x512xf32, #tpu.memory_space<vmem>> -> memref<2x512xf32, #tpu.memory_space<vmem>>
        tpu.wait_dma2 semaphore(%dma_wait3A_1545 : memref<!tpu.dma_semaphore, #tpu.memory_space<semaphore_mem>>) src(%dma_wait3A_1551 : memref<2x512xf32, #tpu.memory_space<vmem>>) dst(%dma_wait3A_1547 : memref<2x512xf32, #tpu.memory_space<hbm>>)
      } else {
      }
      %broadcast_in_dim3A = arith.constant 0.000000e+00 : f32
      %broadcast_in_dim3A_150 = vector.broadcast %broadcast_in_dim3A : f32 to vector<16xf32>
      %broadcast_in_dim3A_151 = arith.constant 0.000000e+00 : f32
      %broadcast_in_dim3A_152 = vector.broadcast %broadcast_in_dim3A_151 : f32 to vector<16xf32>
      %broadcast_in_dim3A_153 = arith.constant 0.000000e+00 : f32
      %broadcast_in_dim3A_154 = vector.broadcast %broadcast_in_dim3A_153 : f32 to vector<16xf32>
      %broadcast_in_dim3A_155 = arith.constant 0.000000e+00 : f32
      %broadcast_in_dim3A_156 = vector.broadcast %broadcast_in_dim3A_155 : f32 to vector<16xf32>
      %broadcast_in_dim3A_157 = arith.constant 0.000000e+00 : f32
      %broadcast_in_dim3A_158 = vector.broadcast %broadcast_in_dim3A_157 : f32 to vector<16xf32>
      %broadcast_in_dim3A_159 = arith.constant 0.000000e+00 : f32
      %broadcast_in_dim3A_160 = vector.broadcast %broadcast_in_dim3A_159 : f32 to vector<16xf32>
      %broadcast_in_dim3A_161 = arith.constant 0.000000e+00 : f32
      %broadcast_in_dim3A_162 = vector.broadcast %broadcast_in_dim3A_161 : f32 to vector<16xf32>
      %broadcast_in_dim3A_163 = arith.constant 0.000000e+00 : f32
      %broadcast_in_dim3A_164 = vector.broadcast %broadcast_in_dim3A_163 : f32 to vector<16xf32>
      %broadcast_in_dim3A_165 = arith.constant 0.000000e+00 : f32
      %broadcast_in_dim3A_166 = vector.broadcast %broadcast_in_dim3A_165 : f32 to vector<16xf32>
      %broadcast_in_dim3A_167 = arith.constant 0.000000e+00 : f32
      %broadcast_in_dim3A_168 = vector.broadcast %broadcast_in_dim3A_167 : f32 to vector<16xf32>
      %broadcast_in_dim3A_169 = arith.constant 0.000000e+00 : f32
      %broadcast_in_dim3A_170 = vector.broadcast %broadcast_in_dim3A_169 : f32 to vector<16xf32>
      %broadcast_in_dim3A_171 = arith.constant 0.000000e+00 : f32
      %broadcast_in_dim3A_172 = vector.broadcast %broadcast_in_dim3A_171 : f32 to vector<16xf32>
      %broadcast_in_dim3A_173 = arith.constant 0.000000e+00 : f32
      %broadcast_in_dim3A_174 = vector.broadcast %broadcast_in_dim3A_173 : f32 to vector<16xf32>
      %broadcast_in_dim3A_175 = arith.constant 0.000000e+00 : f32
      %broadcast_in_dim3A_176 = vector.broadcast %broadcast_in_dim3A_175 : f32 to vector<16xf32>
      %broadcast_in_dim3A_177 = arith.constant 0.000000e+00 : f32
      %broadcast_in_dim3A_178 = vector.broadcast %broadcast_in_dim3A_177 : f32 to vector<16xf32>
      %broadcast_in_dim3A_179 = arith.constant 0.000000e+00 : f32
      %broadcast_in_dim3A_180 = vector.broadcast %broadcast_in_dim3A_179 : f32 to vector<16xf32>
      %broadcast_in_dim3A_181 = arith.constant 0.000000e+00 : f32
      %broadcast_in_dim3A_182 = vector.broadcast %broadcast_in_dim3A_181 : f32 to vector<16xf32>
      %broadcast_in_dim3A_183 = arith.constant 0.000000e+00 : f32
      %broadcast_in_dim3A_184 = vector.broadcast %broadcast_in_dim3A_183 : f32 to vector<16xf32>
      %broadcast_in_dim3A_185 = arith.constant 0.000000e+00 : f32
      %broadcast_in_dim3A_186 = vector.broadcast %broadcast_in_dim3A_185 : f32 to vector<16xf32>
      %broadcast_in_dim3A_187 = arith.constant 0.000000e+00 : f32
      %broadcast_in_dim3A_188 = vector.broadcast %broadcast_in_dim3A_187 : f32 to vector<16xf32>
      %broadcast_in_dim3A_189 = arith.constant 0.000000e+00 : f32
      %broadcast_in_dim3A_190 = vector.broadcast %broadcast_in_dim3A_189 : f32 to vector<16xf32>
      %broadcast_in_dim3A_191 = arith.constant 0.000000e+00 : f32
      %broadcast_in_dim3A_192 = vector.broadcast %broadcast_in_dim3A_191 : f32 to vector<16xf32>
      %broadcast_in_dim3A_193 = arith.constant 0.000000e+00 : f32
      %broadcast_in_dim3A_194 = vector.broadcast %broadcast_in_dim3A_193 : f32 to vector<16xf32>
      %broadcast_in_dim3A_195 = arith.constant 0.000000e+00 : f32
      %broadcast_in_dim3A_196 = vector.broadcast %broadcast_in_dim3A_195 : f32 to vector<16xf32>
      %broadcast_in_dim3A_197 = arith.constant 0.000000e+00 : f32
      %broadcast_in_dim3A_198 = vector.broadcast %broadcast_in_dim3A_197 : f32 to vector<16xf32>
      %broadcast_in_dim3A_199 = arith.constant 0.000000e+00 : f32
      %broadcast_in_dim3A_200 = vector.broadcast %broadcast_in_dim3A_199 : f32 to vector<16xf32>
      %broadcast_in_dim3A_201 = arith.constant 0.000000e+00 : f32
      %broadcast_in_dim3A_202 = vector.broadcast %broadcast_in_dim3A_201 : f32 to vector<16xf32>
      %broadcast_in_dim3A_203 = arith.constant 0.000000e+00 : f32
      %broadcast_in_dim3A_204 = vector.broadcast %broadcast_in_dim3A_203 : f32 to vector<16xf32>
      %broadcast_in_dim3A_205 = arith.constant 0.000000e+00 : f32
      %broadcast_in_dim3A_206 = vector.broadcast %broadcast_in_dim3A_205 : f32 to vector<16xf32>
      %broadcast_in_dim3A_207 = arith.constant 0.000000e+00 : f32
      %broadcast_in_dim3A_208 = vector.broadcast %broadcast_in_dim3A_207 : f32 to vector<16xf32>
      %broadcast_in_dim3A_209 = arith.constant 0.000000e+00 : f32
      %broadcast_in_dim3A_210 = vector.broadcast %broadcast_in_dim3A_209 : f32 to vector<16xf32>
      %broadcast_in_dim3A_211 = arith.constant 0.000000e+00 : f32
      %broadcast_in_dim3A_212 = vector.broadcast %broadcast_in_dim3A_211 : f32 to vector<16xf32>
      %scan3A_213 = arith.constant 0 : i32
      %scan3A_214 = arith.constant 32 : i32
      %scan3A_215 = arith.addi %scan3A_213, %scan3A_214 : i32
      %scan3A_216 = arith.constant 1 : i32
      %scan3A_217:32 = scf.for %scan3A_1535 = %scan3A_213 to %scan3A_215 step %scan3A_216 iter_args(%scan3A_1536 = %broadcast_in_dim3A_150, %scan3A_1537 = %broadcast_in_dim3A_152, %scan3A_1538 = %broadcast_in_dim3A_154, %scan3A_1539 = %broadcast_in_dim3A_156, %scan3A_1540 = %broadcast_in_dim3A_158, %scan3A_1541 = %broadcast_in_dim3A_160, %scan3A_1542 = %broadcast_in_dim3A_162, %scan3A_1543 = %broadcast_in_dim3A_164, %scan3A_1544 = %broadcast_in_dim3A_166, %scan3A_1545 = %broadcast_in_dim3A_168, %scan3A_1546 = %broadcast_in_dim3A_170, %scan3A_1547 = %broadcast_in_dim3A_172, %scan3A_1548 = %broadcast_in_dim3A_174, %scan3A_1549 = %broadcast_in_dim3A_176, %scan3A_1550 = %broadcast_in_dim3A_178, %scan3A_1551 = %broadcast_in_dim3A_180, %scan3A_1552 = %broadcast_in_dim3A_182, %scan3A_1553 = %broadcast_in_dim3A_184, %scan3A_1554 = %broadcast_in_dim3A_186, %scan3A_1555 = %broadcast_in_dim3A_188, %scan3A_1556 = %broadcast_in_dim3A_190, %scan3A_1557 = %broadcast_in_dim3A_192, %scan3A_1558 = %broadcast_in_dim3A_194, %scan3A_1559 = %broadcast_in_dim3A_196, %scan3A_1560 = %broadcast_in_dim3A_198, %scan3A_1561 = %broadcast_in_dim3A_200, %scan3A_1562 = %broadcast_in_dim3A_202, %scan3A_1563 = %broadcast_in_dim3A_204, %scan3A_1564 = %broadcast_in_dim3A_206, %scan3A_1565 = %broadcast_in_dim3A_208, %scan3A_1566 = %broadcast_in_dim3A_210, %scan3A_1567 = %broadcast_in_dim3A_212) -> (vector<16xf32>, vector<16xf32>, vector<16xf32>, vector<16xf32>, vector<16xf32>, vector<16xf32>, vector<16xf32>, vector<16xf32>, vector<16xf32>, vector<16xf32>, vector<16xf32>, vector<16xf32>, vector<16xf32>, vector<16xf32>, vector<16xf32>, vector<16xf32>, vector<16xf32>, vector<16xf32>, vector<16xf32>, vector<16xf32>, vector<16xf32>, vector<16xf32>, vector<16xf32>, vector<16xf32>, vector<16xf32>, vector<16xf32>, vector<16xf32>, vector<16xf32>, vector<16xf32>, vector<16xf32>, vector<16xf32>, vector<16xf32>)  : i32 {
        %mul3A_1568 = arith.constant 16 : i32
        %mul3A_1569 = arith.muli %scan3A_1535, %mul3A_1568 : i32
        %get3A = arith.constant 0 : i32
        %get3A_1570 = arith.constant 0 : i32
        %get3A_1571 = arith.index_cast %get3A : i32 to index
        %get3A_1572 = arith.index_cast %get3A_1570 : i32 to index
        %get3A_1573 = arith.index_cast %mul3A_1569 : i32 to index
        %get3A_1574 = tpu.vector_load %arg8[%get3A_1571, %get3A_1572, %get3A_1573] {strides = array<i32>} : memref<2x2x512xf32, #tpu.memory_space<vmem>>, vector<1x1x16xf32>,
        %get3A_1575 = vector.shape_cast %get3A_1574 : vector<1x1x16xf32> to vector<16xf32>
        %add3A_1576 = arith.constant 0 : i32
        %add3A_1577 = arith.addi %add3A_1576, %scan3A_1535 : i32
        %get3A_1578 = arith.constant 0 : i32
        %get3A_1579 = arith.index_cast %get3A_1578 : i32 to index
        %get3A_1580 = arith.index_cast %add3A_1577 : i32 to index
        %get3A_1581 = arith.constant 0 : index
        %get3A_1582 = tpu.vector_load %arg7[%get3A_1579, %get3A_1580, %get3A_1581] {strides = array<i32>} : memref<2x64x512xf32, #tpu.memory_space<vmem>>, vector<1x1x16xf32>,
        %get3A_1583 = vector.shape_cast %get3A_1582 : vector<1x1x16xf32> to vector<16xf32>
        %mul3A_1584 = arith.mulf %get3A_1583, %get3A_1575 : vector<16xf32>
        %add3A_1585 = arith.addf %scan3A_1536, %mul3A_1584 : vector<16xf32>
        %get3A_1586 = arith.constant 0 : i32
        %get3A_1587 = arith.index_cast %get3A_1586 : i32 to index
        %get3A_1588 = arith.index_cast %add3A_1577 : i32 to index
        %get3A_1589 = arith.constant 16 : index
        %get3A_1590 = tpu.vector_load %arg7[%get3A_1587, %get3A_1588, %get3A_1589] {strides = array<i32>} : memref<2x64x512xf32, #tpu.memory_space<vmem>>, vector<1x1x16xf32>,
        %get3A_1591 = vector.shape_cast %get3A_1590 : vector<1x1x16xf32> to vector<16xf32>
        %mul3A_1592 = arith.mulf %get3A_1591, %get3A_1575 : vector<16xf32>
        %add3A_1593 = arith.addf %scan3A_1537, %mul3A_1592 : vector<16xf32>
        %get3A_1594 = arith.constant 0 : i32
        %get3A_1595 = arith.index_cast %get3A_1594 : i32 to index
        %get3A_1596 = arith.index_cast %add3A_1577 : i32 to index
        %get3A_1597 = arith.constant 32 : index
        %get3A_1598 = tpu.vector_load %arg7[%get3A_1595, %get3A_1596, %get3A_1597] {strides = array<i32>} : memref<2x64x512xf32, #tpu.memory_space<vmem>>, vector<1x1x16xf32>,
        %get3A_1599 = vector.shape_cast %get3A_1598 : vector<1x1x16xf32> to vector<16xf32>
        %mul3A_1600 = arith.mulf %get3A_1599, %get3A_1575 : vector<16xf32>
        %add3A_1601 = arith.addf %scan3A_1538, %mul3A_1600 : vector<16xf32>
        %get3A_1602 = arith.constant 0 : i32
        %get3A_1603 = arith.index_cast %get3A_1602 : i32 to index
        %get3A_1604 = arith.index_cast %add3A_1577 : i32 to index
        %get3A_1605 = arith.constant 48 : index
        %get3A_1606 = tpu.vector_load %arg7[%get3A_1603, %get3A_1604, %get3A_1605] {strides = array<i32>} : memref<2x64x512xf32, #tpu.memory_space<vmem>>, vector<1x1x16xf32>,
        %get3A_1607 = vector.shape_cast %get3A_1606 : vector<1x1x16xf32> to vector<16xf32>
        %mul3A_1608 = arith.mulf %get3A_1607, %get3A_1575 : vector<16xf32>
        %add3A_1609 = arith.addf %scan3A_1539, %mul3A_1608 : vector<16xf32>
        %get3A_1610 = arith.constant 0 : i32
        %get3A_1611 = arith.index_cast %get3A_1610 : i32 to index
        %get3A_1612 = arith.index_cast %add3A_1577 : i32 to index
        %get3A_1613 = arith.constant 64 : index
        %get3A_1614 = tpu.vector_load %arg7[%get3A_1611, %get3A_1612, %get3A_1613] {strides = array<i32>} : memref<2x64x512xf32, #tpu.memory_space<vmem>>, vector<1x1x16xf32>,
        %get3A_1615 = vector.shape_cast %get3A_1614 : vector<1x1x16xf32> to vector<16xf32>
        %mul3A_1616 = arith.mulf %get3A_1615, %get3A_1575 : vector<16xf32>
        %add3A_1617 = arith.addf %scan3A_1540, %mul3A_1616 : vector<16xf32>
        %get3A_1618 = arith.constant 0 : i32
        %get3A_1619 = arith.index_cast %get3A_1618 : i32 to index
        %get3A_1620 = arith.index_cast %add3A_1577 : i32 to index
        %get3A_1621 = arith.constant 80 : index
        %get3A_1622 = tpu.vector_load %arg7[%get3A_1619, %get3A_1620, %get3A_1621] {strides = array<i32>} : memref<2x64x512xf32, #tpu.memory_space<vmem>>, vector<1x1x16xf32>,
        %get3A_1623 = vector.shape_cast %get3A_1622 : vector<1x1x16xf32> to vector<16xf32>
        %mul3A_1624 = arith.mulf %get3A_1623, %get3A_1575 : vector<16xf32>
        %add3A_1625 = arith.addf %scan3A_1541, %mul3A_1624 : vector<16xf32>
        %get3A_1626 = arith.constant 0 : i32
        %get3A_1627 = arith.index_cast %get3A_1626 : i32 to index
        %get3A_1628 = arith.index_cast %add3A_1577 : i32 to index
        %get3A_1629 = arith.constant 96 : index
        %get3A_1630 = tpu.vector_load %arg7[%get3A_1627, %get3A_1628, %get3A_1629] {strides = array<i32>} : memref<2x64x512xf32, #tpu.memory_space<vmem>>, vector<1x1x16xf32>,
        %get3A_1631 = vector.shape_cast %get3A_1630 : vector<1x1x16xf32> to vector<16xf32>
        %mul3A_1632 = arith.mulf %get3A_1631, %get3A_1575 : vector<16xf32>
        %add3A_1633 = arith.addf %scan3A_1542, %mul3A_1632 : vector<16xf32>
        %get3A_1634 = arith.constant 0 : i32
        %get3A_1635 = arith.index_cast %get3A_1634 : i32 to index
        %get3A_1636 = arith.index_cast %add3A_1577 : i32 to index
        %get3A_1637 = arith.constant 112 : index
        %get3A_1638 = tpu.vector_load %arg7[%get3A_1635, %get3A_1636, %get3A_1637] {strides = array<i32>} : memref<2x64x512xf32, #tpu.memory_space<vmem>>, vector<1x1x16xf32>,
        %get3A_1639 = vector.shape_cast %get3A_1638 : vector<1x1x16xf32> to vector<16xf32>
        %mul3A_1640 = arith.mulf %get3A_1639, %get3A_1575 : vector<16xf32>
        %add3A_1641 = arith.addf %scan3A_1543, %mul3A_1640 : vector<16xf32>
        %get3A_1642 = arith.constant 0 : i32
        %get3A_1643 = arith.index_cast %get3A_1642 : i32 to index
        %get3A_1644 = arith.index_cast %add3A_1577 : i32 to index
        %get3A_1645 = arith.constant 128 : index
        %get3A_1646 = tpu.vector_load %arg7[%get3A_1643, %get3A_1644, %get3A_1645] {strides = array<i32>} : memref<2x64x512xf32, #tpu.memory_space<vmem>>, vector<1x1x16xf32>,
        %get3A_1647 = vector.shape_cast %get3A_1646 : vector<1x1x16xf32> to vector<16xf32>
        %mul3A_1648 = arith.mulf %get3A_1647, %get3A_1575 : vector<16xf32>
        %add3A_1649 = arith.addf %scan3A_1544, %mul3A_1648 : vector<16xf32>
        %get3A_1650 = arith.constant 0 : i32
        %get3A_1651 = arith.index_cast %get3A_1650 : i32 to index
        %get3A_1652 = arith.index_cast %add3A_1577 : i32 to index
        %get3A_1653 = arith.constant 144 : index
        %get3A_1654 = tpu.vector_load %arg7[%get3A_1651, %get3A_1652, %get3A_1653] {strides = array<i32>} : memref<2x64x512xf32, #tpu.memory_space<vmem>>, vector<1x1x16xf32>,
        %get3A_1655 = vector.shape_cast %get3A_1654 : vector<1x1x16xf32> to vector<16xf32>
        %mul3A_1656 = arith.mulf %get3A_1655, %get3A_1575 : vector<16xf32>
        %add3A_1657 = arith.addf %scan3A_1545, %mul3A_1656 : vector<16xf32>
        %get3A_1658 = arith.constant 0 : i32
        %get3A_1659 = arith.index_cast %get3A_1658 : i32 to index
        %get3A_1660 = arith.index_cast %add3A_1577 : i32 to index
        %get3A_1661 = arith.constant 160 : index
        %get3A_1662 = tpu.vector_load %arg7[%get3A_1659, %get3A_1660, %get3A_1661] {strides = array<i32>} : memref<2x64x512xf32, #tpu.memory_space<vmem>>, vector<1x1x16xf32>,
        %get3A_1663 = vector.shape_cast %get3A_1662 : vector<1x1x16xf32> to vector<16xf32>
        %mul3A_1664 = arith.mulf %get3A_1663, %get3A_1575 : vector<16xf32>
        %add3A_1665 = arith.addf %scan3A_1546, %mul3A_1664 : vector<16xf32>
        %get3A_1666 = arith.constant 0 : i32
        %get3A_1667 = arith.index_cast %get3A_1666 : i32 to index
        %get3A_1668 = arith.index_cast %add3A_1577 : i32 to index
        %get3A_1669 = arith.constant 176 : index
        %get3A_1670 = tpu.vector_load %arg7[%get3A_1667, %get3A_1668, %get3A_1669] {strides = array<i32>} : memref<2x64x512xf32, #tpu.memory_space<vmem>>, vector<1x1x16xf32>,
        %get3A_1671 = vector.shape_cast %get3A_1670 : vector<1x1x16xf32> to vector<16xf32>
        %mul3A_1672 = arith.mulf %get3A_1671, %get3A_1575 : vector<16xf32>
        %add3A_1673 = arith.addf %scan3A_1547, %mul3A_1672 : vector<16xf32>
        %get3A_1674 = arith.constant 0 : i32
        %get3A_1675 = arith.index_cast %get3A_1674 : i32 to index
        %get3A_1676 = arith.index_cast %add3A_1577 : i32 to index
        %get3A_1677 = arith.constant 192 : index
        %get3A_1678 = tpu.vector_load %arg7[%get3A_1675, %get3A_1676, %get3A_1677] {strides = array<i32>} : memref<2x64x512xf32, #tpu.memory_space<vmem>>, vector<1x1x16xf32>,
        %get3A_1679 = vector.shape_cast %get3A_1678 : vector<1x1x16xf32> to vector<16xf32>
        %mul3A_1680 = arith.mulf %get3A_1679, %get3A_1575 : vector<16xf32>
        %add3A_1681 = arith.addf %scan3A_1548, %mul3A_1680 : vector<16xf32>
        %get3A_1682 = arith.constant 0 : i32
        %get3A_1683 = arith.index_cast %get3A_1682 : i32 to index
        %get3A_1684 = arith.index_cast %add3A_1577 : i32 to index
        %get3A_1685 = arith.constant 208 : index
        %get3A_1686 = tpu.vector_load %arg7[%get3A_1683, %get3A_1684, %get3A_1685] {strides = array<i32>} : memref<2x64x512xf32, #tpu.memory_space<vmem>>, vector<1x1x16xf32>,
        %get3A_1687 = vector.shape_cast %get3A_1686 : vector<1x1x16xf32> to vector<16xf32>
        %mul3A_1688 = arith.mulf %get3A_1687, %get3A_1575 : vector<16xf32>
        %add3A_1689 = arith.addf %scan3A_1549, %mul3A_1688 : vector<16xf32>
        %get3A_1690 = arith.constant 0 : i32
        %get3A_1691 = arith.index_cast %get3A_1690 : i32 to index
        %get3A_1692 = arith.index_cast %add3A_1577 : i32 to index
        %get3A_1693 = arith.constant 224 : index
        %get3A_1694 = tpu.vector_load %arg7[%get3A_1691, %get3A_1692, %get3A_1693] {strides = array<i32>} : memref<2x64x512xf32, #tpu.memory_space<vmem>>, vector<1x1x16xf32>,
        %get3A_1695 = vector.shape_cast %get3A_1694 : vector<1x1x16xf32> to vector<16xf32>
        %mul3A_1696 = arith.mulf %get3A_1695, %get3A_1575 : vector<16xf32>
        %add3A_1697 = arith.addf %scan3A_1550, %mul3A_1696 : vector<16xf32>
        %get3A_1698 = arith.constant 0 : i32
        %get3A_1699 = arith.index_cast %get3A_1698 : i32 to index
        %get3A_1700 = arith.index_cast %add3A_1577 : i32 to index
        %get3A_1701 = arith.constant 240 : index
        %get3A_1702 = tpu.vector_load %arg7[%get3A_1699, %get3A_1700, %get3A_1701] {strides = array<i32>} : memref<2x64x512xf32, #tpu.memory_space<vmem>>, vector<1x1x16xf32>,
        %get3A_1703 = vector.shape_cast %get3A_1702 : vector<1x1x16xf32> to vector<16xf32>
        %mul3A_1704 = arith.mulf %get3A_1703, %get3A_1575 : vector<16xf32>
        %add3A_1705 = arith.addf %scan3A_1551, %mul3A_1704 : vector<16xf32>
        %get3A_1706 = arith.constant 0 : i32
        %get3A_1707 = arith.index_cast %get3A_1706 : i32 to index
        %get3A_1708 = arith.index_cast %add3A_1577 : i32 to index
        %get3A_1709 = arith.constant 256 : index
        %get3A_1710 = tpu.vector_load %arg7[%get3A_1707, %get3A_1708, %get3A_1709] {strides = array<i32>} : memref<2x64x512xf32, #tpu.memory_space<vmem>>, vector<1x1x16xf32>,
        %get3A_1711 = vector.shape_cast %get3A_1710 : vector<1x1x16xf32> to vector<16xf32>
        %mul3A_1712 = arith.mulf %get3A_1711, %get3A_1575 : vector<16xf32>
        %add3A_1713 = arith.addf %scan3A_1552, %mul3A_1712 : vector<16xf32>
        %get3A_1714 = arith.constant 0 : i32
        %get3A_1715 = arith.index_cast %get3A_1714 : i32 to index
        %get3A_1716 = arith.index_cast %add3A_1577 : i32 to index
        %get3A_1717 = arith.constant 272 : index
        %get3A_1718 = tpu.vector_load %arg7[%get3A_1715, %get3A_1716, %get3A_1717] {strides = array<i32>} : memref<2x64x512xf32, #tpu.memory_space<vmem>>, vector<1x1x16xf32>,
        %get3A_1719 = vector.shape_cast %get3A_1718 : vector<1x1x16xf32> to vector<16xf32>
        %mul3A_1720 = arith.mulf %get3A_1719, %get3A_1575 : vector<16xf32>
        %add3A_1721 = arith.addf %scan3A_1553, %mul3A_1720 : vector<16xf32>
        %get3A_1722 = arith.constant 0 : i32
        %get3A_1723 = arith.index_cast %get3A_1722 : i32 to index
        %get3A_1724 = arith.index_cast %add3A_1577 : i32 to index
        %get3A_1725 = arith.constant 288 : index
        %get3A_1726 = tpu.vector_load %arg7[%get3A_1723, %get3A_1724, %get3A_1725] {strides = array<i32>} : memref<2x64x512xf32, #tpu.memory_space<vmem>>, vector<1x1x16xf32>,
        %get3A_1727 = vector.shape_cast %get3A_1726 : vector<1x1x16xf32> to vector<16xf32>
        %mul3A_1728 = arith.mulf %get3A_1727, %get3A_1575 : vector<16xf32>
        %add3A_1729 = arith.addf %scan3A_1554, %mul3A_1728 : vector<16xf32>
        %get3A_1730 = arith.constant 0 : i32
        %get3A_1731 = arith.index_cast %get3A_1730 : i32 to index
        %get3A_1732 = arith.index_cast %add3A_1577 : i32 to index
        %get3A_1733 = arith.constant 304 : index
        %get3A_1734 = tpu.vector_load %arg7[%get3A_1731, %get3A_1732, %get3A_1733] {strides = array<i32>} : memref<2x64x512xf32, #tpu.memory_space<vmem>>, vector<1x1x16xf32>,
        %get3A_1735 = vector.shape_cast %get3A_1734 : vector<1x1x16xf32> to vector<16xf32>
        %mul3A_1736 = arith.mulf %get3A_1735, %get3A_1575 : vector<16xf32>
        %add3A_1737 = arith.addf %scan3A_1555, %mul3A_1736 : vector<16xf32>
        %get3A_1738 = arith.constant 0 : i32
        %get3A_1739 = arith.index_cast %get3A_1738 : i32 to index
        %get3A_1740 = arith.index_cast %add3A_1577 : i32 to index
        %get3A_1741 = arith.constant 320 : index
        %get3A_1742 = tpu.vector_load %arg7[%get3A_1739, %get3A_1740, %get3A_1741] {strides = array<i32>} : memref<2x64x512xf32, #tpu.memory_space<vmem>>, vector<1x1x16xf32>,
        %get3A_1743 = vector.shape_cast %get3A_1742 : vector<1x1x16xf32> to vector<16xf32>
        %mul3A_1744 = arith.mulf %get3A_1743, %get3A_1575 : vector<16xf32>
        %add3A_1745 = arith.addf %scan3A_1556, %mul3A_1744 : vector<16xf32>
        %get3A_1746 = arith.constant 0 : i32
        %get3A_1747 = arith.index_cast %get3A_1746 : i32 to index
        %get3A_1748 = arith.index_cast %add3A_1577 : i32 to index
        %get3A_1749 = arith.constant 336 : index
        %get3A_1750 = tpu.vector_load %arg7[%get3A_1747, %get3A_1748, %get3A_1749] {strides = array<i32>} : memref<2x64x512xf32, #tpu.memory_space<vmem>>, vector<1x1x16xf32>,
        %get3A_1751 = vector.shape_cast %get3A_1750 : vector<1x1x16xf32> to vector<16xf32>
        %mul3A_1752 = arith.mulf %get3A_1751, %get3A_1575 : vector<16xf32>
        %add3A_1753 = arith.addf %scan3A_1557, %mul3A_1752 : vector<16xf32>
        %get3A_1754 = arith.constant 0 : i32
        %get3A_1755 = arith.index_cast %get3A_1754 : i32 to index
        %get3A_1756 = arith.index_cast %add3A_1577 : i32 to index
        %get3A_1757 = arith.constant 352 : index
        %get3A_1758 = tpu.vector_load %arg7[%get3A_1755, %get3A_1756, %get3A_1757] {strides = array<i32>} : memref<2x64x512xf32, #tpu.memory_space<vmem>>, vector<1x1x16xf32>,
        %get3A_1759 = vector.shape_cast %get3A_1758 : vector<1x1x16xf32> to vector<16xf32>
        %mul3A_1760 = arith.mulf %get3A_1759, %get3A_1575 : vector<16xf32>
        %add3A_1761 = arith.addf %scan3A_1558, %mul3A_1760 : vector<16xf32>
        %get3A_1762 = arith.constant 0 : i32
        %get3A_1763 = arith.index_cast %get3A_1762 : i32 to index
        %get3A_1764 = arith.index_cast %add3A_1577 : i32 to index
        %get3A_1765 = arith.constant 368 : index
        %get3A_1766 = tpu.vector_load %arg7[%get3A_1763, %get3A_1764, %get3A_1765] {strides = array<i32>} : memref<2x64x512xf32, #tpu.memory_space<vmem>>, vector<1x1x16xf32>,
        %get3A_1767 = vector.shape_cast %get3A_1766 : vector<1x1x16xf32> to vector<16xf32>
        %mul3A_1768 = arith.mulf %get3A_1767, %get3A_1575 : vector<16xf32>
        %add3A_1769 = arith.addf %scan3A_1559, %mul3A_1768 : vector<16xf32>
        %get3A_1770 = arith.constant 0 : i32
        %get3A_1771 = arith.index_cast %get3A_1770 : i32 to index
        %get3A_1772 = arith.index_cast %add3A_1577 : i32 to index
        %get3A_1773 = arith.constant 384 : index
        %get3A_1774 = tpu.vector_load %arg7[%get3A_1771, %get3A_1772, %get3A_1773] {strides = array<i32>} : memref<2x64x512xf32, #tpu.memory_space<vmem>>, vector<1x1x16xf32>,
        %get3A_1775 = vector.shape_cast %get3A_1774 : vector<1x1x16xf32> to vector<16xf32>
        %mul3A_1776 = arith.mulf %get3A_1775, %get3A_1575 : vector<16xf32>
        %add3A_1777 = arith.addf %scan3A_1560, %mul3A_1776 : vector<16xf32>
        %get3A_1778 = arith.constant 0 : i32
        %get3A_1779 = arith.index_cast %get3A_1778 : i32 to index
        %get3A_1780 = arith.index_cast %add3A_1577 : i32 to index
        %get3A_1781 = arith.constant 400 : index
        %get3A_1782 = tpu.vector_load %arg7[%get3A_1779, %get3A_1780, %get3A_1781] {strides = array<i32>} : memref<2x64x512xf32, #tpu.memory_space<vmem>>, vector<1x1x16xf32>,
        %get3A_1783 = vector.shape_cast %get3A_1782 : vector<1x1x16xf32> to vector<16xf32>
        %mul3A_1784 = arith.mulf %get3A_1783, %get3A_1575 : vector<16xf32>
        %add3A_1785 = arith.addf %scan3A_1561, %mul3A_1784 : vector<16xf32>
        %get3A_1786 = arith.constant 0 : i32
        %get3A_1787 = arith.index_cast %get3A_1786 : i32 to index
        %get3A_1788 = arith.index_cast %add3A_1577 : i32 to index
        %get3A_1789 = arith.constant 416 : index
        %get3A_1790 = tpu.vector_load %arg7[%get3A_1787, %get3A_1788, %get3A_1789] {strides = array<i32>} : memref<2x64x512xf32, #tpu.memory_space<vmem>>, vector<1x1x16xf32>,
        %get3A_1791 = vector.shape_cast %get3A_1790 : vector<1x1x16xf32> to vector<16xf32>
        %mul3A_1792 = arith.mulf %get3A_1791, %get3A_1575 : vector<16xf32>
        %add3A_1793 = arith.addf %scan3A_1562, %mul3A_1792 : vector<16xf32>
        %get3A_1794 = arith.constant 0 : i32
        %get3A_1795 = arith.index_cast %get3A_1794 : i32 to index
        %get3A_1796 = arith.index_cast %add3A_1577 : i32 to index
        %get3A_1797 = arith.constant 432 : index
        %get3A_1798 = tpu.vector_load %arg7[%get3A_1795, %get3A_1796, %get3A_1797] {strides = array<i32>} : memref<2x64x512xf32, #tpu.memory_space<vmem>>, vector<1x1x16xf32>,
        %get3A_1799 = vector.shape_cast %get3A_1798 : vector<1x1x16xf32> to vector<16xf32>
        %mul3A_1800 = arith.mulf %get3A_1799, %get3A_1575 : vector<16xf32>
        %add3A_1801 = arith.addf %scan3A_1563, %mul3A_1800 : vector<16xf32>
        %get3A_1802 = arith.constant 0 : i32
        %get3A_1803 = arith.index_cast %get3A_1802 : i32 to index
        %get3A_1804 = arith.index_cast %add3A_1577 : i32 to index
        %get3A_1805 = arith.constant 448 : index
        %get3A_1806 = tpu.vector_load %arg7[%get3A_1803, %get3A_1804, %get3A_1805] {strides = array<i32>} : memref<2x64x512xf32, #tpu.memory_space<vmem>>, vector<1x1x16xf32>,
        %get3A_1807 = vector.shape_cast %get3A_1806 : vector<1x1x16xf32> to vector<16xf32>
        %mul3A_1808 = arith.mulf %get3A_1807, %get3A_1575 : vector<16xf32>
        %add3A_1809 = arith.addf %scan3A_1564, %mul3A_1808 : vector<16xf32>
        %get3A_1810 = arith.constant 0 : i32
        %get3A_1811 = arith.index_cast %get3A_1810 : i32 to index
        %get3A_1812 = arith.index_cast %add3A_1577 : i32 to index
        %get3A_1813 = arith.constant 464 : index
        %get3A_1814 = tpu.vector_load %arg7[%get3A_1811, %get3A_1812, %get3A_1813] {strides = array<i32>} : memref<2x64x512xf32, #tpu.memory_space<vmem>>, vector<1x1x16xf32>,
        %get3A_1815 = vector.shape_cast %get3A_1814 : vector<1x1x16xf32> to vector<16xf32>
        %mul3A_1816 = arith.mulf %get3A_1815, %get3A_1575 : vector<16xf32>
        %add3A_1817 = arith.addf %scan3A_1565, %mul3A_1816 : vector<16xf32>
        %get3A_1818 = arith.constant 0 : i32
        %get3A_1819 = arith.index_cast %get3A_1818 : i32 to index
        %get3A_1820 = arith.index_cast %add3A_1577 : i32 to index
        %get3A_1821 = arith.constant 480 : index
        %get3A_1822 = tpu.vector_load %arg7[%get3A_1819, %get3A_1820, %get3A_1821] {strides = array<i32>} : memref<2x64x512xf32, #tpu.memory_space<vmem>>, vector<1x1x16xf32>,
        %get3A_1823 = vector.shape_cast %get3A_1822 : vector<1x1x16xf32> to vector<16xf32>
        %mul3A_1824 = arith.mulf %get3A_1823, %get3A_1575 : vector<16xf32>
        %add3A_1825 = arith.addf %scan3A_1566, %mul3A_1824 : vector<16xf32>
        %get3A_1826 = arith.constant 0 : i32
        %get3A_1827 = arith.index_cast %get3A_1826 : i32 to index
        %get3A_1828 = arith.index_cast %add3A_1577 : i32 to index
        %get3A_1829 = arith.constant 496 : index
        %get3A_1830 = tpu.vector_load %arg7[%get3A_1827, %get3A_1828, %get3A_1829] {strides = array<i32>} : memref<2x64x512xf32, #tpu.memory_space<vmem>>, vector<1x1x16xf32>,
        %get3A_1831 = vector.shape_cast %get3A_1830 : vector<1x1x16xf32> to vector<16xf32>
        %mul3A_1832 = arith.mulf %get3A_1831, %get3A_1575 : vector<16xf32>
        %add3A_1833 = arith.addf %scan3A_1567, %mul3A_1832 : vector<16xf32>
        scf.yield %add3A_1585, %add3A_1593, %add3A_1601, %add3A_1609, %add3A_1617, %add3A_1625, %add3A_1633, %add3A_1641, %add3A_1649, %add3A_1657, %add3A_1665, %add3A_1673, %add3A_1681, %add3A_1689, %add3A_1697, %add3A_1705, %add3A_1713, %add3A_1721, %add3A_1729, %add3A_1737, %add3A_1745, %add3A_1753, %add3A_1761, %add3A_1769, %add3A_1777, %add3A_1785, %add3A_1793, %add3A_1801, %add3A_1809, %add3A_1817, %add3A_1825, %add3A_1833 : vector<16xf32>, vector<16xf32>, vector<16xf32>, vector<16xf32>, vector<16xf32>, vector<16xf32>, vector<16xf32>, vector<16xf32>, vector<16xf32>, vector<16xf32>, vector<16xf32>, vector<16xf32>, vector<16xf32>, vector<16xf32>, vector<16xf32>, vector<16xf32>, vector<16xf32>, vector<16xf32>, vector<16xf32>, vector<16xf32>, vector<16xf32>, vector<16xf32>, vector<16xf32>, vector<16xf32>, vector<16xf32>, vector<16xf32>, vector<16xf32>, vector<16xf32>, vector<16xf32>, vector<16xf32>, vector<16xf32>, vector<16xf32>
      }
      %scan3A_218 = arith.constant 32 : i32
      %swap3A = arith.constant 0 : i32
      %swap3A_219 = arith.constant 0 : i32
      %swap3A_220 = arith.index_cast %swap3A : i32 to index
      %swap3A_221 = arith.index_cast %swap3A_219 : i32 to index
      %swap3A_222 = arith.constant 0 : index
      %swap3A_223 = tpu.vector_load %arg9[%swap3A_220, %swap3A_221, %swap3A_222] {strides = array<i32>} : memref<2x2x512xf32, #tpu.memory_space<vmem>>, vector<1x1x16xf32>,
      %swap3A_224 = vector.shape_cast %swap3A_223 : vector<1x1x16xf32> to vector<16xf32>
      %swap3A_225 = vector.shape_cast %scan3A_217#0 : vector<16xf32> to vector<1x1x16xf32>
      tpu.vector_store %arg9[%swap3A_220, %swap3A_221, %swap3A_222], %swap3A_225 {strides = array<i32>} : memref<2x2x512xf32, #tpu.memory_space<vmem>>, vector<1x1x16xf32>,
      %swap3A_226 = arith.constant 0 : i32
      %swap3A_227 = arith.constant 0 : i32
      %swap3A_228 = arith.index_cast %swap3A_226 : i32 to index
      %swap3A_229 = arith.index_cast %swap3A_227 : i32 to index
      %swap3A_230 = arith.constant 16 : index
      %swap3A_231 = tpu.vector_load %arg9[%swap3A_228, %swap3A_229, %swap3A_230] {strides = array<i32>} : memref<2x2x512xf32, #tpu.memory_space<vmem>>, vector<1x1x16xf32>,
      %swap3A_232 = vector.shape_cast %swap3A_231 : vector<1x1x16xf32> to vector<16xf32>
      %swap3A_233 = vector.shape_cast %scan3A_217#1 : vector<16xf32> to vector<1x1x16xf32>
      tpu.vector_store %arg9[%swap3A_228, %swap3A_229, %swap3A_230], %swap3A_233 {strides = array<i32>} : memref<2x2x512xf32, #tpu.memory_space<vmem>>, vector<1x1x16xf32>,
      %swap3A_234 = arith.constant 0 : i32
      %swap3A_235 = arith.constant 0 : i32
      %swap3A_236 = arith.index_cast %swap3A_234 : i32 to index
      %swap3A_237 = arith.index_cast %swap3A_235 : i32 to index
      %swap3A_238 = arith.constant 32 : index
      %swap3A_239 = tpu.vector_load %arg9[%swap3A_236, %swap3A_237, %swap3A_238] {strides = array<i32>} : memref<2x2x512xf32, #tpu.memory_space<vmem>>, vector<1x1x16xf32>,
      %swap3A_240 = vector.shape_cast %swap3A_239 : vector<1x1x16xf32> to vector<16xf32>
      %swap3A_241 = vector.shape_cast %scan3A_217#2 : vector<16xf32> to vector<1x1x16xf32>
      tpu.vector_store %arg9[%swap3A_236, %swap3A_237, %swap3A_238], %swap3A_241 {strides = array<i32>} : memref<2x2x512xf32, #tpu.memory_space<vmem>>, vector<1x1x16xf32>,
      %swap3A_242 = arith.constant 0 : i32
      %swap3A_243 = arith.constant 0 : i32
      %swap3A_244 = arith.index_cast %swap3A_242 : i32 to index
      %swap3A_245 = arith.index_cast %swap3A_243 : i32 to index
      %swap3A_246 = arith.constant 48 : index
      %swap3A_247 = tpu.vector_load %arg9[%swap3A_244, %swap3A_245, %swap3A_246] {strides = array<i32>} : memref<2x2x512xf32, #tpu.memory_space<vmem>>, vector<1x1x16xf32>,
      %swap3A_248 = vector.shape_cast %swap3A_247 : vector<1x1x16xf32> to vector<16xf32>
      %swap3A_249 = vector.shape_cast %scan3A_217#3 : vector<16xf32> to vector<1x1x16xf32>
      tpu.vector_store %arg9[%swap3A_244, %swap3A_245, %swap3A_246], %swap3A_249 {strides = array<i32>} : memref<2x2x512xf32, #tpu.memory_space<vmem>>, vector<1x1x16xf32>,
      %swap3A_250 = arith.constant 0 : i32
      %swap3A_251 = arith.constant 0 : i32
      %swap3A_252 = arith.index_cast %swap3A_250 : i32 to index
      %swap3A_253 = arith.index_cast %swap3A_251 : i32 to index
      %swap3A_254 = arith.constant 64 : index
      %swap3A_255 = tpu.vector_load %arg9[%swap3A_252, %swap3A_253, %swap3A_254] {strides = array<i32>} : memref<2x2x512xf32, #tpu.memory_space<vmem>>, vector<1x1x16xf32>,
      %swap3A_256 = vector.shape_cast %swap3A_255 : vector<1x1x16xf32> to vector<16xf32>
      %swap3A_257 = vector.shape_cast %scan3A_217#4 : vector<16xf32> to vector<1x1x16xf32>
      tpu.vector_store %arg9[%swap3A_252, %swap3A_253, %swap3A_254], %swap3A_257 {strides = array<i32>} : memref<2x2x512xf32, #tpu.memory_space<vmem>>, vector<1x1x16xf32>,
      %swap3A_258 = arith.constant 0 : i32
      %swap3A_259 = arith.constant 0 : i32
      %swap3A_260 = arith.index_cast %swap3A_258 : i32 to index
      %swap3A_261 = arith.index_cast %swap3A_259 : i32 to index
      %swap3A_262 = arith.constant 80 : index
      %swap3A_263 = tpu.vector_load %arg9[%swap3A_260, %swap3A_261, %swap3A_262] {strides = array<i32>} : memref<2x2x512xf32, #tpu.memory_space<vmem>>, vector<1x1x16xf32>,
      %swap3A_264 = vector.shape_cast %swap3A_263 : vector<1x1x16xf32> to vector<16xf32>
      %swap3A_265 = vector.shape_cast %scan3A_217#5 : vector<16xf32> to vector<1x1x16xf32>
      tpu.vector_store %arg9[%swap3A_260, %swap3A_261, %swap3A_262], %swap3A_265 {strides = array<i32>} : memref<2x2x512xf32, #tpu.memory_space<vmem>>, vector<1x1x16xf32>,
      %swap3A_266 = arith.constant 0 : i32
      %swap3A_267 = arith.constant 0 : i32
      %swap3A_268 = arith.index_cast %swap3A_266 : i32 to index
      %swap3A_269 = arith.index_cast %swap3A_267 : i32 to index
      %swap3A_270 = arith.constant 96 : index
      %swap3A_271 = tpu.vector_load %arg9[%swap3A_268, %swap3A_269, %swap3A_270] {strides = array<i32>} : memref<2x2x512xf32, #tpu.memory_space<vmem>>, vector<1x1x16xf32>,
      %swap3A_272 = vector.shape_cast %swap3A_271 : vector<1x1x16xf32> to vector<16xf32>
      %swap3A_273 = vector.shape_cast %scan3A_217#6 : vector<16xf32> to vector<1x1x16xf32>
      tpu.vector_store %arg9[%swap3A_268, %swap3A_269, %swap3A_270], %swap3A_273 {strides = array<i32>} : memref<2x2x512xf32, #tpu.memory_space<vmem>>, vector<1x1x16xf32>,
      %swap3A_274 = arith.constant 0 : i32
      %swap3A_275 = arith.constant 0 : i32
      %swap3A_276 = arith.index_cast %swap3A_274 : i32 to index
      %swap3A_277 = arith.index_cast %swap3A_275 : i32 to index
      %swap3A_278 = arith.constant 112 : index
      %swap3A_279 = tpu.vector_load %arg9[%swap3A_276, %swap3A_277, %swap3A_278] {strides = array<i32>} : memref<2x2x512xf32, #tpu.memory_space<vmem>>, vector<1x1x16xf32>,
      %swap3A_280 = vector.shape_cast %swap3A_279 : vector<1x1x16xf32> to vector<16xf32>
      %swap3A_281 = vector.shape_cast %scan3A_217#7 : vector<16xf32> to vector<1x1x16xf32>
      tpu.vector_store %arg9[%swap3A_276, %swap3A_277, %swap3A_278], %swap3A_281 {strides = array<i32>} : memref<2x2x512xf32, #tpu.memory_space<vmem>>, vector<1x1x16xf32>,
      %swap3A_282 = arith.constant 0 : i32
      %swap3A_283 = arith.constant 0 : i32
      %swap3A_284 = arith.index_cast %swap3A_282 : i32 to index
      %swap3A_285 = arith.index_cast %swap3A_283 : i32 to index
      %swap3A_286 = arith.constant 128 : index
      %swap3A_287 = tpu.vector_load %arg9[%swap3A_284, %swap3A_285, %swap3A_286] {strides = array<i32>} : memref<2x2x512xf32, #tpu.memory_space<vmem>>, vector<1x1x16xf32>,
      %swap3A_288 = vector.shape_cast %swap3A_287 : vector<1x1x16xf32> to vector<16xf32>
      %swap3A_289 = vector.shape_cast %scan3A_217#8 : vector<16xf32> to vector<1x1x16xf32>
      tpu.vector_store %arg9[%swap3A_284, %swap3A_285, %swap3A_286], %swap3A_289 {strides = array<i32>} : memref<2x2x512xf32, #tpu.memory_space<vmem>>, vector<1x1x16xf32>,
      %swap3A_290 = arith.constant 0 : i32
      %swap3A_291 = arith.constant 0 : i32
      %swap3A_292 = arith.index_cast %swap3A_290 : i32 to index
      %swap3A_293 = arith.index_cast %swap3A_291 : i32 to index
      %swap3A_294 = arith.constant 144 : index
      %swap3A_295 = tpu.vector_load %arg9[%swap3A_292, %swap3A_293, %swap3A_294] {strides = array<i32>} : memref<2x2x512xf32, #tpu.memory_space<vmem>>, vector<1x1x16xf32>,
      %swap3A_296 = vector.shape_cast %swap3A_295 : vector<1x1x16xf32> to vector<16xf32>
      %swap3A_297 = vector.shape_cast %scan3A_217#9 : vector<16xf32> to vector<1x1x16xf32>
      tpu.vector_store %arg9[%swap3A_292, %swap3A_293, %swap3A_294], %swap3A_297 {strides = array<i32>} : memref<2x2x512xf32, #tpu.memory_space<vmem>>, vector<1x1x16xf32>,
      %swap3A_298 = arith.constant 0 : i32
      %swap3A_299 = arith.constant 0 : i32
      %swap3A_300 = arith.index_cast %swap3A_298 : i32 to index
      %swap3A_301 = arith.index_cast %swap3A_299 : i32 to index
      %swap3A_302 = arith.constant 160 : index
      %swap3A_303 = tpu.vector_load %arg9[%swap3A_300, %swap3A_301, %swap3A_302] {strides = array<i32>} : memref<2x2x512xf32, #tpu.memory_space<vmem>>, vector<1x1x16xf32>,
      %swap3A_304 = vector.shape_cast %swap3A_303 : vector<1x1x16xf32> to vector<16xf32>
      %swap3A_305 = vector.shape_cast %scan3A_217#10 : vector<16xf32> to vector<1x1x16xf32>
      tpu.vector_store %arg9[%swap3A_300, %swap3A_301, %swap3A_302], %swap3A_305 {strides = array<i32>} : memref<2x2x512xf32, #tpu.memory_space<vmem>>, vector<1x1x16xf32>,
      %swap3A_306 = arith.constant 0 : i32
      %swap3A_307 = arith.constant 0 : i32
      %swap3A_308 = arith.index_cast %swap3A_306 : i32 to index
      %swap3A_309 = arith.index_cast %swap3A_307 : i32 to index
      %swap3A_310 = arith.constant 176 : index
      %swap3A_311 = tpu.vector_load %arg9[%swap3A_308, %swap3A_309, %swap3A_310] {strides = array<i32>} : memref<2x2x512xf32, #tpu.memory_space<vmem>>, vector<1x1x16xf32>,
      %swap3A_312 = vector.shape_cast %swap3A_311 : vector<1x1x16xf32> to vector<16xf32>
      %swap3A_313 = vector.shape_cast %scan3A_217#11 : vector<16xf32> to vector<1x1x16xf32>
      tpu.vector_store %arg9[%swap3A_308, %swap3A_309, %swap3A_310], %swap3A_313 {strides = array<i32>} : memref<2x2x512xf32, #tpu.memory_space<vmem>>, vector<1x1x16xf32>,
      %swap3A_314 = arith.constant 0 : i32
      %swap3A_315 = arith.constant 0 : i32
      %swap3A_316 = arith.index_cast %swap3A_314 : i32 to index
      %swap3A_317 = arith.index_cast %swap3A_315 : i32 to index
      %swap3A_318 = arith.constant 192 : index
      %swap3A_319 = tpu.vector_load %arg9[%swap3A_316, %swap3A_317, %swap3A_318] {strides = array<i32>} : memref<2x2x512xf32, #tpu.memory_space<vmem>>, vector<1x1x16xf32>,
      %swap3A_320 = vector.shape_cast %swap3A_319 : vector<1x1x16xf32> to vector<16xf32>
      %swap3A_321 = vector.shape_cast %scan3A_217#12 : vector<16xf32> to vector<1x1x16xf32>
      tpu.vector_store %arg9[%swap3A_316, %swap3A_317, %swap3A_318], %swap3A_321 {strides = array<i32>} : memref<2x2x512xf32, #tpu.memory_space<vmem>>, vector<1x1x16xf32>,
      %swap3A_322 = arith.constant 0 : i32
      %swap3A_323 = arith.constant 0 : i32
      %swap3A_324 = arith.index_cast %swap3A_322 : i32 to index
      %swap3A_325 = arith.index_cast %swap3A_323 : i32 to index
      %swap3A_326 = arith.constant 208 : index
      %swap3A_327 = tpu.vector_load %arg9[%swap3A_324, %swap3A_325, %swap3A_326] {strides = array<i32>} : memref<2x2x512xf32, #tpu.memory_space<vmem>>, vector<1x1x16xf32>,
      %swap3A_328 = vector.shape_cast %swap3A_327 : vector<1x1x16xf32> to vector<16xf32>
      %swap3A_329 = vector.shape_cast %scan3A_217#13 : vector<16xf32> to vector<1x1x16xf32>
      tpu.vector_store %arg9[%swap3A_324, %swap3A_325, %swap3A_326], %swap3A_329 {strides = array<i32>} : memref<2x2x512xf32, #tpu.memory_space<vmem>>, vector<1x1x16xf32>,
      %swap3A_330 = arith.constant 0 : i32
      %swap3A_331 = arith.constant 0 : i32
      %swap3A_332 = arith.index_cast %swap3A_330 : i32 to index
      %swap3A_333 = arith.index_cast %swap3A_331 : i32 to index
      %swap3A_334 = arith.constant 224 : index
      %swap3A_335 = tpu.vector_load %arg9[%swap3A_332, %swap3A_333, %swap3A_334] {strides = array<i32>} : memref<2x2x512xf32, #tpu.memory_space<vmem>>, vector<1x1x16xf32>,
      %swap3A_336 = vector.shape_cast %swap3A_335 : vector<1x1x16xf32> to vector<16xf32>
      %swap3A_337 = vector.shape_cast %scan3A_217#14 : vector<16xf32> to vector<1x1x16xf32>
      tpu.vector_store %arg9[%swap3A_332, %swap3A_333, %swap3A_334], %swap3A_337 {strides = array<i32>} : memref<2x2x512xf32, #tpu.memory_space<vmem>>, vector<1x1x16xf32>,
      %swap3A_338 = arith.constant 0 : i32
      %swap3A_339 = arith.constant 0 : i32
      %swap3A_340 = arith.index_cast %swap3A_338 : i32 to index
      %swap3A_341 = arith.index_cast %swap3A_339 : i32 to index
      %swap3A_342 = arith.constant 240 : index
      %swap3A_343 = tpu.vector_load %arg9[%swap3A_340, %swap3A_341, %swap3A_342] {strides = array<i32>} : memref<2x2x512xf32, #tpu.memory_space<vmem>>, vector<1x1x16xf32>,
      %swap3A_344 = vector.shape_cast %swap3A_343 : vector<1x1x16xf32> to vector<16xf32>
      %swap3A_345 = vector.shape_cast %scan3A_217#15 : vector<16xf32> to vector<1x1x16xf32>
      tpu.vector_store %arg9[%swap3A_340, %swap3A_341, %swap3A_342], %swap3A_345 {strides = array<i32>} : memref<2x2x512xf32, #tpu.memory_space<vmem>>, vector<1x1x16xf32>,
      %swap3A_346 = arith.constant 0 : i32
      %swap3A_347 = arith.constant 0 : i32
      %swap3A_348 = arith.index_cast %swap3A_346 : i32 to index
      %swap3A_349 = arith.index_cast %swap3A_347 : i32 to index
      %swap3A_350 = arith.constant 256 : index
      %swap3A_351 = tpu.vector_load %arg9[%swap3A_348, %swap3A_349, %swap3A_350] {strides = array<i32>} : memref<2x2x512xf32, #tpu.memory_space<vmem>>, vector<1x1x16xf32>,
      %swap3A_352 = vector.shape_cast %swap3A_351 : vector<1x1x16xf32> to vector<16xf32>
      %swap3A_353 = vector.shape_cast %scan3A_217#16 : vector<16xf32> to vector<1x1x16xf32>
      tpu.vector_store %arg9[%swap3A_348, %swap3A_349, %swap3A_350], %swap3A_353 {strides = array<i32>} : memref<2x2x512xf32, #tpu.memory_space<vmem>>, vector<1x1x16xf32>,
      %swap3A_354 = arith.constant 0 : i32
      %swap3A_355 = arith.constant 0 : i32
      %swap3A_356 = arith.index_cast %swap3A_354 : i32 to index
      %swap3A_357 = arith.index_cast %swap3A_355 : i32 to index
      %swap3A_358 = arith.constant 272 : index
      %swap3A_359 = tpu.vector_load %arg9[%swap3A_356, %swap3A_357, %swap3A_358] {strides = array<i32>} : memref<2x2x512xf32, #tpu.memory_space<vmem>>, vector<1x1x16xf32>,
      %swap3A_360 = vector.shape_cast %swap3A_359 : vector<1x1x16xf32> to vector<16xf32>
      %swap3A_361 = vector.shape_cast %scan3A_217#17 : vector<16xf32> to vector<1x1x16xf32>
      tpu.vector_store %arg9[%swap3A_356, %swap3A_357, %swap3A_358], %swap3A_361 {strides = array<i32>} : memref<2x2x512xf32, #tpu.memory_space<vmem>>, vector<1x1x16xf32>,
      %swap3A_362 = arith.constant 0 : i32
      %swap3A_363 = arith.constant 0 : i32
      %swap3A_364 = arith.index_cast %swap3A_362 : i32 to index
      %swap3A_365 = arith.index_cast %swap3A_363 : i32 to index
      %swap3A_366 = arith.constant 288 : index
      %swap3A_367 = tpu.vector_load %arg9[%swap3A_364, %swap3A_365, %swap3A_366] {strides = array<i32>} : memref<2x2x512xf32, #tpu.memory_space<vmem>>, vector<1x1x16xf32>,
      %swap3A_368 = vector.shape_cast %swap3A_367 : vector<1x1x16xf32> to vector<16xf32>
      %swap3A_369 = vector.shape_cast %scan3A_217#18 : vector<16xf32> to vector<1x1x16xf32>
      tpu.vector_store %arg9[%swap3A_364, %swap3A_365, %swap3A_366], %swap3A_369 {strides = array<i32>} : memref<2x2x512xf32, #tpu.memory_space<vmem>>, vector<1x1x16xf32>,
      %swap3A_370 = arith.constant 0 : i32
      %swap3A_371 = arith.constant 0 : i32
      %swap3A_372 = arith.index_cast %swap3A_370 : i32 to index
      %swap3A_373 = arith.index_cast %swap3A_371 : i32 to index
      %swap3A_374 = arith.constant 304 : index
      %swap3A_375 = tpu.vector_load %arg9[%swap3A_372, %swap3A_373, %swap3A_374] {strides = array<i32>} : memref<2x2x512xf32, #tpu.memory_space<vmem>>, vector<1x1x16xf32>,
      %swap3A_376 = vector.shape_cast %swap3A_375 : vector<1x1x16xf32> to vector<16xf32>
      %swap3A_377 = vector.shape_cast %scan3A_217#19 : vector<16xf32> to vector<1x1x16xf32>
      tpu.vector_store %arg9[%swap3A_372, %swap3A_373, %swap3A_374], %swap3A_377 {strides = array<i32>} : memref<2x2x512xf32, #tpu.memory_space<vmem>>, vector<1x1x16xf32>,
      %swap3A_378 = arith.constant 0 : i32
      %swap3A_379 = arith.constant 0 : i32
      %swap3A_380 = arith.index_cast %swap3A_378 : i32 to index
      %swap3A_381 = arith.index_cast %swap3A_379 : i32 to index
      %swap3A_382 = arith.constant 320 : index
      %swap3A_383 = tpu.vector_load %arg9[%swap3A_380, %swap3A_381, %swap3A_382] {strides = array<i32>} : memref<2x2x512xf32, #tpu.memory_space<vmem>>, vector<1x1x16xf32>,
      %swap3A_384 = vector.shape_cast %swap3A_383 : vector<1x1x16xf32> to vector<16xf32>
      %swap3A_385 = vector.shape_cast %scan3A_217#20 : vector<16xf32> to vector<1x1x16xf32>
      tpu.vector_store %arg9[%swap3A_380, %swap3A_381, %swap3A_382], %swap3A_385 {strides = array<i32>} : memref<2x2x512xf32, #tpu.memory_space<vmem>>, vector<1x1x16xf32>,
      %swap3A_386 = arith.constant 0 : i32
      %swap3A_387 = arith.constant 0 : i32
      %swap3A_388 = arith.index_cast %swap3A_386 : i32 to index
      %swap3A_389 = arith.index_cast %swap3A_387 : i32 to index
      %swap3A_390 = arith.constant 336 : index
      %swap3A_391 = tpu.vector_load %arg9[%swap3A_388, %swap3A_389, %swap3A_390] {strides = array<i32>} : memref<2x2x512xf32, #tpu.memory_space<vmem>>, vector<1x1x16xf32>,
      %swap3A_392 = vector.shape_cast %swap3A_391 : vector<1x1x16xf32> to vector<16xf32>
      %swap3A_393 = vector.shape_cast %scan3A_217#21 : vector<16xf32> to vector<1x1x16xf32>
      tpu.vector_store %arg9[%swap3A_388, %swap3A_389, %swap3A_390], %swap3A_393 {strides = array<i32>} : memref<2x2x512xf32, #tpu.memory_space<vmem>>, vector<1x1x16xf32>,
      %swap3A_394 = arith.constant 0 : i32
      %swap3A_395 = arith.constant 0 : i32
      %swap3A_396 = arith.index_cast %swap3A_394 : i32 to index
      %swap3A_397 = arith.index_cast %swap3A_395 : i32 to index
      %swap3A_398 = arith.constant 352 : index
      %swap3A_399 = tpu.vector_load %arg9[%swap3A_396, %swap3A_397, %swap3A_398] {strides = array<i32>} : memref<2x2x512xf32, #tpu.memory_space<vmem>>, vector<1x1x16xf32>,
      %swap3A_400 = vector.shape_cast %swap3A_399 : vector<1x1x16xf32> to vector<16xf32>
      %swap3A_401 = vector.shape_cast %scan3A_217#22 : vector<16xf32> to vector<1x1x16xf32>
      tpu.vector_store %arg9[%swap3A_396, %swap3A_397, %swap3A_398], %swap3A_401 {strides = array<i32>} : memref<2x2x512xf32, #tpu.memory_space<vmem>>, vector<1x1x16xf32>,
      %swap3A_402 = arith.constant 0 : i32
      %swap3A_403 = arith.constant 0 : i32
      %swap3A_404 = arith.index_cast %swap3A_402 : i32 to index
      %swap3A_405 = arith.index_cast %swap3A_403 : i32 to index
      %swap3A_406 = arith.constant 368 : index
      %swap3A_407 = tpu.vector_load %arg9[%swap3A_404, %swap3A_405, %swap3A_406] {strides = array<i32>} : memref<2x2x512xf32, #tpu.memory_space<vmem>>, vector<1x1x16xf32>,
      %swap3A_408 = vector.shape_cast %swap3A_407 : vector<1x1x16xf32> to vector<16xf32>
      %swap3A_409 = vector.shape_cast %scan3A_217#23 : vector<16xf32> to vector<1x1x16xf32>
      tpu.vector_store %arg9[%swap3A_404, %swap3A_405, %swap3A_406], %swap3A_409 {strides = array<i32>} : memref<2x2x512xf32, #tpu.memory_space<vmem>>, vector<1x1x16xf32>,
      %swap3A_410 = arith.constant 0 : i32
      %swap3A_411 = arith.constant 0 : i32
      %swap3A_412 = arith.index_cast %swap3A_410 : i32 to index
      %swap3A_413 = arith.index_cast %swap3A_411 : i32 to index
      %swap3A_414 = arith.constant 384 : index
      %swap3A_415 = tpu.vector_load %arg9[%swap3A_412, %swap3A_413, %swap3A_414] {strides = array<i32>} : memref<2x2x512xf32, #tpu.memory_space<vmem>>, vector<1x1x16xf32>,
      %swap3A_416 = vector.shape_cast %swap3A_415 : vector<1x1x16xf32> to vector<16xf32>
      %swap3A_417 = vector.shape_cast %scan3A_217#24 : vector<16xf32> to vector<1x1x16xf32>
      tpu.vector_store %arg9[%swap3A_412, %swap3A_413, %swap3A_414], %swap3A_417 {strides = array<i32>} : memref<2x2x512xf32, #tpu.memory_space<vmem>>, vector<1x1x16xf32>,
      %swap3A_418 = arith.constant 0 : i32
      %swap3A_419 = arith.constant 0 : i32
      %swap3A_420 = arith.index_cast %swap3A_418 : i32 to index
      %swap3A_421 = arith.index_cast %swap3A_419 : i32 to index
      %swap3A_422 = arith.constant 400 : index
      %swap3A_423 = tpu.vector_load %arg9[%swap3A_420, %swap3A_421, %swap3A_422] {strides = array<i32>} : memref<2x2x512xf32, #tpu.memory_space<vmem>>, vector<1x1x16xf32>,
      %swap3A_424 = vector.shape_cast %swap3A_423 : vector<1x1x16xf32> to vector<16xf32>
      %swap3A_425 = vector.shape_cast %scan3A_217#25 : vector<16xf32> to vector<1x1x16xf32>
      tpu.vector_store %arg9[%swap3A_420, %swap3A_421, %swap3A_422], %swap3A_425 {strides = array<i32>} : memref<2x2x512xf32, #tpu.memory_space<vmem>>, vector<1x1x16xf32>,
      %swap3A_426 = arith.constant 0 : i32
      %swap3A_427 = arith.constant 0 : i32
      %swap3A_428 = arith.index_cast %swap3A_426 : i32 to index
      %swap3A_429 = arith.index_cast %swap3A_427 : i32 to index
      %swap3A_430 = arith.constant 416 : index
      %swap3A_431 = tpu.vector_load %arg9[%swap3A_428, %swap3A_429, %swap3A_430] {strides = array<i32>} : memref<2x2x512xf32, #tpu.memory_space<vmem>>, vector<1x1x16xf32>,
      %swap3A_432 = vector.shape_cast %swap3A_431 : vector<1x1x16xf32> to vector<16xf32>
      %swap3A_433 = vector.shape_cast %scan3A_217#26 : vector<16xf32> to vector<1x1x16xf32>
      tpu.vector_store %arg9[%swap3A_428, %swap3A_429, %swap3A_430], %swap3A_433 {strides = array<i32>} : memref<2x2x512xf32, #tpu.memory_space<vmem>>, vector<1x1x16xf32>,
      %swap3A_434 = arith.constant 0 : i32
      %swap3A_435 = arith.constant 0 : i32
      %swap3A_436 = arith.index_cast %swap3A_434 : i32 to index
      %swap3A_437 = arith.index_cast %swap3A_435 : i32 to index
      %swap3A_438 = arith.constant 432 : index
      %swap3A_439 = tpu.vector_load %arg9[%swap3A_436, %swap3A_437, %swap3A_438] {strides = array<i32>} : memref<2x2x512xf32, #tpu.memory_space<vmem>>, vector<1x1x16xf32>,
      %swap3A_440 = vector.shape_cast %swap3A_439 : vector<1x1x16xf32> to vector<16xf32>
      %swap3A_441 = vector.shape_cast %scan3A_217#27 : vector<16xf32> to vector<1x1x16xf32>
      tpu.vector_store %arg9[%swap3A_436, %swap3A_437, %swap3A_438], %swap3A_441 {strides = array<i32>} : memref<2x2x512xf32, #tpu.memory_space<vmem>>, vector<1x1x16xf32>,
      %swap3A_442 = arith.constant 0 : i32
      %swap3A_443 = arith.constant 0 : i32
      %swap3A_444 = arith.index_cast %swap3A_442 : i32 to index
      %swap3A_445 = arith.index_cast %swap3A_443 : i32 to index
      %swap3A_446 = arith.constant 448 : index
      %swap3A_447 = tpu.vector_load %arg9[%swap3A_444, %swap3A_445, %swap3A_446] {strides = array<i32>} : memref<2x2x512xf32, #tpu.memory_space<vmem>>, vector<1x1x16xf32>,
      %swap3A_448 = vector.shape_cast %swap3A_447 : vector<1x1x16xf32> to vector<16xf32>
      %swap3A_449 = vector.shape_cast %scan3A_217#28 : vector<16xf32> to vector<1x1x16xf32>
      tpu.vector_store %arg9[%swap3A_444, %swap3A_445, %swap3A_446], %swap3A_449 {strides = array<i32>} : memref<2x2x512xf32, #tpu.memory_space<vmem>>, vector<1x1x16xf32>,
      %swap3A_450 = arith.constant 0 : i32
      %swap3A_451 = arith.constant 0 : i32
      %swap3A_452 = arith.index_cast %swap3A_450 : i32 to index
      %swap3A_453 = arith.index_cast %swap3A_451 : i32 to index
      %swap3A_454 = arith.constant 464 : index
      %swap3A_455 = tpu.vector_load %arg9[%swap3A_452, %swap3A_453, %swap3A_454] {strides = array<i32>} : memref<2x2x512xf32, #tpu.memory_space<vmem>>, vector<1x1x16xf32>,
      %swap3A_456 = vector.shape_cast %swap3A_455 : vector<1x1x16xf32> to vector<16xf32>
      %swap3A_457 = vector.shape_cast %scan3A_217#29 : vector<16xf32> to vector<1x1x16xf32>
      tpu.vector_store %arg9[%swap3A_452, %swap3A_453, %swap3A_454], %swap3A_457 {strides = array<i32>} : memref<2x2x512xf32, #tpu.memory_space<vmem>>, vector<1x1x16xf32>,
      %swap3A_458 = arith.constant 0 : i32
      %swap3A_459 = arith.constant 0 : i32
      %swap3A_460 = arith.index_cast %swap3A_458 : i32 to index
      %swap3A_461 = arith.index_cast %swap3A_459 : i32 to index
      %swap3A_462 = arith.constant 480 : index
      %swap3A_463 = tpu.vector_load %arg9[%swap3A_460, %swap3A_461, %swap3A_462] {strides = array<i32>} : memref<2x2x512xf32, #tpu.memory_space<vmem>>, vector<1x1x16xf32>,
      %swap3A_464 = vector.shape_cast %swap3A_463 : vector<1x1x16xf32> to vector<16xf32>
      %swap3A_465 = vector.shape_cast %scan3A_217#30 : vector<16xf32> to vector<1x1x16xf32>
      tpu.vector_store %arg9[%swap3A_460, %swap3A_461, %swap3A_462], %swap3A_465 {strides = array<i32>} : memref<2x2x512xf32, #tpu.memory_space<vmem>>, vector<1x1x16xf32>,
      %swap3A_466 = arith.constant 0 : i32
      %swap3A_467 = arith.constant 0 : i32
      %swap3A_468 = arith.index_cast %swap3A_466 : i32 to index
      %swap3A_469 = arith.index_cast %swap3A_467 : i32 to index
      %swap3A_470 = arith.constant 496 : index
      %swap3A_471 = tpu.vector_load %arg9[%swap3A_468, %swap3A_469, %swap3A_470] {strides = array<i32>} : memref<2x2x512xf32, #tpu.memory_space<vmem>>, vector<1x1x16xf32>,
      %swap3A_472 = vector.shape_cast %swap3A_471 : vector<1x1x16xf32> to vector<16xf32>
      %swap3A_473 = vector.shape_cast %scan3A_217#31 : vector<16xf32> to vector<1x1x16xf32>
      tpu.vector_store %arg9[%swap3A_468, %swap3A_469, %swap3A_470], %swap3A_473 {strides = array<i32>} : memref<2x2x512xf32, #tpu.memory_space<vmem>>, vector<1x1x16xf32>,
      %broadcast_in_dim3A_474 = arith.constant 0.000000e+00 : f32
      %broadcast_in_dim3A_475 = vector.broadcast %broadcast_in_dim3A_474 : f32 to vector<16xf32>
      %broadcast_in_dim3A_476 = arith.constant 0.000000e+00 : f32
      %broadcast_in_dim3A_477 = vector.broadcast %broadcast_in_dim3A_476 : f32 to vector<16xf32>
      %broadcast_in_dim3A_478 = arith.constant 0.000000e+00 : f32
      %broadcast_in_dim3A_479 = vector.broadcast %broadcast_in_dim3A_478 : f32 to vector<16xf32>
      %broadcast_in_dim3A_480 = arith.constant 0.000000e+00 : f32
      %broadcast_in_dim3A_481 = vector.broadcast %broadcast_in_dim3A_480 : f32 to vector<16xf32>
      %broadcast_in_dim3A_482 = arith.constant 0.000000e+00 : f32
      %broadcast_in_dim3A_483 = vector.broadcast %broadcast_in_dim3A_482 : f32 to vector<16xf32>
      %broadcast_in_dim3A_484 = arith.constant 0.000000e+00 : f32
      %broadcast_in_dim3A_485 = vector.broadcast %broadcast_in_dim3A_484 : f32 to vector<16xf32>
      %broadcast_in_dim3A_486 = arith.constant 0.000000e+00 : f32
      %broadcast_in_dim3A_487 = vector.broadcast %broadcast_in_dim3A_486 : f32 to vector<16xf32>
      %broadcast_in_dim3A_488 = arith.constant 0.000000e+00 : f32
      %broadcast_in_dim3A_489 = vector.broadcast %broadcast_in_dim3A_488 : f32 to vector<16xf32>
      %broadcast_in_dim3A_490 = arith.constant 0.000000e+00 : f32
      %broadcast_in_dim3A_491 = vector.broadcast %broadcast_in_dim3A_490 : f32 to vector<16xf32>
      %broadcast_in_dim3A_492 = arith.constant 0.000000e+00 : f32
      %broadcast_in_dim3A_493 = vector.broadcast %broadcast_in_dim3A_492 : f32 to vector<16xf32>
      %broadcast_in_dim3A_494 = arith.constant 0.000000e+00 : f32
      %broadcast_in_dim3A_495 = vector.broadcast %broadcast_in_dim3A_494 : f32 to vector<16xf32>
      %broadcast_in_dim3A_496 = arith.constant 0.000000e+00 : f32
      %broadcast_in_dim3A_497 = vector.broadcast %broadcast_in_dim3A_496 : f32 to vector<16xf32>
      %broadcast_in_dim3A_498 = arith.constant 0.000000e+00 : f32
      %broadcast_in_dim3A_499 = vector.broadcast %broadcast_in_dim3A_498 : f32 to vector<16xf32>
      %broadcast_in_dim3A_500 = arith.constant 0.000000e+00 : f32
      %broadcast_in_dim3A_501 = vector.broadcast %broadcast_in_dim3A_500 : f32 to vector<16xf32>
      %broadcast_in_dim3A_502 = arith.constant 0.000000e+00 : f32
      %broadcast_in_dim3A_503 = vector.broadcast %broadcast_in_dim3A_502 : f32 to vector<16xf32>
      %broadcast_in_dim3A_504 = arith.constant 0.000000e+00 : f32
      %broadcast_in_dim3A_505 = vector.broadcast %broadcast_in_dim3A_504 : f32 to vector<16xf32>
      %broadcast_in_dim3A_506 = arith.constant 0.000000e+00 : f32
      %broadcast_in_dim3A_507 = vector.broadcast %broadcast_in_dim3A_506 : f32 to vector<16xf32>
      %broadcast_in_dim3A_508 = arith.constant 0.000000e+00 : f32
      %broadcast_in_dim3A_509 = vector.broadcast %broadcast_in_dim3A_508 : f32 to vector<16xf32>
      %broadcast_in_dim3A_510 = arith.constant 0.000000e+00 : f32
      %broadcast_in_dim3A_511 = vector.broadcast %broadcast_in_dim3A_510 : f32 to vector<16xf32>
      %broadcast_in_dim3A_512 = arith.constant 0.000000e+00 : f32
      %broadcast_in_dim3A_513 = vector.broadcast %broadcast_in_dim3A_512 : f32 to vector<16xf32>
      %broadcast_in_dim3A_514 = arith.constant 0.000000e+00 : f32
      %broadcast_in_dim3A_515 = vector.broadcast %broadcast_in_dim3A_514 : f32 to vector<16xf32>
      %broadcast_in_dim3A_516 = arith.constant 0.000000e+00 : f32
      %broadcast_in_dim3A_517 = vector.broadcast %broadcast_in_dim3A_516 : f32 to vector<16xf32>
      %broadcast_in_dim3A_518 = arith.constant 0.000000e+00 : f32
      %broadcast_in_dim3A_519 = vector.broadcast %broadcast_in_dim3A_518 : f32 to vector<16xf32>
      %broadcast_in_dim3A_520 = arith.constant 0.000000e+00 : f32
      %broadcast_in_dim3A_521 = vector.broadcast %broadcast_in_dim3A_520 : f32 to vector<16xf32>
      %broadcast_in_dim3A_522 = arith.constant 0.000000e+00 : f32
      %broadcast_in_dim3A_523 = vector.broadcast %broadcast_in_dim3A_522 : f32 to vector<16xf32>
      %broadcast_in_dim3A_524 = arith.constant 0.000000e+00 : f32
      %broadcast_in_dim3A_525 = vector.broadcast %broadcast_in_dim3A_524 : f32 to vector<16xf32>
      %broadcast_in_dim3A_526 = arith.constant 0.000000e+00 : f32
      %broadcast_in_dim3A_527 = vector.broadcast %broadcast_in_dim3A_526 : f32 to vector<16xf32>
      %broadcast_in_dim3A_528 = arith.constant 0.000000e+00 : f32
      %broadcast_in_dim3A_529 = vector.broadcast %broadcast_in_dim3A_528 : f32 to vector<16xf32>
      %broadcast_in_dim3A_530 = arith.constant 0.000000e+00 : f32
      %broadcast_in_dim3A_531 = vector.broadcast %broadcast_in_dim3A_530 : f32 to vector<16xf32>
      %broadcast_in_dim3A_532 = arith.constant 0.000000e+00 : f32
      %broadcast_in_dim3A_533 = vector.broadcast %broadcast_in_dim3A_532 : f32 to vector<16xf32>
      %broadcast_in_dim3A_534 = arith.constant 0.000000e+00 : f32
      %broadcast_in_dim3A_535 = vector.broadcast %broadcast_in_dim3A_534 : f32 to vector<16xf32>
      %broadcast_in_dim3A_536 = arith.constant 0.000000e+00 : f32
      %broadcast_in_dim3A_537 = vector.broadcast %broadcast_in_dim3A_536 : f32 to vector<16xf32>
      %scan3A_538 = arith.constant 0 : i32
      %scan3A_539 = arith.constant 32 : i32
      %scan3A_540 = arith.addi %scan3A_538, %scan3A_539 : i32
      %scan3A_541 = arith.constant 1 : i32
      %scan3A_542:32 = scf.for %scan3A_1535 = %scan3A_538 to %scan3A_540 step %scan3A_541 iter_args(%scan3A_1536 = %broadcast_in_dim3A_475, %scan3A_1537 = %broadcast_in_dim3A_477, %scan3A_1538 = %broadcast_in_dim3A_479, %scan3A_1539 = %broadcast_in_dim3A_481, %scan3A_1540 = %broadcast_in_dim3A_483, %scan3A_1541 = %broadcast_in_dim3A_485, %scan3A_1542 = %broadcast_in_dim3A_487, %scan3A_1543 = %broadcast_in_dim3A_489, %scan3A_1544 = %broadcast_in_dim3A_491, %scan3A_1545 = %broadcast_in_dim3A_493, %scan3A_1546 = %broadcast_in_dim3A_495, %scan3A_1547 = %broadcast_in_dim3A_497, %scan3A_1548 = %broadcast_in_dim3A_499, %scan3A_1549 = %broadcast_in_dim3A_501, %scan3A_1550 = %broadcast_in_dim3A_503, %scan3A_1551 = %broadcast_in_dim3A_505, %scan3A_1552 = %broadcast_in_dim3A_507, %scan3A_1553 = %broadcast_in_dim3A_509, %scan3A_1554 = %broadcast_in_dim3A_511, %scan3A_1555 = %broadcast_in_dim3A_513, %scan3A_1556 = %broadcast_in_dim3A_515, %scan3A_1557 = %broadcast_in_dim3A_517, %scan3A_1558 = %broadcast_in_dim3A_519, %scan3A_1559 = %broadcast_in_dim3A_521, %scan3A_1560 = %broadcast_in_dim3A_523, %scan3A_1561 = %broadcast_in_dim3A_525, %scan3A_1562 = %broadcast_in_dim3A_527, %scan3A_1563 = %broadcast_in_dim3A_529, %scan3A_1564 = %broadcast_in_dim3A_531, %scan3A_1565 = %broadcast_in_dim3A_533, %scan3A_1566 = %broadcast_in_dim3A_535, %scan3A_1567 = %broadcast_in_dim3A_537) -> (vector<16xf32>, vector<16xf32>, vector<16xf32>, vector<16xf32>, vector<16xf32>, vector<16xf32>, vector<16xf32>, vector<16xf32>, vector<16xf32>, vector<16xf32>, vector<16xf32>, vector<16xf32>, vector<16xf32>, vector<16xf32>, vector<16xf32>, vector<16xf32>, vector<16xf32>, vector<16xf32>, vector<16xf32>, vector<16xf32>, vector<16xf32>, vector<16xf32>, vector<16xf32>, vector<16xf32>, vector<16xf32>, vector<16xf32>, vector<16xf32>, vector<16xf32>, vector<16xf32>, vector<16xf32>, vector<16xf32>, vector<16xf32>)  : i32 {
        %mul3A_1568 = arith.constant 16 : i32
        %mul3A_1569 = arith.muli %scan3A_1535, %mul3A_1568 : i32
        %get3A = arith.constant 0 : i32
        %get3A_1570 = arith.constant 1 : i32
        %get3A_1571 = arith.index_cast %get3A : i32 to index
        %get3A_1572 = arith.index_cast %get3A_1570 : i32 to index
        %get3A_1573 = arith.index_cast %mul3A_1569 : i32 to index
        %get3A_1574 = tpu.vector_load %arg8[%get3A_1571, %get3A_1572, %get3A_1573] {strides = array<i32>} : memref<2x2x512xf32, #tpu.memory_space<vmem>>, vector<1x1x16xf32>,
        %get3A_1575 = vector.shape_cast %get3A_1574 : vector<1x1x16xf32> to vector<16xf32>
        %add3A_1576 = arith.constant 32 : i32
        %add3A_1577 = arith.addi %add3A_1576, %scan3A_1535 : i32
        %get3A_1578 = arith.constant 0 : i32
        %get3A_1579 = arith.index_cast %get3A_1578 : i32 to index
        %get3A_1580 = arith.index_cast %add3A_1577 : i32 to index
        %get3A_1581 = arith.constant 0 : index
        %get3A_1582 = tpu.vector_load %arg7[%get3A_1579, %get3A_1580, %get3A_1581] {strides = array<i32>} : memref<2x64x512xf32, #tpu.memory_space<vmem>>, vector<1x1x16xf32>,
        %get3A_1583 = vector.shape_cast %get3A_1582 : vector<1x1x16xf32> to vector<16xf32>
        %mul3A_1584 = arith.mulf %get3A_1583, %get3A_1575 : vector<16xf32>
        %add3A_1585 = arith.addf %scan3A_1536, %mul3A_1584 : vector<16xf32>
        %get3A_1586 = arith.constant 0 : i32
        %get3A_1587 = arith.index_cast %get3A_1586 : i32 to index
        %get3A_1588 = arith.index_cast %add3A_1577 : i32 to index
        %get3A_1589 = arith.constant 16 : index
        %get3A_1590 = tpu.vector_load %arg7[%get3A_1587, %get3A_1588, %get3A_1589] {strides = array<i32>} : memref<2x64x512xf32, #tpu.memory_space<vmem>>, vector<1x1x16xf32>,
        %get3A_1591 = vector.shape_cast %get3A_1590 : vector<1x1x16xf32> to vector<16xf32>
        %mul3A_1592 = arith.mulf %get3A_1591, %get3A_1575 : vector<16xf32>
        %add3A_1593 = arith.addf %scan3A_1537, %mul3A_1592 : vector<16xf32>
        %get3A_1594 = arith.constant 0 : i32
        %get3A_1595 = arith.index_cast %get3A_1594 : i32 to index
        %get3A_1596 = arith.index_cast %add3A_1577 : i32 to index
        %get3A_1597 = arith.constant 32 : index
        %get3A_1598 = tpu.vector_load %arg7[%get3A_1595, %get3A_1596, %get3A_1597] {strides = array<i32>} : memref<2x64x512xf32, #tpu.memory_space<vmem>>, vector<1x1x16xf32>,
        %get3A_1599 = vector.shape_cast %get3A_1598 : vector<1x1x16xf32> to vector<16xf32>
        %mul3A_1600 = arith.mulf %get3A_1599, %get3A_1575 : vector<16xf32>
        %add3A_1601 = arith.addf %scan3A_1538, %mul3A_1600 : vector<16xf32>
        %get3A_1602 = arith.constant 0 : i32
        %get3A_1603 = arith.index_cast %get3A_1602 : i32 to index
        %get3A_1604 = arith.index_cast %add3A_1577 : i32 to index
        %get3A_1605 = arith.constant 48 : index
        %get3A_1606 = tpu.vector_load %arg7[%get3A_1603, %get3A_1604, %get3A_1605] {strides = array<i32>} : memref<2x64x512xf32, #tpu.memory_space<vmem>>, vector<1x1x16xf32>,
        %get3A_1607 = vector.shape_cast %get3A_1606 : vector<1x1x16xf32> to vector<16xf32>
        %mul3A_1608 = arith.mulf %get3A_1607, %get3A_1575 : vector<16xf32>
        %add3A_1609 = arith.addf %scan3A_1539, %mul3A_1608 : vector<16xf32>
        %get3A_1610 = arith.constant 0 : i32
        %get3A_1611 = arith.index_cast %get3A_1610 : i32 to index
        %get3A_1612 = arith.index_cast %add3A_1577 : i32 to index
        %get3A_1613 = arith.constant 64 : index
        %get3A_1614 = tpu.vector_load %arg7[%get3A_1611, %get3A_1612, %get3A_1613] {strides = array<i32>} : memref<2x64x512xf32, #tpu.memory_space<vmem>>, vector<1x1x16xf32>,
        %get3A_1615 = vector.shape_cast %get3A_1614 : vector<1x1x16xf32> to vector<16xf32>
        %mul3A_1616 = arith.mulf %get3A_1615, %get3A_1575 : vector<16xf32>
        %add3A_1617 = arith.addf %scan3A_1540, %mul3A_1616 : vector<16xf32>
        %get3A_1618 = arith.constant 0 : i32
        %get3A_1619 = arith.index_cast %get3A_1618 : i32 to index
        %get3A_1620 = arith.index_cast %add3A_1577 : i32 to index
        %get3A_1621 = arith.constant 80 : index
        %get3A_1622 = tpu.vector_load %arg7[%get3A_1619, %get3A_1620, %get3A_1621] {strides = array<i32>} : memref<2x64x512xf32, #tpu.memory_space<vmem>>, vector<1x1x16xf32>,
        %get3A_1623 = vector.shape_cast %get3A_1622 : vector<1x1x16xf32> to vector<16xf32>
        %mul3A_1624 = arith.mulf %get3A_1623, %get3A_1575 : vector<16xf32>
        %add3A_1625 = arith.addf %scan3A_1541, %mul3A_1624 : vector<16xf32>
        %get3A_1626 = arith.constant 0 : i32
        %get3A_1627 = arith.index_cast %get3A_1626 : i32 to index
        %get3A_1628 = arith.index_cast %add3A_1577 : i32 to index
        %get3A_1629 = arith.constant 96 : index
        %get3A_1630 = tpu.vector_load %arg7[%get3A_1627, %get3A_1628, %get3A_1629] {strides = array<i32>} : memref<2x64x512xf32, #tpu.memory_space<vmem>>, vector<1x1x16xf32>,
        %get3A_1631 = vector.shape_cast %get3A_1630 : vector<1x1x16xf32> to vector<16xf32>
        %mul3A_1632 = arith.mulf %get3A_1631, %get3A_1575 : vector<16xf32>
        %add3A_1633 = arith.addf %scan3A_1542, %mul3A_1632 : vector<16xf32>
        %get3A_1634 = arith.constant 0 : i32
        %get3A_1635 = arith.index_cast %get3A_1634 : i32 to index
        %get3A_1636 = arith.index_cast %add3A_1577 : i32 to index
        %get3A_1637 = arith.constant 112 : index
        %get3A_1638 = tpu.vector_load %arg7[%get3A_1635, %get3A_1636, %get3A_1637] {strides = array<i32>} : memref<2x64x512xf32, #tpu.memory_space<vmem>>, vector<1x1x16xf32>,
        %get3A_1639 = vector.shape_cast %get3A_1638 : vector<1x1x16xf32> to vector<16xf32>
        %mul3A_1640 = arith.mulf %get3A_1639, %get3A_1575 : vector<16xf32>
        %add3A_1641 = arith.addf %scan3A_1543, %mul3A_1640 : vector<16xf32>
        %get3A_1642 = arith.constant 0 : i32
        %get3A_1643 = arith.index_cast %get3A_1642 : i32 to index
        %get3A_1644 = arith.index_cast %add3A_1577 : i32 to index
        %get3A_1645 = arith.constant 128 : index
        %get3A_1646 = tpu.vector_load %arg7[%get3A_1643, %get3A_1644, %get3A_1645] {strides = array<i32>} : memref<2x64x512xf32, #tpu.memory_space<vmem>>, vector<1x1x16xf32>,
        %get3A_1647 = vector.shape_cast %get3A_1646 : vector<1x1x16xf32> to vector<16xf32>
        %mul3A_1648 = arith.mulf %get3A_1647, %get3A_1575 : vector<16xf32>
        %add3A_1649 = arith.addf %scan3A_1544, %mul3A_1648 : vector<16xf32>
        %get3A_1650 = arith.constant 0 : i32
        %get3A_1651 = arith.index_cast %get3A_1650 : i32 to index
        %get3A_1652 = arith.index_cast %add3A_1577 : i32 to index
        %get3A_1653 = arith.constant 144 : index
        %get3A_1654 = tpu.vector_load %arg7[%get3A_1651, %get3A_1652, %get3A_1653] {strides = array<i32>} : memref<2x64x512xf32, #tpu.memory_space<vmem>>, vector<1x1x16xf32>,
        %get3A_1655 = vector.shape_cast %get3A_1654 : vector<1x1x16xf32> to vector<16xf32>
        %mul3A_1656 = arith.mulf %get3A_1655, %get3A_1575 : vector<16xf32>
        %add3A_1657 = arith.addf %scan3A_1545, %mul3A_1656 : vector<16xf32>
        %get3A_1658 = arith.constant 0 : i32
        %get3A_1659 = arith.index_cast %get3A_1658 : i32 to index
        %get3A_1660 = arith.index_cast %add3A_1577 : i32 to index
        %get3A_1661 = arith.constant 160 : index
        %get3A_1662 = tpu.vector_load %arg7[%get3A_1659, %get3A_1660, %get3A_1661] {strides = array<i32>} : memref<2x64x512xf32, #tpu.memory_space<vmem>>, vector<1x1x16xf32>,
        %get3A_1663 = vector.shape_cast %get3A_1662 : vector<1x1x16xf32> to vector<16xf32>
        %mul3A_1664 = arith.mulf %get3A_1663, %get3A_1575 : vector<16xf32>
        %add3A_1665 = arith.addf %scan3A_1546, %mul3A_1664 : vector<16xf32>
        %get3A_1666 = arith.constant 0 : i32
        %get3A_1667 = arith.index_cast %get3A_1666 : i32 to index
        %get3A_1668 = arith.index_cast %add3A_1577 : i32 to index
        %get3A_1669 = arith.constant 176 : index
        %get3A_1670 = tpu.vector_load %arg7[%get3A_1667, %get3A_1668, %get3A_1669] {strides = array<i32>} : memref<2x64x512xf32, #tpu.memory_space<vmem>>, vector<1x1x16xf32>,
        %get3A_1671 = vector.shape_cast %get3A_1670 : vector<1x1x16xf32> to vector<16xf32>
        %mul3A_1672 = arith.mulf %get3A_1671, %get3A_1575 : vector<16xf32>
        %add3A_1673 = arith.addf %scan3A_1547, %mul3A_1672 : vector<16xf32>
        %get3A_1674 = arith.constant 0 : i32
        %get3A_1675 = arith.index_cast %get3A_1674 : i32 to index
        %get3A_1676 = arith.index_cast %add3A_1577 : i32 to index
        %get3A_1677 = arith.constant 192 : index
        %get3A_1678 = tpu.vector_load %arg7[%get3A_1675, %get3A_1676, %get3A_1677] {strides = array<i32>} : memref<2x64x512xf32, #tpu.memory_space<vmem>>, vector<1x1x16xf32>,
        %get3A_1679 = vector.shape_cast %get3A_1678 : vector<1x1x16xf32> to vector<16xf32>
        %mul3A_1680 = arith.mulf %get3A_1679, %get3A_1575 : vector<16xf32>
        %add3A_1681 = arith.addf %scan3A_1548, %mul3A_1680 : vector<16xf32>
        %get3A_1682 = arith.constant 0 : i32
        %get3A_1683 = arith.index_cast %get3A_1682 : i32 to index
        %get3A_1684 = arith.index_cast %add3A_1577 : i32 to index
        %get3A_1685 = arith.constant 208 : index
        %get3A_1686 = tpu.vector_load %arg7[%get3A_1683, %get3A_1684, %get3A_1685] {strides = array<i32>} : memref<2x64x512xf32, #tpu.memory_space<vmem>>, vector<1x1x16xf32>,
        %get3A_1687 = vector.shape_cast %get3A_1686 : vector<1x1x16xf32> to vector<16xf32>
        %mul3A_1688 = arith.mulf %get3A_1687, %get3A_1575 : vector<16xf32>
        %add3A_1689 = arith.addf %scan3A_1549, %mul3A_1688 : vector<16xf32>
        %get3A_1690 = arith.constant 0 : i32
        %get3A_1691 = arith.index_cast %get3A_1690 : i32 to index
        %get3A_1692 = arith.index_cast %add3A_1577 : i32 to index
        %get3A_1693 = arith.constant 224 : index
        %get3A_1694 = tpu.vector_load %arg7[%get3A_1691, %get3A_1692, %get3A_1693] {strides = array<i32>} : memref<2x64x512xf32, #tpu.memory_space<vmem>>, vector<1x1x16xf32>,
        %get3A_1695 = vector.shape_cast %get3A_1694 : vector<1x1x16xf32> to vector<16xf32>
        %mul3A_1696 = arith.mulf %get3A_1695, %get3A_1575 : vector<16xf32>
        %add3A_1697 = arith.addf %scan3A_1550, %mul3A_1696 : vector<16xf32>
        %get3A_1698 = arith.constant 0 : i32
        %get3A_1699 = arith.index_cast %get3A_1698 : i32 to index
        %get3A_1700 = arith.index_cast %add3A_1577 : i32 to index
        %get3A_1701 = arith.constant 240 : index
        %get3A_1702 = tpu.vector_load %arg7[%get3A_1699, %get3A_1700, %get3A_1701] {strides = array<i32>} : memref<2x64x512xf32, #tpu.memory_space<vmem>>, vector<1x1x16xf32>,
        %get3A_1703 = vector.shape_cast %get3A_1702 : vector<1x1x16xf32> to vector<16xf32>
        %mul3A_1704 = arith.mulf %get3A_1703, %get3A_1575 : vector<16xf32>
        %add3A_1705 = arith.addf %scan3A_1551, %mul3A_1704 : vector<16xf32>
        %get3A_1706 = arith.constant 0 : i32
        %get3A_1707 = arith.index_cast %get3A_1706 : i32 to index
        %get3A_1708 = arith.index_cast %add3A_1577 : i32 to index
        %get3A_1709 = arith.constant 256 : index
        %get3A_1710 = tpu.vector_load %arg7[%get3A_1707, %get3A_1708, %get3A_1709] {strides = array<i32>} : memref<2x64x512xf32, #tpu.memory_space<vmem>>, vector<1x1x16xf32>,
        %get3A_1711 = vector.shape_cast %get3A_1710 : vector<1x1x16xf32> to vector<16xf32>
        %mul3A_1712 = arith.mulf %get3A_1711, %get3A_1575 : vector<16xf32>
        %add3A_1713 = arith.addf %scan3A_1552, %mul3A_1712 : vector<16xf32>
        %get3A_1714 = arith.constant 0 : i32
        %get3A_1715 = arith.index_cast %get3A_1714 : i32 to index
        %get3A_1716 = arith.index_cast %add3A_1577 : i32 to index
        %get3A_1717 = arith.constant 272 : index
        %get3A_1718 = tpu.vector_load %arg7[%get3A_1715, %get3A_1716, %get3A_1717] {strides = array<i32>} : memref<2x64x512xf32, #tpu.memory_space<vmem>>, vector<1x1x16xf32>,
        %get3A_1719 = vector.shape_cast %get3A_1718 : vector<1x1x16xf32> to vector<16xf32>
        %mul3A_1720 = arith.mulf %get3A_1719, %get3A_1575 : vector<16xf32>
        %add3A_1721 = arith.addf %scan3A_1553, %mul3A_1720 : vector<16xf32>
        %get3A_1722 = arith.constant 0 : i32
        %get3A_1723 = arith.index_cast %get3A_1722 : i32 to index
        %get3A_1724 = arith.index_cast %add3A_1577 : i32 to index
        %get3A_1725 = arith.constant 288 : index
        %get3A_1726 = tpu.vector_load %arg7[%get3A_1723, %get3A_1724, %get3A_1725] {strides = array<i32>} : memref<2x64x512xf32, #tpu.memory_space<vmem>>, vector<1x1x16xf32>,
        %get3A_1727 = vector.shape_cast %get3A_1726 : vector<1x1x16xf32> to vector<16xf32>
        %mul3A_1728 = arith.mulf %get3A_1727, %get3A_1575 : vector<16xf32>
        %add3A_1729 = arith.addf %scan3A_1554, %mul3A_1728 : vector<16xf32>
        %get3A_1730 = arith.constant 0 : i32
        %get3A_1731 = arith.index_cast %get3A_1730 : i32 to index
        %get3A_1732 = arith.index_cast %add3A_1577 : i32 to index
        %get3A_1733 = arith.constant 304 : index
        %get3A_1734 = tpu.vector_load %arg7[%get3A_1731, %get3A_1732, %get3A_1733] {strides = array<i32>} : memref<2x64x512xf32, #tpu.memory_space<vmem>>, vector<1x1x16xf32>,
        %get3A_1735 = vector.shape_cast %get3A_1734 : vector<1x1x16xf32> to vector<16xf32>
        %mul3A_1736 = arith.mulf %get3A_1735, %get3A_1575 : vector<16xf32>
        %add3A_1737 = arith.addf %scan3A_1555, %mul3A_1736 : vector<16xf32>
        %get3A_1738 = arith.constant 0 : i32
        %get3A_1739 = arith.index_cast %get3A_1738 : i32 to index
        %get3A_1740 = arith.index_cast %add3A_1577 : i32 to index
        %get3A_1741 = arith.constant 320 : index
        %get3A_1742 = tpu.vector_load %arg7[%get3A_1739, %get3A_1740, %get3A_1741] {strides = array<i32>} : memref<2x64x512xf32, #tpu.memory_space<vmem>>, vector<1x1x16xf32>,
        %get3A_1743 = vector.shape_cast %get3A_1742 : vector<1x1x16xf32> to vector<16xf32>
        %mul3A_1744 = arith.mulf %get3A_1743, %get3A_1575 : vector<16xf32>
        %add3A_1745 = arith.addf %scan3A_1556, %mul3A_1744 : vector<16xf32>
        %get3A_1746 = arith.constant 0 : i32
        %get3A_1747 = arith.index_cast %get3A_1746 : i32 to index
        %get3A_1748 = arith.index_cast %add3A_1577 : i32 to index
        %get3A_1749 = arith.constant 336 : index
        %get3A_1750 = tpu.vector_load %arg7[%get3A_1747, %get3A_1748, %get3A_1749] {strides = array<i32>} : memref<2x64x512xf32, #tpu.memory_space<vmem>>, vector<1x1x16xf32>,
        %get3A_1751 = vector.shape_cast %get3A_1750 : vector<1x1x16xf32> to vector<16xf32>
        %mul3A_1752 = arith.mulf %get3A_1751, %get3A_1575 : vector<16xf32>
        %add3A_1753 = arith.addf %scan3A_1557, %mul3A_1752 : vector<16xf32>
        %get3A_1754 = arith.constant 0 : i32
        %get3A_1755 = arith.index_cast %get3A_1754 : i32 to index
        %get3A_1756 = arith.index_cast %add3A_1577 : i32 to index
        %get3A_1757 = arith.constant 352 : index
        %get3A_1758 = tpu.vector_load %arg7[%get3A_1755, %get3A_1756, %get3A_1757] {strides = array<i32>} : memref<2x64x512xf32, #tpu.memory_space<vmem>>, vector<1x1x16xf32>,
        %get3A_1759 = vector.shape_cast %get3A_1758 : vector<1x1x16xf32> to vector<16xf32>
        %mul3A_1760 = arith.mulf %get3A_1759, %get3A_1575 : vector<16xf32>
        %add3A_1761 = arith.addf %scan3A_1558, %mul3A_1760 : vector<16xf32>
        %get3A_1762 = arith.constant 0 : i32
        %get3A_1763 = arith.index_cast %get3A_1762 : i32 to index
        %get3A_1764 = arith.index_cast %add3A_1577 : i32 to index
        %get3A_1765 = arith.constant 368 : index
        %get3A_1766 = tpu.vector_load %arg7[%get3A_1763, %get3A_1764, %get3A_1765] {strides = array<i32>} : memref<2x64x512xf32, #tpu.memory_space<vmem>>, vector<1x1x16xf32>,
        %get3A_1767 = vector.shape_cast %get3A_1766 : vector<1x1x16xf32> to vector<16xf32>
        %mul3A_1768 = arith.mulf %get3A_1767, %get3A_1575 : vector<16xf32>
        %add3A_1769 = arith.addf %scan3A_1559, %mul3A_1768 : vector<16xf32>
        %get3A_1770 = arith.constant 0 : i32
        %get3A_1771 = arith.index_cast %get3A_1770 : i32 to index
        %get3A_1772 = arith.index_cast %add3A_1577 : i32 to index
        %get3A_1773 = arith.constant 384 : index
        %get3A_1774 = tpu.vector_load %arg7[%get3A_1771, %get3A_1772, %get3A_1773] {strides = array<i32>} : memref<2x64x512xf32, #tpu.memory_space<vmem>>, vector<1x1x16xf32>,
        %get3A_1775 = vector.shape_cast %get3A_1774 : vector<1x1x16xf32> to vector<16xf32>
        %mul3A_1776 = arith.mulf %get3A_1775, %get3A_1575 : vector<16xf32>
        %add3A_1777 = arith.addf %scan3A_1560, %mul3A_1776 : vector<16xf32>
        %get3A_1778 = arith.constant 0 : i32
        %get3A_1779 = arith.index_cast %get3A_1778 : i32 to index
        %get3A_1780 = arith.index_cast %add3A_1577 : i32 to index
        %get3A_1781 = arith.constant 400 : index
        %get3A_1782 = tpu.vector_load %arg7[%get3A_1779, %get3A_1780, %get3A_1781] {strides = array<i32>} : memref<2x64x512xf32, #tpu.memory_space<vmem>>, vector<1x1x16xf32>,
        %get3A_1783 = vector.shape_cast %get3A_1782 : vector<1x1x16xf32> to vector<16xf32>
        %mul3A_1784 = arith.mulf %get3A_1783, %get3A_1575 : vector<16xf32>
        %add3A_1785 = arith.addf %scan3A_1561, %mul3A_1784 : vector<16xf32>
        %get3A_1786 = arith.constant 0 : i32
        %get3A_1787 = arith.index_cast %get3A_1786 : i32 to index
        %get3A_1788 = arith.index_cast %add3A_1577 : i32 to index
        %get3A_1789 = arith.constant 416 : index
        %get3A_1790 = tpu.vector_load %arg7[%get3A_1787, %get3A_1788, %get3A_1789] {strides = array<i32>} : memref<2x64x512xf32, #tpu.memory_space<vmem>>, vector<1x1x16xf32>,
        %get3A_1791 = vector.shape_cast %get3A_1790 : vector<1x1x16xf32> to vector<16xf32>
        %mul3A_1792 = arith.mulf %get3A_1791, %get3A_1575 : vector<16xf32>
        %add3A_1793 = arith.addf %scan3A_1562, %mul3A_1792 : vector<16xf32>
        %get3A_1794 = arith.constant 0 : i32
        %get3A_1795 = arith.index_cast %get3A_1794 : i32 to index
        %get3A_1796 = arith.index_cast %add3A_1577 : i32 to index
        %get3A_1797 = arith.constant 432 : index
        %get3A_1798 = tpu.vector_load %arg7[%get3A_1795, %get3A_1796, %get3A_1797] {strides = array<i32>} : memref<2x64x512xf32, #tpu.memory_space<vmem>>, vector<1x1x16xf32>,
        %get3A_1799 = vector.shape_cast %get3A_1798 : vector<1x1x16xf32> to vector<16xf32>
        %mul3A_1800 = arith.mulf %get3A_1799, %get3A_1575 : vector<16xf32>
        %add3A_1801 = arith.addf %scan3A_1563, %mul3A_1800 : vector<16xf32>
        %get3A_1802 = arith.constant 0 : i32
        %get3A_1803 = arith.index_cast %get3A_1802 : i32 to index
        %get3A_1804 = arith.index_cast %add3A_1577 : i32 to index
        %get3A_1805 = arith.constant 448 : index
        %get3A_1806 = tpu.vector_load %arg7[%get3A_1803, %get3A_1804, %get3A_1805] {strides = array<i32>} : memref<2x64x512xf32, #tpu.memory_space<vmem>>, vector<1x1x16xf32>,
        %get3A_1807 = vector.shape_cast %get3A_1806 : vector<1x1x16xf32> to vector<16xf32>
        %mul3A_1808 = arith.mulf %get3A_1807, %get3A_1575 : vector<16xf32>
        %add3A_1809 = arith.addf %scan3A_1564, %mul3A_1808 : vector<16xf32>
        %get3A_1810 = arith.constant 0 : i32
        %get3A_1811 = arith.index_cast %get3A_1810 : i32 to index
        %get3A_1812 = arith.index_cast %add3A_1577 : i32 to index
        %get3A_1813 = arith.constant 464 : index
        %get3A_1814 = tpu.vector_load %arg7[%get3A_1811, %get3A_1812, %get3A_1813] {strides = array<i32>} : memref<2x64x512xf32, #tpu.memory_space<vmem>>, vector<1x1x16xf32>,
        %get3A_1815 = vector.shape_cast %get3A_1814 : vector<1x1x16xf32> to vector<16xf32>
        %mul3A_1816 = arith.mulf %get3A_1815, %get3A_1575 : vector<16xf32>
        %add3A_1817 = arith.addf %scan3A_1565, %mul3A_1816 : vector<16xf32>
        %get3A_1818 = arith.constant 0 : i32
        %get3A_1819 = arith.index_cast %get3A_1818 : i32 to index
        %get3A_1820 = arith.index_cast %add3A_1577 : i32 to index
        %get3A_1821 = arith.constant 480 : index
        %get3A_1822 = tpu.vector_load %arg7[%get3A_1819, %get3A_1820, %get3A_1821] {strides = array<i32>} : memref<2x64x512xf32, #tpu.memory_space<vmem>>, vector<1x1x16xf32>,
        %get3A_1823 = vector.shape_cast %get3A_1822 : vector<1x1x16xf32> to vector<16xf32>
        %mul3A_1824 = arith.mulf %get3A_1823, %get3A_1575 : vector<16xf32>
        %add3A_1825 = arith.addf %scan3A_1566, %mul3A_1824 : vector<16xf32>
        %get3A_1826 = arith.constant 0 : i32
        %get3A_1827 = arith.index_cast %get3A_1826 : i32 to index
        %get3A_1828 = arith.index_cast %add3A_1577 : i32 to index
        %get3A_1829 = arith.constant 496 : index
        %get3A_1830 = tpu.vector_load %arg7[%get3A_1827, %get3A_1828, %get3A_1829] {strides = array<i32>} : memref<2x64x512xf32, #tpu.memory_space<vmem>>, vector<1x1x16xf32>,
        %get3A_1831 = vector.shape_cast %get3A_1830 : vector<1x1x16xf32> to vector<16xf32>
        %mul3A_1832 = arith.mulf %get3A_1831, %get3A_1575 : vector<16xf32>
        %add3A_1833 = arith.addf %scan3A_1567, %mul3A_1832 : vector<16xf32>
        scf.yield %add3A_1585, %add3A_1593, %add3A_1601, %add3A_1609, %add3A_1617, %add3A_1625, %add3A_1633, %add3A_1641, %add3A_1649, %add3A_1657, %add3A_1665, %add3A_1673, %add3A_1681, %add3A_1689, %add3A_1697, %add3A_1705, %add3A_1713, %add3A_1721, %add3A_1729, %add3A_1737, %add3A_1745, %add3A_1753, %add3A_1761, %add3A_1769, %add3A_1777, %add3A_1785, %add3A_1793, %add3A_1801, %add3A_1809, %add3A_1817, %add3A_1825, %add3A_1833 : vector<16xf32>, vector<16xf32>, vector<16xf32>, vector<16xf32>, vector<16xf32>, vector<16xf32>, vector<16xf32>, vector<16xf32>, vector<16xf32>, vector<16xf32>, vector<16xf32>, vector<16xf32>, vector<16xf32>, vector<16xf32>, vector<16xf32>, vector<16xf32>, vector<16xf32>, vector<16xf32>, vector<16xf32>, vector<16xf32>, vector<16xf32>, vector<16xf32>, vector<16xf32>, vector<16xf32>, vector<16xf32>, vector<16xf32>, vector<16xf32>, vector<16xf32>, vector<16xf32>, vector<16xf32>, vector<16xf32>, vector<16xf32>
      }
      %scan3A_543 = arith.constant 32 : i32
      %swap3A_544 = arith.constant 0 : i32
      %swap3A_545 = arith.constant 1 : i32
      %swap3A_546 = arith.index_cast %swap3A_544 : i32 to index
      %swap3A_547 = arith.index_cast %swap3A_545 : i32 to index
      %swap3A_548 = arith.constant 0 : index
      %swap3A_549 = tpu.vector_load %arg9[%swap3A_546, %swap3A_547, %swap3A_548] {strides = array<i32>} : memref<2x2x512xf32, #tpu.memory_space<vmem>>, vector<1x1x16xf32>,
      %swap3A_550 = vector.shape_cast %swap3A_549 : vector<1x1x16xf32> to vector<16xf32>
      %swap3A_551 = vector.shape_cast %scan3A_542#0 : vector<16xf32> to vector<1x1x16xf32>
      tpu.vector_store %arg9[%swap3A_546, %swap3A_547, %swap3A_548], %swap3A_551 {strides = array<i32>} : memref<2x2x512xf32, #tpu.memory_space<vmem>>, vector<1x1x16xf32>,
      %swap3A_552 = arith.constant 0 : i32
      %swap3A_553 = arith.constant 1 : i32
      %swap3A_554 = arith.index_cast %swap3A_552 : i32 to index
      %swap3A_555 = arith.index_cast %swap3A_553 : i32 to index
      %swap3A_556 = arith.constant 16 : index
      %swap3A_557 = tpu.vector_load %arg9[%swap3A_554, %swap3A_555, %swap3A_556] {strides = array<i32>} : memref<2x2x512xf32, #tpu.memory_space<vmem>>, vector<1x1x16xf32>,
      %swap3A_558 = vector.shape_cast %swap3A_557 : vector<1x1x16xf32> to vector<16xf32>
      %swap3A_559 = vector.shape_cast %scan3A_542#1 : vector<16xf32> to vector<1x1x16xf32>
      tpu.vector_store %arg9[%swap3A_554, %swap3A_555, %swap3A_556], %swap3A_559 {strides = array<i32>} : memref<2x2x512xf32, #tpu.memory_space<vmem>>, vector<1x1x16xf32>,
      %swap3A_560 = arith.constant 0 : i32
      %swap3A_561 = arith.constant 1 : i32
      %swap3A_562 = arith.index_cast %swap3A_560 : i32 to index
      %swap3A_563 = arith.index_cast %swap3A_561 : i32 to index
      %swap3A_564 = arith.constant 32 : index
      %swap3A_565 = tpu.vector_load %arg9[%swap3A_562, %swap3A_563, %swap3A_564] {strides = array<i32>} : memref<2x2x512xf32, #tpu.memory_space<vmem>>, vector<1x1x16xf32>,
      %swap3A_566 = vector.shape_cast %swap3A_565 : vector<1x1x16xf32> to vector<16xf32>
      %swap3A_567 = vector.shape_cast %scan3A_542#2 : vector<16xf32> to vector<1x1x16xf32>
      tpu.vector_store %arg9[%swap3A_562, %swap3A_563, %swap3A_564], %swap3A_567 {strides = array<i32>} : memref<2x2x512xf32, #tpu.memory_space<vmem>>, vector<1x1x16xf32>,
      %swap3A_568 = arith.constant 0 : i32
      %swap3A_569 = arith.constant 1 : i32
      %swap3A_570 = arith.index_cast %swap3A_568 : i32 to index
      %swap3A_571 = arith.index_cast %swap3A_569 : i32 to index
      %swap3A_572 = arith.constant 48 : index
      %swap3A_573 = tpu.vector_load %arg9[%swap3A_570, %swap3A_571, %swap3A_572] {strides = array<i32>} : memref<2x2x512xf32, #tpu.memory_space<vmem>>, vector<1x1x16xf32>,
      %swap3A_574 = vector.shape_cast %swap3A_573 : vector<1x1x16xf32> to vector<16xf32>
      %swap3A_575 = vector.shape_cast %scan3A_542#3 : vector<16xf32> to vector<1x1x16xf32>
      tpu.vector_store %arg9[%swap3A_570, %swap3A_571, %swap3A_572], %swap3A_575 {strides = array<i32>} : memref<2x2x512xf32, #tpu.memory_space<vmem>>, vector<1x1x16xf32>,
      %swap3A_576 = arith.constant 0 : i32
      %swap3A_577 = arith.constant 1 : i32
      %swap3A_578 = arith.index_cast %swap3A_576 : i32 to index
      %swap3A_579 = arith.index_cast %swap3A_577 : i32 to index
      %swap3A_580 = arith.constant 64 : index
      %swap3A_581 = tpu.vector_load %arg9[%swap3A_578, %swap3A_579, %swap3A_580] {strides = array<i32>} : memref<2x2x512xf32, #tpu.memory_space<vmem>>, vector<1x1x16xf32>,
      %swap3A_582 = vector.shape_cast %swap3A_581 : vector<1x1x16xf32> to vector<16xf32>
      %swap3A_583 = vector.shape_cast %scan3A_542#4 : vector<16xf32> to vector<1x1x16xf32>
      tpu.vector_store %arg9[%swap3A_578, %swap3A_579, %swap3A_580], %swap3A_583 {strides = array<i32>} : memref<2x2x512xf32, #tpu.memory_space<vmem>>, vector<1x1x16xf32>,
      %swap3A_584 = arith.constant 0 : i32
      %swap3A_585 = arith.constant 1 : i32
      %swap3A_586 = arith.index_cast %swap3A_584 : i32 to index
      %swap3A_587 = arith.index_cast %swap3A_585 : i32 to index
      %swap3A_588 = arith.constant 80 : index
      %swap3A_589 = tpu.vector_load %arg9[%swap3A_586, %swap3A_587, %swap3A_588] {strides = array<i32>} : memref<2x2x512xf32, #tpu.memory_space<vmem>>, vector<1x1x16xf32>,
      %swap3A_590 = vector.shape_cast %swap3A_589 : vector<1x1x16xf32> to vector<16xf32>
      %swap3A_591 = vector.shape_cast %scan3A_542#5 : vector<16xf32> to vector<1x1x16xf32>
      tpu.vector_store %arg9[%swap3A_586, %swap3A_587, %swap3A_588], %swap3A_591 {strides = array<i32>} : memref<2x2x512xf32, #tpu.memory_space<vmem>>, vector<1x1x16xf32>,
      %swap3A_592 = arith.constant 0 : i32
      %swap3A_593 = arith.constant 1 : i32
      %swap3A_594 = arith.index_cast %swap3A_592 : i32 to index
      %swap3A_595 = arith.index_cast %swap3A_593 : i32 to index
      %swap3A_596 = arith.constant 96 : index
      %swap3A_597 = tpu.vector_load %arg9[%swap3A_594, %swap3A_595, %swap3A_596] {strides = array<i32>} : memref<2x2x512xf32, #tpu.memory_space<vmem>>, vector<1x1x16xf32>,
      %swap3A_598 = vector.shape_cast %swap3A_597 : vector<1x1x16xf32> to vector<16xf32>
      %swap3A_599 = vector.shape_cast %scan3A_542#6 : vector<16xf32> to vector<1x1x16xf32>
      tpu.vector_store %arg9[%swap3A_594, %swap3A_595, %swap3A_596], %swap3A_599 {strides = array<i32>} : memref<2x2x512xf32, #tpu.memory_space<vmem>>, vector<1x1x16xf32>,
      %swap3A_600 = arith.constant 0 : i32
      %swap3A_601 = arith.constant 1 : i32
      %swap3A_602 = arith.index_cast %swap3A_600 : i32 to index
      %swap3A_603 = arith.index_cast %swap3A_601 : i32 to index
      %swap3A_604 = arith.constant 112 : index
      %swap3A_605 = tpu.vector_load %arg9[%swap3A_602, %swap3A_603, %swap3A_604] {strides = array<i32>} : memref<2x2x512xf32, #tpu.memory_space<vmem>>, vector<1x1x16xf32>,
      %swap3A_606 = vector.shape_cast %swap3A_605 : vector<1x1x16xf32> to vector<16xf32>
      %swap3A_607 = vector.shape_cast %scan3A_542#7 : vector<16xf32> to vector<1x1x16xf32>
      tpu.vector_store %arg9[%swap3A_602, %swap3A_603, %swap3A_604], %swap3A_607 {strides = array<i32>} : memref<2x2x512xf32, #tpu.memory_space<vmem>>, vector<1x1x16xf32>,
      %swap3A_608 = arith.constant 0 : i32
      %swap3A_609 = arith.constant 1 : i32
      %swap3A_610 = arith.index_cast %swap3A_608 : i32 to index
      %swap3A_611 = arith.index_cast %swap3A_609 : i32 to index
      %swap3A_612 = arith.constant 128 : index
      %swap3A_613 = tpu.vector_load %arg9[%swap3A_610, %swap3A_611, %swap3A_612] {strides = array<i32>} : memref<2x2x512xf32, #tpu.memory_space<vmem>>, vector<1x1x16xf32>,
      %swap3A_614 = vector.shape_cast %swap3A_613 : vector<1x1x16xf32> to vector<16xf32>
      %swap3A_615 = vector.shape_cast %scan3A_542#8 : vector<16xf32> to vector<1x1x16xf32>
      tpu.vector_store %arg9[%swap3A_610, %swap3A_611, %swap3A_612], %swap3A_615 {strides = array<i32>} : memref<2x2x512xf32, #tpu.memory_space<vmem>>, vector<1x1x16xf32>,
      %swap3A_616 = arith.constant 0 : i32
      %swap3A_617 = arith.constant 1 : i32
      %swap3A_618 = arith.index_cast %swap3A_616 : i32 to index
      %swap3A_619 = arith.index_cast %swap3A_617 : i32 to index
      %swap3A_620 = arith.constant 144 : index
      %swap3A_621 = tpu.vector_load %arg9[%swap3A_618, %swap3A_619, %swap3A_620] {strides = array<i32>} : memref<2x2x512xf32, #tpu.memory_space<vmem>>, vector<1x1x16xf32>,
      %swap3A_622 = vector.shape_cast %swap3A_621 : vector<1x1x16xf32> to vector<16xf32>
      %swap3A_623 = vector.shape_cast %scan3A_542#9 : vector<16xf32> to vector<1x1x16xf32>
      tpu.vector_store %arg9[%swap3A_618, %swap3A_619, %swap3A_620], %swap3A_623 {strides = array<i32>} : memref<2x2x512xf32, #tpu.memory_space<vmem>>, vector<1x1x16xf32>,
      %swap3A_624 = arith.constant 0 : i32
      %swap3A_625 = arith.constant 1 : i32
      %swap3A_626 = arith.index_cast %swap3A_624 : i32 to index
      %swap3A_627 = arith.index_cast %swap3A_625 : i32 to index
      %swap3A_628 = arith.constant 160 : index
      %swap3A_629 = tpu.vector_load %arg9[%swap3A_626, %swap3A_627, %swap3A_628] {strides = array<i32>} : memref<2x2x512xf32, #tpu.memory_space<vmem>>, vector<1x1x16xf32>,
      %swap3A_630 = vector.shape_cast %swap3A_629 : vector<1x1x16xf32> to vector<16xf32>
      %swap3A_631 = vector.shape_cast %scan3A_542#10 : vector<16xf32> to vector<1x1x16xf32>
      tpu.vector_store %arg9[%swap3A_626, %swap3A_627, %swap3A_628], %swap3A_631 {strides = array<i32>} : memref<2x2x512xf32, #tpu.memory_space<vmem>>, vector<1x1x16xf32>,
      %swap3A_632 = arith.constant 0 : i32
      %swap3A_633 = arith.constant 1 : i32
      %swap3A_634 = arith.index_cast %swap3A_632 : i32 to index
      %swap3A_635 = arith.index_cast %swap3A_633 : i32 to index
      %swap3A_636 = arith.constant 176 : index
      %swap3A_637 = tpu.vector_load %arg9[%swap3A_634, %swap3A_635, %swap3A_636] {strides = array<i32>} : memref<2x2x512xf32, #tpu.memory_space<vmem>>, vector<1x1x16xf32>,
      %swap3A_638 = vector.shape_cast %swap3A_637 : vector<1x1x16xf32> to vector<16xf32>
      %swap3A_639 = vector.shape_cast %scan3A_542#11 : vector<16xf32> to vector<1x1x16xf32>
      tpu.vector_store %arg9[%swap3A_634, %swap3A_635, %swap3A_636], %swap3A_639 {strides = array<i32>} : memref<2x2x512xf32, #tpu.memory_space<vmem>>, vector<1x1x16xf32>,
      %swap3A_640 = arith.constant 0 : i32
      %swap3A_641 = arith.constant 1 : i32
      %swap3A_642 = arith.index_cast %swap3A_640 : i32 to index
      %swap3A_643 = arith.index_cast %swap3A_641 : i32 to index
      %swap3A_644 = arith.constant 192 : index
      %swap3A_645 = tpu.vector_load %arg9[%swap3A_642, %swap3A_643, %swap3A_644] {strides = array<i32>} : memref<2x2x512xf32, #tpu.memory_space<vmem>>, vector<1x1x16xf32>,
      %swap3A_646 = vector.shape_cast %swap3A_645 : vector<1x1x16xf32> to vector<16xf32>
      %swap3A_647 = vector.shape_cast %scan3A_542#12 : vector<16xf32> to vector<1x1x16xf32>
      tpu.vector_store %arg9[%swap3A_642, %swap3A_643, %swap3A_644], %swap3A_647 {strides = array<i32>} : memref<2x2x512xf32, #tpu.memory_space<vmem>>, vector<1x1x16xf32>,
      %swap3A_648 = arith.constant 0 : i32
      %swap3A_649 = arith.constant 1 : i32
      %swap3A_650 = arith.index_cast %swap3A_648 : i32 to index
      %swap3A_651 = arith.index_cast %swap3A_649 : i32 to index
      %swap3A_652 = arith.constant 208 : index
      %swap3A_653 = tpu.vector_load %arg9[%swap3A_650, %swap3A_651, %swap3A_652] {strides = array<i32>} : memref<2x2x512xf32, #tpu.memory_space<vmem>>, vector<1x1x16xf32>,
      %swap3A_654 = vector.shape_cast %swap3A_653 : vector<1x1x16xf32> to vector<16xf32>
      %swap3A_655 = vector.shape_cast %scan3A_542#13 : vector<16xf32> to vector<1x1x16xf32>
      tpu.vector_store %arg9[%swap3A_650, %swap3A_651, %swap3A_652], %swap3A_655 {strides = array<i32>} : memref<2x2x512xf32, #tpu.memory_space<vmem>>, vector<1x1x16xf32>,
      %swap3A_656 = arith.constant 0 : i32
      %swap3A_657 = arith.constant 1 : i32
      %swap3A_658 = arith.index_cast %swap3A_656 : i32 to index
      %swap3A_659 = arith.index_cast %swap3A_657 : i32 to index
      %swap3A_660 = arith.constant 224 : index
      %swap3A_661 = tpu.vector_load %arg9[%swap3A_658, %swap3A_659, %swap3A_660] {strides = array<i32>} : memref<2x2x512xf32, #tpu.memory_space<vmem>>, vector<1x1x16xf32>,
      %swap3A_662 = vector.shape_cast %swap3A_661 : vector<1x1x16xf32> to vector<16xf32>
      %swap3A_663 = vector.shape_cast %scan3A_542#14 : vector<16xf32> to vector<1x1x16xf32>
      tpu.vector_store %arg9[%swap3A_658, %swap3A_659, %swap3A_660], %swap3A_663 {strides = array<i32>} : memref<2x2x512xf32, #tpu.memory_space<vmem>>, vector<1x1x16xf32>,
      %swap3A_664 = arith.constant 0 : i32
      %swap3A_665 = arith.constant 1 : i32
      %swap3A_666 = arith.index_cast %swap3A_664 : i32 to index
      %swap3A_667 = arith.index_cast %swap3A_665 : i32 to index
      %swap3A_668 = arith.constant 240 : index
      %swap3A_669 = tpu.vector_load %arg9[%swap3A_666, %swap3A_667, %swap3A_668] {strides = array<i32>} : memref<2x2x512xf32, #tpu.memory_space<vmem>>, vector<1x1x16xf32>,
      %swap3A_670 = vector.shape_cast %swap3A_669 : vector<1x1x16xf32> to vector<16xf32>
      %swap3A_671 = vector.shape_cast %scan3A_542#15 : vector<16xf32> to vector<1x1x16xf32>
      tpu.vector_store %arg9[%swap3A_666, %swap3A_667, %swap3A_668], %swap3A_671 {strides = array<i32>} : memref<2x2x512xf32, #tpu.memory_space<vmem>>, vector<1x1x16xf32>,
      %swap3A_672 = arith.constant 0 : i32
      %swap3A_673 = arith.constant 1 : i32
      %swap3A_674 = arith.index_cast %swap3A_672 : i32 to index
      %swap3A_675 = arith.index_cast %swap3A_673 : i32 to index
      %swap3A_676 = arith.constant 256 : index
      %swap3A_677 = tpu.vector_load %arg9[%swap3A_674, %swap3A_675, %swap3A_676] {strides = array<i32>} : memref<2x2x512xf32, #tpu.memory_space<vmem>>, vector<1x1x16xf32>,
      %swap3A_678 = vector.shape_cast %swap3A_677 : vector<1x1x16xf32> to vector<16xf32>
      %swap3A_679 = vector.shape_cast %scan3A_542#16 : vector<16xf32> to vector<1x1x16xf32>
      tpu.vector_store %arg9[%swap3A_674, %swap3A_675, %swap3A_676], %swap3A_679 {strides = array<i32>} : memref<2x2x512xf32, #tpu.memory_space<vmem>>, vector<1x1x16xf32>,
      %swap3A_680 = arith.constant 0 : i32
      %swap3A_681 = arith.constant 1 : i32
      %swap3A_682 = arith.index_cast %swap3A_680 : i32 to index
      %swap3A_683 = arith.index_cast %swap3A_681 : i32 to index
      %swap3A_684 = arith.constant 272 : index
      %swap3A_685 = tpu.vector_load %arg9[%swap3A_682, %swap3A_683, %swap3A_684] {strides = array<i32>} : memref<2x2x512xf32, #tpu.memory_space<vmem>>, vector<1x1x16xf32>,
      %swap3A_686 = vector.shape_cast %swap3A_685 : vector<1x1x16xf32> to vector<16xf32>
      %swap3A_687 = vector.shape_cast %scan3A_542#17 : vector<16xf32> to vector<1x1x16xf32>
      tpu.vector_store %arg9[%swap3A_682, %swap3A_683, %swap3A_684], %swap3A_687 {strides = array<i32>} : memref<2x2x512xf32, #tpu.memory_space<vmem>>, vector<1x1x16xf32>,
      %swap3A_688 = arith.constant 0 : i32
      %swap3A_689 = arith.constant 1 : i32
      %swap3A_690 = arith.index_cast %swap3A_688 : i32 to index
      %swap3A_691 = arith.index_cast %swap3A_689 : i32 to index
      %swap3A_692 = arith.constant 288 : index
      %swap3A_693 = tpu.vector_load %arg9[%swap3A_690, %swap3A_691, %swap3A_692] {strides = array<i32>} : memref<2x2x512xf32, #tpu.memory_space<vmem>>, vector<1x1x16xf32>,
      %swap3A_694 = vector.shape_cast %swap3A_693 : vector<1x1x16xf32> to vector<16xf32>
      %swap3A_695 = vector.shape_cast %scan3A_542#18 : vector<16xf32> to vector<1x1x16xf32>
      tpu.vector_store %arg9[%swap3A_690, %swap3A_691, %swap3A_692], %swap3A_695 {strides = array<i32>} : memref<2x2x512xf32, #tpu.memory_space<vmem>>, vector<1x1x16xf32>,
      %swap3A_696 = arith.constant 0 : i32
      %swap3A_697 = arith.constant 1 : i32
      %swap3A_698 = arith.index_cast %swap3A_696 : i32 to index
      %swap3A_699 = arith.index_cast %swap3A_697 : i32 to index
      %swap3A_700 = arith.constant 304 : index
      %swap3A_701 = tpu.vector_load %arg9[%swap3A_698, %swap3A_699, %swap3A_700] {strides = array<i32>} : memref<2x2x512xf32, #tpu.memory_space<vmem>>, vector<1x1x16xf32>,
      %swap3A_702 = vector.shape_cast %swap3A_701 : vector<1x1x16xf32> to vector<16xf32>
      %swap3A_703 = vector.shape_cast %scan3A_542#19 : vector<16xf32> to vector<1x1x16xf32>
      tpu.vector_store %arg9[%swap3A_698, %swap3A_699, %swap3A_700], %swap3A_703 {strides = array<i32>} : memref<2x2x512xf32, #tpu.memory_space<vmem>>, vector<1x1x16xf32>,
      %swap3A_704 = arith.constant 0 : i32
      %swap3A_705 = arith.constant 1 : i32
      %swap3A_706 = arith.index_cast %swap3A_704 : i32 to index
      %swap3A_707 = arith.index_cast %swap3A_705 : i32 to index
      %swap3A_708 = arith.constant 320 : index
      %swap3A_709 = tpu.vector_load %arg9[%swap3A_706, %swap3A_707, %swap3A_708] {strides = array<i32>} : memref<2x2x512xf32, #tpu.memory_space<vmem>>, vector<1x1x16xf32>,
      %swap3A_710 = vector.shape_cast %swap3A_709 : vector<1x1x16xf32> to vector<16xf32>
      %swap3A_711 = vector.shape_cast %scan3A_542#20 : vector<16xf32> to vector<1x1x16xf32>
      tpu.vector_store %arg9[%swap3A_706, %swap3A_707, %swap3A_708], %swap3A_711 {strides = array<i32>} : memref<2x2x512xf32, #tpu.memory_space<vmem>>, vector<1x1x16xf32>,
      %swap3A_712 = arith.constant 0 : i32
      %swap3A_713 = arith.constant 1 : i32
      %swap3A_714 = arith.index_cast %swap3A_712 : i32 to index
      %swap3A_715 = arith.index_cast %swap3A_713 : i32 to index
      %swap3A_716 = arith.constant 336 : index
      %swap3A_717 = tpu.vector_load %arg9[%swap3A_714, %swap3A_715, %swap3A_716] {strides = array<i32>} : memref<2x2x512xf32, #tpu.memory_space<vmem>>, vector<1x1x16xf32>,
      %swap3A_718 = vector.shape_cast %swap3A_717 : vector<1x1x16xf32> to vector<16xf32>
      %swap3A_719 = vector.shape_cast %scan3A_542#21 : vector<16xf32> to vector<1x1x16xf32>
      tpu.vector_store %arg9[%swap3A_714, %swap3A_715, %swap3A_716], %swap3A_719 {strides = array<i32>} : memref<2x2x512xf32, #tpu.memory_space<vmem>>, vector<1x1x16xf32>,
      %swap3A_720 = arith.constant 0 : i32
      %swap3A_721 = arith.constant 1 : i32
      %swap3A_722 = arith.index_cast %swap3A_720 : i32 to index
      %swap3A_723 = arith.index_cast %swap3A_721 : i32 to index
      %swap3A_724 = arith.constant 352 : index
      %swap3A_725 = tpu.vector_load %arg9[%swap3A_722, %swap3A_723, %swap3A_724] {strides = array<i32>} : memref<2x2x512xf32, #tpu.memory_space<vmem>>, vector<1x1x16xf32>,
      %swap3A_726 = vector.shape_cast %swap3A_725 : vector<1x1x16xf32> to vector<16xf32>
      %swap3A_727 = vector.shape_cast %scan3A_542#22 : vector<16xf32> to vector<1x1x16xf32>
      tpu.vector_store %arg9[%swap3A_722, %swap3A_723, %swap3A_724], %swap3A_727 {strides = array<i32>} : memref<2x2x512xf32, #tpu.memory_space<vmem>>, vector<1x1x16xf32>,
      %swap3A_728 = arith.constant 0 : i32
      %swap3A_729 = arith.constant 1 : i32
      %swap3A_730 = arith.index_cast %swap3A_728 : i32 to index
      %swap3A_731 = arith.index_cast %swap3A_729 : i32 to index
      %swap3A_732 = arith.constant 368 : index
      %swap3A_733 = tpu.vector_load %arg9[%swap3A_730, %swap3A_731, %swap3A_732] {strides = array<i32>} : memref<2x2x512xf32, #tpu.memory_space<vmem>>, vector<1x1x16xf32>,
      %swap3A_734 = vector.shape_cast %swap3A_733 : vector<1x1x16xf32> to vector<16xf32>
      %swap3A_735 = vector.shape_cast %scan3A_542#23 : vector<16xf32> to vector<1x1x16xf32>
      tpu.vector_store %arg9[%swap3A_730, %swap3A_731, %swap3A_732], %swap3A_735 {strides = array<i32>} : memref<2x2x512xf32, #tpu.memory_space<vmem>>, vector<1x1x16xf32>,
      %swap3A_736 = arith.constant 0 : i32
      %swap3A_737 = arith.constant 1 : i32
      %swap3A_738 = arith.index_cast %swap3A_736 : i32 to index
      %swap3A_739 = arith.index_cast %swap3A_737 : i32 to index
      %swap3A_740 = arith.constant 384 : index
      %swap3A_741 = tpu.vector_load %arg9[%swap3A_738, %swap3A_739, %swap3A_740] {strides = array<i32>} : memref<2x2x512xf32, #tpu.memory_space<vmem>>, vector<1x1x16xf32>,
      %swap3A_742 = vector.shape_cast %swap3A_741 : vector<1x1x16xf32> to vector<16xf32>
      %swap3A_743 = vector.shape_cast %scan3A_542#24 : vector<16xf32> to vector<1x1x16xf32>
      tpu.vector_store %arg9[%swap3A_738, %swap3A_739, %swap3A_740], %swap3A_743 {strides = array<i32>} : memref<2x2x512xf32, #tpu.memory_space<vmem>>, vector<1x1x16xf32>,
      %swap3A_744 = arith.constant 0 : i32
      %swap3A_745 = arith.constant 1 : i32
      %swap3A_746 = arith.index_cast %swap3A_744 : i32 to index
      %swap3A_747 = arith.index_cast %swap3A_745 : i32 to index
      %swap3A_748 = arith.constant 400 : index
      %swap3A_749 = tpu.vector_load %arg9[%swap3A_746, %swap3A_747, %swap3A_748] {strides = array<i32>} : memref<2x2x512xf32, #tpu.memory_space<vmem>>, vector<1x1x16xf32>,
      %swap3A_750 = vector.shape_cast %swap3A_749 : vector<1x1x16xf32> to vector<16xf32>
      %swap3A_751 = vector.shape_cast %scan3A_542#25 : vector<16xf32> to vector<1x1x16xf32>
      tpu.vector_store %arg9[%swap3A_746, %swap3A_747, %swap3A_748], %swap3A_751 {strides = array<i32>} : memref<2x2x512xf32, #tpu.memory_space<vmem>>, vector<1x1x16xf32>,
      %swap3A_752 = arith.constant 0 : i32
      %swap3A_753 = arith.constant 1 : i32
      %swap3A_754 = arith.index_cast %swap3A_752 : i32 to index
      %swap3A_755 = arith.index_cast %swap3A_753 : i32 to index
      %swap3A_756 = arith.constant 416 : index
      %swap3A_757 = tpu.vector_load %arg9[%swap3A_754, %swap3A_755, %swap3A_756] {strides = array<i32>} : memref<2x2x512xf32, #tpu.memory_space<vmem>>, vector<1x1x16xf32>,
      %swap3A_758 = vector.shape_cast %swap3A_757 : vector<1x1x16xf32> to vector<16xf32>
      %swap3A_759 = vector.shape_cast %scan3A_542#26 : vector<16xf32> to vector<1x1x16xf32>
      tpu.vector_store %arg9[%swap3A_754, %swap3A_755, %swap3A_756], %swap3A_759 {strides = array<i32>} : memref<2x2x512xf32, #tpu.memory_space<vmem>>, vector<1x1x16xf32>,
      %swap3A_760 = arith.constant 0 : i32
      %swap3A_761 = arith.constant 1 : i32
      %swap3A_762 = arith.index_cast %swap3A_760 : i32 to index
      %swap3A_763 = arith.index_cast %swap3A_761 : i32 to index
      %swap3A_764 = arith.constant 432 : index
      %swap3A_765 = tpu.vector_load %arg9[%swap3A_762, %swap3A_763, %swap3A_764] {strides = array<i32>} : memref<2x2x512xf32, #tpu.memory_space<vmem>>, vector<1x1x16xf32>,
      %swap3A_766 = vector.shape_cast %swap3A_765 : vector<1x1x16xf32> to vector<16xf32>
      %swap3A_767 = vector.shape_cast %scan3A_542#27 : vector<16xf32> to vector<1x1x16xf32>
      tpu.vector_store %arg9[%swap3A_762, %swap3A_763, %swap3A_764], %swap3A_767 {strides = array<i32>} : memref<2x2x512xf32, #tpu.memory_space<vmem>>, vector<1x1x16xf32>,
      %swap3A_768 = arith.constant 0 : i32
      %swap3A_769 = arith.constant 1 : i32
      %swap3A_770 = arith.index_cast %swap3A_768 : i32 to index
      %swap3A_771 = arith.index_cast %swap3A_769 : i32 to index
      %swap3A_772 = arith.constant 448 : index
      %swap3A_773 = tpu.vector_load %arg9[%swap3A_770, %swap3A_771, %swap3A_772] {strides = array<i32>} : memref<2x2x512xf32, #tpu.memory_space<vmem>>, vector<1x1x16xf32>,
      %swap3A_774 = vector.shape_cast %swap3A_773 : vector<1x1x16xf32> to vector<16xf32>
      %swap3A_775 = vector.shape_cast %scan3A_542#28 : vector<16xf32> to vector<1x1x16xf32>
      tpu.vector_store %arg9[%swap3A_770, %swap3A_771, %swap3A_772], %swap3A_775 {strides = array<i32>} : memref<2x2x512xf32, #tpu.memory_space<vmem>>, vector<1x1x16xf32>,
      %swap3A_776 = arith.constant 0 : i32
      %swap3A_777 = arith.constant 1 : i32
      %swap3A_778 = arith.index_cast %swap3A_776 : i32 to index
      %swap3A_779 = arith.index_cast %swap3A_777 : i32 to index
      %swap3A_780 = arith.constant 464 : index
      %swap3A_781 = tpu.vector_load %arg9[%swap3A_778, %swap3A_779, %swap3A_780] {strides = array<i32>} : memref<2x2x512xf32, #tpu.memory_space<vmem>>, vector<1x1x16xf32>,
      %swap3A_782 = vector.shape_cast %swap3A_781 : vector<1x1x16xf32> to vector<16xf32>
      %swap3A_783 = vector.shape_cast %scan3A_542#29 : vector<16xf32> to vector<1x1x16xf32>
      tpu.vector_store %arg9[%swap3A_778, %swap3A_779, %swap3A_780], %swap3A_783 {strides = array<i32>} : memref<2x2x512xf32, #tpu.memory_space<vmem>>, vector<1x1x16xf32>,
      %swap3A_784 = arith.constant 0 : i32
      %swap3A_785 = arith.constant 1 : i32
      %swap3A_786 = arith.index_cast %swap3A_784 : i32 to index
      %swap3A_787 = arith.index_cast %swap3A_785 : i32 to index
      %swap3A_788 = arith.constant 480 : index
      %swap3A_789 = tpu.vector_load %arg9[%swap3A_786, %swap3A_787, %swap3A_788] {strides = array<i32>} : memref<2x2x512xf32, #tpu.memory_space<vmem>>, vector<1x1x16xf32>,
      %swap3A_790 = vector.shape_cast %swap3A_789 : vector<1x1x16xf32> to vector<16xf32>
      %swap3A_791 = vector.shape_cast %scan3A_542#30 : vector<16xf32> to vector<1x1x16xf32>
      tpu.vector_store %arg9[%swap3A_786, %swap3A_787, %swap3A_788], %swap3A_791 {strides = array<i32>} : memref<2x2x512xf32, #tpu.memory_space<vmem>>, vector<1x1x16xf32>,
      %swap3A_792 = arith.constant 0 : i32
      %swap3A_793 = arith.constant 1 : i32
      %swap3A_794 = arith.index_cast %swap3A_792 : i32 to index
      %swap3A_795 = arith.index_cast %swap3A_793 : i32 to index
      %swap3A_796 = arith.constant 496 : index
      %swap3A_797 = tpu.vector_load %arg9[%swap3A_794, %swap3A_795, %swap3A_796] {strides = array<i32>} : memref<2x2x512xf32, #tpu.memory_space<vmem>>, vector<1x1x16xf32>,
      %swap3A_798 = vector.shape_cast %swap3A_797 : vector<1x1x16xf32> to vector<16xf32>
      %swap3A_799 = vector.shape_cast %scan3A_542#31 : vector<16xf32> to vector<1x1x16xf32>
      tpu.vector_store %arg9[%swap3A_794, %swap3A_795, %swap3A_796], %swap3A_799 {strides = array<i32>} : memref<2x2x512xf32, #tpu.memory_space<vmem>>, vector<1x1x16xf32>,
      %lt3A = arith.constant 31 : i32
      %lt3A_800 = arith.cmpi slt, %scan3A_110, %lt3A : i32
      %convert_element_type3A_801 = arith.extui %lt3A_800 : i1 to i32
      %cond3A_802 = arith.constant 0 : i32
      %cond3A_803 = arith.cmpi ne, %convert_element_type3A_801, %cond3A_802 : i32
      scf.if %cond3A_803 {
        %add3A_1535 = arith.constant 2 : i32
        %add3A_1536 = arith.addi %add3A_114, %add3A_1535 : i32
        %dma_start3A_1537 = arith.constant 0 : i32
        %dma_start3A_1538 = arith.constant 0 : i32
        %dma_start3A_1539 = arith.constant 0 : i32
        %dma_start3A_1540 = arith.constant 0 : i32
        %dma_start3A_1541 = tpu.memref_slice %arg7[%dma_start3A_1537, %dma_start3A_1539, %dma_start3A_1540] : memref<2x64x512xf32, #tpu.memory_space<vmem>> -> memref<1x64x512xf32, #tpu.memory_space<vmem>>
        %dma_start3A_1542 = tpu.memref_squeeze %dma_start3A_1541 : memref<1x64x512xf32, #tpu.memory_space<vmem>> -> memref<64x512xf32, #tpu.memory_space<vmem>>
        %dma_start3A_1543 = arith.constant 0 : i32
        %dma_start3A_1544 = tpu.memref_slice %arg6[%add3A_1536, %dma_start3A_1543] : memref<64x64xi32, #tpu.memory_space<vmem>> -> memref<1x64xi32, #tpu.memory_space<vmem>>
        %dma_start3A_1545 = tpu.memref_squeeze %dma_start3A_1544 : memref<1x64xi32, #tpu.memory_space<vmem>> -> memref<64xi32, #tpu.memory_space<vmem>>
        %dma_start3A_1546 = arith.constant 0 : i32
        %dma_start3A_1547 = arith.constant 0 : i32
        %dma_start3A_1548 = tpu.memref_slice %arg2[%dma_start3A_1546, %dma_start3A_1547] : memref<262144x512xf32, #tpu.memory_space<hbm>> -> memref<262144x512xf32, #tpu.memory_space<hbm>>
        %dma_start3A_1549 = tpu.memref_slice %arg10[%dma_start3A_1538] : memref<2x!tpu.dma_semaphore, #tpu.memory_space<semaphore_mem>> -> memref<1x!tpu.dma_semaphore, #tpu.memory_space<semaphore_mem>>
        %dma_start3A_1550 = tpu.memref_squeeze %dma_start3A_1549 : memref<1x!tpu.dma_semaphore, #tpu.memory_space<semaphore_mem>> -> memref<!tpu.dma_semaphore, #tpu.memory_space<semaphore_mem>>
        tpu.enqueue_indirect_dma source(%dma_start3A_1548 : memref<262144x512xf32, #tpu.memory_space<hbm>>) target(%dma_start3A_1542 : memref<64x512xf32, #tpu.memory_space<vmem>>) offsets(%dma_start3A_1545 : memref<64xi32, #tpu.memory_space<vmem>>) semaphore(%dma_start3A_1550 : memref<!tpu.dma_semaphore, #tpu.memory_space<semaphore_mem>>)
        %mul3A_1551 = arith.constant 2 : i32
        %mul3A_1552 = arith.muli %add3A_1536, %mul3A_1551 : i32
        %add3A_1553 = arith.addi %mul3A_4, %mul3A_1552 : i32
        %dma_start3A_1554 = arith.constant 0 : i32
        %dma_start3A_1555 = arith.constant 0 : i32
        %dma_start3A_1556 = arith.constant 0 : i32
        %dma_start3A_1557 = arith.constant 0 : i32
        %dma_start3A_1558 = tpu.memref_slice %arg8[%dma_start3A_1554, %dma_start3A_1556, %dma_start3A_1557] : memref<2x2x512xf32, #tpu.memory_space<vmem>> -> memref<1x2x512xf32, #tpu.memory_space<vmem>>
        %dma_start3A_1559 = tpu.memref_squeeze %dma_start3A_1558 : memref<1x2x512xf32, #tpu.memory_space<vmem>> -> memref<2x512xf32, #tpu.memory_space<vmem>>
        %dma_start3A_1560 = arith.constant 0 : i32
        %dma_start3A_1561 = tpu.memref_slice %arg4[%add3A_1553, %dma_start3A_1560] : memref<4096x512xf32, #tpu.memory_space<hbm>> -> memref<2x512xf32, #tpu.memory_space<hbm>>
        %dma_start3A_1562 = tpu.memref_slice %arg11[%dma_start3A_1555] : memref<2x!tpu.dma_semaphore, #tpu.memory_space<semaphore_mem>> -> memref<1x!tpu.dma_semaphore, #tpu.memory_space<semaphore_mem>>
        %dma_start3A_1563 = tpu.memref_squeeze %dma_start3A_1562 : memref<1x!tpu.dma_semaphore, #tpu.memory_space<semaphore_mem>> -> memref<!tpu.dma_semaphore, #tpu.memory_space<semaphore_mem>>
        %dma_start3A_1564 = arith.constant 0 : i32
        %dma_start3A_1565 = arith.constant 0 : i32
        %dma_start3A_1566 = tpu.memref_slice %arg8[%dma_start3A_1554, %dma_start3A_1564, %dma_start3A_1565] : memref<2x2x512xf32, #tpu.memory_space<vmem>> -> memref<1x2x512xf32, #tpu.memory_space<vmem>>
        %dma_start3A_1567 = tpu.memref_squeeze %dma_start3A_1566 : memref<1x2x512xf32, #tpu.memory_space<vmem>> -> memref<2x512xf32, #tpu.memory_space<vmem>>
        %dma_start3A_1568 = arith.constant 0 : i32
        %dma_start3A_1569 = tpu.memref_slice %arg4[%add3A_1553, %dma_start3A_1568] : memref<4096x512xf32, #tpu.memory_space<hbm>> -> memref<2x512xf32, #tpu.memory_space<hbm>>
        tpu.enqueue_dma source(%dma_start3A_1569 : memref<2x512xf32, #tpu.memory_space<hbm>>) target(%dma_start3A_1567 : memref<2x512xf32, #tpu.memory_space<vmem>>) target_semaphore(%dma_start3A_1563 : memref<!tpu.dma_semaphore, #tpu.memory_space<semaphore_mem>>)
      } else {
      }
      %dma_start3A_804 = arith.constant 0 : i32
      %dma_start3A_805 = arith.constant 0 : i32
      %dma_start3A_806 = arith.constant 0 : i32
      %dma_start3A_807 = arith.constant 0 : i32
      %dma_start3A_808 = tpu.memref_slice %arg9[%dma_start3A_804, %dma_start3A_806, %dma_start3A_807] : memref<2x2x512xf32, #tpu.memory_space<vmem>> -> memref<1x2x512xf32, #tpu.memory_space<vmem>>
      %dma_start3A_809 = tpu.memref_squeeze %dma_start3A_808 : memref<1x2x512xf32, #tpu.memory_space<vmem>> -> memref<2x512xf32, #tpu.memory_space<vmem>>
      %dma_start3A_810 = arith.constant 0 : i32
      %dma_start3A_811 = tpu.memref_slice %arg5[%add3A_117, %dma_start3A_810] : memref<4096x512xf32, #tpu.memory_space<hbm>> -> memref<2x512xf32, #tpu.memory_space<hbm>>
      %dma_start3A_812 = tpu.memref_slice %arg12[%dma_start3A_805] : memref<2x!tpu.dma_semaphore, #tpu.memory_space<semaphore_mem>> -> memref<1x!tpu.dma_semaphore, #tpu.memory_space<semaphore_mem>>
      %dma_start3A_813 = tpu.memref_squeeze %dma_start3A_812 : memref<1x!tpu.dma_semaphore, #tpu.memory_space<semaphore_mem>> -> memref<!tpu.dma_semaphore, #tpu.memory_space<semaphore_mem>>
      %dma_start3A_814 = arith.constant 0 : i32
      %dma_start3A_815 = tpu.memref_slice %arg5[%add3A_117, %dma_start3A_814] : memref<4096x512xf32, #tpu.memory_space<hbm>> -> memref<2x512xf32, #tpu.memory_space<hbm>>
      %dma_start3A_816 = arith.constant 0 : i32
      %dma_start3A_817 = arith.constant 0 : i32
      %dma_start3A_818 = tpu.memref_slice %arg9[%dma_start3A_804, %dma_start3A_816, %dma_start3A_817] : memref<2x2x512xf32, #tpu.memory_space<vmem>> -> memref<1x2x512xf32, #tpu.memory_space<vmem>>
      %dma_start3A_819 = tpu.memref_squeeze %dma_start3A_818 : memref<1x2x512xf32, #tpu.memory_space<vmem>> -> memref<2x512xf32, #tpu.memory_space<vmem>>
      tpu.enqueue_dma source(%dma_start3A_819 : memref<2x512xf32, #tpu.memory_space<vmem>>) target(%dma_start3A_815 : memref<2x512xf32, #tpu.memory_space<hbm>>) target_semaphore(%dma_start3A_813 : memref<!tpu.dma_semaphore, #tpu.memory_space<semaphore_mem>>)
      %mul3A_820 = arith.constant 2 : i32
      %mul3A_821 = arith.muli %scan3A_110, %mul3A_820 : i32
      %add3A_822 = arith.constant 1 : i32
      %add3A_823 = arith.addi %mul3A_821, %add3A_822 : i32
      %mul3A_824 = arith.constant 2 : i32
      %mul3A_825 = arith.muli %add3A_823, %mul3A_824 : i32
      %add3A_826 = arith.addi %mul3A_4, %mul3A_825 : i32
      %dma_wait3A_827 = arith.constant 1 : i32
      %dma_wait3A_828 = arith.constant 1 : i32
      %dma_wait3A_829 = arith.constant 0 : i32
      %dma_wait3A_830 = arith.constant 0 : i32
      %dma_wait3A_831 = tpu.memref_slice %arg7[%dma_wait3A_827, %dma_wait3A_829, %dma_wait3A_830] : memref<2x64x512xf32, #tpu.memory_space<vmem>> -> memref<1x64x512xf32, #tpu.memory_space<vmem>>
      %dma_wait3A_832 = tpu.memref_squeeze %dma_wait3A_831 : memref<1x64x512xf32, #tpu.memory_space<vmem>> -> memref<64x512xf32, #tpu.memory_space<vmem>>
      %dma_wait3A_833 = arith.constant 0 : i32
      %dma_wait3A_834 = tpu.memref_slice %arg6[%add3A_823, %dma_wait3A_833] : memref<64x64xi32, #tpu.memory_space<vmem>> -> memref<1x64xi32, #tpu.memory_space<vmem>>
      %dma_wait3A_835 = tpu.memref_squeeze %dma_wait3A_834 : memref<1x64xi32, #tpu.memory_space<vmem>> -> memref<64xi32, #tpu.memory_space<vmem>>
      %dma_wait3A_836 = arith.constant 0 : i32
      %dma_wait3A_837 = arith.constant 0 : i32
      %dma_wait3A_838 = tpu.memref_slice %arg2[%dma_wait3A_836, %dma_wait3A_837] : memref<262144x512xf32, #tpu.memory_space<hbm>> -> memref<262144x512xf32, #tpu.memory_space<hbm>>
      %dma_wait3A_839 = tpu.memref_slice %arg10[%dma_wait3A_828] : memref<2x!tpu.dma_semaphore, #tpu.memory_space<semaphore_mem>> -> memref<1x!tpu.dma_semaphore, #tpu.memory_space<semaphore_mem>>
      %dma_wait3A_840 = tpu.memref_squeeze %dma_wait3A_839 : memref<1x!tpu.dma_semaphore, #tpu.memory_space<semaphore_mem>> -> memref<!tpu.dma_semaphore, #tpu.memory_space<semaphore_mem>>
      tpu.wait_indirect_dma semaphore(%dma_wait3A_840 : memref<!tpu.dma_semaphore, #tpu.memory_space<semaphore_mem>>) src(%dma_wait3A_838 : memref<262144x512xf32, #tpu.memory_space<hbm>>) dst(%dma_wait3A_832 : memref<64x512xf32, #tpu.memory_space<vmem>>)
      %dma_wait3A_841 = arith.constant 1 : i32
      %dma_wait3A_842 = arith.constant 1 : i32
      %dma_wait3A_843 = arith.constant 0 : i32
      %dma_wait3A_844 = arith.constant 0 : i32
      %dma_wait3A_845 = tpu.memref_slice %arg8[%dma_wait3A_841, %dma_wait3A_843, %dma_wait3A_844] : memref<2x2x512xf32, #tpu.memory_space<vmem>> -> memref<1x2x512xf32, #tpu.memory_space<vmem>>
      %dma_wait3A_846 = tpu.memref_squeeze %dma_wait3A_845 : memref<1x2x512xf32, #tpu.memory_space<vmem>> -> memref<2x512xf32, #tpu.memory_space<vmem>>
      %dma_wait3A_847 = arith.constant 0 : i32
      %dma_wait3A_848 = tpu.memref_slice %arg4[%add3A_826, %dma_wait3A_847] : memref<4096x512xf32, #tpu.memory_space<hbm>> -> memref<2x512xf32, #tpu.memory_space<hbm>>
      %dma_wait3A_849 = tpu.memref_slice %arg11[%dma_wait3A_842] : memref<2x!tpu.dma_semaphore, #tpu.memory_space<semaphore_mem>> -> memref<1x!tpu.dma_semaphore, #tpu.memory_space<semaphore_mem>>
      %dma_wait3A_850 = tpu.memref_squeeze %dma_wait3A_849 : memref<1x!tpu.dma_semaphore, #tpu.memory_space<semaphore_mem>> -> memref<!tpu.dma_semaphore, #tpu.memory_space<semaphore_mem>>
      %dma_wait3A_851 = arith.constant 0 : i32
      %dma_wait3A_852 = arith.constant 0 : i32
      %dma_wait3A_853 = tpu.memref_slice %arg8[%dma_wait3A_841, %dma_wait3A_851, %dma_wait3A_852] : memref<2x2x512xf32, #tpu.memory_space<vmem>> -> memref<1x2x512xf32, #tpu.memory_space<vmem>>
      %dma_wait3A_854 = tpu.memref_squeeze %dma_wait3A_853 : memref<1x2x512xf32, #tpu.memory_space<vmem>> -> memref<2x512xf32, #tpu.memory_space<vmem>>
      %dma_wait3A_855 = arith.constant 0 : i32
      %dma_wait3A_856 = tpu.memref_slice %arg4[%add3A_826, %dma_wait3A_855] : memref<4096x512xf32, #tpu.memory_space<hbm>> -> memref<2x512xf32, #tpu.memory_space<hbm>>
      tpu.wait_dma2 semaphore(%dma_wait3A_850 : memref<!tpu.dma_semaphore, #tpu.memory_space<semaphore_mem>>) src(%dma_wait3A_856 : memref<2x512xf32, #tpu.memory_space<hbm>>) dst(%dma_wait3A_854 : memref<2x512xf32, #tpu.memory_space<vmem>>)
      %gt3A_857 = arith.constant 0 : i32
      %gt3A_858 = arith.cmpi sgt, %scan3A_110, %gt3A_857 : i32
      %convert_element_type3A_859 = arith.extui %gt3A_858 : i1 to i32
      %cond3A_860 = arith.constant 0 : i32
      %cond3A_861 = arith.cmpi ne, %convert_element_type3A_859, %cond3A_860 : i32
      scf.if %cond3A_861 {
        %sub3A = arith.constant 4 : i32
        %sub3A_1535 = arith.subi %add3A_826, %sub3A : i32
        %dma_wait3A_1536 = arith.constant 1 : i32
        %dma_wait3A_1537 = arith.constant 1 : i32
        %dma_wait3A_1538 = arith.constant 0 : i32
        %dma_wait3A_1539 = arith.constant 0 : i32
        %dma_wait3A_1540 = tpu.memref_slice %arg9[%dma_wait3A_1536, %dma_wait3A_1538, %dma_wait3A_1539] : memref<2x2x512xf32, #tpu.memory_space<vmem>> -> memref<1x2x512xf32, #tpu.memory_space<vmem>>
        %dma_wait3A_1541 = tpu.memref_squeeze %dma_wait3A_1540 : memref<1x2x512xf32, #tpu.memory_space<vmem>> -> memref<2x512xf32, #tpu.memory_space<vmem>>
        %dma_wait3A_1542 = arith.constant 0 : i32
        %dma_wait3A_1543 = tpu.memref_slice %arg5[%sub3A_1535, %dma_wait3A_1542] : memref<4096x512xf32, #tpu.memory_space<hbm>> -> memref<2x512xf32, #tpu.memory_space<hbm>>
        %dma_wait3A_1544 = tpu.memref_slice %arg12[%dma_wait3A_1537] : memref<2x!tpu.dma_semaphore, #tpu.memory_space<semaphore_mem>> -> memref<1x!tpu.dma_semaphore, #tpu.memory_space<semaphore_mem>>
        %dma_wait3A_1545 = tpu.memref_squeeze %dma_wait3A_1544 : memref<1x!tpu.dma_semaphore, #tpu.memory_space<semaphore_mem>> -> memref<!tpu.dma_semaphore, #tpu.memory_space<semaphore_mem>>
        %dma_wait3A_1546 = arith.constant 0 : i32
        %dma_wait3A_1547 = tpu.memref_slice %arg5[%sub3A_1535, %dma_wait3A_1546] : memref<4096x512xf32, #tpu.memory_space<hbm>> -> memref<2x512xf32, #tpu.memory_space<hbm>>
        %dma_wait3A_1548 = arith.constant 0 : i32
        %dma_wait3A_1549 = arith.constant 0 : i32
        %dma_wait3A_1550 = tpu.memref_slice %arg9[%dma_wait3A_1536, %dma_wait3A_1548, %dma_wait3A_1549] : memref<2x2x512xf32, #tpu.memory_space<vmem>> -> memref<1x2x512xf32, #tpu.memory_space<vmem>>
        %dma_wait3A_1551 = tpu.memref_squeeze %dma_wait3A_1550 : memref<1x2x512xf32, #tpu.memory_space<vmem>> -> memref<2x512xf32, #tpu.memory_space<vmem>>
        tpu.wait_dma2 semaphore(%dma_wait3A_1545 : memref<!tpu.dma_semaphore, #tpu.memory_space<semaphore_mem>>) src(%dma_wait3A_1551 : memref<2x512xf32, #tpu.memory_space<vmem>>) dst(%dma_wait3A_1547 : memref<2x512xf32, #tpu.memory_space<hbm>>)
      } else {
      }
      %broadcast_in_dim3A_862 = arith.constant 0.000000e+00 : f32
      %broadcast_in_dim3A_863 = vector.broadcast %broadcast_in_dim3A_862 : f32 to vector<16xf32>
      %broadcast_in_dim3A_864 = arith.constant 0.000000e+00 : f32
      %broadcast_in_dim3A_865 = vector.broadcast %broadcast_in_dim3A_864 : f32 to vector<16xf32>
      %broadcast_in_dim3A_866 = arith.constant 0.000000e+00 : f32
      %broadcast_in_dim3A_867 = vector.broadcast %broadcast_in_dim3A_866 : f32 to vector<16xf32>
      %broadcast_in_dim3A_868 = arith.constant 0.000000e+00 : f32
      %broadcast_in_dim3A_869 = vector.broadcast %broadcast_in_dim3A_868 : f32 to vector<16xf32>
      %broadcast_in_dim3A_870 = arith.constant 0.000000e+00 : f32
      %broadcast_in_dim3A_871 = vector.broadcast %broadcast_in_dim3A_870 : f32 to vector<16xf32>
      %broadcast_in_dim3A_872 = arith.constant 0.000000e+00 : f32
      %broadcast_in_dim3A_873 = vector.broadcast %broadcast_in_dim3A_872 : f32 to vector<16xf32>
      %broadcast_in_dim3A_874 = arith.constant 0.000000e+00 : f32
      %broadcast_in_dim3A_875 = vector.broadcast %broadcast_in_dim3A_874 : f32 to vector<16xf32>
      %broadcast_in_dim3A_876 = arith.constant 0.000000e+00 : f32
      %broadcast_in_dim3A_877 = vector.broadcast %broadcast_in_dim3A_876 : f32 to vector<16xf32>
      %broadcast_in_dim3A_878 = arith.constant 0.000000e+00 : f32
      %broadcast_in_dim3A_879 = vector.broadcast %broadcast_in_dim3A_878 : f32 to vector<16xf32>
      %broadcast_in_dim3A_880 = arith.constant 0.000000e+00 : f32
      %broadcast_in_dim3A_881 = vector.broadcast %broadcast_in_dim3A_880 : f32 to vector<16xf32>
      %broadcast_in_dim3A_882 = arith.constant 0.000000e+00 : f32
      %broadcast_in_dim3A_883 = vector.broadcast %broadcast_in_dim3A_882 : f32 to vector<16xf32>
      %broadcast_in_dim3A_884 = arith.constant 0.000000e+00 : f32
      %broadcast_in_dim3A_885 = vector.broadcast %broadcast_in_dim3A_884 : f32 to vector<16xf32>
      %broadcast_in_dim3A_886 = arith.constant 0.000000e+00 : f32
      %broadcast_in_dim3A_887 = vector.broadcast %broadcast_in_dim3A_886 : f32 to vector<16xf32>
      %broadcast_in_dim3A_888 = arith.constant 0.000000e+00 : f32
      %broadcast_in_dim3A_889 = vector.broadcast %broadcast_in_dim3A_888 : f32 to vector<16xf32>
      %broadcast_in_dim3A_890 = arith.constant 0.000000e+00 : f32
      %broadcast_in_dim3A_891 = vector.broadcast %broadcast_in_dim3A_890 : f32 to vector<16xf32>
      %broadcast_in_dim3A_892 = arith.constant 0.000000e+00 : f32
      %broadcast_in_dim3A_893 = vector.broadcast %broadcast_in_dim3A_892 : f32 to vector<16xf32>
      %broadcast_in_dim3A_894 = arith.constant 0.000000e+00 : f32
      %broadcast_in_dim3A_895 = vector.broadcast %broadcast_in_dim3A_894 : f32 to vector<16xf32>
      %broadcast_in_dim3A_896 = arith.constant 0.000000e+00 : f32
      %broadcast_in_dim3A_897 = vector.broadcast %broadcast_in_dim3A_896 : f32 to vector<16xf32>
      %broadcast_in_dim3A_898 = arith.constant 0.000000e+00 : f32
      %broadcast_in_dim3A_899 = vector.broadcast %broadcast_in_dim3A_898 : f32 to vector<16xf32>
      %broadcast_in_dim3A_900 = arith.constant 0.000000e+00 : f32
      %broadcast_in_dim3A_901 = vector.broadcast %broadcast_in_dim3A_900 : f32 to vector<16xf32>
      %broadcast_in_dim3A_902 = arith.constant 0.000000e+00 : f32
      %broadcast_in_dim3A_903 = vector.broadcast %broadcast_in_dim3A_902 : f32 to vector<16xf32>
      %broadcast_in_dim3A_904 = arith.constant 0.000000e+00 : f32
      %broadcast_in_dim3A_905 = vector.broadcast %broadcast_in_dim3A_904 : f32 to vector<16xf32>
      %broadcast_in_dim3A_906 = arith.constant 0.000000e+00 : f32
      %broadcast_in_dim3A_907 = vector.broadcast %broadcast_in_dim3A_906 : f32 to vector<16xf32>
      %broadcast_in_dim3A_908 = arith.constant 0.000000e+00 : f32
      %broadcast_in_dim3A_909 = vector.broadcast %broadcast_in_dim3A_908 : f32 to vector<16xf32>
      %broadcast_in_dim3A_910 = arith.constant 0.000000e+00 : f32
      %broadcast_in_dim3A_911 = vector.broadcast %broadcast_in_dim3A_910 : f32 to vector<16xf32>
      %broadcast_in_dim3A_912 = arith.constant 0.000000e+00 : f32
      %broadcast_in_dim3A_913 = vector.broadcast %broadcast_in_dim3A_912 : f32 to vector<16xf32>
      %broadcast_in_dim3A_914 = arith.constant 0.000000e+00 : f32
      %broadcast_in_dim3A_915 = vector.broadcast %broadcast_in_dim3A_914 : f32 to vector<16xf32>
      %broadcast_in_dim3A_916 = arith.constant 0.000000e+00 : f32
      %broadcast_in_dim3A_917 = vector.broadcast %broadcast_in_dim3A_916 : f32 to vector<16xf32>
      %broadcast_in_dim3A_918 = arith.constant 0.000000e+00 : f32
      %broadcast_in_dim3A_919 = vector.broadcast %broadcast_in_dim3A_918 : f32 to vector<16xf32>
      %broadcast_in_dim3A_920 = arith.constant 0.000000e+00 : f32
      %broadcast_in_dim3A_921 = vector.broadcast %broadcast_in_dim3A_920 : f32 to vector<16xf32>
      %broadcast_in_dim3A_922 = arith.constant 0.000000e+00 : f32
      %broadcast_in_dim3A_923 = vector.broadcast %broadcast_in_dim3A_922 : f32 to vector<16xf32>
      %broadcast_in_dim3A_924 = arith.constant 0.000000e+00 : f32
      %broadcast_in_dim3A_925 = vector.broadcast %broadcast_in_dim3A_924 : f32 to vector<16xf32>
      %scan3A_926 = arith.constant 0 : i32
      %scan3A_927 = arith.constant 32 : i32
      %scan3A_928 = arith.addi %scan3A_926, %scan3A_927 : i32
      %scan3A_929 = arith.constant 1 : i32
      %scan3A_930:32 = scf.for %scan3A_1535 = %scan3A_926 to %scan3A_928 step %scan3A_929 iter_args(%scan3A_1536 = %broadcast_in_dim3A_863, %scan3A_1537 = %broadcast_in_dim3A_865, %scan3A_1538 = %broadcast_in_dim3A_867, %scan3A_1539 = %broadcast_in_dim3A_869, %scan3A_1540 = %broadcast_in_dim3A_871, %scan3A_1541 = %broadcast_in_dim3A_873, %scan3A_1542 = %broadcast_in_dim3A_875, %scan3A_1543 = %broadcast_in_dim3A_877, %scan3A_1544 = %broadcast_in_dim3A_879, %scan3A_1545 = %broadcast_in_dim3A_881, %scan3A_1546 = %broadcast_in_dim3A_883, %scan3A_1547 = %broadcast_in_dim3A_885, %scan3A_1548 = %broadcast_in_dim3A_887, %scan3A_1549 = %broadcast_in_dim3A_889, %scan3A_1550 = %broadcast_in_dim3A_891, %scan3A_1551 = %broadcast_in_dim3A_893, %scan3A_1552 = %broadcast_in_dim3A_895, %scan3A_1553 = %broadcast_in_dim3A_897, %scan3A_1554 = %broadcast_in_dim3A_899, %scan3A_1555 = %broadcast_in_dim3A_901, %scan3A_1556 = %broadcast_in_dim3A_903, %scan3A_1557 = %broadcast_in_dim3A_905, %scan3A_1558 = %broadcast_in_dim3A_907, %scan3A_1559 = %broadcast_in_dim3A_909, %scan3A_1560 = %broadcast_in_dim3A_911, %scan3A_1561 = %broadcast_in_dim3A_913, %scan3A_1562 = %broadcast_in_dim3A_915, %scan3A_1563 = %broadcast_in_dim3A_917, %scan3A_1564 = %broadcast_in_dim3A_919, %scan3A_1565 = %broadcast_in_dim3A_921, %scan3A_1566 = %broadcast_in_dim3A_923, %scan3A_1567 = %broadcast_in_dim3A_925) -> (vector<16xf32>, vector<16xf32>, vector<16xf32>, vector<16xf32>, vector<16xf32>, vector<16xf32>, vector<16xf32>, vector<16xf32>, vector<16xf32>, vector<16xf32>, vector<16xf32>, vector<16xf32>, vector<16xf32>, vector<16xf32>, vector<16xf32>, vector<16xf32>, vector<16xf32>, vector<16xf32>, vector<16xf32>, vector<16xf32>, vector<16xf32>, vector<16xf32>, vector<16xf32>, vector<16xf32>, vector<16xf32>, vector<16xf32>, vector<16xf32>, vector<16xf32>, vector<16xf32>, vector<16xf32>, vector<16xf32>, vector<16xf32>)  : i32 {
        %mul3A_1568 = arith.constant 16 : i32
        %mul3A_1569 = arith.muli %scan3A_1535, %mul3A_1568 : i32
        %get3A = arith.constant 1 : i32
        %get3A_1570 = arith.constant 0 : i32
        %get3A_1571 = arith.index_cast %get3A : i32 to index
        %get3A_1572 = arith.index_cast %get3A_1570 : i32 to index
        %get3A_1573 = arith.index_cast %mul3A_1569 : i32 to index
        %get3A_1574 = tpu.vector_load %arg8[%get3A_1571, %get3A_1572, %get3A_1573] {strides = array<i32>} : memref<2x2x512xf32, #tpu.memory_space<vmem>>, vector<1x1x16xf32>,
        %get3A_1575 = vector.shape_cast %get3A_1574 : vector<1x1x16xf32> to vector<16xf32>
        %add3A_1576 = arith.constant 0 : i32
        %add3A_1577 = arith.addi %add3A_1576, %scan3A_1535 : i32
        %get3A_1578 = arith.constant 1 : i32
        %get3A_1579 = arith.index_cast %get3A_1578 : i32 to index
        %get3A_1580 = arith.index_cast %add3A_1577 : i32 to index
        %get3A_1581 = arith.constant 0 : index
        %get3A_1582 = tpu.vector_load %arg7[%get3A_1579, %get3A_1580, %get3A_1581] {strides = array<i32>} : memref<2x64x512xf32, #tpu.memory_space<vmem>>, vector<1x1x16xf32>,
        %get3A_1583 = vector.shape_cast %get3A_1582 : vector<1x1x16xf32> to vector<16xf32>
        %mul3A_1584 = arith.mulf %get3A_1583, %get3A_1575 : vector<16xf32>
        %add3A_1585 = arith.addf %scan3A_1536, %mul3A_1584 : vector<16xf32>
        %get3A_1586 = arith.constant 1 : i32
        %get3A_1587 = arith.index_cast %get3A_1586 : i32 to index
        %get3A_1588 = arith.index_cast %add3A_1577 : i32 to index
        %get3A_1589 = arith.constant 16 : index
        %get3A_1590 = tpu.vector_load %arg7[%get3A_1587, %get3A_1588, %get3A_1589] {strides = array<i32>} : memref<2x64x512xf32, #tpu.memory_space<vmem>>, vector<1x1x16xf32>,
        %get3A_1591 = vector.shape_cast %get3A_1590 : vector<1x1x16xf32> to vector<16xf32>
        %mul3A_1592 = arith.mulf %get3A_1591, %get3A_1575 : vector<16xf32>
        %add3A_1593 = arith.addf %scan3A_1537, %mul3A_1592 : vector<16xf32>
        %get3A_1594 = arith.constant 1 : i32
        %get3A_1595 = arith.index_cast %get3A_1594 : i32 to index
        %get3A_1596 = arith.index_cast %add3A_1577 : i32 to index
        %get3A_1597 = arith.constant 32 : index
        %get3A_1598 = tpu.vector_load %arg7[%get3A_1595, %get3A_1596, %get3A_1597] {strides = array<i32>} : memref<2x64x512xf32, #tpu.memory_space<vmem>>, vector<1x1x16xf32>,
        %get3A_1599 = vector.shape_cast %get3A_1598 : vector<1x1x16xf32> to vector<16xf32>
        %mul3A_1600 = arith.mulf %get3A_1599, %get3A_1575 : vector<16xf32>
        %add3A_1601 = arith.addf %scan3A_1538, %mul3A_1600 : vector<16xf32>
        %get3A_1602 = arith.constant 1 : i32
        %get3A_1603 = arith.index_cast %get3A_1602 : i32 to index
        %get3A_1604 = arith.index_cast %add3A_1577 : i32 to index
        %get3A_1605 = arith.constant 48 : index
        %get3A_1606 = tpu.vector_load %arg7[%get3A_1603, %get3A_1604, %get3A_1605] {strides = array<i32>} : memref<2x64x512xf32, #tpu.memory_space<vmem>>, vector<1x1x16xf32>,
        %get3A_1607 = vector.shape_cast %get3A_1606 : vector<1x1x16xf32> to vector<16xf32>
        %mul3A_1608 = arith.mulf %get3A_1607, %get3A_1575 : vector<16xf32>
        %add3A_1609 = arith.addf %scan3A_1539, %mul3A_1608 : vector<16xf32>
        %get3A_1610 = arith.constant 1 : i32
        %get3A_1611 = arith.index_cast %get3A_1610 : i32 to index
        %get3A_1612 = arith.index_cast %add3A_1577 : i32 to index
        %get3A_1613 = arith.constant 64 : index
        %get3A_1614 = tpu.vector_load %arg7[%get3A_1611, %get3A_1612, %get3A_1613] {strides = array<i32>} : memref<2x64x512xf32, #tpu.memory_space<vmem>>, vector<1x1x16xf32>,
        %get3A_1615 = vector.shape_cast %get3A_1614 : vector<1x1x16xf32> to vector<16xf32>
        %mul3A_1616 = arith.mulf %get3A_1615, %get3A_1575 : vector<16xf32>
        %add3A_1617 = arith.addf %scan3A_1540, %mul3A_1616 : vector<16xf32>
        %get3A_1618 = arith.constant 1 : i32
        %get3A_1619 = arith.index_cast %get3A_1618 : i32 to index
        %get3A_1620 = arith.index_cast %add3A_1577 : i32 to index
        %get3A_1621 = arith.constant 80 : index
        %get3A_1622 = tpu.vector_load %arg7[%get3A_1619, %get3A_1620, %get3A_1621] {strides = array<i32>} : memref<2x64x512xf32, #tpu.memory_space<vmem>>, vector<1x1x16xf32>,
        %get3A_1623 = vector.shape_cast %get3A_1622 : vector<1x1x16xf32> to vector<16xf32>
        %mul3A_1624 = arith.mulf %get3A_1623, %get3A_1575 : vector<16xf32>
        %add3A_1625 = arith.addf %scan3A_1541, %mul3A_1624 : vector<16xf32>
        %get3A_1626 = arith.constant 1 : i32
        %get3A_1627 = arith.index_cast %get3A_1626 : i32 to index
        %get3A_1628 = arith.index_cast %add3A_1577 : i32 to index
        %get3A_1629 = arith.constant 96 : index
        %get3A_1630 = tpu.vector_load %arg7[%get3A_1627, %get3A_1628, %get3A_1629] {strides = array<i32>} : memref<2x64x512xf32, #tpu.memory_space<vmem>>, vector<1x1x16xf32>,
        %get3A_1631 = vector.shape_cast %get3A_1630 : vector<1x1x16xf32> to vector<16xf32>
        %mul3A_1632 = arith.mulf %get3A_1631, %get3A_1575 : vector<16xf32>
        %add3A_1633 = arith.addf %scan3A_1542, %mul3A_1632 : vector<16xf32>
        %get3A_1634 = arith.constant 1 : i32
        %get3A_1635 = arith.index_cast %get3A_1634 : i32 to index
        %get3A_1636 = arith.index_cast %add3A_1577 : i32 to index
        %get3A_1637 = arith.constant 112 : index
        %get3A_1638 = tpu.vector_load %arg7[%get3A_1635, %get3A_1636, %get3A_1637] {strides = array<i32>} : memref<2x64x512xf32, #tpu.memory_space<vmem>>, vector<1x1x16xf32>,
        %get3A_1639 = vector.shape_cast %get3A_1638 : vector<1x1x16xf32> to vector<16xf32>
        %mul3A_1640 = arith.mulf %get3A_1639, %get3A_1575 : vector<16xf32>
        %add3A_1641 = arith.addf %scan3A_1543, %mul3A_1640 : vector<16xf32>
        %get3A_1642 = arith.constant 1 : i32
        %get3A_1643 = arith.index_cast %get3A_1642 : i32 to index
        %get3A_1644 = arith.index_cast %add3A_1577 : i32 to index
        %get3A_1645 = arith.constant 128 : index
        %get3A_1646 = tpu.vector_load %arg7[%get3A_1643, %get3A_1644, %get3A_1645] {strides = array<i32>} : memref<2x64x512xf32, #tpu.memory_space<vmem>>, vector<1x1x16xf32>,
        %get3A_1647 = vector.shape_cast %get3A_1646 : vector<1x1x16xf32> to vector<16xf32>
        %mul3A_1648 = arith.mulf %get3A_1647, %get3A_1575 : vector<16xf32>
        %add3A_1649 = arith.addf %scan3A_1544, %mul3A_1648 : vector<16xf32>
        %get3A_1650 = arith.constant 1 : i32
        %get3A_1651 = arith.index_cast %get3A_1650 : i32 to index
        %get3A_1652 = arith.index_cast %add3A_1577 : i32 to index
        %get3A_1653 = arith.constant 144 : index
        %get3A_1654 = tpu.vector_load %arg7[%get3A_1651, %get3A_1652, %get3A_1653] {strides = array<i32>} : memref<2x64x512xf32, #tpu.memory_space<vmem>>, vector<1x1x16xf32>,
        %get3A_1655 = vector.shape_cast %get3A_1654 : vector<1x1x16xf32> to vector<16xf32>
        %mul3A_1656 = arith.mulf %get3A_1655, %get3A_1575 : vector<16xf32>
        %add3A_1657 = arith.addf %scan3A_1545, %mul3A_1656 : vector<16xf32>
        %get3A_1658 = arith.constant 1 : i32
        %get3A_1659 = arith.index_cast %get3A_1658 : i32 to index
        %get3A_1660 = arith.index_cast %add3A_1577 : i32 to index
        %get3A_1661 = arith.constant 160 : index
        %get3A_1662 = tpu.vector_load %arg7[%get3A_1659, %get3A_1660, %get3A_1661] {strides = array<i32>} : memref<2x64x512xf32, #tpu.memory_space<vmem>>, vector<1x1x16xf32>,
        %get3A_1663 = vector.shape_cast %get3A_1662 : vector<1x1x16xf32> to vector<16xf32>
        %mul3A_1664 = arith.mulf %get3A_1663, %get3A_1575 : vector<16xf32>
        %add3A_1665 = arith.addf %scan3A_1546, %mul3A_1664 : vector<16xf32>
        %get3A_1666 = arith.constant 1 : i32
        %get3A_1667 = arith.index_cast %get3A_1666 : i32 to index
        %get3A_1668 = arith.index_cast %add3A_1577 : i32 to index
        %get3A_1669 = arith.constant 176 : index
        %get3A_1670 = tpu.vector_load %arg7[%get3A_1667, %get3A_1668, %get3A_1669] {strides = array<i32>} : memref<2x64x512xf32, #tpu.memory_space<vmem>>, vector<1x1x16xf32>,
        %get3A_1671 = vector.shape_cast %get3A_1670 : vector<1x1x16xf32> to vector<16xf32>
        %mul3A_1672 = arith.mulf %get3A_1671, %get3A_1575 : vector<16xf32>
        %add3A_1673 = arith.addf %scan3A_1547, %mul3A_1672 : vector<16xf32>
        %get3A_1674 = arith.constant 1 : i32
        %get3A_1675 = arith.index_cast %get3A_1674 : i32 to index
        %get3A_1676 = arith.index_cast %add3A_1577 : i32 to index
        %get3A_1677 = arith.constant 192 : index
        %get3A_1678 = tpu.vector_load %arg7[%get3A_1675, %get3A_1676, %get3A_1677] {strides = array<i32>} : memref<2x64x512xf32, #tpu.memory_space<vmem>>, vector<1x1x16xf32>,
        %get3A_1679 = vector.shape_cast %get3A_1678 : vector<1x1x16xf32> to vector<16xf32>
        %mul3A_1680 = arith.mulf %get3A_1679, %get3A_1575 : vector<16xf32>
        %add3A_1681 = arith.addf %scan3A_1548, %mul3A_1680 : vector<16xf32>
        %get3A_1682 = arith.constant 1 : i32
        %get3A_1683 = arith.index_cast %get3A_1682 : i32 to index
        %get3A_1684 = arith.index_cast %add3A_1577 : i32 to index
        %get3A_1685 = arith.constant 208 : index
        %get3A_1686 = tpu.vector_load %arg7[%get3A_1683, %get3A_1684, %get3A_1685] {strides = array<i32>} : memref<2x64x512xf32, #tpu.memory_space<vmem>>, vector<1x1x16xf32>,
        %get3A_1687 = vector.shape_cast %get3A_1686 : vector<1x1x16xf32> to vector<16xf32>
        %mul3A_1688 = arith.mulf %get3A_1687, %get3A_1575 : vector<16xf32>
        %add3A_1689 = arith.addf %scan3A_1549, %mul3A_1688 : vector<16xf32>
        %get3A_1690 = arith.constant 1 : i32
        %get3A_1691 = arith.index_cast %get3A_1690 : i32 to index
        %get3A_1692 = arith.index_cast %add3A_1577 : i32 to index
        %get3A_1693 = arith.constant 224 : index
        %get3A_1694 = tpu.vector_load %arg7[%get3A_1691, %get3A_1692, %get3A_1693] {strides = array<i32>} : memref<2x64x512xf32, #tpu.memory_space<vmem>>, vector<1x1x16xf32>,
        %get3A_1695 = vector.shape_cast %get3A_1694 : vector<1x1x16xf32> to vector<16xf32>
        %mul3A_1696 = arith.mulf %get3A_1695, %get3A_1575 : vector<16xf32>
        %add3A_1697 = arith.addf %scan3A_1550, %mul3A_1696 : vector<16xf32>
        %get3A_1698 = arith.constant 1 : i32
        %get3A_1699 = arith.index_cast %get3A_1698 : i32 to index
        %get3A_1700 = arith.index_cast %add3A_1577 : i32 to index
        %get3A_1701 = arith.constant 240 : index
        %get3A_1702 = tpu.vector_load %arg7[%get3A_1699, %get3A_1700, %get3A_1701] {strides = array<i32>} : memref<2x64x512xf32, #tpu.memory_space<vmem>>, vector<1x1x16xf32>,
        %get3A_1703 = vector.shape_cast %get3A_1702 : vector<1x1x16xf32> to vector<16xf32>
        %mul3A_1704 = arith.mulf %get3A_1703, %get3A_1575 : vector<16xf32>
        %add3A_1705 = arith.addf %scan3A_1551, %mul3A_1704 : vector<16xf32>
        %get3A_1706 = arith.constant 1 : i32
        %get3A_1707 = arith.index_cast %get3A_1706 : i32 to index
        %get3A_1708 = arith.index_cast %add3A_1577 : i32 to index
        %get3A_1709 = arith.constant 256 : index
        %get3A_1710 = tpu.vector_load %arg7[%get3A_1707, %get3A_1708, %get3A_1709] {strides = array<i32>} : memref<2x64x512xf32, #tpu.memory_space<vmem>>, vector<1x1x16xf32>,
        %get3A_1711 = vector.shape_cast %get3A_1710 : vector<1x1x16xf32> to vector<16xf32>
        %mul3A_1712 = arith.mulf %get3A_1711, %get3A_1575 : vector<16xf32>
        %add3A_1713 = arith.addf %scan3A_1552, %mul3A_1712 : vector<16xf32>
        %get3A_1714 = arith.constant 1 : i32
        %get3A_1715 = arith.index_cast %get3A_1714 : i32 to index
        %get3A_1716 = arith.index_cast %add3A_1577 : i32 to index
        %get3A_1717 = arith.constant 272 : index
        %get3A_1718 = tpu.vector_load %arg7[%get3A_1715, %get3A_1716, %get3A_1717] {strides = array<i32>} : memref<2x64x512xf32, #tpu.memory_space<vmem>>, vector<1x1x16xf32>,
        %get3A_1719 = vector.shape_cast %get3A_1718 : vector<1x1x16xf32> to vector<16xf32>
        %mul3A_1720 = arith.mulf %get3A_1719, %get3A_1575 : vector<16xf32>
        %add3A_1721 = arith.addf %scan3A_1553, %mul3A_1720 : vector<16xf32>
        %get3A_1722 = arith.constant 1 : i32
        %get3A_1723 = arith.index_cast %get3A_1722 : i32 to index
        %get3A_1724 = arith.index_cast %add3A_1577 : i32 to index
        %get3A_1725 = arith.constant 288 : index
        %get3A_1726 = tpu.vector_load %arg7[%get3A_1723, %get3A_1724, %get3A_1725] {strides = array<i32>} : memref<2x64x512xf32, #tpu.memory_space<vmem>>, vector<1x1x16xf32>,
        %get3A_1727 = vector.shape_cast %get3A_1726 : vector<1x1x16xf32> to vector<16xf32>
        %mul3A_1728 = arith.mulf %get3A_1727, %get3A_1575 : vector<16xf32>
        %add3A_1729 = arith.addf %scan3A_1554, %mul3A_1728 : vector<16xf32>
        %get3A_1730 = arith.constant 1 : i32
        %get3A_1731 = arith.index_cast %get3A_1730 : i32 to index
        %get3A_1732 = arith.index_cast %add3A_1577 : i32 to index
        %get3A_1733 = arith.constant 304 : index
        %get3A_1734 = tpu.vector_load %arg7[%get3A_1731, %get3A_1732, %get3A_1733] {strides = array<i32>} : memref<2x64x512xf32, #tpu.memory_space<vmem>>, vector<1x1x16xf32>,
        %get3A_1735 = vector.shape_cast %get3A_1734 : vector<1x1x16xf32> to vector<16xf32>
        %mul3A_1736 = arith.mulf %get3A_1735, %get3A_1575 : vector<16xf32>
        %add3A_1737 = arith.addf %scan3A_1555, %mul3A_1736 : vector<16xf32>
        %get3A_1738 = arith.constant 1 : i32
        %get3A_1739 = arith.index_cast %get3A_1738 : i32 to index
        %get3A_1740 = arith.index_cast %add3A_1577 : i32 to index
        %get3A_1741 = arith.constant 320 : index
        %get3A_1742 = tpu.vector_load %arg7[%get3A_1739, %get3A_1740, %get3A_1741] {strides = array<i32>} : memref<2x64x512xf32, #tpu.memory_space<vmem>>, vector<1x1x16xf32>,
        %get3A_1743 = vector.shape_cast %get3A_1742 : vector<1x1x16xf32> to vector<16xf32>
        %mul3A_1744 = arith.mulf %get3A_1743, %get3A_1575 : vector<16xf32>
        %add3A_1745 = arith.addf %scan3A_1556, %mul3A_1744 : vector<16xf32>
        %get3A_1746 = arith.constant 1 : i32
        %get3A_1747 = arith.index_cast %get3A_1746 : i32 to index
        %get3A_1748 = arith.index_cast %add3A_1577 : i32 to index
        %get3A_1749 = arith.constant 336 : index
        %get3A_1750 = tpu.vector_load %arg7[%get3A_1747, %get3A_1748, %get3A_1749] {strides = array<i32>} : memref<2x64x512xf32, #tpu.memory_space<vmem>>, vector<1x1x16xf32>,
        %get3A_1751 = vector.shape_cast %get3A_1750 : vector<1x1x16xf32> to vector<16xf32>
        %mul3A_1752 = arith.mulf %get3A_1751, %get3A_1575 : vector<16xf32>
        %add3A_1753 = arith.addf %scan3A_1557, %mul3A_1752 : vector<16xf32>
        %get3A_1754 = arith.constant 1 : i32
        %get3A_1755 = arith.index_cast %get3A_1754 : i32 to index
        %get3A_1756 = arith.index_cast %add3A_1577 : i32 to index
        %get3A_1757 = arith.constant 352 : index
        %get3A_1758 = tpu.vector_load %arg7[%get3A_1755, %get3A_1756, %get3A_1757] {strides = array<i32>} : memref<2x64x512xf32, #tpu.memory_space<vmem>>, vector<1x1x16xf32>,
        %get3A_1759 = vector.shape_cast %get3A_1758 : vector<1x1x16xf32> to vector<16xf32>
        %mul3A_1760 = arith.mulf %get3A_1759, %get3A_1575 : vector<16xf32>
        %add3A_1761 = arith.addf %scan3A_1558, %mul3A_1760 : vector<16xf32>
        %get3A_1762 = arith.constant 1 : i32
        %get3A_1763 = arith.index_cast %get3A_1762 : i32 to index
        %get3A_1764 = arith.index_cast %add3A_1577 : i32 to index
        %get3A_1765 = arith.constant 368 : index
        %get3A_1766 = tpu.vector_load %arg7[%get3A_1763, %get3A_1764, %get3A_1765] {strides = array<i32>} : memref<2x64x512xf32, #tpu.memory_space<vmem>>, vector<1x1x16xf32>,
        %get3A_1767 = vector.shape_cast %get3A_1766 : vector<1x1x16xf32> to vector<16xf32>
        %mul3A_1768 = arith.mulf %get3A_1767, %get3A_1575 : vector<16xf32>
        %add3A_1769 = arith.addf %scan3A_1559, %mul3A_1768 : vector<16xf32>
        %get3A_1770 = arith.constant 1 : i32
        %get3A_1771 = arith.index_cast %get3A_1770 : i32 to index
        %get3A_1772 = arith.index_cast %add3A_1577 : i32 to index
        %get3A_1773 = arith.constant 384 : index
        %get3A_1774 = tpu.vector_load %arg7[%get3A_1771, %get3A_1772, %get3A_1773] {strides = array<i32>} : memref<2x64x512xf32, #tpu.memory_space<vmem>>, vector<1x1x16xf32>,
        %get3A_1775 = vector.shape_cast %get3A_1774 : vector<1x1x16xf32> to vector<16xf32>
        %mul3A_1776 = arith.mulf %get3A_1775, %get3A_1575 : vector<16xf32>
        %add3A_1777 = arith.addf %scan3A_1560, %mul3A_1776 : vector<16xf32>
        %get3A_1778 = arith.constant 1 : i32
        %get3A_1779 = arith.index_cast %get3A_1778 : i32 to index
        %get3A_1780 = arith.index_cast %add3A_1577 : i32 to index
        %get3A_1781 = arith.constant 400 : index
        %get3A_1782 = tpu.vector_load %arg7[%get3A_1779, %get3A_1780, %get3A_1781] {strides = array<i32>} : memref<2x64x512xf32, #tpu.memory_space<vmem>>, vector<1x1x16xf32>,
        %get3A_1783 = vector.shape_cast %get3A_1782 : vector<1x1x16xf32> to vector<16xf32>
        %mul3A_1784 = arith.mulf %get3A_1783, %get3A_1575 : vector<16xf32>
        %add3A_1785 = arith.addf %scan3A_1561, %mul3A_1784 : vector<16xf32>
        %get3A_1786 = arith.constant 1 : i32
        %get3A_1787 = arith.index_cast %get3A_1786 : i32 to index
        %get3A_1788 = arith.index_cast %add3A_1577 : i32 to index
        %get3A_1789 = arith.constant 416 : index
        %get3A_1790 = tpu.vector_load %arg7[%get3A_1787, %get3A_1788, %get3A_1789] {strides = array<i32>} : memref<2x64x512xf32, #tpu.memory_space<vmem>>, vector<1x1x16xf32>,
        %get3A_1791 = vector.shape_cast %get3A_1790 : vector<1x1x16xf32> to vector<16xf32>
        %mul3A_1792 = arith.mulf %get3A_1791, %get3A_1575 : vector<16xf32>
        %add3A_1793 = arith.addf %scan3A_1562, %mul3A_1792 : vector<16xf32>
        %get3A_1794 = arith.constant 1 : i32
        %get3A_1795 = arith.index_cast %get3A_1794 : i32 to index
        %get3A_1796 = arith.index_cast %add3A_1577 : i32 to index
        %get3A_1797 = arith.constant 432 : index
        %get3A_1798 = tpu.vector_load %arg7[%get3A_1795, %get3A_1796, %get3A_1797] {strides = array<i32>} : memref<2x64x512xf32, #tpu.memory_space<vmem>>, vector<1x1x16xf32>,
        %get3A_1799 = vector.shape_cast %get3A_1798 : vector<1x1x16xf32> to vector<16xf32>
        %mul3A_1800 = arith.mulf %get3A_1799, %get3A_1575 : vector<16xf32>
        %add3A_1801 = arith.addf %scan3A_1563, %mul3A_1800 : vector<16xf32>
        %get3A_1802 = arith.constant 1 : i32
        %get3A_1803 = arith.index_cast %get3A_1802 : i32 to index
        %get3A_1804 = arith.index_cast %add3A_1577 : i32 to index
        %get3A_1805 = arith.constant 448 : index
        %get3A_1806 = tpu.vector_load %arg7[%get3A_1803, %get3A_1804, %get3A_1805] {strides = array<i32>} : memref<2x64x512xf32, #tpu.memory_space<vmem>>, vector<1x1x16xf32>,
        %get3A_1807 = vector.shape_cast %get3A_1806 : vector<1x1x16xf32> to vector<16xf32>
        %mul3A_1808 = arith.mulf %get3A_1807, %get3A_1575 : vector<16xf32>
        %add3A_1809 = arith.addf %scan3A_1564, %mul3A_1808 : vector<16xf32>
        %get3A_1810 = arith.constant 1 : i32
        %get3A_1811 = arith.index_cast %get3A_1810 : i32 to index
        %get3A_1812 = arith.index_cast %add3A_1577 : i32 to index
        %get3A_1813 = arith.constant 464 : index
        %get3A_1814 = tpu.vector_load %arg7[%get3A_1811, %get3A_1812, %get3A_1813] {strides = array<i32>} : memref<2x64x512xf32, #tpu.memory_space<vmem>>, vector<1x1x16xf32>,
        %get3A_1815 = vector.shape_cast %get3A_1814 : vector<1x1x16xf32> to vector<16xf32>
        %mul3A_1816 = arith.mulf %get3A_1815, %get3A_1575 : vector<16xf32>
        %add3A_1817 = arith.addf %scan3A_1565, %mul3A_1816 : vector<16xf32>
        %get3A_1818 = arith.constant 1 : i32
        %get3A_1819 = arith.index_cast %get3A_1818 : i32 to index
        %get3A_1820 = arith.index_cast %add3A_1577 : i32 to index
        %get3A_1821 = arith.constant 480 : index
        %get3A_1822 = tpu.vector_load %arg7[%get3A_1819, %get3A_1820, %get3A_1821] {strides = array<i32>} : memref<2x64x512xf32, #tpu.memory_space<vmem>>, vector<1x1x16xf32>,
        %get3A_1823 = vector.shape_cast %get3A_1822 : vector<1x1x16xf32> to vector<16xf32>
        %mul3A_1824 = arith.mulf %get3A_1823, %get3A_1575 : vector<16xf32>
        %add3A_1825 = arith.addf %scan3A_1566, %mul3A_1824 : vector<16xf32>
        %get3A_1826 = arith.constant 1 : i32
        %get3A_1827 = arith.index_cast %get3A_1826 : i32 to index
        %get3A_1828 = arith.index_cast %add3A_1577 : i32 to index
        %get3A_1829 = arith.constant 496 : index
        %get3A_1830 = tpu.vector_load %arg7[%get3A_1827, %get3A_1828, %get3A_1829] {strides = array<i32>} : memref<2x64x512xf32, #tpu.memory_space<vmem>>, vector<1x1x16xf32>,
        %get3A_1831 = vector.shape_cast %get3A_1830 : vector<1x1x16xf32> to vector<16xf32>
        %mul3A_1832 = arith.mulf %get3A_1831, %get3A_1575 : vector<16xf32>
        %add3A_1833 = arith.addf %scan3A_1567, %mul3A_1832 : vector<16xf32>
        scf.yield %add3A_1585, %add3A_1593, %add3A_1601, %add3A_1609, %add3A_1617, %add3A_1625, %add3A_1633, %add3A_1641, %add3A_1649, %add3A_1657, %add3A_1665, %add3A_1673, %add3A_1681, %add3A_1689, %add3A_1697, %add3A_1705, %add3A_1713, %add3A_1721, %add3A_1729, %add3A_1737, %add3A_1745, %add3A_1753, %add3A_1761, %add3A_1769, %add3A_1777, %add3A_1785, %add3A_1793, %add3A_1801, %add3A_1809, %add3A_1817, %add3A_1825, %add3A_1833 : vector<16xf32>, vector<16xf32>, vector<16xf32>, vector<16xf32>, vector<16xf32>, vector<16xf32>, vector<16xf32>, vector<16xf32>, vector<16xf32>, vector<16xf32>, vector<16xf32>, vector<16xf32>, vector<16xf32>, vector<16xf32>, vector<16xf32>, vector<16xf32>, vector<16xf32>, vector<16xf32>, vector<16xf32>, vector<16xf32>, vector<16xf32>, vector<16xf32>, vector<16xf32>, vector<16xf32>, vector<16xf32>, vector<16xf32>, vector<16xf32>, vector<16xf32>, vector<16xf32>, vector<16xf32>, vector<16xf32>, vector<16xf32>
      }
      %scan3A_931 = arith.constant 32 : i32
      %swap3A_932 = arith.constant 1 : i32
      %swap3A_933 = arith.constant 0 : i32
      %swap3A_934 = arith.index_cast %swap3A_932 : i32 to index
      %swap3A_935 = arith.index_cast %swap3A_933 : i32 to index
      %swap3A_936 = arith.constant 0 : index
      %swap3A_937 = tpu.vector_load %arg9[%swap3A_934, %swap3A_935, %swap3A_936] {strides = array<i32>} : memref<2x2x512xf32, #tpu.memory_space<vmem>>, vector<1x1x16xf32>,
      %swap3A_938 = vector.shape_cast %swap3A_937 : vector<1x1x16xf32> to vector<16xf32>
      %swap3A_939 = vector.shape_cast %scan3A_930#0 : vector<16xf32> to vector<1x1x16xf32>
      tpu.vector_store %arg9[%swap3A_934, %swap3A_935, %swap3A_936], %swap3A_939 {strides = array<i32>} : memref<2x2x512xf32, #tpu.memory_space<vmem>>, vector<1x1x16xf32>,
      %swap3A_940 = arith.constant 1 : i32
      %swap3A_941 = arith.constant 0 : i32
      %swap3A_942 = arith.index_cast %swap3A_940 : i32 to index
      %swap3A_943 = arith.index_cast %swap3A_941 : i32 to index
      %swap3A_944 = arith.constant 16 : index
      %swap3A_945 = tpu.vector_load %arg9[%swap3A_942, %swap3A_943, %swap3A_944] {strides = array<i32>} : memref<2x2x512xf32, #tpu.memory_space<vmem>>, vector<1x1x16xf32>,
      %swap3A_946 = vector.shape_cast %swap3A_945 : vector<1x1x16xf32> to vector<16xf32>
      %swap3A_947 = vector.shape_cast %scan3A_930#1 : vector<16xf32> to vector<1x1x16xf32>
      tpu.vector_store %arg9[%swap3A_942, %swap3A_943, %swap3A_944], %swap3A_947 {strides = array<i32>} : memref<2x2x512xf32, #tpu.memory_space<vmem>>, vector<1x1x16xf32>,
      %swap3A_948 = arith.constant 1 : i32
      %swap3A_949 = arith.constant 0 : i32
      %swap3A_950 = arith.index_cast %swap3A_948 : i32 to index
      %swap3A_951 = arith.index_cast %swap3A_949 : i32 to index
      %swap3A_952 = arith.constant 32 : index
      %swap3A_953 = tpu.vector_load %arg9[%swap3A_950, %swap3A_951, %swap3A_952] {strides = array<i32>} : memref<2x2x512xf32, #tpu.memory_space<vmem>>, vector<1x1x16xf32>,
      %swap3A_954 = vector.shape_cast %swap3A_953 : vector<1x1x16xf32> to vector<16xf32>
      %swap3A_955 = vector.shape_cast %scan3A_930#2 : vector<16xf32> to vector<1x1x16xf32>
      tpu.vector_store %arg9[%swap3A_950, %swap3A_951, %swap3A_952], %swap3A_955 {strides = array<i32>} : memref<2x2x512xf32, #tpu.memory_space<vmem>>, vector<1x1x16xf32>,
      %swap3A_956 = arith.constant 1 : i32
      %swap3A_957 = arith.constant 0 : i32
      %swap3A_958 = arith.index_cast %swap3A_956 : i32 to index
      %swap3A_959 = arith.index_cast %swap3A_957 : i32 to index
      %swap3A_960 = arith.constant 48 : index
      %swap3A_961 = tpu.vector_load %arg9[%swap3A_958, %swap3A_959, %swap3A_960] {strides = array<i32>} : memref<2x2x512xf32, #tpu.memory_space<vmem>>, vector<1x1x16xf32>,
      %swap3A_962 = vector.shape_cast %swap3A_961 : vector<1x1x16xf32> to vector<16xf32>
      %swap3A_963 = vector.shape_cast %scan3A_930#3 : vector<16xf32> to vector<1x1x16xf32>
      tpu.vector_store %arg9[%swap3A_958, %swap3A_959, %swap3A_960], %swap3A_963 {strides = array<i32>} : memref<2x2x512xf32, #tpu.memory_space<vmem>>, vector<1x1x16xf32>,
      %swap3A_964 = arith.constant 1 : i32
      %swap3A_965 = arith.constant 0 : i32
      %swap3A_966 = arith.index_cast %swap3A_964 : i32 to index
      %swap3A_967 = arith.index_cast %swap3A_965 : i32 to index
      %swap3A_968 = arith.constant 64 : index
      %swap3A_969 = tpu.vector_load %arg9[%swap3A_966, %swap3A_967, %swap3A_968] {strides = array<i32>} : memref<2x2x512xf32, #tpu.memory_space<vmem>>, vector<1x1x16xf32>,
      %swap3A_970 = vector.shape_cast %swap3A_969 : vector<1x1x16xf32> to vector<16xf32>
      %swap3A_971 = vector.shape_cast %scan3A_930#4 : vector<16xf32> to vector<1x1x16xf32>
      tpu.vector_store %arg9[%swap3A_966, %swap3A_967, %swap3A_968], %swap3A_971 {strides = array<i32>} : memref<2x2x512xf32, #tpu.memory_space<vmem>>, vector<1x1x16xf32>,
      %swap3A_972 = arith.constant 1 : i32
      %swap3A_973 = arith.constant 0 : i32
      %swap3A_974 = arith.index_cast %swap3A_972 : i32 to index
      %swap3A_975 = arith.index_cast %swap3A_973 : i32 to index
      %swap3A_976 = arith.constant 80 : index
      %swap3A_977 = tpu.vector_load %arg9[%swap3A_974, %swap3A_975, %swap3A_976] {strides = array<i32>} : memref<2x2x512xf32, #tpu.memory_space<vmem>>, vector<1x1x16xf32>,
      %swap3A_978 = vector.shape_cast %swap3A_977 : vector<1x1x16xf32> to vector<16xf32>
      %swap3A_979 = vector.shape_cast %scan3A_930#5 : vector<16xf32> to vector<1x1x16xf32>
      tpu.vector_store %arg9[%swap3A_974, %swap3A_975, %swap3A_976], %swap3A_979 {strides = array<i32>} : memref<2x2x512xf32, #tpu.memory_space<vmem>>, vector<1x1x16xf32>,
      %swap3A_980 = arith.constant 1 : i32
      %swap3A_981 = arith.constant 0 : i32
      %swap3A_982 = arith.index_cast %swap3A_980 : i32 to index
      %swap3A_983 = arith.index_cast %swap3A_981 : i32 to index
      %swap3A_984 = arith.constant 96 : index
      %swap3A_985 = tpu.vector_load %arg9[%swap3A_982, %swap3A_983, %swap3A_984] {strides = array<i32>} : memref<2x2x512xf32, #tpu.memory_space<vmem>>, vector<1x1x16xf32>,
      %swap3A_986 = vector.shape_cast %swap3A_985 : vector<1x1x16xf32> to vector<16xf32>
      %swap3A_987 = vector.shape_cast %scan3A_930#6 : vector<16xf32> to vector<1x1x16xf32>
      tpu.vector_store %arg9[%swap3A_982, %swap3A_983, %swap3A_984], %swap3A_987 {strides = array<i32>} : memref<2x2x512xf32, #tpu.memory_space<vmem>>, vector<1x1x16xf32>,
      %swap3A_988 = arith.constant 1 : i32
      %swap3A_989 = arith.constant 0 : i32
      %swap3A_990 = arith.index_cast %swap3A_988 : i32 to index
      %swap3A_991 = arith.index_cast %swap3A_989 : i32 to index
      %swap3A_992 = arith.constant 112 : index
      %swap3A_993 = tpu.vector_load %arg9[%swap3A_990, %swap3A_991, %swap3A_992] {strides = array<i32>} : memref<2x2x512xf32, #tpu.memory_space<vmem>>, vector<1x1x16xf32>,
      %swap3A_994 = vector.shape_cast %swap3A_993 : vector<1x1x16xf32> to vector<16xf32>
      %swap3A_995 = vector.shape_cast %scan3A_930#7 : vector<16xf32> to vector<1x1x16xf32>
      tpu.vector_store %arg9[%swap3A_990, %swap3A_991, %swap3A_992], %swap3A_995 {strides = array<i32>} : memref<2x2x512xf32, #tpu.memory_space<vmem>>, vector<1x1x16xf32>,
      %swap3A_996 = arith.constant 1 : i32
      %swap3A_997 = arith.constant 0 : i32
      %swap3A_998 = arith.index_cast %swap3A_996 : i32 to index
      %swap3A_999 = arith.index_cast %swap3A_997 : i32 to index
      %swap3A_1000 = arith.constant 128 : index
      %swap3A_1001 = tpu.vector_load %arg9[%swap3A_998, %swap3A_999, %swap3A_1000] {strides = array<i32>} : memref<2x2x512xf32, #tpu.memory_space<vmem>>, vector<1x1x16xf32>,
      %swap3A_1002 = vector.shape_cast %swap3A_1001 : vector<1x1x16xf32> to vector<16xf32>
      %swap3A_1003 = vector.shape_cast %scan3A_930#8 : vector<16xf32> to vector<1x1x16xf32>
      tpu.vector_store %arg9[%swap3A_998, %swap3A_999, %swap3A_1000], %swap3A_1003 {strides = array<i32>} : memref<2x2x512xf32, #tpu.memory_space<vmem>>, vector<1x1x16xf32>,
      %swap3A_1004 = arith.constant 1 : i32
      %swap3A_1005 = arith.constant 0 : i32
      %swap3A_1006 = arith.index_cast %swap3A_1004 : i32 to index
      %swap3A_1007 = arith.index_cast %swap3A_1005 : i32 to index
      %swap3A_1008 = arith.constant 144 : index
      %swap3A_1009 = tpu.vector_load %arg9[%swap3A_1006, %swap3A_1007, %swap3A_1008] {strides = array<i32>} : memref<2x2x512xf32, #tpu.memory_space<vmem>>, vector<1x1x16xf32>,
      %swap3A_1010 = vector.shape_cast %swap3A_1009 : vector<1x1x16xf32> to vector<16xf32>
      %swap3A_1011 = vector.shape_cast %scan3A_930#9 : vector<16xf32> to vector<1x1x16xf32>
      tpu.vector_store %arg9[%swap3A_1006, %swap3A_1007, %swap3A_1008], %swap3A_1011 {strides = array<i32>} : memref<2x2x512xf32, #tpu.memory_space<vmem>>, vector<1x1x16xf32>,
      %swap3A_1012 = arith.constant 1 : i32
      %swap3A_1013 = arith.constant 0 : i32
      %swap3A_1014 = arith.index_cast %swap3A_1012 : i32 to index
      %swap3A_1015 = arith.index_cast %swap3A_1013 : i32 to index
      %swap3A_1016 = arith.constant 160 : index
      %swap3A_1017 = tpu.vector_load %arg9[%swap3A_1014, %swap3A_1015, %swap3A_1016] {strides = array<i32>} : memref<2x2x512xf32, #tpu.memory_space<vmem>>, vector<1x1x16xf32>,
      %swap3A_1018 = vector.shape_cast %swap3A_1017 : vector<1x1x16xf32> to vector<16xf32>
      %swap3A_1019 = vector.shape_cast %scan3A_930#10 : vector<16xf32> to vector<1x1x16xf32>
      tpu.vector_store %arg9[%swap3A_1014, %swap3A_1015, %swap3A_1016], %swap3A_1019 {strides = array<i32>} : memref<2x2x512xf32, #tpu.memory_space<vmem>>, vector<1x1x16xf32>,
      %swap3A_1020 = arith.constant 1 : i32
      %swap3A_1021 = arith.constant 0 : i32
      %swap3A_1022 = arith.index_cast %swap3A_1020 : i32 to index
      %swap3A_1023 = arith.index_cast %swap3A_1021 : i32 to index
      %swap3A_1024 = arith.constant 176 : index
      %swap3A_1025 = tpu.vector_load %arg9[%swap3A_1022, %swap3A_1023, %swap3A_1024] {strides = array<i32>} : memref<2x2x512xf32, #tpu.memory_space<vmem>>, vector<1x1x16xf32>,
      %swap3A_1026 = vector.shape_cast %swap3A_1025 : vector<1x1x16xf32> to vector<16xf32>
      %swap3A_1027 = vector.shape_cast %scan3A_930#11 : vector<16xf32> to vector<1x1x16xf32>
      tpu.vector_store %arg9[%swap3A_1022, %swap3A_1023, %swap3A_1024], %swap3A_1027 {strides = array<i32>} : memref<2x2x512xf32, #tpu.memory_space<vmem>>, vector<1x1x16xf32>,
      %swap3A_1028 = arith.constant 1 : i32
      %swap3A_1029 = arith.constant 0 : i32
      %swap3A_1030 = arith.index_cast %swap3A_1028 : i32 to index
      %swap3A_1031 = arith.index_cast %swap3A_1029 : i32 to index
      %swap3A_1032 = arith.constant 192 : index
      %swap3A_1033 = tpu.vector_load %arg9[%swap3A_1030, %swap3A_1031, %swap3A_1032] {strides = array<i32>} : memref<2x2x512xf32, #tpu.memory_space<vmem>>, vector<1x1x16xf32>,
      %swap3A_1034 = vector.shape_cast %swap3A_1033 : vector<1x1x16xf32> to vector<16xf32>
      %swap3A_1035 = vector.shape_cast %scan3A_930#12 : vector<16xf32> to vector<1x1x16xf32>
      tpu.vector_store %arg9[%swap3A_1030, %swap3A_1031, %swap3A_1032], %swap3A_1035 {strides = array<i32>} : memref<2x2x512xf32, #tpu.memory_space<vmem>>, vector<1x1x16xf32>,
      %swap3A_1036 = arith.constant 1 : i32
      %swap3A_1037 = arith.constant 0 : i32
      %swap3A_1038 = arith.index_cast %swap3A_1036 : i32 to index
      %swap3A_1039 = arith.index_cast %swap3A_1037 : i32 to index
      %swap3A_1040 = arith.constant 208 : index
      %swap3A_1041 = tpu.vector_load %arg9[%swap3A_1038, %swap3A_1039, %swap3A_1040] {strides = array<i32>} : memref<2x2x512xf32, #tpu.memory_space<vmem>>, vector<1x1x16xf32>,
      %swap3A_1042 = vector.shape_cast %swap3A_1041 : vector<1x1x16xf32> to vector<16xf32>
      %swap3A_1043 = vector.shape_cast %scan3A_930#13 : vector<16xf32> to vector<1x1x16xf32>
      tpu.vector_store %arg9[%swap3A_1038, %swap3A_1039, %swap3A_1040], %swap3A_1043 {strides = array<i32>} : memref<2x2x512xf32, #tpu.memory_space<vmem>>, vector<1x1x16xf32>,
      %swap3A_1044 = arith.constant 1 : i32
      %swap3A_1045 = arith.constant 0 : i32
      %swap3A_1046 = arith.index_cast %swap3A_1044 : i32 to index
      %swap3A_1047 = arith.index_cast %swap3A_1045 : i32 to index
      %swap3A_1048 = arith.constant 224 : index
      %swap3A_1049 = tpu.vector_load %arg9[%swap3A_1046, %swap3A_1047, %swap3A_1048] {strides = array<i32>} : memref<2x2x512xf32, #tpu.memory_space<vmem>>, vector<1x1x16xf32>,
      %swap3A_1050 = vector.shape_cast %swap3A_1049 : vector<1x1x16xf32> to vector<16xf32>
      %swap3A_1051 = vector.shape_cast %scan3A_930#14 : vector<16xf32> to vector<1x1x16xf32>
      tpu.vector_store %arg9[%swap3A_1046, %swap3A_1047, %swap3A_1048], %swap3A_1051 {strides = array<i32>} : memref<2x2x512xf32, #tpu.memory_space<vmem>>, vector<1x1x16xf32>,
      %swap3A_1052 = arith.constant 1 : i32
      %swap3A_1053 = arith.constant 0 : i32
      %swap3A_1054 = arith.index_cast %swap3A_1052 : i32 to index
      %swap3A_1055 = arith.index_cast %swap3A_1053 : i32 to index
      %swap3A_1056 = arith.constant 240 : index
      %swap3A_1057 = tpu.vector_load %arg9[%swap3A_1054, %swap3A_1055, %swap3A_1056] {strides = array<i32>} : memref<2x2x512xf32, #tpu.memory_space<vmem>>, vector<1x1x16xf32>,
      %swap3A_1058 = vector.shape_cast %swap3A_1057 : vector<1x1x16xf32> to vector<16xf32>
      %swap3A_1059 = vector.shape_cast %scan3A_930#15 : vector<16xf32> to vector<1x1x16xf32>
      tpu.vector_store %arg9[%swap3A_1054, %swap3A_1055, %swap3A_1056], %swap3A_1059 {strides = array<i32>} : memref<2x2x512xf32, #tpu.memory_space<vmem>>, vector<1x1x16xf32>,
      %swap3A_1060 = arith.constant 1 : i32
      %swap3A_1061 = arith.constant 0 : i32
      %swap3A_1062 = arith.index_cast %swap3A_1060 : i32 to index
      %swap3A_1063 = arith.index_cast %swap3A_1061 : i32 to index
      %swap3A_1064 = arith.constant 256 : index
      %swap3A_1065 = tpu.vector_load %arg9[%swap3A_1062, %swap3A_1063, %swap3A_1064] {strides = array<i32>} : memref<2x2x512xf32, #tpu.memory_space<vmem>>, vector<1x1x16xf32>,
      %swap3A_1066 = vector.shape_cast %swap3A_1065 : vector<1x1x16xf32> to vector<16xf32>
      %swap3A_1067 = vector.shape_cast %scan3A_930#16 : vector<16xf32> to vector<1x1x16xf32>
      tpu.vector_store %arg9[%swap3A_1062, %swap3A_1063, %swap3A_1064], %swap3A_1067 {strides = array<i32>} : memref<2x2x512xf32, #tpu.memory_space<vmem>>, vector<1x1x16xf32>,
      %swap3A_1068 = arith.constant 1 : i32
      %swap3A_1069 = arith.constant 0 : i32
      %swap3A_1070 = arith.index_cast %swap3A_1068 : i32 to index
      %swap3A_1071 = arith.index_cast %swap3A_1069 : i32 to index
      %swap3A_1072 = arith.constant 272 : index
      %swap3A_1073 = tpu.vector_load %arg9[%swap3A_1070, %swap3A_1071, %swap3A_1072] {strides = array<i32>} : memref<2x2x512xf32, #tpu.memory_space<vmem>>, vector<1x1x16xf32>,
      %swap3A_1074 = vector.shape_cast %swap3A_1073 : vector<1x1x16xf32> to vector<16xf32>
      %swap3A_1075 = vector.shape_cast %scan3A_930#17 : vector<16xf32> to vector<1x1x16xf32>
      tpu.vector_store %arg9[%swap3A_1070, %swap3A_1071, %swap3A_1072], %swap3A_1075 {strides = array<i32>} : memref<2x2x512xf32, #tpu.memory_space<vmem>>, vector<1x1x16xf32>,
      %swap3A_1076 = arith.constant 1 : i32
      %swap3A_1077 = arith.constant 0 : i32
      %swap3A_1078 = arith.index_cast %swap3A_1076 : i32 to index
      %swap3A_1079 = arith.index_cast %swap3A_1077 : i32 to index
      %swap3A_1080 = arith.constant 288 : index
      %swap3A_1081 = tpu.vector_load %arg9[%swap3A_1078, %swap3A_1079, %swap3A_1080] {strides = array<i32>} : memref<2x2x512xf32, #tpu.memory_space<vmem>>, vector<1x1x16xf32>,
      %swap3A_1082 = vector.shape_cast %swap3A_1081 : vector<1x1x16xf32> to vector<16xf32>
      %swap3A_1083 = vector.shape_cast %scan3A_930#18 : vector<16xf32> to vector<1x1x16xf32>
      tpu.vector_store %arg9[%swap3A_1078, %swap3A_1079, %swap3A_1080], %swap3A_1083 {strides = array<i32>} : memref<2x2x512xf32, #tpu.memory_space<vmem>>, vector<1x1x16xf32>,
      %swap3A_1084 = arith.constant 1 : i32
      %swap3A_1085 = arith.constant 0 : i32
      %swap3A_1086 = arith.index_cast %swap3A_1084 : i32 to index
      %swap3A_1087 = arith.index_cast %swap3A_1085 : i32 to index
      %swap3A_1088 = arith.constant 304 : index
      %swap3A_1089 = tpu.vector_load %arg9[%swap3A_1086, %swap3A_1087, %swap3A_1088] {strides = array<i32>} : memref<2x2x512xf32, #tpu.memory_space<vmem>>, vector<1x1x16xf32>,
      %swap3A_1090 = vector.shape_cast %swap3A_1089 : vector<1x1x16xf32> to vector<16xf32>
      %swap3A_1091 = vector.shape_cast %scan3A_930#19 : vector<16xf32> to vector<1x1x16xf32>
      tpu.vector_store %arg9[%swap3A_1086, %swap3A_1087, %swap3A_1088], %swap3A_1091 {strides = array<i32>} : memref<2x2x512xf32, #tpu.memory_space<vmem>>, vector<1x1x16xf32>,
      %swap3A_1092 = arith.constant 1 : i32
      %swap3A_1093 = arith.constant 0 : i32
      %swap3A_1094 = arith.index_cast %swap3A_1092 : i32 to index
      %swap3A_1095 = arith.index_cast %swap3A_1093 : i32 to index
      %swap3A_1096 = arith.constant 320 : index
      %swap3A_1097 = tpu.vector_load %arg9[%swap3A_1094, %swap3A_1095, %swap3A_1096] {strides = array<i32>} : memref<2x2x512xf32, #tpu.memory_space<vmem>>, vector<1x1x16xf32>,
      %swap3A_1098 = vector.shape_cast %swap3A_1097 : vector<1x1x16xf32> to vector<16xf32>
      %swap3A_1099 = vector.shape_cast %scan3A_930#20 : vector<16xf32> to vector<1x1x16xf32>
      tpu.vector_store %arg9[%swap3A_1094, %swap3A_1095, %swap3A_1096], %swap3A_1099 {strides = array<i32>} : memref<2x2x512xf32, #tpu.memory_space<vmem>>, vector<1x1x16xf32>,
      %swap3A_1100 = arith.constant 1 : i32
      %swap3A_1101 = arith.constant 0 : i32
      %swap3A_1102 = arith.index_cast %swap3A_1100 : i32 to index
      %swap3A_1103 = arith.index_cast %swap3A_1101 : i32 to index
      %swap3A_1104 = arith.constant 336 : index
      %swap3A_1105 = tpu.vector_load %arg9[%swap3A_1102, %swap3A_1103, %swap3A_1104] {strides = array<i32>} : memref<2x2x512xf32, #tpu.memory_space<vmem>>, vector<1x1x16xf32>,
      %swap3A_1106 = vector.shape_cast %swap3A_1105 : vector<1x1x16xf32> to vector<16xf32>
      %swap3A_1107 = vector.shape_cast %scan3A_930#21 : vector<16xf32> to vector<1x1x16xf32>
      tpu.vector_store %arg9[%swap3A_1102, %swap3A_1103, %swap3A_1104], %swap3A_1107 {strides = array<i32>} : memref<2x2x512xf32, #tpu.memory_space<vmem>>, vector<1x1x16xf32>,
      %swap3A_1108 = arith.constant 1 : i32
      %swap3A_1109 = arith.constant 0 : i32
      %swap3A_1110 = arith.index_cast %swap3A_1108 : i32 to index
      %swap3A_1111 = arith.index_cast %swap3A_1109 : i32 to index
      %swap3A_1112 = arith.constant 352 : index
      %swap3A_1113 = tpu.vector_load %arg9[%swap3A_1110, %swap3A_1111, %swap3A_1112] {strides = array<i32>} : memref<2x2x512xf32, #tpu.memory_space<vmem>>, vector<1x1x16xf32>,
      %swap3A_1114 = vector.shape_cast %swap3A_1113 : vector<1x1x16xf32> to vector<16xf32>
      %swap3A_1115 = vector.shape_cast %scan3A_930#22 : vector<16xf32> to vector<1x1x16xf32>
      tpu.vector_store %arg9[%swap3A_1110, %swap3A_1111, %swap3A_1112], %swap3A_1115 {strides = array<i32>} : memref<2x2x512xf32, #tpu.memory_space<vmem>>, vector<1x1x16xf32>,
      %swap3A_1116 = arith.constant 1 : i32
      %swap3A_1117 = arith.constant 0 : i32
      %swap3A_1118 = arith.index_cast %swap3A_1116 : i32 to index
      %swap3A_1119 = arith.index_cast %swap3A_1117 : i32 to index
      %swap3A_1120 = arith.constant 368 : index
      %swap3A_1121 = tpu.vector_load %arg9[%swap3A_1118, %swap3A_1119, %swap3A_1120] {strides = array<i32>} : memref<2x2x512xf32, #tpu.memory_space<vmem>>, vector<1x1x16xf32>,
      %swap3A_1122 = vector.shape_cast %swap3A_1121 : vector<1x1x16xf32> to vector<16xf32>
      %swap3A_1123 = vector.shape_cast %scan3A_930#23 : vector<16xf32> to vector<1x1x16xf32>
      tpu.vector_store %arg9[%swap3A_1118, %swap3A_1119, %swap3A_1120], %swap3A_1123 {strides = array<i32>} : memref<2x2x512xf32, #tpu.memory_space<vmem>>, vector<1x1x16xf32>,
      %swap3A_1124 = arith.constant 1 : i32
      %swap3A_1125 = arith.constant 0 : i32
      %swap3A_1126 = arith.index_cast %swap3A_1124 : i32 to index
      %swap3A_1127 = arith.index_cast %swap3A_1125 : i32 to index
      %swap3A_1128 = arith.constant 384 : index
      %swap3A_1129 = tpu.vector_load %arg9[%swap3A_1126, %swap3A_1127, %swap3A_1128] {strides = array<i32>} : memref<2x2x512xf32, #tpu.memory_space<vmem>>, vector<1x1x16xf32>,
      %swap3A_1130 = vector.shape_cast %swap3A_1129 : vector<1x1x16xf32> to vector<16xf32>
      %swap3A_1131 = vector.shape_cast %scan3A_930#24 : vector<16xf32> to vector<1x1x16xf32>
      tpu.vector_store %arg9[%swap3A_1126, %swap3A_1127, %swap3A_1128], %swap3A_1131 {strides = array<i32>} : memref<2x2x512xf32, #tpu.memory_space<vmem>>, vector<1x1x16xf32>,
      %swap3A_1132 = arith.constant 1 : i32
      %swap3A_1133 = arith.constant 0 : i32
      %swap3A_1134 = arith.index_cast %swap3A_1132 : i32 to index
      %swap3A_1135 = arith.index_cast %swap3A_1133 : i32 to index
      %swap3A_1136 = arith.constant 400 : index
      %swap3A_1137 = tpu.vector_load %arg9[%swap3A_1134, %swap3A_1135, %swap3A_1136] {strides = array<i32>} : memref<2x2x512xf32, #tpu.memory_space<vmem>>, vector<1x1x16xf32>,
      %swap3A_1138 = vector.shape_cast %swap3A_1137 : vector<1x1x16xf32> to vector<16xf32>
      %swap3A_1139 = vector.shape_cast %scan3A_930#25 : vector<16xf32> to vector<1x1x16xf32>
      tpu.vector_store %arg9[%swap3A_1134, %swap3A_1135, %swap3A_1136], %swap3A_1139 {strides = array<i32>} : memref<2x2x512xf32, #tpu.memory_space<vmem>>, vector<1x1x16xf32>,
      %swap3A_1140 = arith.constant 1 : i32
      %swap3A_1141 = arith.constant 0 : i32
      %swap3A_1142 = arith.index_cast %swap3A_1140 : i32 to index
      %swap3A_1143 = arith.index_cast %swap3A_1141 : i32 to index
      %swap3A_1144 = arith.constant 416 : index
      %swap3A_1145 = tpu.vector_load %arg9[%swap3A_1142, %swap3A_1143, %swap3A_1144] {strides = array<i32>} : memref<2x2x512xf32, #tpu.memory_space<vmem>>, vector<1x1x16xf32>,
      %swap3A_1146 = vector.shape_cast %swap3A_1145 : vector<1x1x16xf32> to vector<16xf32>
      %swap3A_1147 = vector.shape_cast %scan3A_930#26 : vector<16xf32> to vector<1x1x16xf32>
      tpu.vector_store %arg9[%swap3A_1142, %swap3A_1143, %swap3A_1144], %swap3A_1147 {strides = array<i32>} : memref<2x2x512xf32, #tpu.memory_space<vmem>>, vector<1x1x16xf32>,
      %swap3A_1148 = arith.constant 1 : i32
      %swap3A_1149 = arith.constant 0 : i32
      %swap3A_1150 = arith.index_cast %swap3A_1148 : i32 to index
      %swap3A_1151 = arith.index_cast %swap3A_1149 : i32 to index
      %swap3A_1152 = arith.constant 432 : index
      %swap3A_1153 = tpu.vector_load %arg9[%swap3A_1150, %swap3A_1151, %swap3A_1152] {strides = array<i32>} : memref<2x2x512xf32, #tpu.memory_space<vmem>>, vector<1x1x16xf32>,
      %swap3A_1154 = vector.shape_cast %swap3A_1153 : vector<1x1x16xf32> to vector<16xf32>
      %swap3A_1155 = vector.shape_cast %scan3A_930#27 : vector<16xf32> to vector<1x1x16xf32>
      tpu.vector_store %arg9[%swap3A_1150, %swap3A_1151, %swap3A_1152], %swap3A_1155 {strides = array<i32>} : memref<2x2x512xf32, #tpu.memory_space<vmem>>, vector<1x1x16xf32>,
      %swap3A_1156 = arith.constant 1 : i32
      %swap3A_1157 = arith.constant 0 : i32
      %swap3A_1158 = arith.index_cast %swap3A_1156 : i32 to index
      %swap3A_1159 = arith.index_cast %swap3A_1157 : i32 to index
      %swap3A_1160 = arith.constant 448 : index
      %swap3A_1161 = tpu.vector_load %arg9[%swap3A_1158, %swap3A_1159, %swap3A_1160] {strides = array<i32>} : memref<2x2x512xf32, #tpu.memory_space<vmem>>, vector<1x1x16xf32>,
      %swap3A_1162 = vector.shape_cast %swap3A_1161 : vector<1x1x16xf32> to vector<16xf32>
      %swap3A_1163 = vector.shape_cast %scan3A_930#28 : vector<16xf32> to vector<1x1x16xf32>
      tpu.vector_store %arg9[%swap3A_1158, %swap3A_1159, %swap3A_1160], %swap3A_1163 {strides = array<i32>} : memref<2x2x512xf32, #tpu.memory_space<vmem>>, vector<1x1x16xf32>,
      %swap3A_1164 = arith.constant 1 : i32
      %swap3A_1165 = arith.constant 0 : i32
      %swap3A_1166 = arith.index_cast %swap3A_1164 : i32 to index
      %swap3A_1167 = arith.index_cast %swap3A_1165 : i32 to index
      %swap3A_1168 = arith.constant 464 : index
      %swap3A_1169 = tpu.vector_load %arg9[%swap3A_1166, %swap3A_1167, %swap3A_1168] {strides = array<i32>} : memref<2x2x512xf32, #tpu.memory_space<vmem>>, vector<1x1x16xf32>,
      %swap3A_1170 = vector.shape_cast %swap3A_1169 : vector<1x1x16xf32> to vector<16xf32>
      %swap3A_1171 = vector.shape_cast %scan3A_930#29 : vector<16xf32> to vector<1x1x16xf32>
      tpu.vector_store %arg9[%swap3A_1166, %swap3A_1167, %swap3A_1168], %swap3A_1171 {strides = array<i32>} : memref<2x2x512xf32, #tpu.memory_space<vmem>>, vector<1x1x16xf32>,
      %swap3A_1172 = arith.constant 1 : i32
      %swap3A_1173 = arith.constant 0 : i32
      %swap3A_1174 = arith.index_cast %swap3A_1172 : i32 to index
      %swap3A_1175 = arith.index_cast %swap3A_1173 : i32 to index
      %swap3A_1176 = arith.constant 480 : index
      %swap3A_1177 = tpu.vector_load %arg9[%swap3A_1174, %swap3A_1175, %swap3A_1176] {strides = array<i32>} : memref<2x2x512xf32, #tpu.memory_space<vmem>>, vector<1x1x16xf32>,
      %swap3A_1178 = vector.shape_cast %swap3A_1177 : vector<1x1x16xf32> to vector<16xf32>
      %swap3A_1179 = vector.shape_cast %scan3A_930#30 : vector<16xf32> to vector<1x1x16xf32>
      tpu.vector_store %arg9[%swap3A_1174, %swap3A_1175, %swap3A_1176], %swap3A_1179 {strides = array<i32>} : memref<2x2x512xf32, #tpu.memory_space<vmem>>, vector<1x1x16xf32>,
      %swap3A_1180 = arith.constant 1 : i32
      %swap3A_1181 = arith.constant 0 : i32
      %swap3A_1182 = arith.index_cast %swap3A_1180 : i32 to index
      %swap3A_1183 = arith.index_cast %swap3A_1181 : i32 to index
      %swap3A_1184 = arith.constant 496 : index
      %swap3A_1185 = tpu.vector_load %arg9[%swap3A_1182, %swap3A_1183, %swap3A_1184] {strides = array<i32>} : memref<2x2x512xf32, #tpu.memory_space<vmem>>, vector<1x1x16xf32>,
      %swap3A_1186 = vector.shape_cast %swap3A_1185 : vector<1x1x16xf32> to vector<16xf32>
      %swap3A_1187 = vector.shape_cast %scan3A_930#31 : vector<16xf32> to vector<1x1x16xf32>
      tpu.vector_store %arg9[%swap3A_1182, %swap3A_1183, %swap3A_1184], %swap3A_1187 {strides = array<i32>} : memref<2x2x512xf32, #tpu.memory_space<vmem>>, vector<1x1x16xf32>,
      %broadcast_in_dim3A_1188 = arith.constant 0.000000e+00 : f32
      %broadcast_in_dim3A_1189 = vector.broadcast %broadcast_in_dim3A_1188 : f32 to vector<16xf32>
      %broadcast_in_dim3A_1190 = arith.constant 0.000000e+00 : f32
      %broadcast_in_dim3A_1191 = vector.broadcast %broadcast_in_dim3A_1190 : f32 to vector<16xf32>
      %broadcast_in_dim3A_1192 = arith.constant 0.000000e+00 : f32
      %broadcast_in_dim3A_1193 = vector.broadcast %broadcast_in_dim3A_1192 : f32 to vector<16xf32>
      %broadcast_in_dim3A_1194 = arith.constant 0.000000e+00 : f32
      %broadcast_in_dim3A_1195 = vector.broadcast %broadcast_in_dim3A_1194 : f32 to vector<16xf32>
      %broadcast_in_dim3A_1196 = arith.constant 0.000000e+00 : f32
      %broadcast_in_dim3A_1197 = vector.broadcast %broadcast_in_dim3A_1196 : f32 to vector<16xf32>
      %broadcast_in_dim3A_1198 = arith.constant 0.000000e+00 : f32
      %broadcast_in_dim3A_1199 = vector.broadcast %broadcast_in_dim3A_1198 : f32 to vector<16xf32>
      %broadcast_in_dim3A_1200 = arith.constant 0.000000e+00 : f32
      %broadcast_in_dim3A_1201 = vector.broadcast %broadcast_in_dim3A_1200 : f32 to vector<16xf32>
      %broadcast_in_dim3A_1202 = arith.constant 0.000000e+00 : f32
      %broadcast_in_dim3A_1203 = vector.broadcast %broadcast_in_dim3A_1202 : f32 to vector<16xf32>
      %broadcast_in_dim3A_1204 = arith.constant 0.000000e+00 : f32
      %broadcast_in_dim3A_1205 = vector.broadcast %broadcast_in_dim3A_1204 : f32 to vector<16xf32>
      %broadcast_in_dim3A_1206 = arith.constant 0.000000e+00 : f32
      %broadcast_in_dim3A_1207 = vector.broadcast %broadcast_in_dim3A_1206 : f32 to vector<16xf32>
      %broadcast_in_dim3A_1208 = arith.constant 0.000000e+00 : f32
      %broadcast_in_dim3A_1209 = vector.broadcast %broadcast_in_dim3A_1208 : f32 to vector<16xf32>
      %broadcast_in_dim3A_1210 = arith.constant 0.000000e+00 : f32
      %broadcast_in_dim3A_1211 = vector.broadcast %broadcast_in_dim3A_1210 : f32 to vector<16xf32>
      %broadcast_in_dim3A_1212 = arith.constant 0.000000e+00 : f32
      %broadcast_in_dim3A_1213 = vector.broadcast %broadcast_in_dim3A_1212 : f32 to vector<16xf32>
      %broadcast_in_dim3A_1214 = arith.constant 0.000000e+00 : f32
      %broadcast_in_dim3A_1215 = vector.broadcast %broadcast_in_dim3A_1214 : f32 to vector<16xf32>
      %broadcast_in_dim3A_1216 = arith.constant 0.000000e+00 : f32
      %broadcast_in_dim3A_1217 = vector.broadcast %broadcast_in_dim3A_1216 : f32 to vector<16xf32>
      %broadcast_in_dim3A_1218 = arith.constant 0.000000e+00 : f32
      %broadcast_in_dim3A_1219 = vector.broadcast %broadcast_in_dim3A_1218 : f32 to vector<16xf32>
      %broadcast_in_dim3A_1220 = arith.constant 0.000000e+00 : f32
      %broadcast_in_dim3A_1221 = vector.broadcast %broadcast_in_dim3A_1220 : f32 to vector<16xf32>
      %broadcast_in_dim3A_1222 = arith.constant 0.000000e+00 : f32
      %broadcast_in_dim3A_1223 = vector.broadcast %broadcast_in_dim3A_1222 : f32 to vector<16xf32>
      %broadcast_in_dim3A_1224 = arith.constant 0.000000e+00 : f32
      %broadcast_in_dim3A_1225 = vector.broadcast %broadcast_in_dim3A_1224 : f32 to vector<16xf32>
      %broadcast_in_dim3A_1226 = arith.constant 0.000000e+00 : f32
      %broadcast_in_dim3A_1227 = vector.broadcast %broadcast_in_dim3A_1226 : f32 to vector<16xf32>
      %broadcast_in_dim3A_1228 = arith.constant 0.000000e+00 : f32
      %broadcast_in_dim3A_1229 = vector.broadcast %broadcast_in_dim3A_1228 : f32 to vector<16xf32>
      %broadcast_in_dim3A_1230 = arith.constant 0.000000e+00 : f32
      %broadcast_in_dim3A_1231 = vector.broadcast %broadcast_in_dim3A_1230 : f32 to vector<16xf32>
      %broadcast_in_dim3A_1232 = arith.constant 0.000000e+00 : f32
      %broadcast_in_dim3A_1233 = vector.broadcast %broadcast_in_dim3A_1232 : f32 to vector<16xf32>
      %broadcast_in_dim3A_1234 = arith.constant 0.000000e+00 : f32
      %broadcast_in_dim3A_1235 = vector.broadcast %broadcast_in_dim3A_1234 : f32 to vector<16xf32>
      %broadcast_in_dim3A_1236 = arith.constant 0.000000e+00 : f32
      %broadcast_in_dim3A_1237 = vector.broadcast %broadcast_in_dim3A_1236 : f32 to vector<16xf32>
      %broadcast_in_dim3A_1238 = arith.constant 0.000000e+00 : f32
      %broadcast_in_dim3A_1239 = vector.broadcast %broadcast_in_dim3A_1238 : f32 to vector<16xf32>
      %broadcast_in_dim3A_1240 = arith.constant 0.000000e+00 : f32
      %broadcast_in_dim3A_1241 = vector.broadcast %broadcast_in_dim3A_1240 : f32 to vector<16xf32>
      %broadcast_in_dim3A_1242 = arith.constant 0.000000e+00 : f32
      %broadcast_in_dim3A_1243 = vector.broadcast %broadcast_in_dim3A_1242 : f32 to vector<16xf32>
      %broadcast_in_dim3A_1244 = arith.constant 0.000000e+00 : f32
      %broadcast_in_dim3A_1245 = vector.broadcast %broadcast_in_dim3A_1244 : f32 to vector<16xf32>
      %broadcast_in_dim3A_1246 = arith.constant 0.000000e+00 : f32
      %broadcast_in_dim3A_1247 = vector.broadcast %broadcast_in_dim3A_1246 : f32 to vector<16xf32>
      %broadcast_in_dim3A_1248 = arith.constant 0.000000e+00 : f32
      %broadcast_in_dim3A_1249 = vector.broadcast %broadcast_in_dim3A_1248 : f32 to vector<16xf32>
      %broadcast_in_dim3A_1250 = arith.constant 0.000000e+00 : f32
      %broadcast_in_dim3A_1251 = vector.broadcast %broadcast_in_dim3A_1250 : f32 to vector<16xf32>
      %scan3A_1252 = arith.constant 0 : i32
      %scan3A_1253 = arith.constant 32 : i32
      %scan3A_1254 = arith.addi %scan3A_1252, %scan3A_1253 : i32
      %scan3A_1255 = arith.constant 1 : i32
      %scan3A_1256:32 = scf.for %scan3A_1535 = %scan3A_1252 to %scan3A_1254 step %scan3A_1255 iter_args(%scan3A_1536 = %broadcast_in_dim3A_1189, %scan3A_1537 = %broadcast_in_dim3A_1191, %scan3A_1538 = %broadcast_in_dim3A_1193, %scan3A_1539 = %broadcast_in_dim3A_1195, %scan3A_1540 = %broadcast_in_dim3A_1197, %scan3A_1541 = %broadcast_in_dim3A_1199, %scan3A_1542 = %broadcast_in_dim3A_1201, %scan3A_1543 = %broadcast_in_dim3A_1203, %scan3A_1544 = %broadcast_in_dim3A_1205, %scan3A_1545 = %broadcast_in_dim3A_1207, %scan3A_1546 = %broadcast_in_dim3A_1209, %scan3A_1547 = %broadcast_in_dim3A_1211, %scan3A_1548 = %broadcast_in_dim3A_1213, %scan3A_1549 = %broadcast_in_dim3A_1215, %scan3A_1550 = %broadcast_in_dim3A_1217, %scan3A_1551 = %broadcast_in_dim3A_1219, %scan3A_1552 = %broadcast_in_dim3A_1221, %scan3A_1553 = %broadcast_in_dim3A_1223, %scan3A_1554 = %broadcast_in_dim3A_1225, %scan3A_1555 = %broadcast_in_dim3A_1227, %scan3A_1556 = %broadcast_in_dim3A_1229, %scan3A_1557 = %broadcast_in_dim3A_1231, %scan3A_1558 = %broadcast_in_dim3A_1233, %scan3A_1559 = %broadcast_in_dim3A_1235, %scan3A_1560 = %broadcast_in_dim3A_1237, %scan3A_1561 = %broadcast_in_dim3A_1239, %scan3A_1562 = %broadcast_in_dim3A_1241, %scan3A_1563 = %broadcast_in_dim3A_1243, %scan3A_1564 = %broadcast_in_dim3A_1245, %scan3A_1565 = %broadcast_in_dim3A_1247, %scan3A_1566 = %broadcast_in_dim3A_1249, %scan3A_1567 = %broadcast_in_dim3A_1251) -> (vector<16xf32>, vector<16xf32>, vector<16xf32>, vector<16xf32>, vector<16xf32>, vector<16xf32>, vector<16xf32>, vector<16xf32>, vector<16xf32>, vector<16xf32>, vector<16xf32>, vector<16xf32>, vector<16xf32>, vector<16xf32>, vector<16xf32>, vector<16xf32>, vector<16xf32>, vector<16xf32>, vector<16xf32>, vector<16xf32>, vector<16xf32>, vector<16xf32>, vector<16xf32>, vector<16xf32>, vector<16xf32>, vector<16xf32>, vector<16xf32>, vector<16xf32>, vector<16xf32>, vector<16xf32>, vector<16xf32>, vector<16xf32>)  : i32 {
        %mul3A_1568 = arith.constant 16 : i32
        %mul3A_1569 = arith.muli %scan3A_1535, %mul3A_1568 : i32
        %get3A = arith.constant 1 : i32
        %get3A_1570 = arith.constant 1 : i32
        %get3A_1571 = arith.index_cast %get3A : i32 to index
        %get3A_1572 = arith.index_cast %get3A_1570 : i32 to index
        %get3A_1573 = arith.index_cast %mul3A_1569 : i32 to index
        %get3A_1574 = tpu.vector_load %arg8[%get3A_1571, %get3A_1572, %get3A_1573] {strides = array<i32>} : memref<2x2x512xf32, #tpu.memory_space<vmem>>, vector<1x1x16xf32>,
        %get3A_1575 = vector.shape_cast %get3A_1574 : vector<1x1x16xf32> to vector<16xf32>
        %add3A_1576 = arith.constant 32 : i32
        %add3A_1577 = arith.addi %add3A_1576, %scan3A_1535 : i32
        %get3A_1578 = arith.constant 1 : i32
        %get3A_1579 = arith.index_cast %get3A_1578 : i32 to index
        %get3A_1580 = arith.index_cast %add3A_1577 : i32 to index
        %get3A_1581 = arith.constant 0 : index
        %get3A_1582 = tpu.vector_load %arg7[%get3A_1579, %get3A_1580, %get3A_1581] {strides = array<i32>} : memref<2x64x512xf32, #tpu.memory_space<vmem>>, vector<1x1x16xf32>,
        %get3A_1583 = vector.shape_cast %get3A_1582 : vector<1x1x16xf32> to vector<16xf32>
        %mul3A_1584 = arith.mulf %get3A_1583, %get3A_1575 : vector<16xf32>
        %add3A_1585 = arith.addf %scan3A_1536, %mul3A_1584 : vector<16xf32>
        %get3A_1586 = arith.constant 1 : i32
        %get3A_1587 = arith.index_cast %get3A_1586 : i32 to index
        %get3A_1588 = arith.index_cast %add3A_1577 : i32 to index
        %get3A_1589 = arith.constant 16 : index
        %get3A_1590 = tpu.vector_load %arg7[%get3A_1587, %get3A_1588, %get3A_1589] {strides = array<i32>} : memref<2x64x512xf32, #tpu.memory_space<vmem>>, vector<1x1x16xf32>,
        %get3A_1591 = vector.shape_cast %get3A_1590 : vector<1x1x16xf32> to vector<16xf32>
        %mul3A_1592 = arith.mulf %get3A_1591, %get3A_1575 : vector<16xf32>
        %add3A_1593 = arith.addf %scan3A_1537, %mul3A_1592 : vector<16xf32>
        %get3A_1594 = arith.constant 1 : i32
        %get3A_1595 = arith.index_cast %get3A_1594 : i32 to index
        %get3A_1596 = arith.index_cast %add3A_1577 : i32 to index
        %get3A_1597 = arith.constant 32 : index
        %get3A_1598 = tpu.vector_load %arg7[%get3A_1595, %get3A_1596, %get3A_1597] {strides = array<i32>} : memref<2x64x512xf32, #tpu.memory_space<vmem>>, vector<1x1x16xf32>,
        %get3A_1599 = vector.shape_cast %get3A_1598 : vector<1x1x16xf32> to vector<16xf32>
        %mul3A_1600 = arith.mulf %get3A_1599, %get3A_1575 : vector<16xf32>
        %add3A_1601 = arith.addf %scan3A_1538, %mul3A_1600 : vector<16xf32>
        %get3A_1602 = arith.constant 1 : i32
        %get3A_1603 = arith.index_cast %get3A_1602 : i32 to index
        %get3A_1604 = arith.index_cast %add3A_1577 : i32 to index
        %get3A_1605 = arith.constant 48 : index
        %get3A_1606 = tpu.vector_load %arg7[%get3A_1603, %get3A_1604, %get3A_1605] {strides = array<i32>} : memref<2x64x512xf32, #tpu.memory_space<vmem>>, vector<1x1x16xf32>,
        %get3A_1607 = vector.shape_cast %get3A_1606 : vector<1x1x16xf32> to vector<16xf32>
        %mul3A_1608 = arith.mulf %get3A_1607, %get3A_1575 : vector<16xf32>
        %add3A_1609 = arith.addf %scan3A_1539, %mul3A_1608 : vector<16xf32>
        %get3A_1610 = arith.constant 1 : i32
        %get3A_1611 = arith.index_cast %get3A_1610 : i32 to index
        %get3A_1612 = arith.index_cast %add3A_1577 : i32 to index
        %get3A_1613 = arith.constant 64 : index
        %get3A_1614 = tpu.vector_load %arg7[%get3A_1611, %get3A_1612, %get3A_1613] {strides = array<i32>} : memref<2x64x512xf32, #tpu.memory_space<vmem>>, vector<1x1x16xf32>,
        %get3A_1615 = vector.shape_cast %get3A_1614 : vector<1x1x16xf32> to vector<16xf32>
        %mul3A_1616 = arith.mulf %get3A_1615, %get3A_1575 : vector<16xf32>
        %add3A_1617 = arith.addf %scan3A_1540, %mul3A_1616 : vector<16xf32>
        %get3A_1618 = arith.constant 1 : i32
        %get3A_1619 = arith.index_cast %get3A_1618 : i32 to index
        %get3A_1620 = arith.index_cast %add3A_1577 : i32 to index
        %get3A_1621 = arith.constant 80 : index
        %get3A_1622 = tpu.vector_load %arg7[%get3A_1619, %get3A_1620, %get3A_1621] {strides = array<i32>} : memref<2x64x512xf32, #tpu.memory_space<vmem>>, vector<1x1x16xf32>,
        %get3A_1623 = vector.shape_cast %get3A_1622 : vector<1x1x16xf32> to vector<16xf32>
        %mul3A_1624 = arith.mulf %get3A_1623, %get3A_1575 : vector<16xf32>
        %add3A_1625 = arith.addf %scan3A_1541, %mul3A_1624 : vector<16xf32>
        %get3A_1626 = arith.constant 1 : i32
        %get3A_1627 = arith.index_cast %get3A_1626 : i32 to index
        %get3A_1628 = arith.index_cast %add3A_1577 : i32 to index
        %get3A_1629 = arith.constant 96 : index
        %get3A_1630 = tpu.vector_load %arg7[%get3A_1627, %get3A_1628, %get3A_1629] {strides = array<i32>} : memref<2x64x512xf32, #tpu.memory_space<vmem>>, vector<1x1x16xf32>,
        %get3A_1631 = vector.shape_cast %get3A_1630 : vector<1x1x16xf32> to vector<16xf32>
        %mul3A_1632 = arith.mulf %get3A_1631, %get3A_1575 : vector<16xf32>
        %add3A_1633 = arith.addf %scan3A_1542, %mul3A_1632 : vector<16xf32>
        %get3A_1634 = arith.constant 1 : i32
        %get3A_1635 = arith.index_cast %get3A_1634 : i32 to index
        %get3A_1636 = arith.index_cast %add3A_1577 : i32 to index
        %get3A_1637 = arith.constant 112 : index
        %get3A_1638 = tpu.vector_load %arg7[%get3A_1635, %get3A_1636, %get3A_1637] {strides = array<i32>} : memref<2x64x512xf32, #tpu.memory_space<vmem>>, vector<1x1x16xf32>,
        %get3A_1639 = vector.shape_cast %get3A_1638 : vector<1x1x16xf32> to vector<16xf32>
        %mul3A_1640 = arith.mulf %get3A_1639, %get3A_1575 : vector<16xf32>
        %add3A_1641 = arith.addf %scan3A_1543, %mul3A_1640 : vector<16xf32>
        %get3A_1642 = arith.constant 1 : i32
        %get3A_1643 = arith.index_cast %get3A_1642 : i32 to index
        %get3A_1644 = arith.index_cast %add3A_1577 : i32 to index
        %get3A_1645 = arith.constant 128 : index
        %get3A_1646 = tpu.vector_load %arg7[%get3A_1643, %get3A_1644, %get3A_1645] {strides = array<i32>} : memref<2x64x512xf32, #tpu.memory_space<vmem>>, vector<1x1x16xf32>,
        %get3A_1647 = vector.shape_cast %get3A_1646 : vector<1x1x16xf32> to vector<16xf32>
        %mul3A_1648 = arith.mulf %get3A_1647, %get3A_1575 : vector<16xf32>
        %add3A_1649 = arith.addf %scan3A_1544, %mul3A_1648 : vector<16xf32>
        %get3A_1650 = arith.constant 1 : i32
        %get3A_1651 = arith.index_cast %get3A_1650 : i32 to index
        %get3A_1652 = arith.index_cast %add3A_1577 : i32 to index
        %get3A_1653 = arith.constant 144 : index
        %get3A_1654 = tpu.vector_load %arg7[%get3A_1651, %get3A_1652, %get3A_1653] {strides = array<i32>} : memref<2x64x512xf32, #tpu.memory_space<vmem>>, vector<1x1x16xf32>,
        %get3A_1655 = vector.shape_cast %get3A_1654 : vector<1x1x16xf32> to vector<16xf32>
        %mul3A_1656 = arith.mulf %get3A_1655, %get3A_1575 : vector<16xf32>
        %add3A_1657 = arith.addf %scan3A_1545, %mul3A_1656 : vector<16xf32>
        %get3A_1658 = arith.constant 1 : i32
        %get3A_1659 = arith.index_cast %get3A_1658 : i32 to index
        %get3A_1660 = arith.index_cast %add3A_1577 : i32 to index
        %get3A_1661 = arith.constant 160 : index
        %get3A_1662 = tpu.vector_load %arg7[%get3A_1659, %get3A_1660, %get3A_1661] {strides = array<i32>} : memref<2x64x512xf32, #tpu.memory_space<vmem>>, vector<1x1x16xf32>,
        %get3A_1663 = vector.shape_cast %get3A_1662 : vector<1x1x16xf32> to vector<16xf32>
        %mul3A_1664 = arith.mulf %get3A_1663, %get3A_1575 : vector<16xf32>
        %add3A_1665 = arith.addf %scan3A_1546, %mul3A_1664 : vector<16xf32>
        %get3A_1666 = arith.constant 1 : i32
        %get3A_1667 = arith.index_cast %get3A_1666 : i32 to index
        %get3A_1668 = arith.index_cast %add3A_1577 : i32 to index
        %get3A_1669 = arith.constant 176 : index
        %get3A_1670 = tpu.vector_load %arg7[%get3A_1667, %get3A_1668, %get3A_1669] {strides = array<i32>} : memref<2x64x512xf32, #tpu.memory_space<vmem>>, vector<1x1x16xf32>,
        %get3A_1671 = vector.shape_cast %get3A_1670 : vector<1x1x16xf32> to vector<16xf32>
        %mul3A_1672 = arith.mulf %get3A_1671, %get3A_1575 : vector<16xf32>
        %add3A_1673 = arith.addf %scan3A_1547, %mul3A_1672 : vector<16xf32>
        %get3A_1674 = arith.constant 1 : i32
        %get3A_1675 = arith.index_cast %get3A_1674 : i32 to index
        %get3A_1676 = arith.index_cast %add3A_1577 : i32 to index
        %get3A_1677 = arith.constant 192 : index
        %get3A_1678 = tpu.vector_load %arg7[%get3A_1675, %get3A_1676, %get3A_1677] {strides = array<i32>} : memref<2x64x512xf32, #tpu.memory_space<vmem>>, vector<1x1x16xf32>,
        %get3A_1679 = vector.shape_cast %get3A_1678 : vector<1x1x16xf32> to vector<16xf32>
        %mul3A_1680 = arith.mulf %get3A_1679, %get3A_1575 : vector<16xf32>
        %add3A_1681 = arith.addf %scan3A_1548, %mul3A_1680 : vector<16xf32>
        %get3A_1682 = arith.constant 1 : i32
        %get3A_1683 = arith.index_cast %get3A_1682 : i32 to index
        %get3A_1684 = arith.index_cast %add3A_1577 : i32 to index
        %get3A_1685 = arith.constant 208 : index
        %get3A_1686 = tpu.vector_load %arg7[%get3A_1683, %get3A_1684, %get3A_1685] {strides = array<i32>} : memref<2x64x512xf32, #tpu.memory_space<vmem>>, vector<1x1x16xf32>,
        %get3A_1687 = vector.shape_cast %get3A_1686 : vector<1x1x16xf32> to vector<16xf32>
        %mul3A_1688 = arith.mulf %get3A_1687, %get3A_1575 : vector<16xf32>
        %add3A_1689 = arith.addf %scan3A_1549, %mul3A_1688 : vector<16xf32>
        %get3A_1690 = arith.constant 1 : i32
        %get3A_1691 = arith.index_cast %get3A_1690 : i32 to index
        %get3A_1692 = arith.index_cast %add3A_1577 : i32 to index
        %get3A_1693 = arith.constant 224 : index
        %get3A_1694 = tpu.vector_load %arg7[%get3A_1691, %get3A_1692, %get3A_1693] {strides = array<i32>} : memref<2x64x512xf32, #tpu.memory_space<vmem>>, vector<1x1x16xf32>,
        %get3A_1695 = vector.shape_cast %get3A_1694 : vector<1x1x16xf32> to vector<16xf32>
        %mul3A_1696 = arith.mulf %get3A_1695, %get3A_1575 : vector<16xf32>
        %add3A_1697 = arith.addf %scan3A_1550, %mul3A_1696 : vector<16xf32>
        %get3A_1698 = arith.constant 1 : i32
        %get3A_1699 = arith.index_cast %get3A_1698 : i32 to index
        %get3A_1700 = arith.index_cast %add3A_1577 : i32 to index
        %get3A_1701 = arith.constant 240 : index
        %get3A_1702 = tpu.vector_load %arg7[%get3A_1699, %get3A_1700, %get3A_1701] {strides = array<i32>} : memref<2x64x512xf32, #tpu.memory_space<vmem>>, vector<1x1x16xf32>,
        %get3A_1703 = vector.shape_cast %get3A_1702 : vector<1x1x16xf32> to vector<16xf32>
        %mul3A_1704 = arith.mulf %get3A_1703, %get3A_1575 : vector<16xf32>
        %add3A_1705 = arith.addf %scan3A_1551, %mul3A_1704 : vector<16xf32>
        %get3A_1706 = arith.constant 1 : i32
        %get3A_1707 = arith.index_cast %get3A_1706 : i32 to index
        %get3A_1708 = arith.index_cast %add3A_1577 : i32 to index
        %get3A_1709 = arith.constant 256 : index
        %get3A_1710 = tpu.vector_load %arg7[%get3A_1707, %get3A_1708, %get3A_1709] {strides = array<i32>} : memref<2x64x512xf32, #tpu.memory_space<vmem>>, vector<1x1x16xf32>,
        %get3A_1711 = vector.shape_cast %get3A_1710 : vector<1x1x16xf32> to vector<16xf32>
        %mul3A_1712 = arith.mulf %get3A_1711, %get3A_1575 : vector<16xf32>
        %add3A_1713 = arith.addf %scan3A_1552, %mul3A_1712 : vector<16xf32>
        %get3A_1714 = arith.constant 1 : i32
        %get3A_1715 = arith.index_cast %get3A_1714 : i32 to index
        %get3A_1716 = arith.index_cast %add3A_1577 : i32 to index
        %get3A_1717 = arith.constant 272 : index
        %get3A_1718 = tpu.vector_load %arg7[%get3A_1715, %get3A_1716, %get3A_1717] {strides = array<i32>} : memref<2x64x512xf32, #tpu.memory_space<vmem>>, vector<1x1x16xf32>,
        %get3A_1719 = vector.shape_cast %get3A_1718 : vector<1x1x16xf32> to vector<16xf32>
        %mul3A_1720 = arith.mulf %get3A_1719, %get3A_1575 : vector<16xf32>
        %add3A_1721 = arith.addf %scan3A_1553, %mul3A_1720 : vector<16xf32>
        %get3A_1722 = arith.constant 1 : i32
        %get3A_1723 = arith.index_cast %get3A_1722 : i32 to index
        %get3A_1724 = arith.index_cast %add3A_1577 : i32 to index
        %get3A_1725 = arith.constant 288 : index
        %get3A_1726 = tpu.vector_load %arg7[%get3A_1723, %get3A_1724, %get3A_1725] {strides = array<i32>} : memref<2x64x512xf32, #tpu.memory_space<vmem>>, vector<1x1x16xf32>,
        %get3A_1727 = vector.shape_cast %get3A_1726 : vector<1x1x16xf32> to vector<16xf32>
        %mul3A_1728 = arith.mulf %get3A_1727, %get3A_1575 : vector<16xf32>
        %add3A_1729 = arith.addf %scan3A_1554, %mul3A_1728 : vector<16xf32>
        %get3A_1730 = arith.constant 1 : i32
        %get3A_1731 = arith.index_cast %get3A_1730 : i32 to index
        %get3A_1732 = arith.index_cast %add3A_1577 : i32 to index
        %get3A_1733 = arith.constant 304 : index
        %get3A_1734 = tpu.vector_load %arg7[%get3A_1731, %get3A_1732, %get3A_1733] {strides = array<i32>} : memref<2x64x512xf32, #tpu.memory_space<vmem>>, vector<1x1x16xf32>,
        %get3A_1735 = vector.shape_cast %get3A_1734 : vector<1x1x16xf32> to vector<16xf32>
        %mul3A_1736 = arith.mulf %get3A_1735, %get3A_1575 : vector<16xf32>
        %add3A_1737 = arith.addf %scan3A_1555, %mul3A_1736 : vector<16xf32>
        %get3A_1738 = arith.constant 1 : i32
        %get3A_1739 = arith.index_cast %get3A_1738 : i32 to index
        %get3A_1740 = arith.index_cast %add3A_1577 : i32 to index
        %get3A_1741 = arith.constant 320 : index
        %get3A_1742 = tpu.vector_load %arg7[%get3A_1739, %get3A_1740, %get3A_1741] {strides = array<i32>} : memref<2x64x512xf32, #tpu.memory_space<vmem>>, vector<1x1x16xf32>,
        %get3A_1743 = vector.shape_cast %get3A_1742 : vector<1x1x16xf32> to vector<16xf32>
        %mul3A_1744 = arith.mulf %get3A_1743, %get3A_1575 : vector<16xf32>
        %add3A_1745 = arith.addf %scan3A_1556, %mul3A_1744 : vector<16xf32>
        %get3A_1746 = arith.constant 1 : i32
        %get3A_1747 = arith.index_cast %get3A_1746 : i32 to index
        %get3A_1748 = arith.index_cast %add3A_1577 : i32 to index
        %get3A_1749 = arith.constant 336 : index
        %get3A_1750 = tpu.vector_load %arg7[%get3A_1747, %get3A_1748, %get3A_1749] {strides = array<i32>} : memref<2x64x512xf32, #tpu.memory_space<vmem>>, vector<1x1x16xf32>,
        %get3A_1751 = vector.shape_cast %get3A_1750 : vector<1x1x16xf32> to vector<16xf32>
        %mul3A_1752 = arith.mulf %get3A_1751, %get3A_1575 : vector<16xf32>
        %add3A_1753 = arith.addf %scan3A_1557, %mul3A_1752 : vector<16xf32>
        %get3A_1754 = arith.constant 1 : i32
        %get3A_1755 = arith.index_cast %get3A_1754 : i32 to index
        %get3A_1756 = arith.index_cast %add3A_1577 : i32 to index
        %get3A_1757 = arith.constant 352 : index
        %get3A_1758 = tpu.vector_load %arg7[%get3A_1755, %get3A_1756, %get3A_1757] {strides = array<i32>} : memref<2x64x512xf32, #tpu.memory_space<vmem>>, vector<1x1x16xf32>,
        %get3A_1759 = vector.shape_cast %get3A_1758 : vector<1x1x16xf32> to vector<16xf32>
        %mul3A_1760 = arith.mulf %get3A_1759, %get3A_1575 : vector<16xf32>
        %add3A_1761 = arith.addf %scan3A_1558, %mul3A_1760 : vector<16xf32>
        %get3A_1762 = arith.constant 1 : i32
        %get3A_1763 = arith.index_cast %get3A_1762 : i32 to index
        %get3A_1764 = arith.index_cast %add3A_1577 : i32 to index
        %get3A_1765 = arith.constant 368 : index
        %get3A_1766 = tpu.vector_load %arg7[%get3A_1763, %get3A_1764, %get3A_1765] {strides = array<i32>} : memref<2x64x512xf32, #tpu.memory_space<vmem>>, vector<1x1x16xf32>,
        %get3A_1767 = vector.shape_cast %get3A_1766 : vector<1x1x16xf32> to vector<16xf32>
        %mul3A_1768 = arith.mulf %get3A_1767, %get3A_1575 : vector<16xf32>
        %add3A_1769 = arith.addf %scan3A_1559, %mul3A_1768 : vector<16xf32>
        %get3A_1770 = arith.constant 1 : i32
        %get3A_1771 = arith.index_cast %get3A_1770 : i32 to index
        %get3A_1772 = arith.index_cast %add3A_1577 : i32 to index
        %get3A_1773 = arith.constant 384 : index
        %get3A_1774 = tpu.vector_load %arg7[%get3A_1771, %get3A_1772, %get3A_1773] {strides = array<i32>} : memref<2x64x512xf32, #tpu.memory_space<vmem>>, vector<1x1x16xf32>,
        %get3A_1775 = vector.shape_cast %get3A_1774 : vector<1x1x16xf32> to vector<16xf32>
        %mul3A_1776 = arith.mulf %get3A_1775, %get3A_1575 : vector<16xf32>
        %add3A_1777 = arith.addf %scan3A_1560, %mul3A_1776 : vector<16xf32>
        %get3A_1778 = arith.constant 1 : i32
        %get3A_1779 = arith.index_cast %get3A_1778 : i32 to index
        %get3A_1780 = arith.index_cast %add3A_1577 : i32 to index
        %get3A_1781 = arith.constant 400 : index
        %get3A_1782 = tpu.vector_load %arg7[%get3A_1779, %get3A_1780, %get3A_1781] {strides = array<i32>} : memref<2x64x512xf32, #tpu.memory_space<vmem>>, vector<1x1x16xf32>,
        %get3A_1783 = vector.shape_cast %get3A_1782 : vector<1x1x16xf32> to vector<16xf32>
        %mul3A_1784 = arith.mulf %get3A_1783, %get3A_1575 : vector<16xf32>
        %add3A_1785 = arith.addf %scan3A_1561, %mul3A_1784 : vector<16xf32>
        %get3A_1786 = arith.constant 1 : i32
        %get3A_1787 = arith.index_cast %get3A_1786 : i32 to index
        %get3A_1788 = arith.index_cast %add3A_1577 : i32 to index
        %get3A_1789 = arith.constant 416 : index
        %get3A_1790 = tpu.vector_load %arg7[%get3A_1787, %get3A_1788, %get3A_1789] {strides = array<i32>} : memref<2x64x512xf32, #tpu.memory_space<vmem>>, vector<1x1x16xf32>,
        %get3A_1791 = vector.shape_cast %get3A_1790 : vector<1x1x16xf32> to vector<16xf32>
        %mul3A_1792 = arith.mulf %get3A_1791, %get3A_1575 : vector<16xf32>
        %add3A_1793 = arith.addf %scan3A_1562, %mul3A_1792 : vector<16xf32>
        %get3A_1794 = arith.constant 1 : i32
        %get3A_1795 = arith.index_cast %get3A_1794 : i32 to index
        %get3A_1796 = arith.index_cast %add3A_1577 : i32 to index
        %get3A_1797 = arith.constant 432 : index
        %get3A_1798 = tpu.vector_load %arg7[%get3A_1795, %get3A_1796, %get3A_1797] {strides = array<i32>} : memref<2x64x512xf32, #tpu.memory_space<vmem>>, vector<1x1x16xf32>,
        %get3A_1799 = vector.shape_cast %get3A_1798 : vector<1x1x16xf32> to vector<16xf32>
        %mul3A_1800 = arith.mulf %get3A_1799, %get3A_1575 : vector<16xf32>
        %add3A_1801 = arith.addf %scan3A_1563, %mul3A_1800 : vector<16xf32>
        %get3A_1802 = arith.constant 1 : i32
        %get3A_1803 = arith.index_cast %get3A_1802 : i32 to index
        %get3A_1804 = arith.index_cast %add3A_1577 : i32 to index
        %get3A_1805 = arith.constant 448 : index
        %get3A_1806 = tpu.vector_load %arg7[%get3A_1803, %get3A_1804, %get3A_1805] {strides = array<i32>} : memref<2x64x512xf32, #tpu.memory_space<vmem>>, vector<1x1x16xf32>,
        %get3A_1807 = vector.shape_cast %get3A_1806 : vector<1x1x16xf32> to vector<16xf32>
        %mul3A_1808 = arith.mulf %get3A_1807, %get3A_1575 : vector<16xf32>
        %add3A_1809 = arith.addf %scan3A_1564, %mul3A_1808 : vector<16xf32>
        %get3A_1810 = arith.constant 1 : i32
        %get3A_1811 = arith.index_cast %get3A_1810 : i32 to index
        %get3A_1812 = arith.index_cast %add3A_1577 : i32 to index
        %get3A_1813 = arith.constant 464 : index
        %get3A_1814 = tpu.vector_load %arg7[%get3A_1811, %get3A_1812, %get3A_1813] {strides = array<i32>} : memref<2x64x512xf32, #tpu.memory_space<vmem>>, vector<1x1x16xf32>,
        %get3A_1815 = vector.shape_cast %get3A_1814 : vector<1x1x16xf32> to vector<16xf32>
        %mul3A_1816 = arith.mulf %get3A_1815, %get3A_1575 : vector<16xf32>
        %add3A_1817 = arith.addf %scan3A_1565, %mul3A_1816 : vector<16xf32>
        %get3A_1818 = arith.constant 1 : i32
        %get3A_1819 = arith.index_cast %get3A_1818 : i32 to index
        %get3A_1820 = arith.index_cast %add3A_1577 : i32 to index
        %get3A_1821 = arith.constant 480 : index
        %get3A_1822 = tpu.vector_load %arg7[%get3A_1819, %get3A_1820, %get3A_1821] {strides = array<i32>} : memref<2x64x512xf32, #tpu.memory_space<vmem>>, vector<1x1x16xf32>,
        %get3A_1823 = vector.shape_cast %get3A_1822 : vector<1x1x16xf32> to vector<16xf32>
        %mul3A_1824 = arith.mulf %get3A_1823, %get3A_1575 : vector<16xf32>
        %add3A_1825 = arith.addf %scan3A_1566, %mul3A_1824 : vector<16xf32>
        %get3A_1826 = arith.constant 1 : i32
        %get3A_1827 = arith.index_cast %get3A_1826 : i32 to index
        %get3A_1828 = arith.index_cast %add3A_1577 : i32 to index
        %get3A_1829 = arith.constant 496 : index
        %get3A_1830 = tpu.vector_load %arg7[%get3A_1827, %get3A_1828, %get3A_1829] {strides = array<i32>} : memref<2x64x512xf32, #tpu.memory_space<vmem>>, vector<1x1x16xf32>,
        %get3A_1831 = vector.shape_cast %get3A_1830 : vector<1x1x16xf32> to vector<16xf32>
        %mul3A_1832 = arith.mulf %get3A_1831, %get3A_1575 : vector<16xf32>
        %add3A_1833 = arith.addf %scan3A_1567, %mul3A_1832 : vector<16xf32>
        scf.yield %add3A_1585, %add3A_1593, %add3A_1601, %add3A_1609, %add3A_1617, %add3A_1625, %add3A_1633, %add3A_1641, %add3A_1649, %add3A_1657, %add3A_1665, %add3A_1673, %add3A_1681, %add3A_1689, %add3A_1697, %add3A_1705, %add3A_1713, %add3A_1721, %add3A_1729, %add3A_1737, %add3A_1745, %add3A_1753, %add3A_1761, %add3A_1769, %add3A_1777, %add3A_1785, %add3A_1793, %add3A_1801, %add3A_1809, %add3A_1817, %add3A_1825, %add3A_1833 : vector<16xf32>, vector<16xf32>, vector<16xf32>, vector<16xf32>, vector<16xf32>, vector<16xf32>, vector<16xf32>, vector<16xf32>, vector<16xf32>, vector<16xf32>, vector<16xf32>, vector<16xf32>, vector<16xf32>, vector<16xf32>, vector<16xf32>, vector<16xf32>, vector<16xf32>, vector<16xf32>, vector<16xf32>, vector<16xf32>, vector<16xf32>, vector<16xf32>, vector<16xf32>, vector<16xf32>, vector<16xf32>, vector<16xf32>, vector<16xf32>, vector<16xf32>, vector<16xf32>, vector<16xf32>, vector<16xf32>, vector<16xf32>
      }
      %scan3A_1257 = arith.constant 32 : i32
      %swap3A_1258 = arith.constant 1 : i32
      %swap3A_1259 = arith.constant 1 : i32
      %swap3A_1260 = arith.index_cast %swap3A_1258 : i32 to index
      %swap3A_1261 = arith.index_cast %swap3A_1259 : i32 to index
      %swap3A_1262 = arith.constant 0 : index
      %swap3A_1263 = tpu.vector_load %arg9[%swap3A_1260, %swap3A_1261, %swap3A_1262] {strides = array<i32>} : memref<2x2x512xf32, #tpu.memory_space<vmem>>, vector<1x1x16xf32>,
      %swap3A_1264 = vector.shape_cast %swap3A_1263 : vector<1x1x16xf32> to vector<16xf32>
      %swap3A_1265 = vector.shape_cast %scan3A_1256#0 : vector<16xf32> to vector<1x1x16xf32>
      tpu.vector_store %arg9[%swap3A_1260, %swap3A_1261, %swap3A_1262], %swap3A_1265 {strides = array<i32>} : memref<2x2x512xf32, #tpu.memory_space<vmem>>, vector<1x1x16xf32>,
      %swap3A_1266 = arith.constant 1 : i32
      %swap3A_1267 = arith.constant 1 : i32
      %swap3A_1268 = arith.index_cast %swap3A_1266 : i32 to index
      %swap3A_1269 = arith.index_cast %swap3A_1267 : i32 to index
      %swap3A_1270 = arith.constant 16 : index
      %swap3A_1271 = tpu.vector_load %arg9[%swap3A_1268, %swap3A_1269, %swap3A_1270] {strides = array<i32>} : memref<2x2x512xf32, #tpu.memory_space<vmem>>, vector<1x1x16xf32>,
      %swap3A_1272 = vector.shape_cast %swap3A_1271 : vector<1x1x16xf32> to vector<16xf32>
      %swap3A_1273 = vector.shape_cast %scan3A_1256#1 : vector<16xf32> to vector<1x1x16xf32>
      tpu.vector_store %arg9[%swap3A_1268, %swap3A_1269, %swap3A_1270], %swap3A_1273 {strides = array<i32>} : memref<2x2x512xf32, #tpu.memory_space<vmem>>, vector<1x1x16xf32>,
      %swap3A_1274 = arith.constant 1 : i32
      %swap3A_1275 = arith.constant 1 : i32
      %swap3A_1276 = arith.index_cast %swap3A_1274 : i32 to index
      %swap3A_1277 = arith.index_cast %swap3A_1275 : i32 to index
      %swap3A_1278 = arith.constant 32 : index
      %swap3A_1279 = tpu.vector_load %arg9[%swap3A_1276, %swap3A_1277, %swap3A_1278] {strides = array<i32>} : memref<2x2x512xf32, #tpu.memory_space<vmem>>, vector<1x1x16xf32>,
      %swap3A_1280 = vector.shape_cast %swap3A_1279 : vector<1x1x16xf32> to vector<16xf32>
      %swap3A_1281 = vector.shape_cast %scan3A_1256#2 : vector<16xf32> to vector<1x1x16xf32>
      tpu.vector_store %arg9[%swap3A_1276, %swap3A_1277, %swap3A_1278], %swap3A_1281 {strides = array<i32>} : memref<2x2x512xf32, #tpu.memory_space<vmem>>, vector<1x1x16xf32>,
      %swap3A_1282 = arith.constant 1 : i32
      %swap3A_1283 = arith.constant 1 : i32
      %swap3A_1284 = arith.index_cast %swap3A_1282 : i32 to index
      %swap3A_1285 = arith.index_cast %swap3A_1283 : i32 to index
      %swap3A_1286 = arith.constant 48 : index
      %swap3A_1287 = tpu.vector_load %arg9[%swap3A_1284, %swap3A_1285, %swap3A_1286] {strides = array<i32>} : memref<2x2x512xf32, #tpu.memory_space<vmem>>, vector<1x1x16xf32>,
      %swap3A_1288 = vector.shape_cast %swap3A_1287 : vector<1x1x16xf32> to vector<16xf32>
      %swap3A_1289 = vector.shape_cast %scan3A_1256#3 : vector<16xf32> to vector<1x1x16xf32>
      tpu.vector_store %arg9[%swap3A_1284, %swap3A_1285, %swap3A_1286], %swap3A_1289 {strides = array<i32>} : memref<2x2x512xf32, #tpu.memory_space<vmem>>, vector<1x1x16xf32>,
      %swap3A_1290 = arith.constant 1 : i32
      %swap3A_1291 = arith.constant 1 : i32
      %swap3A_1292 = arith.index_cast %swap3A_1290 : i32 to index
      %swap3A_1293 = arith.index_cast %swap3A_1291 : i32 to index
      %swap3A_1294 = arith.constant 64 : index
      %swap3A_1295 = tpu.vector_load %arg9[%swap3A_1292, %swap3A_1293, %swap3A_1294] {strides = array<i32>} : memref<2x2x512xf32, #tpu.memory_space<vmem>>, vector<1x1x16xf32>,
      %swap3A_1296 = vector.shape_cast %swap3A_1295 : vector<1x1x16xf32> to vector<16xf32>
      %swap3A_1297 = vector.shape_cast %scan3A_1256#4 : vector<16xf32> to vector<1x1x16xf32>
      tpu.vector_store %arg9[%swap3A_1292, %swap3A_1293, %swap3A_1294], %swap3A_1297 {strides = array<i32>} : memref<2x2x512xf32, #tpu.memory_space<vmem>>, vector<1x1x16xf32>,
      %swap3A_1298 = arith.constant 1 : i32
      %swap3A_1299 = arith.constant 1 : i32
      %swap3A_1300 = arith.index_cast %swap3A_1298 : i32 to index
      %swap3A_1301 = arith.index_cast %swap3A_1299 : i32 to index
      %swap3A_1302 = arith.constant 80 : index
      %swap3A_1303 = tpu.vector_load %arg9[%swap3A_1300, %swap3A_1301, %swap3A_1302] {strides = array<i32>} : memref<2x2x512xf32, #tpu.memory_space<vmem>>, vector<1x1x16xf32>,
      %swap3A_1304 = vector.shape_cast %swap3A_1303 : vector<1x1x16xf32> to vector<16xf32>
      %swap3A_1305 = vector.shape_cast %scan3A_1256#5 : vector<16xf32> to vector<1x1x16xf32>
      tpu.vector_store %arg9[%swap3A_1300, %swap3A_1301, %swap3A_1302], %swap3A_1305 {strides = array<i32>} : memref<2x2x512xf32, #tpu.memory_space<vmem>>, vector<1x1x16xf32>,
      %swap3A_1306 = arith.constant 1 : i32
      %swap3A_1307 = arith.constant 1 : i32
      %swap3A_1308 = arith.index_cast %swap3A_1306 : i32 to index
      %swap3A_1309 = arith.index_cast %swap3A_1307 : i32 to index
      %swap3A_1310 = arith.constant 96 : index
      %swap3A_1311 = tpu.vector_load %arg9[%swap3A_1308, %swap3A_1309, %swap3A_1310] {strides = array<i32>} : memref<2x2x512xf32, #tpu.memory_space<vmem>>, vector<1x1x16xf32>,
      %swap3A_1312 = vector.shape_cast %swap3A_1311 : vector<1x1x16xf32> to vector<16xf32>
      %swap3A_1313 = vector.shape_cast %scan3A_1256#6 : vector<16xf32> to vector<1x1x16xf32>
      tpu.vector_store %arg9[%swap3A_1308, %swap3A_1309, %swap3A_1310], %swap3A_1313 {strides = array<i32>} : memref<2x2x512xf32, #tpu.memory_space<vmem>>, vector<1x1x16xf32>,
      %swap3A_1314 = arith.constant 1 : i32
      %swap3A_1315 = arith.constant 1 : i32
      %swap3A_1316 = arith.index_cast %swap3A_1314 : i32 to index
      %swap3A_1317 = arith.index_cast %swap3A_1315 : i32 to index
      %swap3A_1318 = arith.constant 112 : index
      %swap3A_1319 = tpu.vector_load %arg9[%swap3A_1316, %swap3A_1317, %swap3A_1318] {strides = array<i32>} : memref<2x2x512xf32, #tpu.memory_space<vmem>>, vector<1x1x16xf32>,
      %swap3A_1320 = vector.shape_cast %swap3A_1319 : vector<1x1x16xf32> to vector<16xf32>
      %swap3A_1321 = vector.shape_cast %scan3A_1256#7 : vector<16xf32> to vector<1x1x16xf32>
      tpu.vector_store %arg9[%swap3A_1316, %swap3A_1317, %swap3A_1318], %swap3A_1321 {strides = array<i32>} : memref<2x2x512xf32, #tpu.memory_space<vmem>>, vector<1x1x16xf32>,
      %swap3A_1322 = arith.constant 1 : i32
      %swap3A_1323 = arith.constant 1 : i32
      %swap3A_1324 = arith.index_cast %swap3A_1322 : i32 to index
      %swap3A_1325 = arith.index_cast %swap3A_1323 : i32 to index
      %swap3A_1326 = arith.constant 128 : index
      %swap3A_1327 = tpu.vector_load %arg9[%swap3A_1324, %swap3A_1325, %swap3A_1326] {strides = array<i32>} : memref<2x2x512xf32, #tpu.memory_space<vmem>>, vector<1x1x16xf32>,
      %swap3A_1328 = vector.shape_cast %swap3A_1327 : vector<1x1x16xf32> to vector<16xf32>
      %swap3A_1329 = vector.shape_cast %scan3A_1256#8 : vector<16xf32> to vector<1x1x16xf32>
      tpu.vector_store %arg9[%swap3A_1324, %swap3A_1325, %swap3A_1326], %swap3A_1329 {strides = array<i32>} : memref<2x2x512xf32, #tpu.memory_space<vmem>>, vector<1x1x16xf32>,
      %swap3A_1330 = arith.constant 1 : i32
      %swap3A_1331 = arith.constant 1 : i32
      %swap3A_1332 = arith.index_cast %swap3A_1330 : i32 to index
      %swap3A_1333 = arith.index_cast %swap3A_1331 : i32 to index
      %swap3A_1334 = arith.constant 144 : index
      %swap3A_1335 = tpu.vector_load %arg9[%swap3A_1332, %swap3A_1333, %swap3A_1334] {strides = array<i32>} : memref<2x2x512xf32, #tpu.memory_space<vmem>>, vector<1x1x16xf32>,
      %swap3A_1336 = vector.shape_cast %swap3A_1335 : vector<1x1x16xf32> to vector<16xf32>
      %swap3A_1337 = vector.shape_cast %scan3A_1256#9 : vector<16xf32> to vector<1x1x16xf32>
      tpu.vector_store %arg9[%swap3A_1332, %swap3A_1333, %swap3A_1334], %swap3A_1337 {strides = array<i32>} : memref<2x2x512xf32, #tpu.memory_space<vmem>>, vector<1x1x16xf32>,
      %swap3A_1338 = arith.constant 1 : i32
      %swap3A_1339 = arith.constant 1 : i32
      %swap3A_1340 = arith.index_cast %swap3A_1338 : i32 to index
      %swap3A_1341 = arith.index_cast %swap3A_1339 : i32 to index
      %swap3A_1342 = arith.constant 160 : index
      %swap3A_1343 = tpu.vector_load %arg9[%swap3A_1340, %swap3A_1341, %swap3A_1342] {strides = array<i32>} : memref<2x2x512xf32, #tpu.memory_space<vmem>>, vector<1x1x16xf32>,
      %swap3A_1344 = vector.shape_cast %swap3A_1343 : vector<1x1x16xf32> to vector<16xf32>
      %swap3A_1345 = vector.shape_cast %scan3A_1256#10 : vector<16xf32> to vector<1x1x16xf32>
      tpu.vector_store %arg9[%swap3A_1340, %swap3A_1341, %swap3A_1342], %swap3A_1345 {strides = array<i32>} : memref<2x2x512xf32, #tpu.memory_space<vmem>>, vector<1x1x16xf32>,
      %swap3A_1346 = arith.constant 1 : i32
      %swap3A_1347 = arith.constant 1 : i32
      %swap3A_1348 = arith.index_cast %swap3A_1346 : i32 to index
      %swap3A_1349 = arith.index_cast %swap3A_1347 : i32 to index
      %swap3A_1350 = arith.constant 176 : index
      %swap3A_1351 = tpu.vector_load %arg9[%swap3A_1348, %swap3A_1349, %swap3A_1350] {strides = array<i32>} : memref<2x2x512xf32, #tpu.memory_space<vmem>>, vector<1x1x16xf32>,
      %swap3A_1352 = vector.shape_cast %swap3A_1351 : vector<1x1x16xf32> to vector<16xf32>
      %swap3A_1353 = vector.shape_cast %scan3A_1256#11 : vector<16xf32> to vector<1x1x16xf32>
      tpu.vector_store %arg9[%swap3A_1348, %swap3A_1349, %swap3A_1350], %swap3A_1353 {strides = array<i32>} : memref<2x2x512xf32, #tpu.memory_space<vmem>>, vector<1x1x16xf32>,
      %swap3A_1354 = arith.constant 1 : i32
      %swap3A_1355 = arith.constant 1 : i32
      %swap3A_1356 = arith.index_cast %swap3A_1354 : i32 to index
      %swap3A_1357 = arith.index_cast %swap3A_1355 : i32 to index
      %swap3A_1358 = arith.constant 192 : index
      %swap3A_1359 = tpu.vector_load %arg9[%swap3A_1356, %swap3A_1357, %swap3A_1358] {strides = array<i32>} : memref<2x2x512xf32, #tpu.memory_space<vmem>>, vector<1x1x16xf32>,
      %swap3A_1360 = vector.shape_cast %swap3A_1359 : vector<1x1x16xf32> to vector<16xf32>
      %swap3A_1361 = vector.shape_cast %scan3A_1256#12 : vector<16xf32> to vector<1x1x16xf32>
      tpu.vector_store %arg9[%swap3A_1356, %swap3A_1357, %swap3A_1358], %swap3A_1361 {strides = array<i32>} : memref<2x2x512xf32, #tpu.memory_space<vmem>>, vector<1x1x16xf32>,
      %swap3A_1362 = arith.constant 1 : i32
      %swap3A_1363 = arith.constant 1 : i32
      %swap3A_1364 = arith.index_cast %swap3A_1362 : i32 to index
      %swap3A_1365 = arith.index_cast %swap3A_1363 : i32 to index
      %swap3A_1366 = arith.constant 208 : index
      %swap3A_1367 = tpu.vector_load %arg9[%swap3A_1364, %swap3A_1365, %swap3A_1366] {strides = array<i32>} : memref<2x2x512xf32, #tpu.memory_space<vmem>>, vector<1x1x16xf32>,
      %swap3A_1368 = vector.shape_cast %swap3A_1367 : vector<1x1x16xf32> to vector<16xf32>
      %swap3A_1369 = vector.shape_cast %scan3A_1256#13 : vector<16xf32> to vector<1x1x16xf32>
      tpu.vector_store %arg9[%swap3A_1364, %swap3A_1365, %swap3A_1366], %swap3A_1369 {strides = array<i32>} : memref<2x2x512xf32, #tpu.memory_space<vmem>>, vector<1x1x16xf32>,
      %swap3A_1370 = arith.constant 1 : i32
      %swap3A_1371 = arith.constant 1 : i32
      %swap3A_1372 = arith.index_cast %swap3A_1370 : i32 to index
      %swap3A_1373 = arith.index_cast %swap3A_1371 : i32 to index
      %swap3A_1374 = arith.constant 224 : index
      %swap3A_1375 = tpu.vector_load %arg9[%swap3A_1372, %swap3A_1373, %swap3A_1374] {strides = array<i32>} : memref<2x2x512xf32, #tpu.memory_space<vmem>>, vector<1x1x16xf32>,
      %swap3A_1376 = vector.shape_cast %swap3A_1375 : vector<1x1x16xf32> to vector<16xf32>
      %swap3A_1377 = vector.shape_cast %scan3A_1256#14 : vector<16xf32> to vector<1x1x16xf32>
      tpu.vector_store %arg9[%swap3A_1372, %swap3A_1373, %swap3A_1374], %swap3A_1377 {strides = array<i32>} : memref<2x2x512xf32, #tpu.memory_space<vmem>>, vector<1x1x16xf32>,
      %swap3A_1378 = arith.constant 1 : i32
      %swap3A_1379 = arith.constant 1 : i32
      %swap3A_1380 = arith.index_cast %swap3A_1378 : i32 to index
      %swap3A_1381 = arith.index_cast %swap3A_1379 : i32 to index
      %swap3A_1382 = arith.constant 240 : index
      %swap3A_1383 = tpu.vector_load %arg9[%swap3A_1380, %swap3A_1381, %swap3A_1382] {strides = array<i32>} : memref<2x2x512xf32, #tpu.memory_space<vmem>>, vector<1x1x16xf32>,
      %swap3A_1384 = vector.shape_cast %swap3A_1383 : vector<1x1x16xf32> to vector<16xf32>
      %swap3A_1385 = vector.shape_cast %scan3A_1256#15 : vector<16xf32> to vector<1x1x16xf32>
      tpu.vector_store %arg9[%swap3A_1380, %swap3A_1381, %swap3A_1382], %swap3A_1385 {strides = array<i32>} : memref<2x2x512xf32, #tpu.memory_space<vmem>>, vector<1x1x16xf32>,
      %swap3A_1386 = arith.constant 1 : i32
      %swap3A_1387 = arith.constant 1 : i32
      %swap3A_1388 = arith.index_cast %swap3A_1386 : i32 to index
      %swap3A_1389 = arith.index_cast %swap3A_1387 : i32 to index
      %swap3A_1390 = arith.constant 256 : index
      %swap3A_1391 = tpu.vector_load %arg9[%swap3A_1388, %swap3A_1389, %swap3A_1390] {strides = array<i32>} : memref<2x2x512xf32, #tpu.memory_space<vmem>>, vector<1x1x16xf32>,
      %swap3A_1392 = vector.shape_cast %swap3A_1391 : vector<1x1x16xf32> to vector<16xf32>
      %swap3A_1393 = vector.shape_cast %scan3A_1256#16 : vector<16xf32> to vector<1x1x16xf32>
      tpu.vector_store %arg9[%swap3A_1388, %swap3A_1389, %swap3A_1390], %swap3A_1393 {strides = array<i32>} : memref<2x2x512xf32, #tpu.memory_space<vmem>>, vector<1x1x16xf32>,
      %swap3A_1394 = arith.constant 1 : i32
      %swap3A_1395 = arith.constant 1 : i32
      %swap3A_1396 = arith.index_cast %swap3A_1394 : i32 to index
      %swap3A_1397 = arith.index_cast %swap3A_1395 : i32 to index
      %swap3A_1398 = arith.constant 272 : index
      %swap3A_1399 = tpu.vector_load %arg9[%swap3A_1396, %swap3A_1397, %swap3A_1398] {strides = array<i32>} : memref<2x2x512xf32, #tpu.memory_space<vmem>>, vector<1x1x16xf32>,
      %swap3A_1400 = vector.shape_cast %swap3A_1399 : vector<1x1x16xf32> to vector<16xf32>
      %swap3A_1401 = vector.shape_cast %scan3A_1256#17 : vector<16xf32> to vector<1x1x16xf32>
      tpu.vector_store %arg9[%swap3A_1396, %swap3A_1397, %swap3A_1398], %swap3A_1401 {strides = array<i32>} : memref<2x2x512xf32, #tpu.memory_space<vmem>>, vector<1x1x16xf32>,
      %swap3A_1402 = arith.constant 1 : i32
      %swap3A_1403 = arith.constant 1 : i32
      %swap3A_1404 = arith.index_cast %swap3A_1402 : i32 to index
      %swap3A_1405 = arith.index_cast %swap3A_1403 : i32 to index
      %swap3A_1406 = arith.constant 288 : index
      %swap3A_1407 = tpu.vector_load %arg9[%swap3A_1404, %swap3A_1405, %swap3A_1406] {strides = array<i32>} : memref<2x2x512xf32, #tpu.memory_space<vmem>>, vector<1x1x16xf32>,
      %swap3A_1408 = vector.shape_cast %swap3A_1407 : vector<1x1x16xf32> to vector<16xf32>
      %swap3A_1409 = vector.shape_cast %scan3A_1256#18 : vector<16xf32> to vector<1x1x16xf32>
      tpu.vector_store %arg9[%swap3A_1404, %swap3A_1405, %swap3A_1406], %swap3A_1409 {strides = array<i32>} : memref<2x2x512xf32, #tpu.memory_space<vmem>>, vector<1x1x16xf32>,
      %swap3A_1410 = arith.constant 1 : i32
      %swap3A_1411 = arith.constant 1 : i32
      %swap3A_1412 = arith.index_cast %swap3A_1410 : i32 to index
      %swap3A_1413 = arith.index_cast %swap3A_1411 : i32 to index
      %swap3A_1414 = arith.constant 304 : index
      %swap3A_1415 = tpu.vector_load %arg9[%swap3A_1412, %swap3A_1413, %swap3A_1414] {strides = array<i32>} : memref<2x2x512xf32, #tpu.memory_space<vmem>>, vector<1x1x16xf32>,
      %swap3A_1416 = vector.shape_cast %swap3A_1415 : vector<1x1x16xf32> to vector<16xf32>
      %swap3A_1417 = vector.shape_cast %scan3A_1256#19 : vector<16xf32> to vector<1x1x16xf32>
      tpu.vector_store %arg9[%swap3A_1412, %swap3A_1413, %swap3A_1414], %swap3A_1417 {strides = array<i32>} : memref<2x2x512xf32, #tpu.memory_space<vmem>>, vector<1x1x16xf32>,
      %swap3A_1418 = arith.constant 1 : i32
      %swap3A_1419 = arith.constant 1 : i32
      %swap3A_1420 = arith.index_cast %swap3A_1418 : i32 to index
      %swap3A_1421 = arith.index_cast %swap3A_1419 : i32 to index
      %swap3A_1422 = arith.constant 320 : index
      %swap3A_1423 = tpu.vector_load %arg9[%swap3A_1420, %swap3A_1421, %swap3A_1422] {strides = array<i32>} : memref<2x2x512xf32, #tpu.memory_space<vmem>>, vector<1x1x16xf32>,
      %swap3A_1424 = vector.shape_cast %swap3A_1423 : vector<1x1x16xf32> to vector<16xf32>
      %swap3A_1425 = vector.shape_cast %scan3A_1256#20 : vector<16xf32> to vector<1x1x16xf32>
      tpu.vector_store %arg9[%swap3A_1420, %swap3A_1421, %swap3A_1422], %swap3A_1425 {strides = array<i32>} : memref<2x2x512xf32, #tpu.memory_space<vmem>>, vector<1x1x16xf32>,
      %swap3A_1426 = arith.constant 1 : i32
      %swap3A_1427 = arith.constant 1 : i32
      %swap3A_1428 = arith.index_cast %swap3A_1426 : i32 to index
      %swap3A_1429 = arith.index_cast %swap3A_1427 : i32 to index
      %swap3A_1430 = arith.constant 336 : index
      %swap3A_1431 = tpu.vector_load %arg9[%swap3A_1428, %swap3A_1429, %swap3A_1430] {strides = array<i32>} : memref<2x2x512xf32, #tpu.memory_space<vmem>>, vector<1x1x16xf32>,
      %swap3A_1432 = vector.shape_cast %swap3A_1431 : vector<1x1x16xf32> to vector<16xf32>
      %swap3A_1433 = vector.shape_cast %scan3A_1256#21 : vector<16xf32> to vector<1x1x16xf32>
      tpu.vector_store %arg9[%swap3A_1428, %swap3A_1429, %swap3A_1430], %swap3A_1433 {strides = array<i32>} : memref<2x2x512xf32, #tpu.memory_space<vmem>>, vector<1x1x16xf32>,
      %swap3A_1434 = arith.constant 1 : i32
      %swap3A_1435 = arith.constant 1 : i32
      %swap3A_1436 = arith.index_cast %swap3A_1434 : i32 to index
      %swap3A_1437 = arith.index_cast %swap3A_1435 : i32 to index
      %swap3A_1438 = arith.constant 352 : index
      %swap3A_1439 = tpu.vector_load %arg9[%swap3A_1436, %swap3A_1437, %swap3A_1438] {strides = array<i32>} : memref<2x2x512xf32, #tpu.memory_space<vmem>>, vector<1x1x16xf32>,
      %swap3A_1440 = vector.shape_cast %swap3A_1439 : vector<1x1x16xf32> to vector<16xf32>
      %swap3A_1441 = vector.shape_cast %scan3A_1256#22 : vector<16xf32> to vector<1x1x16xf32>
      tpu.vector_store %arg9[%swap3A_1436, %swap3A_1437, %swap3A_1438], %swap3A_1441 {strides = array<i32>} : memref<2x2x512xf32, #tpu.memory_space<vmem>>, vector<1x1x16xf32>,
      %swap3A_1442 = arith.constant 1 : i32
      %swap3A_1443 = arith.constant 1 : i32
      %swap3A_1444 = arith.index_cast %swap3A_1442 : i32 to index
      %swap3A_1445 = arith.index_cast %swap3A_1443 : i32 to index
      %swap3A_1446 = arith.constant 368 : index
      %swap3A_1447 = tpu.vector_load %arg9[%swap3A_1444, %swap3A_1445, %swap3A_1446] {strides = array<i32>} : memref<2x2x512xf32, #tpu.memory_space<vmem>>, vector<1x1x16xf32>,
      %swap3A_1448 = vector.shape_cast %swap3A_1447 : vector<1x1x16xf32> to vector<16xf32>
      %swap3A_1449 = vector.shape_cast %scan3A_1256#23 : vector<16xf32> to vector<1x1x16xf32>
      tpu.vector_store %arg9[%swap3A_1444, %swap3A_1445, %swap3A_1446], %swap3A_1449 {strides = array<i32>} : memref<2x2x512xf32, #tpu.memory_space<vmem>>, vector<1x1x16xf32>,
      %swap3A_1450 = arith.constant 1 : i32
      %swap3A_1451 = arith.constant 1 : i32
      %swap3A_1452 = arith.index_cast %swap3A_1450 : i32 to index
      %swap3A_1453 = arith.index_cast %swap3A_1451 : i32 to index
      %swap3A_1454 = arith.constant 384 : index
      %swap3A_1455 = tpu.vector_load %arg9[%swap3A_1452, %swap3A_1453, %swap3A_1454] {strides = array<i32>} : memref<2x2x512xf32, #tpu.memory_space<vmem>>, vector<1x1x16xf32>,
      %swap3A_1456 = vector.shape_cast %swap3A_1455 : vector<1x1x16xf32> to vector<16xf32>
      %swap3A_1457 = vector.shape_cast %scan3A_1256#24 : vector<16xf32> to vector<1x1x16xf32>
      tpu.vector_store %arg9[%swap3A_1452, %swap3A_1453, %swap3A_1454], %swap3A_1457 {strides = array<i32>} : memref<2x2x512xf32, #tpu.memory_space<vmem>>, vector<1x1x16xf32>,
      %swap3A_1458 = arith.constant 1 : i32
      %swap3A_1459 = arith.constant 1 : i32
      %swap3A_1460 = arith.index_cast %swap3A_1458 : i32 to index
      %swap3A_1461 = arith.index_cast %swap3A_1459 : i32 to index
      %swap3A_1462 = arith.constant 400 : index
      %swap3A_1463 = tpu.vector_load %arg9[%swap3A_1460, %swap3A_1461, %swap3A_1462] {strides = array<i32>} : memref<2x2x512xf32, #tpu.memory_space<vmem>>, vector<1x1x16xf32>,
      %swap3A_1464 = vector.shape_cast %swap3A_1463 : vector<1x1x16xf32> to vector<16xf32>
      %swap3A_1465 = vector.shape_cast %scan3A_1256#25 : vector<16xf32> to vector<1x1x16xf32>
      tpu.vector_store %arg9[%swap3A_1460, %swap3A_1461, %swap3A_1462], %swap3A_1465 {strides = array<i32>} : memref<2x2x512xf32, #tpu.memory_space<vmem>>, vector<1x1x16xf32>,
      %swap3A_1466 = arith.constant 1 : i32
      %swap3A_1467 = arith.constant 1 : i32
      %swap3A_1468 = arith.index_cast %swap3A_1466 : i32 to index
      %swap3A_1469 = arith.index_cast %swap3A_1467 : i32 to index
      %swap3A_1470 = arith.constant 416 : index
      %swap3A_1471 = tpu.vector_load %arg9[%swap3A_1468, %swap3A_1469, %swap3A_1470] {strides = array<i32>} : memref<2x2x512xf32, #tpu.memory_space<vmem>>, vector<1x1x16xf32>,
      %swap3A_1472 = vector.shape_cast %swap3A_1471 : vector<1x1x16xf32> to vector<16xf32>
      %swap3A_1473 = vector.shape_cast %scan3A_1256#26 : vector<16xf32> to vector<1x1x16xf32>
      tpu.vector_store %arg9[%swap3A_1468, %swap3A_1469, %swap3A_1470], %swap3A_1473 {strides = array<i32>} : memref<2x2x512xf32, #tpu.memory_space<vmem>>, vector<1x1x16xf32>,
      %swap3A_1474 = arith.constant 1 : i32
      %swap3A_1475 = arith.constant 1 : i32
      %swap3A_1476 = arith.index_cast %swap3A_1474 : i32 to index
      %swap3A_1477 = arith.index_cast %swap3A_1475 : i32 to index
      %swap3A_1478 = arith.constant 432 : index
      %swap3A_1479 = tpu.vector_load %arg9[%swap3A_1476, %swap3A_1477, %swap3A_1478] {strides = array<i32>} : memref<2x2x512xf32, #tpu.memory_space<vmem>>, vector<1x1x16xf32>,
      %swap3A_1480 = vector.shape_cast %swap3A_1479 : vector<1x1x16xf32> to vector<16xf32>
      %swap3A_1481 = vector.shape_cast %scan3A_1256#27 : vector<16xf32> to vector<1x1x16xf32>
      tpu.vector_store %arg9[%swap3A_1476, %swap3A_1477, %swap3A_1478], %swap3A_1481 {strides = array<i32>} : memref<2x2x512xf32, #tpu.memory_space<vmem>>, vector<1x1x16xf32>,
      %swap3A_1482 = arith.constant 1 : i32
      %swap3A_1483 = arith.constant 1 : i32
      %swap3A_1484 = arith.index_cast %swap3A_1482 : i32 to index
      %swap3A_1485 = arith.index_cast %swap3A_1483 : i32 to index
      %swap3A_1486 = arith.constant 448 : index
      %swap3A_1487 = tpu.vector_load %arg9[%swap3A_1484, %swap3A_1485, %swap3A_1486] {strides = array<i32>} : memref<2x2x512xf32, #tpu.memory_space<vmem>>, vector<1x1x16xf32>,
      %swap3A_1488 = vector.shape_cast %swap3A_1487 : vector<1x1x16xf32> to vector<16xf32>
      %swap3A_1489 = vector.shape_cast %scan3A_1256#28 : vector<16xf32> to vector<1x1x16xf32>
      tpu.vector_store %arg9[%swap3A_1484, %swap3A_1485, %swap3A_1486], %swap3A_1489 {strides = array<i32>} : memref<2x2x512xf32, #tpu.memory_space<vmem>>, vector<1x1x16xf32>,
      %swap3A_1490 = arith.constant 1 : i32
      %swap3A_1491 = arith.constant 1 : i32
      %swap3A_1492 = arith.index_cast %swap3A_1490 : i32 to index
      %swap3A_1493 = arith.index_cast %swap3A_1491 : i32 to index
      %swap3A_1494 = arith.constant 464 : index
      %swap3A_1495 = tpu.vector_load %arg9[%swap3A_1492, %swap3A_1493, %swap3A_1494] {strides = array<i32>} : memref<2x2x512xf32, #tpu.memory_space<vmem>>, vector<1x1x16xf32>,
      %swap3A_1496 = vector.shape_cast %swap3A_1495 : vector<1x1x16xf32> to vector<16xf32>
      %swap3A_1497 = vector.shape_cast %scan3A_1256#29 : vector<16xf32> to vector<1x1x16xf32>
      tpu.vector_store %arg9[%swap3A_1492, %swap3A_1493, %swap3A_1494], %swap3A_1497 {strides = array<i32>} : memref<2x2x512xf32, #tpu.memory_space<vmem>>, vector<1x1x16xf32>,
      %swap3A_1498 = arith.constant 1 : i32
      %swap3A_1499 = arith.constant 1 : i32
      %swap3A_1500 = arith.index_cast %swap3A_1498 : i32 to index
      %swap3A_1501 = arith.index_cast %swap3A_1499 : i32 to index
      %swap3A_1502 = arith.constant 480 : index
      %swap3A_1503 = tpu.vector_load %arg9[%swap3A_1500, %swap3A_1501, %swap3A_1502] {strides = array<i32>} : memref<2x2x512xf32, #tpu.memory_space<vmem>>, vector<1x1x16xf32>,
      %swap3A_1504 = vector.shape_cast %swap3A_1503 : vector<1x1x16xf32> to vector<16xf32>
      %swap3A_1505 = vector.shape_cast %scan3A_1256#30 : vector<16xf32> to vector<1x1x16xf32>
      tpu.vector_store %arg9[%swap3A_1500, %swap3A_1501, %swap3A_1502], %swap3A_1505 {strides = array<i32>} : memref<2x2x512xf32, #tpu.memory_space<vmem>>, vector<1x1x16xf32>,
      %swap3A_1506 = arith.constant 1 : i32
      %swap3A_1507 = arith.constant 1 : i32
      %swap3A_1508 = arith.index_cast %swap3A_1506 : i32 to index
      %swap3A_1509 = arith.index_cast %swap3A_1507 : i32 to index
      %swap3A_1510 = arith.constant 496 : index
      %swap3A_1511 = tpu.vector_load %arg9[%swap3A_1508, %swap3A_1509, %swap3A_1510] {strides = array<i32>} : memref<2x2x512xf32, #tpu.memory_space<vmem>>, vector<1x1x16xf32>,
      %swap3A_1512 = vector.shape_cast %swap3A_1511 : vector<1x1x16xf32> to vector<16xf32>
      %swap3A_1513 = vector.shape_cast %scan3A_1256#31 : vector<16xf32> to vector<1x1x16xf32>
      tpu.vector_store %arg9[%swap3A_1508, %swap3A_1509, %swap3A_1510], %swap3A_1513 {strides = array<i32>} : memref<2x2x512xf32, #tpu.memory_space<vmem>>, vector<1x1x16xf32>,
      %lt3A_1514 = arith.constant 31 : i32
      %lt3A_1515 = arith.cmpi slt, %scan3A_110, %lt3A_1514 : i32
      %convert_element_type3A_1516 = arith.extui %lt3A_1515 : i1 to i32
      %cond3A_1517 = arith.constant 0 : i32
      %cond3A_1518 = arith.cmpi ne, %convert_element_type3A_1516, %cond3A_1517 : i32
      scf.if %cond3A_1518 {
        %add3A_1535 = arith.constant 2 : i32
        %add3A_1536 = arith.addi %add3A_823, %add3A_1535 : i32
        %dma_start3A_1537 = arith.constant 1 : i32
        %dma_start3A_1538 = arith.constant 1 : i32
        %dma_start3A_1539 = arith.constant 0 : i32
        %dma_start3A_1540 = arith.constant 0 : i32
        %dma_start3A_1541 = tpu.memref_slice %arg7[%dma_start3A_1537, %dma_start3A_1539, %dma_start3A_1540] : memref<2x64x512xf32, #tpu.memory_space<vmem>> -> memref<1x64x512xf32, #tpu.memory_space<vmem>>
        %dma_start3A_1542 = tpu.memref_squeeze %dma_start3A_1541 : memref<1x64x512xf32, #tpu.memory_space<vmem>> -> memref<64x512xf32, #tpu.memory_space<vmem>>
        %dma_start3A_1543 = arith.constant 0 : i32
        %dma_start3A_1544 = tpu.memref_slice %arg6[%add3A_1536, %dma_start3A_1543] : memref<64x64xi32, #tpu.memory_space<vmem>> -> memref<1x64xi32, #tpu.memory_space<vmem>>
        %dma_start3A_1545 = tpu.memref_squeeze %dma_start3A_1544 : memref<1x64xi32, #tpu.memory_space<vmem>> -> memref<64xi32, #tpu.memory_space<vmem>>
        %dma_start3A_1546 = arith.constant 0 : i32
        %dma_start3A_1547 = arith.constant 0 : i32
        %dma_start3A_1548 = tpu.memref_slice %arg2[%dma_start3A_1546, %dma_start3A_1547] : memref<262144x512xf32, #tpu.memory_space<hbm>> -> memref<262144x512xf32, #tpu.memory_space<hbm>>
        %dma_start3A_1549 = tpu.memref_slice %arg10[%dma_start3A_1538] : memref<2x!tpu.dma_semaphore, #tpu.memory_space<semaphore_mem>> -> memref<1x!tpu.dma_semaphore, #tpu.memory_space<semaphore_mem>>
        %dma_start3A_1550 = tpu.memref_squeeze %dma_start3A_1549 : memref<1x!tpu.dma_semaphore, #tpu.memory_space<semaphore_mem>> -> memref<!tpu.dma_semaphore, #tpu.memory_space<semaphore_mem>>
        tpu.enqueue_indirect_dma source(%dma_start3A_1548 : memref<262144x512xf32, #tpu.memory_space<hbm>>) target(%dma_start3A_1542 : memref<64x512xf32, #tpu.memory_space<vmem>>) offsets(%dma_start3A_1545 : memref<64xi32, #tpu.memory_space<vmem>>) semaphore(%dma_start3A_1550 : memref<!tpu.dma_semaphore, #tpu.memory_space<semaphore_mem>>)
        %mul3A_1551 = arith.constant 2 : i32
        %mul3A_1552 = arith.muli %add3A_1536, %mul3A_1551 : i32
        %add3A_1553 = arith.addi %mul3A_4, %mul3A_1552 : i32
        %dma_start3A_1554 = arith.constant 1 : i32
        %dma_start3A_1555 = arith.constant 1 : i32
        %dma_start3A_1556 = arith.constant 0 : i32
        %dma_start3A_1557 = arith.constant 0 : i32
        %dma_start3A_1558 = tpu.memref_slice %arg8[%dma_start3A_1554, %dma_start3A_1556, %dma_start3A_1557] : memref<2x2x512xf32, #tpu.memory_space<vmem>> -> memref<1x2x512xf32, #tpu.memory_space<vmem>>
        %dma_start3A_1559 = tpu.memref_squeeze %dma_start3A_1558 : memref<1x2x512xf32, #tpu.memory_space<vmem>> -> memref<2x512xf32, #tpu.memory_space<vmem>>
        %dma_start3A_1560 = arith.constant 0 : i32
        %dma_start3A_1561 = tpu.memref_slice %arg4[%add3A_1553, %dma_start3A_1560] : memref<4096x512xf32, #tpu.memory_space<hbm>> -> memref<2x512xf32, #tpu.memory_space<hbm>>
        %dma_start3A_1562 = tpu.memref_slice %arg11[%dma_start3A_1555] : memref<2x!tpu.dma_semaphore, #tpu.memory_space<semaphore_mem>> -> memref<1x!tpu.dma_semaphore, #tpu.memory_space<semaphore_mem>>
        %dma_start3A_1563 = tpu.memref_squeeze %dma_start3A_1562 : memref<1x!tpu.dma_semaphore, #tpu.memory_space<semaphore_mem>> -> memref<!tpu.dma_semaphore, #tpu.memory_space<semaphore_mem>>
        %dma_start3A_1564 = arith.constant 0 : i32
        %dma_start3A_1565 = arith.constant 0 : i32
        %dma_start3A_1566 = tpu.memref_slice %arg8[%dma_start3A_1554, %dma_start3A_1564, %dma_start3A_1565] : memref<2x2x512xf32, #tpu.memory_space<vmem>> -> memref<1x2x512xf32, #tpu.memory_space<vmem>>
        %dma_start3A_1567 = tpu.memref_squeeze %dma_start3A_1566 : memref<1x2x512xf32, #tpu.memory_space<vmem>> -> memref<2x512xf32, #tpu.memory_space<vmem>>
        %dma_start3A_1568 = arith.constant 0 : i32
        %dma_start3A_1569 = tpu.memref_slice %arg4[%add3A_1553, %dma_start3A_1568] : memref<4096x512xf32, #tpu.memory_space<hbm>> -> memref<2x512xf32, #tpu.memory_space<hbm>>
        tpu.enqueue_dma source(%dma_start3A_1569 : memref<2x512xf32, #tpu.memory_space<hbm>>) target(%dma_start3A_1567 : memref<2x512xf32, #tpu.memory_space<vmem>>) target_semaphore(%dma_start3A_1563 : memref<!tpu.dma_semaphore, #tpu.memory_space<semaphore_mem>>)
      } else {
      }
      %dma_start3A_1519 = arith.constant 1 : i32
      %dma_start3A_1520 = arith.constant 1 : i32
      %dma_start3A_1521 = arith.constant 0 : i32
      %dma_start3A_1522 = arith.constant 0 : i32
      %dma_start3A_1523 = tpu.memref_slice %arg9[%dma_start3A_1519, %dma_start3A_1521, %dma_start3A_1522] : memref<2x2x512xf32, #tpu.memory_space<vmem>> -> memref<1x2x512xf32, #tpu.memory_space<vmem>>
      %dma_start3A_1524 = tpu.memref_squeeze %dma_start3A_1523 : memref<1x2x512xf32, #tpu.memory_space<vmem>> -> memref<2x512xf32, #tpu.memory_space<vmem>>
      %dma_start3A_1525 = arith.constant 0 : i32
      %dma_start3A_1526 = tpu.memref_slice %arg5[%add3A_826, %dma_start3A_1525] : memref<4096x512xf32, #tpu.memory_space<hbm>> -> memref<2x512xf32, #tpu.memory_space<hbm>>
      %dma_start3A_1527 = tpu.memref_slice %arg12[%dma_start3A_1520] : memref<2x!tpu.dma_semaphore, #tpu.memory_space<semaphore_mem>> -> memref<1x!tpu.dma_semaphore, #tpu.memory_space<semaphore_mem>>
      %dma_start3A_1528 = tpu.memref_squeeze %dma_start3A_1527 : memref<1x!tpu.dma_semaphore, #tpu.memory_space<semaphore_mem>> -> memref<!tpu.dma_semaphore, #tpu.memory_space<semaphore_mem>>
      %dma_start3A_1529 = arith.constant 0 : i32
      %dma_start3A_1530 = tpu.memref_slice %arg5[%add3A_826, %dma_start3A_1529] : memref<4096x512xf32, #tpu.memory_space<hbm>> -> memref<2x512xf32, #tpu.memory_space<hbm>>
      %dma_start3A_1531 = arith.constant 0 : i32
      %dma_start3A_1532 = arith.constant 0 : i32
      %dma_start3A_1533 = tpu.memref_slice %arg9[%dma_start3A_1519, %dma_start3A_1531, %dma_start3A_1532] : memref<2x2x512xf32, #tpu.memory_space<vmem>> -> memref<1x2x512xf32, #tpu.memory_space<vmem>>
      %dma_start3A_1534 = tpu.memref_squeeze %dma_start3A_1533 : memref<1x2x512xf32, #tpu.memory_space<vmem>> -> memref<2x512xf32, #tpu.memory_space<vmem>>
      tpu.enqueue_dma source(%dma_start3A_1534 : memref<2x512xf32, #tpu.memory_space<vmem>>) target(%dma_start3A_1530 : memref<2x512xf32, #tpu.memory_space<hbm>>) target_semaphore(%dma_start3A_1528 : memref<!tpu.dma_semaphore, #tpu.memory_space<semaphore_mem>>)
    }
    %scan3A_74 = arith.constant 32 : i32
    %add3A_75 = arith.constant 124 : i32
    %add3A_76 = arith.addi %mul3A_4, %add3A_75 : i32
    %dma_wait3A = arith.constant 0 : i32
    %dma_wait3A_77 = arith.constant 0 : i32
    %dma_wait3A_78 = arith.constant 0 : i32
    %dma_wait3A_79 = arith.constant 0 : i32
    %dma_wait3A_80 = tpu.memref_slice %arg9[%dma_wait3A, %dma_wait3A_78, %dma_wait3A_79] : memref<2x2x512xf32, #tpu.memory_space<vmem>> -> memref<1x2x512xf32, #tpu.memory_space<vmem>>
    %dma_wait3A_81 = tpu.memref_squeeze %dma_wait3A_80 : memref<1x2x512xf32, #tpu.memory_space<vmem>> -> memref<2x512xf32, #tpu.memory_space<vmem>>
    %dma_wait3A_82 = arith.constant 0 : i32
    %dma_wait3A_83 = tpu.memref_slice %arg5[%add3A_76, %dma_wait3A_82] : memref<4096x512xf32, #tpu.memory_space<hbm>> -> memref<2x512xf32, #tpu.memory_space<hbm>>
    %dma_wait3A_84 = tpu.memref_slice %arg12[%dma_wait3A_77] : memref<2x!tpu.dma_semaphore, #tpu.memory_space<semaphore_mem>> -> memref<1x!tpu.dma_semaphore, #tpu.memory_space<semaphore_mem>>
    %dma_wait3A_85 = tpu.memref_squeeze %dma_wait3A_84 : memref<1x!tpu.dma_semaphore, #tpu.memory_space<semaphore_mem>> -> memref<!tpu.dma_semaphore, #tpu.memory_space<semaphore_mem>>
    %dma_wait3A_86 = arith.constant 0 : i32
    %dma_wait3A_87 = tpu.memref_slice %arg5[%add3A_76, %dma_wait3A_86] : memref<4096x512xf32, #tpu.memory_space<hbm>> -> memref<2x512xf32, #tpu.memory_space<hbm>>
    %dma_wait3A_88 = arith.constant 0 : i32
    %dma_wait3A_89 = arith.constant 0 : i32
    %dma_wait3A_90 = tpu.memref_slice %arg9[%dma_wait3A, %dma_wait3A_88, %dma_wait3A_89] : memref<2x2x512xf32, #tpu.memory_space<vmem>> -> memref<1x2x512xf32, #tpu.memory_space<vmem>>
    %dma_wait3A_91 = tpu.memref_squeeze %dma_wait3A_90 : memref<1x2x512xf32, #tpu.memory_space<vmem>> -> memref<2x512xf32, #tpu.memory_space<vmem>>
    tpu.wait_dma2 semaphore(%dma_wait3A_85 : memref<!tpu.dma_semaphore, #tpu.memory_space<semaphore_mem>>) src(%dma_wait3A_91 : memref<2x512xf32, #tpu.memory_space<vmem>>) dst(%dma_wait3A_87 : memref<2x512xf32, #tpu.memory_space<hbm>>)
    %add3A_92 = arith.constant 126 : i32
    %add3A_93 = arith.addi %mul3A_4, %add3A_92 : i32
    %dma_wait3A_94 = arith.constant 1 : i32
    %dma_wait3A_95 = arith.constant 1 : i32
    %dma_wait3A_96 = arith.constant 0 : i32
    %dma_wait3A_97 = arith.constant 0 : i32
    %dma_wait3A_98 = tpu.memref_slice %arg9[%dma_wait3A_94, %dma_wait3A_96, %dma_wait3A_97] : memref<2x2x512xf32, #tpu.memory_space<vmem>> -> memref<1x2x512xf32, #tpu.memory_space<vmem>>
    %dma_wait3A_99 = tpu.memref_squeeze %dma_wait3A_98 : memref<1x2x512xf32, #tpu.memory_space<vmem>> -> memref<2x512xf32, #tpu.memory_space<vmem>>
    %dma_wait3A_100 = arith.constant 0 : i32
    %dma_wait3A_101 = tpu.memref_slice %arg5[%add3A_93, %dma_wait3A_100] : memref<4096x512xf32, #tpu.memory_space<hbm>> -> memref<2x512xf32, #tpu.memory_space<hbm>>
    %dma_wait3A_102 = tpu.memref_slice %arg12[%dma_wait3A_95] : memref<2x!tpu.dma_semaphore, #tpu.memory_space<semaphore_mem>> -> memref<1x!tpu.dma_semaphore, #tpu.memory_space<semaphore_mem>>
    %dma_wait3A_103 = tpu.memref_squeeze %dma_wait3A_102 : memref<1x!tpu.dma_semaphore, #tpu.memory_space<semaphore_mem>> -> memref<!tpu.dma_semaphore, #tpu.memory_space<semaphore_mem>>
    %dma_wait3A_104 = arith.constant 0 : i32
    %dma_wait3A_105 = tpu.memref_slice %arg5[%add3A_93, %dma_wait3A_104] : memref<4096x512xf32, #tpu.memory_space<hbm>> -> memref<2x512xf32, #tpu.memory_space<hbm>>
    %dma_wait3A_106 = arith.constant 0 : i32
    %dma_wait3A_107 = arith.constant 0 : i32
    %dma_wait3A_108 = tpu.memref_slice %arg9[%dma_wait3A_94, %dma_wait3A_106, %dma_wait3A_107] : memref<2x2x512xf32, #tpu.memory_space<vmem>> -> memref<1x2x512xf32, #tpu.memory_space<vmem>>
    %dma_wait3A_109 = tpu.memref_squeeze %dma_wait3A_108 : memref<1x2x512xf32, #tpu.memory_space<vmem>> -> memref<2x512xf32, #tpu.memory_space<vmem>>
    tpu.wait_dma2 semaphore(%dma_wait3A_103 : memref<!tpu.dma_semaphore, #tpu.memory_space<semaphore_mem>>) src(%dma_wait3A_109 : memref<2x512xf32, #tpu.memory_space<vmem>>) dst(%dma_wait3A_105 : memref<2x512xf32, #tpu.memory_space<hbm>>)
    return
  }
}

module attributes {stable_mosaic.version = 14 : i64} {
  func.func @_tc_body(%arg0: i32, %arg1: memref<512x2048xf32, #tpu.memory_space<vmem>>, %arg2: memref<1024x2048xf32, #tpu.memory_space<vmem>>, %arg3: memref<1x1024xf32, #tpu.memory_space<vmem>>, %arg4: memref<4x2x512x128xf32, #tpu.memory_space<vmem>>, %arg5: memref<512x32xi32, #tpu.memory_space<vmem>>, %arg6: memref<512x512xf32, #tpu.memory_space<vmem>>) attributes {dimension_semantics = [#tpu.dimension_semantics<arbitrary>], iteration_bounds = array<i64: 8>, scalar_prefetch = 0 : i64, scratch_operands = 0 : i64, tpu.core_type = #tpu.core_type<tc>, window_params = [{transform_indices = @transform_0, window_bounds = array<i64: 512, 2048>}, {pipeline_mode = #tpu.pipeline_mode<synchronous>, transform_indices = @transform_1, window_bounds = array<i64: 1024, 2048>}, {pipeline_mode = #tpu.pipeline_mode<synchronous>, transform_indices = @transform_2, window_bounds = array<i64: 1, 1024>}, {pipeline_mode = #tpu.pipeline_mode<synchronous>, transform_indices = @transform_3, window_bounds = array<i64: 4, 2, 512, 128>}, {transform_indices = @transform_4, window_bounds = array<i64: 512, 32>}, {transform_indices = @transform_5, window_bounds = array<i64: 512, 512>}]} {
    %get3A = arith.constant 0 : index
    %get3A_0 = arith.constant 0 : index
    %get3A_1 = vector.load %arg1[%get3A, %get3A_0] : memref<512x2048xf32, #tpu.memory_space<vmem>>, vector<512x2048xf32>
    %get3A_2 = arith.constant 0 : index
    %get3A_3 = arith.constant 0 : index
    %get3A_4 = vector.load %arg2[%get3A_2, %get3A_3] : memref<1024x2048xf32, #tpu.memory_space<vmem>>, vector<1024x2048xf32>
    %dot_general3A = arith.constant dense<0.000000e+00> : vector<512x1024xf32>
    %dot_general3A_5 = tpu.matmul %get3A_1, %get3A_4, %dot_general3A {dimension_numbers = #tpu.dot_dimension_numbers<[1], [1], [0], [0], [0, 0, 1, 0], [], []>, transpose_lhs_hint = false} : vector<512x2048xf32>, vector<1024x2048xf32>, vector<512x1024xf32> -> vector<512x1024xf32>
    %get3A_6 = arith.constant 0 : index
    %get3A_7 = arith.constant 0 : index
    %get3A_8 = vector.load %arg3[%get3A_6, %get3A_7] : memref<1x1024xf32, #tpu.memory_space<vmem>>, vector<1x1024xf32>
    %add3A = vector.broadcast %get3A_8 : vector<1x1024xf32> to vector<512x1024xf32>
    %add3A_9 = arith.addf %dot_general3A_5, %add3A : vector<512x1024xf32>
    %slice3A = vector.extract_strided_slice %add3A_9 {offsets = [0, 0], sizes = [512, 128], strides = [1, 1]} : vector<512x1024xf32> to vector<512x128xf32>
    %slice3A_10 = vector.extract_strided_slice %add3A_9 {offsets = [0, 128], sizes = [512, 128], strides = [1, 1]} : vector<512x1024xf32> to vector<512x128xf32>
    %get3A_11 = arith.constant 0 : index
    %get3A_12 = arith.constant 0 : index
    %get3A_13 = arith.constant 0 : index
    %get3A_14 = arith.constant 0 : index
    %get3A_15 = vector.load %arg4[%get3A_11, %get3A_12, %get3A_13, %get3A_14] : memref<4x2x512x128xf32, #tpu.memory_space<vmem>>, vector<1x1x512x128xf32>
    %get3A_16 = vector.shape_cast %get3A_15 : vector<1x1x512x128xf32> to vector<512x128xf32>
    %dot_general3A_17 = arith.constant dense<0.000000e+00> : vector<512x512xf32>
    %dot_general3A_18 = tpu.matmul %slice3A, %get3A_16, %dot_general3A_17 {dimension_numbers = #tpu.dot_dimension_numbers<[1], [1], [0], [0], [0, 0, 1, 0], [], []>, transpose_lhs_hint = false} : vector<512x128xf32>, vector<512x128xf32>, vector<512x512xf32> -> vector<512x512xf32>
    %get3A_19 = arith.constant 0 : index
    %get3A_20 = arith.constant 1 : index
    %get3A_21 = arith.constant 0 : index
    %get3A_22 = arith.constant 0 : index
    %get3A_23 = vector.load %arg4[%get3A_19, %get3A_20, %get3A_21, %get3A_22] : memref<4x2x512x128xf32, #tpu.memory_space<vmem>>, vector<1x1x512x128xf32>
    %get3A_24 = vector.shape_cast %get3A_23 : vector<1x1x512x128xf32> to vector<512x128xf32>
    %dot_general3A_25 = arith.constant dense<0.000000e+00> : vector<512x512xf32>
    %dot_general3A_26 = tpu.matmul %slice3A_10, %get3A_24, %dot_general3A_25 {dimension_numbers = #tpu.dot_dimension_numbers<[1], [1], [0], [0], [0, 0, 1, 0], [], []>, transpose_lhs_hint = false} : vector<512x128xf32>, vector<512x128xf32>, vector<512x512xf32> -> vector<512x512xf32>
    %iota3A = tpu.iota {dimensions = array<i32: 1>} : vector<512x512xi32>
    %reduce_max3A = arith.constant dense<0xFF800000> : vector<512xf32>
    %reduce_max3A_27 = vector.multi_reduction <maximumf>, %dot_general3A_18, %reduce_max3A [1] : vector<512x512xf32> to vector<512xf32>
    %broadcast_in_dim3A = vector.shape_cast %reduce_max3A_27 : vector<512xf32> to vector<512x1xf32>
    %argmax3A = tpu.reduce_index %dot_general3A_18 {axis = 1 : i32, kind = #tpu.reduction_kind<arg_max>} : vector<512x512xf32> -> vector<512xi32>
    %broadcast_in_dim3A_28 = vector.shape_cast %argmax3A : vector<512xi32> to vector<512x1xi32>
    %eq3A = vector.broadcast %broadcast_in_dim3A_28 : vector<512x1xi32> to vector<512x512xi32>
    %eq3A_29 = arith.cmpi eq, %iota3A, %eq3A : vector<512x512xi32>
    %jit3A = arith.constant -1.000000e+30 : f32
    %broadcast_in_dim3A_30 = vector.broadcast %jit3A : f32 to vector<512x512xf32>
    %select_n3A = arith.select %eq3A_29, %broadcast_in_dim3A_30, %dot_general3A_18 : vector<512x512xi1>, vector<512x512xf32>
    %reduce_max3A_31 = arith.constant dense<0xFF800000> : vector<512xf32>
    %reduce_max3A_32 = vector.multi_reduction <maximumf>, %select_n3A, %reduce_max3A_31 [1] : vector<512x512xf32> to vector<512xf32>
    %broadcast_in_dim3A_33 = vector.shape_cast %reduce_max3A_32 : vector<512xf32> to vector<512x1xf32>
    %argmax3A_34 = tpu.reduce_index %select_n3A {axis = 1 : i32, kind = #tpu.reduction_kind<arg_max>} : vector<512x512xf32> -> vector<512xi32>
    %broadcast_in_dim3A_35 = vector.shape_cast %argmax3A_34 : vector<512xi32> to vector<512x1xi32>
    %eq3A_36 = vector.broadcast %broadcast_in_dim3A_35 : vector<512x1xi32> to vector<512x512xi32>
    %eq3A_37 = arith.cmpi eq, %iota3A, %eq3A_36 : vector<512x512xi32>
    %jit3A_38 = arith.constant -1.000000e+30 : f32
    %broadcast_in_dim3A_39 = vector.broadcast %jit3A_38 : f32 to vector<512x512xf32>
    %select_n3A_40 = arith.select %eq3A_37, %broadcast_in_dim3A_39, %select_n3A : vector<512x512xi1>, vector<512x512xf32>
    %reduce_max3A_41 = arith.constant dense<0xFF800000> : vector<512xf32>
    %reduce_max3A_42 = vector.multi_reduction <maximumf>, %select_n3A_40, %reduce_max3A_41 [1] : vector<512x512xf32> to vector<512xf32>
    %broadcast_in_dim3A_43 = vector.shape_cast %reduce_max3A_42 : vector<512xf32> to vector<512x1xf32>
    %argmax3A_44 = tpu.reduce_index %select_n3A_40 {axis = 1 : i32, kind = #tpu.reduction_kind<arg_max>} : vector<512x512xf32> -> vector<512xi32>
    %broadcast_in_dim3A_45 = vector.shape_cast %argmax3A_44 : vector<512xi32> to vector<512x1xi32>
    %eq3A_46 = vector.broadcast %broadcast_in_dim3A_45 : vector<512x1xi32> to vector<512x512xi32>
    %eq3A_47 = arith.cmpi eq, %iota3A, %eq3A_46 : vector<512x512xi32>
    %jit3A_48 = arith.constant -1.000000e+30 : f32
    %broadcast_in_dim3A_49 = vector.broadcast %jit3A_48 : f32 to vector<512x512xf32>
    %select_n3A_50 = arith.select %eq3A_47, %broadcast_in_dim3A_49, %select_n3A_40 : vector<512x512xi1>, vector<512x512xf32>
    %reduce_max3A_51 = arith.constant dense<0xFF800000> : vector<512xf32>
    %reduce_max3A_52 = vector.multi_reduction <maximumf>, %select_n3A_50, %reduce_max3A_51 [1] : vector<512x512xf32> to vector<512xf32>
    %broadcast_in_dim3A_53 = vector.shape_cast %reduce_max3A_52 : vector<512xf32> to vector<512x1xf32>
    %argmax3A_54 = tpu.reduce_index %select_n3A_50 {axis = 1 : i32, kind = #tpu.reduction_kind<arg_max>} : vector<512x512xf32> -> vector<512xi32>
    %broadcast_in_dim3A_55 = vector.shape_cast %argmax3A_54 : vector<512xi32> to vector<512x1xi32>
    %eq3A_56 = vector.broadcast %broadcast_in_dim3A_55 : vector<512x1xi32> to vector<512x512xi32>
    %eq3A_57 = arith.cmpi eq, %iota3A, %eq3A_56 : vector<512x512xi32>
    %jit3A_58 = arith.constant -1.000000e+30 : f32
    %broadcast_in_dim3A_59 = vector.broadcast %jit3A_58 : f32 to vector<512x512xf32>
    %select_n3A_60 = arith.select %eq3A_57, %broadcast_in_dim3A_59, %select_n3A_50 : vector<512x512xi1>, vector<512x512xf32>
    %reduce_max3A_61 = arith.constant dense<0xFF800000> : vector<512xf32>
    %reduce_max3A_62 = vector.multi_reduction <maximumf>, %select_n3A_60, %reduce_max3A_61 [1] : vector<512x512xf32> to vector<512xf32>
    %broadcast_in_dim3A_63 = vector.shape_cast %reduce_max3A_62 : vector<512xf32> to vector<512x1xf32>
    %argmax3A_64 = tpu.reduce_index %select_n3A_60 {axis = 1 : i32, kind = #tpu.reduction_kind<arg_max>} : vector<512x512xf32> -> vector<512xi32>
    %broadcast_in_dim3A_65 = vector.shape_cast %argmax3A_64 : vector<512xi32> to vector<512x1xi32>
    %eq3A_66 = vector.broadcast %broadcast_in_dim3A_65 : vector<512x1xi32> to vector<512x512xi32>
    %eq3A_67 = arith.cmpi eq, %iota3A, %eq3A_66 : vector<512x512xi32>
    %jit3A_68 = arith.constant -1.000000e+30 : f32
    %broadcast_in_dim3A_69 = vector.broadcast %jit3A_68 : f32 to vector<512x512xf32>
    %select_n3A_70 = arith.select %eq3A_67, %broadcast_in_dim3A_69, %select_n3A_60 : vector<512x512xi1>, vector<512x512xf32>
    %reduce_max3A_71 = arith.constant dense<0xFF800000> : vector<512xf32>
    %reduce_max3A_72 = vector.multi_reduction <maximumf>, %select_n3A_70, %reduce_max3A_71 [1] : vector<512x512xf32> to vector<512xf32>
    %broadcast_in_dim3A_73 = vector.shape_cast %reduce_max3A_72 : vector<512xf32> to vector<512x1xf32>
    %argmax3A_74 = tpu.reduce_index %select_n3A_70 {axis = 1 : i32, kind = #tpu.reduction_kind<arg_max>} : vector<512x512xf32> -> vector<512xi32>
    %broadcast_in_dim3A_75 = vector.shape_cast %argmax3A_74 : vector<512xi32> to vector<512x1xi32>
    %eq3A_76 = vector.broadcast %broadcast_in_dim3A_75 : vector<512x1xi32> to vector<512x512xi32>
    %eq3A_77 = arith.cmpi eq, %iota3A, %eq3A_76 : vector<512x512xi32>
    %jit3A_78 = arith.constant -1.000000e+30 : f32
    %broadcast_in_dim3A_79 = vector.broadcast %jit3A_78 : f32 to vector<512x512xf32>
    %select_n3A_80 = arith.select %eq3A_77, %broadcast_in_dim3A_79, %select_n3A_70 : vector<512x512xi1>, vector<512x512xf32>
    %reduce_max3A_81 = arith.constant dense<0xFF800000> : vector<512xf32>
    %reduce_max3A_82 = vector.multi_reduction <maximumf>, %select_n3A_80, %reduce_max3A_81 [1] : vector<512x512xf32> to vector<512xf32>
    %broadcast_in_dim3A_83 = vector.shape_cast %reduce_max3A_82 : vector<512xf32> to vector<512x1xf32>
    %argmax3A_84 = tpu.reduce_index %select_n3A_80 {axis = 1 : i32, kind = #tpu.reduction_kind<arg_max>} : vector<512x512xf32> -> vector<512xi32>
    %broadcast_in_dim3A_85 = vector.shape_cast %argmax3A_84 : vector<512xi32> to vector<512x1xi32>
    %eq3A_86 = vector.broadcast %broadcast_in_dim3A_85 : vector<512x1xi32> to vector<512x512xi32>
    %eq3A_87 = arith.cmpi eq, %iota3A, %eq3A_86 : vector<512x512xi32>
    %jit3A_88 = arith.constant -1.000000e+30 : f32
    %broadcast_in_dim3A_89 = vector.broadcast %jit3A_88 : f32 to vector<512x512xf32>
    %select_n3A_90 = arith.select %eq3A_87, %broadcast_in_dim3A_89, %select_n3A_80 : vector<512x512xi1>, vector<512x512xf32>
    %reduce_max3A_91 = arith.constant dense<0xFF800000> : vector<512xf32>
    %reduce_max3A_92 = vector.multi_reduction <maximumf>, %select_n3A_90, %reduce_max3A_91 [1] : vector<512x512xf32> to vector<512xf32>
    %broadcast_in_dim3A_93 = vector.shape_cast %reduce_max3A_92 : vector<512xf32> to vector<512x1xf32>
    %argmax3A_94 = tpu.reduce_index %select_n3A_90 {axis = 1 : i32, kind = #tpu.reduction_kind<arg_max>} : vector<512x512xf32> -> vector<512xi32>
    %broadcast_in_dim3A_95 = vector.shape_cast %argmax3A_94 : vector<512xi32> to vector<512x1xi32>
    %iota3A_96 = tpu.iota {dimensions = array<i32: 1>} : vector<512x512xi32>
    %reduce_max3A_97 = arith.constant dense<0xFF800000> : vector<512xf32>
    %reduce_max3A_98 = vector.multi_reduction <maximumf>, %dot_general3A_26, %reduce_max3A_97 [1] : vector<512x512xf32> to vector<512xf32>
    %broadcast_in_dim3A_99 = vector.shape_cast %reduce_max3A_98 : vector<512xf32> to vector<512x1xf32>
    %argmax3A_100 = tpu.reduce_index %dot_general3A_26 {axis = 1 : i32, kind = #tpu.reduction_kind<arg_max>} : vector<512x512xf32> -> vector<512xi32>
    %broadcast_in_dim3A_101 = vector.shape_cast %argmax3A_100 : vector<512xi32> to vector<512x1xi32>
    %eq3A_102 = vector.broadcast %broadcast_in_dim3A_101 : vector<512x1xi32> to vector<512x512xi32>
    %eq3A_103 = arith.cmpi eq, %iota3A_96, %eq3A_102 : vector<512x512xi32>
    %jit3A_104 = arith.constant -1.000000e+30 : f32
    %broadcast_in_dim3A_105 = vector.broadcast %jit3A_104 : f32 to vector<512x512xf32>
    %select_n3A_106 = arith.select %eq3A_103, %broadcast_in_dim3A_105, %dot_general3A_26 : vector<512x512xi1>, vector<512x512xf32>
    %reduce_max3A_107 = arith.constant dense<0xFF800000> : vector<512xf32>
    %reduce_max3A_108 = vector.multi_reduction <maximumf>, %select_n3A_106, %reduce_max3A_107 [1] : vector<512x512xf32> to vector<512xf32>
    %broadcast_in_dim3A_109 = vector.shape_cast %reduce_max3A_108 : vector<512xf32> to vector<512x1xf32>
    %argmax3A_110 = tpu.reduce_index %select_n3A_106 {axis = 1 : i32, kind = #tpu.reduction_kind<arg_max>} : vector<512x512xf32> -> vector<512xi32>
    %broadcast_in_dim3A_111 = vector.shape_cast %argmax3A_110 : vector<512xi32> to vector<512x1xi32>
    %eq3A_112 = vector.broadcast %broadcast_in_dim3A_111 : vector<512x1xi32> to vector<512x512xi32>
    %eq3A_113 = arith.cmpi eq, %iota3A_96, %eq3A_112 : vector<512x512xi32>
    %jit3A_114 = arith.constant -1.000000e+30 : f32
    %broadcast_in_dim3A_115 = vector.broadcast %jit3A_114 : f32 to vector<512x512xf32>
    %select_n3A_116 = arith.select %eq3A_113, %broadcast_in_dim3A_115, %select_n3A_106 : vector<512x512xi1>, vector<512x512xf32>
    %reduce_max3A_117 = arith.constant dense<0xFF800000> : vector<512xf32>
    %reduce_max3A_118 = vector.multi_reduction <maximumf>, %select_n3A_116, %reduce_max3A_117 [1] : vector<512x512xf32> to vector<512xf32>
    %broadcast_in_dim3A_119 = vector.shape_cast %reduce_max3A_118 : vector<512xf32> to vector<512x1xf32>
    %argmax3A_120 = tpu.reduce_index %select_n3A_116 {axis = 1 : i32, kind = #tpu.reduction_kind<arg_max>} : vector<512x512xf32> -> vector<512xi32>
    %broadcast_in_dim3A_121 = vector.shape_cast %argmax3A_120 : vector<512xi32> to vector<512x1xi32>
    %eq3A_122 = vector.broadcast %broadcast_in_dim3A_121 : vector<512x1xi32> to vector<512x512xi32>
    %eq3A_123 = arith.cmpi eq, %iota3A_96, %eq3A_122 : vector<512x512xi32>
    %jit3A_124 = arith.constant -1.000000e+30 : f32
    %broadcast_in_dim3A_125 = vector.broadcast %jit3A_124 : f32 to vector<512x512xf32>
    %select_n3A_126 = arith.select %eq3A_123, %broadcast_in_dim3A_125, %select_n3A_116 : vector<512x512xi1>, vector<512x512xf32>
    %reduce_max3A_127 = arith.constant dense<0xFF800000> : vector<512xf32>
    %reduce_max3A_128 = vector.multi_reduction <maximumf>, %select_n3A_126, %reduce_max3A_127 [1] : vector<512x512xf32> to vector<512xf32>
    %broadcast_in_dim3A_129 = vector.shape_cast %reduce_max3A_128 : vector<512xf32> to vector<512x1xf32>
    %argmax3A_130 = tpu.reduce_index %select_n3A_126 {axis = 1 : i32, kind = #tpu.reduction_kind<arg_max>} : vector<512x512xf32> -> vector<512xi32>
    %broadcast_in_dim3A_131 = vector.shape_cast %argmax3A_130 : vector<512xi32> to vector<512x1xi32>
    %eq3A_132 = vector.broadcast %broadcast_in_dim3A_131 : vector<512x1xi32> to vector<512x512xi32>
    %eq3A_133 = arith.cmpi eq, %iota3A_96, %eq3A_132 : vector<512x512xi32>
    %jit3A_134 = arith.constant -1.000000e+30 : f32
    %broadcast_in_dim3A_135 = vector.broadcast %jit3A_134 : f32 to vector<512x512xf32>
    %select_n3A_136 = arith.select %eq3A_133, %broadcast_in_dim3A_135, %select_n3A_126 : vector<512x512xi1>, vector<512x512xf32>
    %reduce_max3A_137 = arith.constant dense<0xFF800000> : vector<512xf32>
    %reduce_max3A_138 = vector.multi_reduction <maximumf>, %select_n3A_136, %reduce_max3A_137 [1] : vector<512x512xf32> to vector<512xf32>
    %broadcast_in_dim3A_139 = vector.shape_cast %reduce_max3A_138 : vector<512xf32> to vector<512x1xf32>
    %argmax3A_140 = tpu.reduce_index %select_n3A_136 {axis = 1 : i32, kind = #tpu.reduction_kind<arg_max>} : vector<512x512xf32> -> vector<512xi32>
    %broadcast_in_dim3A_141 = vector.shape_cast %argmax3A_140 : vector<512xi32> to vector<512x1xi32>
    %eq3A_142 = vector.broadcast %broadcast_in_dim3A_141 : vector<512x1xi32> to vector<512x512xi32>
    %eq3A_143 = arith.cmpi eq, %iota3A_96, %eq3A_142 : vector<512x512xi32>
    %jit3A_144 = arith.constant -1.000000e+30 : f32
    %broadcast_in_dim3A_145 = vector.broadcast %jit3A_144 : f32 to vector<512x512xf32>
    %select_n3A_146 = arith.select %eq3A_143, %broadcast_in_dim3A_145, %select_n3A_136 : vector<512x512xi1>, vector<512x512xf32>
    %reduce_max3A_147 = arith.constant dense<0xFF800000> : vector<512xf32>
    %reduce_max3A_148 = vector.multi_reduction <maximumf>, %select_n3A_146, %reduce_max3A_147 [1] : vector<512x512xf32> to vector<512xf32>
    %broadcast_in_dim3A_149 = vector.shape_cast %reduce_max3A_148 : vector<512xf32> to vector<512x1xf32>
    %argmax3A_150 = tpu.reduce_index %select_n3A_146 {axis = 1 : i32, kind = #tpu.reduction_kind<arg_max>} : vector<512x512xf32> -> vector<512xi32>
    %broadcast_in_dim3A_151 = vector.shape_cast %argmax3A_150 : vector<512xi32> to vector<512x1xi32>
    %eq3A_152 = vector.broadcast %broadcast_in_dim3A_151 : vector<512x1xi32> to vector<512x512xi32>
    %eq3A_153 = arith.cmpi eq, %iota3A_96, %eq3A_152 : vector<512x512xi32>
    %jit3A_154 = arith.constant -1.000000e+30 : f32
    %broadcast_in_dim3A_155 = vector.broadcast %jit3A_154 : f32 to vector<512x512xf32>
    %select_n3A_156 = arith.select %eq3A_153, %broadcast_in_dim3A_155, %select_n3A_146 : vector<512x512xi1>, vector<512x512xf32>
    %reduce_max3A_157 = arith.constant dense<0xFF800000> : vector<512xf32>
    %reduce_max3A_158 = vector.multi_reduction <maximumf>, %select_n3A_156, %reduce_max3A_157 [1] : vector<512x512xf32> to vector<512xf32>
    %broadcast_in_dim3A_159 = vector.shape_cast %reduce_max3A_158 : vector<512xf32> to vector<512x1xf32>
    %argmax3A_160 = tpu.reduce_index %select_n3A_156 {axis = 1 : i32, kind = #tpu.reduction_kind<arg_max>} : vector<512x512xf32> -> vector<512xi32>
    %broadcast_in_dim3A_161 = vector.shape_cast %argmax3A_160 : vector<512xi32> to vector<512x1xi32>
    %eq3A_162 = vector.broadcast %broadcast_in_dim3A_161 : vector<512x1xi32> to vector<512x512xi32>
    %eq3A_163 = arith.cmpi eq, %iota3A_96, %eq3A_162 : vector<512x512xi32>
    %jit3A_164 = arith.constant -1.000000e+30 : f32
    %broadcast_in_dim3A_165 = vector.broadcast %jit3A_164 : f32 to vector<512x512xf32>
    %select_n3A_166 = arith.select %eq3A_163, %broadcast_in_dim3A_165, %select_n3A_156 : vector<512x512xi1>, vector<512x512xf32>
    %reduce_max3A_167 = arith.constant dense<0xFF800000> : vector<512xf32>
    %reduce_max3A_168 = vector.multi_reduction <maximumf>, %select_n3A_166, %reduce_max3A_167 [1] : vector<512x512xf32> to vector<512xf32>
    %broadcast_in_dim3A_169 = vector.shape_cast %reduce_max3A_168 : vector<512xf32> to vector<512x1xf32>
    %argmax3A_170 = tpu.reduce_index %select_n3A_166 {axis = 1 : i32, kind = #tpu.reduction_kind<arg_max>} : vector<512x512xf32> -> vector<512xi32>
    %broadcast_in_dim3A_171 = vector.shape_cast %argmax3A_170 : vector<512xi32> to vector<512x1xi32>
    %concatenate3A = tpu.concatenate %broadcast_in_dim3A_99, %broadcast_in_dim3A_109, %broadcast_in_dim3A_119, %broadcast_in_dim3A_129, %broadcast_in_dim3A_139, %broadcast_in_dim3A_149, %broadcast_in_dim3A_159, %broadcast_in_dim3A_169 in 1 : vector<512x1xf32>, vector<512x1xf32>, vector<512x1xf32>, vector<512x1xf32>, vector<512x1xf32>, vector<512x1xf32>, vector<512x1xf32>, vector<512x1xf32> -> vector<512x8xf32>
    %concatenate3A_172 = tpu.concatenate %broadcast_in_dim3A_101, %broadcast_in_dim3A_111, %broadcast_in_dim3A_121, %broadcast_in_dim3A_131, %broadcast_in_dim3A_141, %broadcast_in_dim3A_151, %broadcast_in_dim3A_161, %broadcast_in_dim3A_171 in 1 : vector<512x1xi32>, vector<512x1xi32>, vector<512x1xi32>, vector<512x1xi32>, vector<512x1xi32>, vector<512x1xi32>, vector<512x1xi32>, vector<512x1xi32> -> vector<512x8xi32>
    %add3A_173 = vector.broadcast %broadcast_in_dim3A : vector<512x1xf32> to vector<512x8xf32>
    %add3A_174 = arith.addf %add3A_173, %concatenate3A : vector<512x8xf32>
    %add3A_175 = vector.broadcast %broadcast_in_dim3A_33 : vector<512x1xf32> to vector<512x8xf32>
    %add3A_176 = arith.addf %add3A_175, %concatenate3A : vector<512x8xf32>
    %add3A_177 = vector.broadcast %broadcast_in_dim3A_43 : vector<512x1xf32> to vector<512x8xf32>
    %add3A_178 = arith.addf %add3A_177, %concatenate3A : vector<512x8xf32>
    %add3A_179 = vector.broadcast %broadcast_in_dim3A_53 : vector<512x1xf32> to vector<512x8xf32>
    %add3A_180 = arith.addf %add3A_179, %concatenate3A : vector<512x8xf32>
    %add3A_181 = vector.broadcast %broadcast_in_dim3A_63 : vector<512x1xf32> to vector<512x8xf32>
    %add3A_182 = arith.addf %add3A_181, %concatenate3A : vector<512x8xf32>
    %add3A_183 = vector.broadcast %broadcast_in_dim3A_73 : vector<512x1xf32> to vector<512x8xf32>
    %add3A_184 = arith.addf %add3A_183, %concatenate3A : vector<512x8xf32>
    %add3A_185 = vector.broadcast %broadcast_in_dim3A_83 : vector<512x1xf32> to vector<512x8xf32>
    %add3A_186 = arith.addf %add3A_185, %concatenate3A : vector<512x8xf32>
    %add3A_187 = vector.broadcast %broadcast_in_dim3A_93 : vector<512x1xf32> to vector<512x8xf32>
    %add3A_188 = arith.addf %add3A_187, %concatenate3A : vector<512x8xf32>
    %concatenate3A_189 = tpu.concatenate %add3A_174, %add3A_176, %add3A_178, %add3A_180, %add3A_182, %add3A_184, %add3A_186, %add3A_188 in 1 : vector<512x8xf32>, vector<512x8xf32>, vector<512x8xf32>, vector<512x8xf32>, vector<512x8xf32>, vector<512x8xf32>, vector<512x8xf32>, vector<512x8xf32> -> vector<512x64xf32>
    %mul3A = arith.constant 512 : i32
    %mul3A_190 = vector.broadcast %mul3A : i32 to vector<512x1xi32>
    %mul3A_191 = arith.muli %broadcast_in_dim3A_28, %mul3A_190 : vector<512x1xi32>
    %add3A_192 = vector.broadcast %mul3A_191 : vector<512x1xi32> to vector<512x8xi32>
    %add3A_193 = arith.addi %add3A_192, %concatenate3A_172 : vector<512x8xi32>
    %mul3A_194 = arith.constant 512 : i32
    %mul3A_195 = vector.broadcast %mul3A_194 : i32 to vector<512x1xi32>
    %mul3A_196 = arith.muli %broadcast_in_dim3A_35, %mul3A_195 : vector<512x1xi32>
    %add3A_197 = vector.broadcast %mul3A_196 : vector<512x1xi32> to vector<512x8xi32>
    %add3A_198 = arith.addi %add3A_197, %concatenate3A_172 : vector<512x8xi32>
    %mul3A_199 = arith.constant 512 : i32
    %mul3A_200 = vector.broadcast %mul3A_199 : i32 to vector<512x1xi32>
    %mul3A_201 = arith.muli %broadcast_in_dim3A_45, %mul3A_200 : vector<512x1xi32>
    %add3A_202 = vector.broadcast %mul3A_201 : vector<512x1xi32> to vector<512x8xi32>
    %add3A_203 = arith.addi %add3A_202, %concatenate3A_172 : vector<512x8xi32>
    %mul3A_204 = arith.constant 512 : i32
    %mul3A_205 = vector.broadcast %mul3A_204 : i32 to vector<512x1xi32>
    %mul3A_206 = arith.muli %broadcast_in_dim3A_55, %mul3A_205 : vector<512x1xi32>
    %add3A_207 = vector.broadcast %mul3A_206 : vector<512x1xi32> to vector<512x8xi32>
    %add3A_208 = arith.addi %add3A_207, %concatenate3A_172 : vector<512x8xi32>
    %mul3A_209 = arith.constant 512 : i32
    %mul3A_210 = vector.broadcast %mul3A_209 : i32 to vector<512x1xi32>
    %mul3A_211 = arith.muli %broadcast_in_dim3A_65, %mul3A_210 : vector<512x1xi32>
    %add3A_212 = vector.broadcast %mul3A_211 : vector<512x1xi32> to vector<512x8xi32>
    %add3A_213 = arith.addi %add3A_212, %concatenate3A_172 : vector<512x8xi32>
    %mul3A_214 = arith.constant 512 : i32
    %mul3A_215 = vector.broadcast %mul3A_214 : i32 to vector<512x1xi32>
    %mul3A_216 = arith.muli %broadcast_in_dim3A_75, %mul3A_215 : vector<512x1xi32>
    %add3A_217 = vector.broadcast %mul3A_216 : vector<512x1xi32> to vector<512x8xi32>
    %add3A_218 = arith.addi %add3A_217, %concatenate3A_172 : vector<512x8xi32>
    %mul3A_219 = arith.constant 512 : i32
    %mul3A_220 = vector.broadcast %mul3A_219 : i32 to vector<512x1xi32>
    %mul3A_221 = arith.muli %broadcast_in_dim3A_85, %mul3A_220 : vector<512x1xi32>
    %add3A_222 = vector.broadcast %mul3A_221 : vector<512x1xi32> to vector<512x8xi32>
    %add3A_223 = arith.addi %add3A_222, %concatenate3A_172 : vector<512x8xi32>
    %mul3A_224 = arith.constant 512 : i32
    %mul3A_225 = vector.broadcast %mul3A_224 : i32 to vector<512x1xi32>
    %mul3A_226 = arith.muli %broadcast_in_dim3A_95, %mul3A_225 : vector<512x1xi32>
    %add3A_227 = vector.broadcast %mul3A_226 : vector<512x1xi32> to vector<512x8xi32>
    %add3A_228 = arith.addi %add3A_227, %concatenate3A_172 : vector<512x8xi32>
    %concatenate3A_229 = tpu.concatenate %add3A_193, %add3A_198, %add3A_203, %add3A_208, %add3A_213, %add3A_218, %add3A_223, %add3A_228 in 1 : vector<512x8xi32>, vector<512x8xi32>, vector<512x8xi32>, vector<512x8xi32>, vector<512x8xi32>, vector<512x8xi32>, vector<512x8xi32>, vector<512x8xi32> -> vector<512x64xi32>
    %iota3A_230 = tpu.iota {dimensions = array<i32: 1>} : vector<512x64xi32>
    %reduce_max3A_231 = arith.constant dense<0xFF800000> : vector<512xf32>
    %reduce_max3A_232 = vector.multi_reduction <maximumf>, %concatenate3A_189, %reduce_max3A_231 [1] : vector<512x64xf32> to vector<512xf32>
    %broadcast_in_dim3A_233 = vector.shape_cast %reduce_max3A_232 : vector<512xf32> to vector<512x1xf32>
    %argmax3A_234 = tpu.reduce_index %concatenate3A_189 {axis = 1 : i32, kind = #tpu.reduction_kind<arg_max>} : vector<512x64xf32> -> vector<512xi32>
    %broadcast_in_dim3A_235 = vector.shape_cast %argmax3A_234 : vector<512xi32> to vector<512x1xi32>
    %eq3A_236 = vector.broadcast %broadcast_in_dim3A_235 : vector<512x1xi32> to vector<512x64xi32>
    %eq3A_237 = arith.cmpi eq, %iota3A_230, %eq3A_236 : vector<512x64xi32>
    %jit3A_238 = arith.constant 0 : i32
    %broadcast_in_dim3A_239 = vector.broadcast %jit3A_238 : i32 to vector<512x64xi32>
    %select_n3A_240 = arith.select %eq3A_237, %concatenate3A_229, %broadcast_in_dim3A_239 : vector<512x64xi1>, vector<512x64xi32>
    %reduce_sum3A = arith.constant dense<0> : vector<512xi32>
    %reduce_sum3A_241 = vector.multi_reduction <add>, %select_n3A_240, %reduce_sum3A [1] : vector<512x64xi32> to vector<512xi32>
    %broadcast_in_dim3A_242 = vector.shape_cast %reduce_sum3A_241 : vector<512xi32> to vector<512x1xi32>
    %jit3A_243 = arith.constant -1.000000e+30 : f32
    %broadcast_in_dim3A_244 = vector.broadcast %jit3A_243 : f32 to vector<512x64xf32>
    %select_n3A_245 = arith.select %eq3A_237, %broadcast_in_dim3A_244, %concatenate3A_189 : vector<512x64xi1>, vector<512x64xf32>
    %reduce_max3A_246 = arith.constant dense<0xFF800000> : vector<512xf32>
    %reduce_max3A_247 = vector.multi_reduction <maximumf>, %select_n3A_245, %reduce_max3A_246 [1] : vector<512x64xf32> to vector<512xf32>
    %broadcast_in_dim3A_248 = vector.shape_cast %reduce_max3A_247 : vector<512xf32> to vector<512x1xf32>
    %argmax3A_249 = tpu.reduce_index %select_n3A_245 {axis = 1 : i32, kind = #tpu.reduction_kind<arg_max>} : vector<512x64xf32> -> vector<512xi32>
    %broadcast_in_dim3A_250 = vector.shape_cast %argmax3A_249 : vector<512xi32> to vector<512x1xi32>
    %eq3A_251 = vector.broadcast %broadcast_in_dim3A_250 : vector<512x1xi32> to vector<512x64xi32>
    %eq3A_252 = arith.cmpi eq, %iota3A_230, %eq3A_251 : vector<512x64xi32>
    %jit3A_253 = arith.constant 0 : i32
    %broadcast_in_dim3A_254 = vector.broadcast %jit3A_253 : i32 to vector<512x64xi32>
    %select_n3A_255 = arith.select %eq3A_252, %concatenate3A_229, %broadcast_in_dim3A_254 : vector<512x64xi1>, vector<512x64xi32>
    %reduce_sum3A_256 = arith.constant dense<0> : vector<512xi32>
    %reduce_sum3A_257 = vector.multi_reduction <add>, %select_n3A_255, %reduce_sum3A_256 [1] : vector<512x64xi32> to vector<512xi32>
    %broadcast_in_dim3A_258 = vector.shape_cast %reduce_sum3A_257 : vector<512xi32> to vector<512x1xi32>
    %jit3A_259 = arith.constant -1.000000e+30 : f32
    %broadcast_in_dim3A_260 = vector.broadcast %jit3A_259 : f32 to vector<512x64xf32>
    %select_n3A_261 = arith.select %eq3A_252, %broadcast_in_dim3A_260, %select_n3A_245 : vector<512x64xi1>, vector<512x64xf32>
    %reduce_max3A_262 = arith.constant dense<0xFF800000> : vector<512xf32>
    %reduce_max3A_263 = vector.multi_reduction <maximumf>, %select_n3A_261, %reduce_max3A_262 [1] : vector<512x64xf32> to vector<512xf32>
    %broadcast_in_dim3A_264 = vector.shape_cast %reduce_max3A_263 : vector<512xf32> to vector<512x1xf32>
    %argmax3A_265 = tpu.reduce_index %select_n3A_261 {axis = 1 : i32, kind = #tpu.reduction_kind<arg_max>} : vector<512x64xf32> -> vector<512xi32>
    %broadcast_in_dim3A_266 = vector.shape_cast %argmax3A_265 : vector<512xi32> to vector<512x1xi32>
    %eq3A_267 = vector.broadcast %broadcast_in_dim3A_266 : vector<512x1xi32> to vector<512x64xi32>
    %eq3A_268 = arith.cmpi eq, %iota3A_230, %eq3A_267 : vector<512x64xi32>
    %jit3A_269 = arith.constant 0 : i32
    %broadcast_in_dim3A_270 = vector.broadcast %jit3A_269 : i32 to vector<512x64xi32>
    %select_n3A_271 = arith.select %eq3A_268, %concatenate3A_229, %broadcast_in_dim3A_270 : vector<512x64xi1>, vector<512x64xi32>
    %reduce_sum3A_272 = arith.constant dense<0> : vector<512xi32>
    %reduce_sum3A_273 = vector.multi_reduction <add>, %select_n3A_271, %reduce_sum3A_272 [1] : vector<512x64xi32> to vector<512xi32>
    %broadcast_in_dim3A_274 = vector.shape_cast %reduce_sum3A_273 : vector<512xi32> to vector<512x1xi32>
    %jit3A_275 = arith.constant -1.000000e+30 : f32
    %broadcast_in_dim3A_276 = vector.broadcast %jit3A_275 : f32 to vector<512x64xf32>
    %select_n3A_277 = arith.select %eq3A_268, %broadcast_in_dim3A_276, %select_n3A_261 : vector<512x64xi1>, vector<512x64xf32>
    %reduce_max3A_278 = arith.constant dense<0xFF800000> : vector<512xf32>
    %reduce_max3A_279 = vector.multi_reduction <maximumf>, %select_n3A_277, %reduce_max3A_278 [1] : vector<512x64xf32> to vector<512xf32>
    %broadcast_in_dim3A_280 = vector.shape_cast %reduce_max3A_279 : vector<512xf32> to vector<512x1xf32>
    %argmax3A_281 = tpu.reduce_index %select_n3A_277 {axis = 1 : i32, kind = #tpu.reduction_kind<arg_max>} : vector<512x64xf32> -> vector<512xi32>
    %broadcast_in_dim3A_282 = vector.shape_cast %argmax3A_281 : vector<512xi32> to vector<512x1xi32>
    %eq3A_283 = vector.broadcast %broadcast_in_dim3A_282 : vector<512x1xi32> to vector<512x64xi32>
    %eq3A_284 = arith.cmpi eq, %iota3A_230, %eq3A_283 : vector<512x64xi32>
    %jit3A_285 = arith.constant 0 : i32
    %broadcast_in_dim3A_286 = vector.broadcast %jit3A_285 : i32 to vector<512x64xi32>
    %select_n3A_287 = arith.select %eq3A_284, %concatenate3A_229, %broadcast_in_dim3A_286 : vector<512x64xi1>, vector<512x64xi32>
    %reduce_sum3A_288 = arith.constant dense<0> : vector<512xi32>
    %reduce_sum3A_289 = vector.multi_reduction <add>, %select_n3A_287, %reduce_sum3A_288 [1] : vector<512x64xi32> to vector<512xi32>
    %broadcast_in_dim3A_290 = vector.shape_cast %reduce_sum3A_289 : vector<512xi32> to vector<512x1xi32>
    %jit3A_291 = arith.constant -1.000000e+30 : f32
    %broadcast_in_dim3A_292 = vector.broadcast %jit3A_291 : f32 to vector<512x64xf32>
    %select_n3A_293 = arith.select %eq3A_284, %broadcast_in_dim3A_292, %select_n3A_277 : vector<512x64xi1>, vector<512x64xf32>
    %reduce_max3A_294 = arith.constant dense<0xFF800000> : vector<512xf32>
    %reduce_max3A_295 = vector.multi_reduction <maximumf>, %select_n3A_293, %reduce_max3A_294 [1] : vector<512x64xf32> to vector<512xf32>
    %broadcast_in_dim3A_296 = vector.shape_cast %reduce_max3A_295 : vector<512xf32> to vector<512x1xf32>
    %argmax3A_297 = tpu.reduce_index %select_n3A_293 {axis = 1 : i32, kind = #tpu.reduction_kind<arg_max>} : vector<512x64xf32> -> vector<512xi32>
    %broadcast_in_dim3A_298 = vector.shape_cast %argmax3A_297 : vector<512xi32> to vector<512x1xi32>
    %eq3A_299 = vector.broadcast %broadcast_in_dim3A_298 : vector<512x1xi32> to vector<512x64xi32>
    %eq3A_300 = arith.cmpi eq, %iota3A_230, %eq3A_299 : vector<512x64xi32>
    %jit3A_301 = arith.constant 0 : i32
    %broadcast_in_dim3A_302 = vector.broadcast %jit3A_301 : i32 to vector<512x64xi32>
    %select_n3A_303 = arith.select %eq3A_300, %concatenate3A_229, %broadcast_in_dim3A_302 : vector<512x64xi1>, vector<512x64xi32>
    %reduce_sum3A_304 = arith.constant dense<0> : vector<512xi32>
    %reduce_sum3A_305 = vector.multi_reduction <add>, %select_n3A_303, %reduce_sum3A_304 [1] : vector<512x64xi32> to vector<512xi32>
    %broadcast_in_dim3A_306 = vector.shape_cast %reduce_sum3A_305 : vector<512xi32> to vector<512x1xi32>
    %jit3A_307 = arith.constant -1.000000e+30 : f32
    %broadcast_in_dim3A_308 = vector.broadcast %jit3A_307 : f32 to vector<512x64xf32>
    %select_n3A_309 = arith.select %eq3A_300, %broadcast_in_dim3A_308, %select_n3A_293 : vector<512x64xi1>, vector<512x64xf32>
    %reduce_max3A_310 = arith.constant dense<0xFF800000> : vector<512xf32>
    %reduce_max3A_311 = vector.multi_reduction <maximumf>, %select_n3A_309, %reduce_max3A_310 [1] : vector<512x64xf32> to vector<512xf32>
    %broadcast_in_dim3A_312 = vector.shape_cast %reduce_max3A_311 : vector<512xf32> to vector<512x1xf32>
    %argmax3A_313 = tpu.reduce_index %select_n3A_309 {axis = 1 : i32, kind = #tpu.reduction_kind<arg_max>} : vector<512x64xf32> -> vector<512xi32>
    %broadcast_in_dim3A_314 = vector.shape_cast %argmax3A_313 : vector<512xi32> to vector<512x1xi32>
    %eq3A_315 = vector.broadcast %broadcast_in_dim3A_314 : vector<512x1xi32> to vector<512x64xi32>
    %eq3A_316 = arith.cmpi eq, %iota3A_230, %eq3A_315 : vector<512x64xi32>
    %jit3A_317 = arith.constant 0 : i32
    %broadcast_in_dim3A_318 = vector.broadcast %jit3A_317 : i32 to vector<512x64xi32>
    %select_n3A_319 = arith.select %eq3A_316, %concatenate3A_229, %broadcast_in_dim3A_318 : vector<512x64xi1>, vector<512x64xi32>
    %reduce_sum3A_320 = arith.constant dense<0> : vector<512xi32>
    %reduce_sum3A_321 = vector.multi_reduction <add>, %select_n3A_319, %reduce_sum3A_320 [1] : vector<512x64xi32> to vector<512xi32>
    %broadcast_in_dim3A_322 = vector.shape_cast %reduce_sum3A_321 : vector<512xi32> to vector<512x1xi32>
    %jit3A_323 = arith.constant -1.000000e+30 : f32
    %broadcast_in_dim3A_324 = vector.broadcast %jit3A_323 : f32 to vector<512x64xf32>
    %select_n3A_325 = arith.select %eq3A_316, %broadcast_in_dim3A_324, %select_n3A_309 : vector<512x64xi1>, vector<512x64xf32>
    %reduce_max3A_326 = arith.constant dense<0xFF800000> : vector<512xf32>
    %reduce_max3A_327 = vector.multi_reduction <maximumf>, %select_n3A_325, %reduce_max3A_326 [1] : vector<512x64xf32> to vector<512xf32>
    %broadcast_in_dim3A_328 = vector.shape_cast %reduce_max3A_327 : vector<512xf32> to vector<512x1xf32>
    %argmax3A_329 = tpu.reduce_index %select_n3A_325 {axis = 1 : i32, kind = #tpu.reduction_kind<arg_max>} : vector<512x64xf32> -> vector<512xi32>
    %broadcast_in_dim3A_330 = vector.shape_cast %argmax3A_329 : vector<512xi32> to vector<512x1xi32>
    %eq3A_331 = vector.broadcast %broadcast_in_dim3A_330 : vector<512x1xi32> to vector<512x64xi32>
    %eq3A_332 = arith.cmpi eq, %iota3A_230, %eq3A_331 : vector<512x64xi32>
    %jit3A_333 = arith.constant 0 : i32
    %broadcast_in_dim3A_334 = vector.broadcast %jit3A_333 : i32 to vector<512x64xi32>
    %select_n3A_335 = arith.select %eq3A_332, %concatenate3A_229, %broadcast_in_dim3A_334 : vector<512x64xi1>, vector<512x64xi32>
    %reduce_sum3A_336 = arith.constant dense<0> : vector<512xi32>
    %reduce_sum3A_337 = vector.multi_reduction <add>, %select_n3A_335, %reduce_sum3A_336 [1] : vector<512x64xi32> to vector<512xi32>
    %broadcast_in_dim3A_338 = vector.shape_cast %reduce_sum3A_337 : vector<512xi32> to vector<512x1xi32>
    %jit3A_339 = arith.constant -1.000000e+30 : f32
    %broadcast_in_dim3A_340 = vector.broadcast %jit3A_339 : f32 to vector<512x64xf32>
    %select_n3A_341 = arith.select %eq3A_332, %broadcast_in_dim3A_340, %select_n3A_325 : vector<512x64xi1>, vector<512x64xf32>
    %reduce_max3A_342 = arith.constant dense<0xFF800000> : vector<512xf32>
    %reduce_max3A_343 = vector.multi_reduction <maximumf>, %select_n3A_341, %reduce_max3A_342 [1] : vector<512x64xf32> to vector<512xf32>
    %broadcast_in_dim3A_344 = vector.shape_cast %reduce_max3A_343 : vector<512xf32> to vector<512x1xf32>
    %argmax3A_345 = tpu.reduce_index %select_n3A_341 {axis = 1 : i32, kind = #tpu.reduction_kind<arg_max>} : vector<512x64xf32> -> vector<512xi32>
    %broadcast_in_dim3A_346 = vector.shape_cast %argmax3A_345 : vector<512xi32> to vector<512x1xi32>
    %eq3A_347 = vector.broadcast %broadcast_in_dim3A_346 : vector<512x1xi32> to vector<512x64xi32>
    %eq3A_348 = arith.cmpi eq, %iota3A_230, %eq3A_347 : vector<512x64xi32>
    %jit3A_349 = arith.constant 0 : i32
    %broadcast_in_dim3A_350 = vector.broadcast %jit3A_349 : i32 to vector<512x64xi32>
    %select_n3A_351 = arith.select %eq3A_348, %concatenate3A_229, %broadcast_in_dim3A_350 : vector<512x64xi1>, vector<512x64xi32>
    %reduce_sum3A_352 = arith.constant dense<0> : vector<512xi32>
    %reduce_sum3A_353 = vector.multi_reduction <add>, %select_n3A_351, %reduce_sum3A_352 [1] : vector<512x64xi32> to vector<512xi32>
    %broadcast_in_dim3A_354 = vector.shape_cast %reduce_sum3A_353 : vector<512xi32> to vector<512x1xi32>
    %concatenate3A_355 = tpu.concatenate %broadcast_in_dim3A_233, %broadcast_in_dim3A_248, %broadcast_in_dim3A_264, %broadcast_in_dim3A_280, %broadcast_in_dim3A_296, %broadcast_in_dim3A_312, %broadcast_in_dim3A_328, %broadcast_in_dim3A_344 in 1 : vector<512x1xf32>, vector<512x1xf32>, vector<512x1xf32>, vector<512x1xf32>, vector<512x1xf32>, vector<512x1xf32>, vector<512x1xf32>, vector<512x1xf32> -> vector<512x8xf32>
    %slice3A_356 = vector.extract_strided_slice %concatenate3A_355 {offsets = [0, 0], sizes = [512, 1], strides = [1, 1]} : vector<512x8xf32> to vector<512x1xf32>
    %sub3A = vector.broadcast %slice3A_356 : vector<512x1xf32> to vector<512x8xf32>
    %sub3A_357 = arith.subf %concatenate3A_355, %sub3A : vector<512x8xf32>
    %exp3A = math.exp %sub3A_357 : vector<512x8xf32>
    %reduce_sum3A_358 = arith.constant dense<0.000000e+00> : vector<512xf32>
    %reduce_sum3A_359 = vector.multi_reduction <add>, %exp3A, %reduce_sum3A_358 [1] : vector<512x8xf32> to vector<512xf32>
    %broadcast_in_dim3A_360 = vector.shape_cast %reduce_sum3A_359 : vector<512xf32> to vector<512x1xf32>
    %div3A = vector.broadcast %broadcast_in_dim3A_360 : vector<512x1xf32> to vector<512x8xf32>
    %div3A_361 = arith.divf %exp3A, %div3A : vector<512x8xf32>
    %slice3A_362 = vector.extract_strided_slice %div3A_361 {offsets = [0, 0], sizes = [512, 1], strides = [1, 1]} : vector<512x8xf32> to vector<512x1xf32>
    %broadcast_in_dim3A_363 = vector.shape_cast %slice3A_362 : vector<512x1xf32> to vector<512x1xf32>
    %broadcast_in_dim3A_364 = vector.broadcast %broadcast_in_dim3A_363 : vector<512x1xf32> to vector<512x16xf32>
    %slice3A_365 = vector.extract_strided_slice %div3A_361 {offsets = [0, 1], sizes = [512, 1], strides = [1, 1]} : vector<512x8xf32> to vector<512x1xf32>
    %broadcast_in_dim3A_366 = vector.shape_cast %slice3A_365 : vector<512x1xf32> to vector<512x1xf32>
    %broadcast_in_dim3A_367 = vector.broadcast %broadcast_in_dim3A_366 : vector<512x1xf32> to vector<512x16xf32>
    %slice3A_368 = vector.extract_strided_slice %div3A_361 {offsets = [0, 2], sizes = [512, 1], strides = [1, 1]} : vector<512x8xf32> to vector<512x1xf32>
    %broadcast_in_dim3A_369 = vector.shape_cast %slice3A_368 : vector<512x1xf32> to vector<512x1xf32>
    %broadcast_in_dim3A_370 = vector.broadcast %broadcast_in_dim3A_369 : vector<512x1xf32> to vector<512x16xf32>
    %slice3A_371 = vector.extract_strided_slice %div3A_361 {offsets = [0, 3], sizes = [512, 1], strides = [1, 1]} : vector<512x8xf32> to vector<512x1xf32>
    %broadcast_in_dim3A_372 = vector.shape_cast %slice3A_371 : vector<512x1xf32> to vector<512x1xf32>
    %broadcast_in_dim3A_373 = vector.broadcast %broadcast_in_dim3A_372 : vector<512x1xf32> to vector<512x16xf32>
    %slice3A_374 = vector.extract_strided_slice %div3A_361 {offsets = [0, 4], sizes = [512, 1], strides = [1, 1]} : vector<512x8xf32> to vector<512x1xf32>
    %broadcast_in_dim3A_375 = vector.shape_cast %slice3A_374 : vector<512x1xf32> to vector<512x1xf32>
    %broadcast_in_dim3A_376 = vector.broadcast %broadcast_in_dim3A_375 : vector<512x1xf32> to vector<512x16xf32>
    %slice3A_377 = vector.extract_strided_slice %div3A_361 {offsets = [0, 5], sizes = [512, 1], strides = [1, 1]} : vector<512x8xf32> to vector<512x1xf32>
    %broadcast_in_dim3A_378 = vector.shape_cast %slice3A_377 : vector<512x1xf32> to vector<512x1xf32>
    %broadcast_in_dim3A_379 = vector.broadcast %broadcast_in_dim3A_378 : vector<512x1xf32> to vector<512x16xf32>
    %slice3A_380 = vector.extract_strided_slice %div3A_361 {offsets = [0, 6], sizes = [512, 1], strides = [1, 1]} : vector<512x8xf32> to vector<512x1xf32>
    %broadcast_in_dim3A_381 = vector.shape_cast %slice3A_380 : vector<512x1xf32> to vector<512x1xf32>
    %broadcast_in_dim3A_382 = vector.broadcast %broadcast_in_dim3A_381 : vector<512x1xf32> to vector<512x16xf32>
    %slice3A_383 = vector.extract_strided_slice %div3A_361 {offsets = [0, 7], sizes = [512, 1], strides = [1, 1]} : vector<512x8xf32> to vector<512x1xf32>
    %broadcast_in_dim3A_384 = vector.shape_cast %slice3A_383 : vector<512x1xf32> to vector<512x1xf32>
    %broadcast_in_dim3A_385 = vector.broadcast %broadcast_in_dim3A_384 : vector<512x1xf32> to vector<512x16xf32>
    %slice3A_386 = vector.extract_strided_slice %add3A_9 {offsets = [0, 256], sizes = [512, 128], strides = [1, 1]} : vector<512x1024xf32> to vector<512x128xf32>
    %slice3A_387 = vector.extract_strided_slice %add3A_9 {offsets = [0, 384], sizes = [512, 128], strides = [1, 1]} : vector<512x1024xf32> to vector<512x128xf32>
    %get3A_388 = arith.constant 1 : index
    %get3A_389 = arith.constant 0 : index
    %get3A_390 = arith.constant 0 : index
    %get3A_391 = arith.constant 0 : index
    %get3A_392 = vector.load %arg4[%get3A_388, %get3A_389, %get3A_390, %get3A_391] : memref<4x2x512x128xf32, #tpu.memory_space<vmem>>, vector<1x1x512x128xf32>
    %get3A_393 = vector.shape_cast %get3A_392 : vector<1x1x512x128xf32> to vector<512x128xf32>
    %dot_general3A_394 = arith.constant dense<0.000000e+00> : vector<512x512xf32>
    %dot_general3A_395 = tpu.matmul %slice3A_386, %get3A_393, %dot_general3A_394 {dimension_numbers = #tpu.dot_dimension_numbers<[1], [1], [0], [0], [0, 0, 1, 0], [], []>, transpose_lhs_hint = false} : vector<512x128xf32>, vector<512x128xf32>, vector<512x512xf32> -> vector<512x512xf32>
    %get3A_396 = arith.constant 1 : index
    %get3A_397 = arith.constant 1 : index
    %get3A_398 = arith.constant 0 : index
    %get3A_399 = arith.constant 0 : index
    %get3A_400 = vector.load %arg4[%get3A_396, %get3A_397, %get3A_398, %get3A_399] : memref<4x2x512x128xf32, #tpu.memory_space<vmem>>, vector<1x1x512x128xf32>
    %get3A_401 = vector.shape_cast %get3A_400 : vector<1x1x512x128xf32> to vector<512x128xf32>
    %dot_general3A_402 = arith.constant dense<0.000000e+00> : vector<512x512xf32>
    %dot_general3A_403 = tpu.matmul %slice3A_387, %get3A_401, %dot_general3A_402 {dimension_numbers = #tpu.dot_dimension_numbers<[1], [1], [0], [0], [0, 0, 1, 0], [], []>, transpose_lhs_hint = false} : vector<512x128xf32>, vector<512x128xf32>, vector<512x512xf32> -> vector<512x512xf32>
    %iota3A_404 = tpu.iota {dimensions = array<i32: 1>} : vector<512x512xi32>
    %reduce_max3A_405 = arith.constant dense<0xFF800000> : vector<512xf32>
    %reduce_max3A_406 = vector.multi_reduction <maximumf>, %dot_general3A_395, %reduce_max3A_405 [1] : vector<512x512xf32> to vector<512xf32>
    %broadcast_in_dim3A_407 = vector.shape_cast %reduce_max3A_406 : vector<512xf32> to vector<512x1xf32>
    %argmax3A_408 = tpu.reduce_index %dot_general3A_395 {axis = 1 : i32, kind = #tpu.reduction_kind<arg_max>} : vector<512x512xf32> -> vector<512xi32>
    %broadcast_in_dim3A_409 = vector.shape_cast %argmax3A_408 : vector<512xi32> to vector<512x1xi32>
    %eq3A_410 = vector.broadcast %broadcast_in_dim3A_409 : vector<512x1xi32> to vector<512x512xi32>
    %eq3A_411 = arith.cmpi eq, %iota3A_404, %eq3A_410 : vector<512x512xi32>
    %jit3A_412 = arith.constant -1.000000e+30 : f32
    %broadcast_in_dim3A_413 = vector.broadcast %jit3A_412 : f32 to vector<512x512xf32>
    %select_n3A_414 = arith.select %eq3A_411, %broadcast_in_dim3A_413, %dot_general3A_395 : vector<512x512xi1>, vector<512x512xf32>
    %reduce_max3A_415 = arith.constant dense<0xFF800000> : vector<512xf32>
    %reduce_max3A_416 = vector.multi_reduction <maximumf>, %select_n3A_414, %reduce_max3A_415 [1] : vector<512x512xf32> to vector<512xf32>
    %broadcast_in_dim3A_417 = vector.shape_cast %reduce_max3A_416 : vector<512xf32> to vector<512x1xf32>
    %argmax3A_418 = tpu.reduce_index %select_n3A_414 {axis = 1 : i32, kind = #tpu.reduction_kind<arg_max>} : vector<512x512xf32> -> vector<512xi32>
    %broadcast_in_dim3A_419 = vector.shape_cast %argmax3A_418 : vector<512xi32> to vector<512x1xi32>
    %eq3A_420 = vector.broadcast %broadcast_in_dim3A_419 : vector<512x1xi32> to vector<512x512xi32>
    %eq3A_421 = arith.cmpi eq, %iota3A_404, %eq3A_420 : vector<512x512xi32>
    %jit3A_422 = arith.constant -1.000000e+30 : f32
    %broadcast_in_dim3A_423 = vector.broadcast %jit3A_422 : f32 to vector<512x512xf32>
    %select_n3A_424 = arith.select %eq3A_421, %broadcast_in_dim3A_423, %select_n3A_414 : vector<512x512xi1>, vector<512x512xf32>
    %reduce_max3A_425 = arith.constant dense<0xFF800000> : vector<512xf32>
    %reduce_max3A_426 = vector.multi_reduction <maximumf>, %select_n3A_424, %reduce_max3A_425 [1] : vector<512x512xf32> to vector<512xf32>
    %broadcast_in_dim3A_427 = vector.shape_cast %reduce_max3A_426 : vector<512xf32> to vector<512x1xf32>
    %argmax3A_428 = tpu.reduce_index %select_n3A_424 {axis = 1 : i32, kind = #tpu.reduction_kind<arg_max>} : vector<512x512xf32> -> vector<512xi32>
    %broadcast_in_dim3A_429 = vector.shape_cast %argmax3A_428 : vector<512xi32> to vector<512x1xi32>
    %eq3A_430 = vector.broadcast %broadcast_in_dim3A_429 : vector<512x1xi32> to vector<512x512xi32>
    %eq3A_431 = arith.cmpi eq, %iota3A_404, %eq3A_430 : vector<512x512xi32>
    %jit3A_432 = arith.constant -1.000000e+30 : f32
    %broadcast_in_dim3A_433 = vector.broadcast %jit3A_432 : f32 to vector<512x512xf32>
    %select_n3A_434 = arith.select %eq3A_431, %broadcast_in_dim3A_433, %select_n3A_424 : vector<512x512xi1>, vector<512x512xf32>
    %reduce_max3A_435 = arith.constant dense<0xFF800000> : vector<512xf32>
    %reduce_max3A_436 = vector.multi_reduction <maximumf>, %select_n3A_434, %reduce_max3A_435 [1] : vector<512x512xf32> to vector<512xf32>
    %broadcast_in_dim3A_437 = vector.shape_cast %reduce_max3A_436 : vector<512xf32> to vector<512x1xf32>
    %argmax3A_438 = tpu.reduce_index %select_n3A_434 {axis = 1 : i32, kind = #tpu.reduction_kind<arg_max>} : vector<512x512xf32> -> vector<512xi32>
    %broadcast_in_dim3A_439 = vector.shape_cast %argmax3A_438 : vector<512xi32> to vector<512x1xi32>
    %eq3A_440 = vector.broadcast %broadcast_in_dim3A_439 : vector<512x1xi32> to vector<512x512xi32>
    %eq3A_441 = arith.cmpi eq, %iota3A_404, %eq3A_440 : vector<512x512xi32>
    %jit3A_442 = arith.constant -1.000000e+30 : f32
    %broadcast_in_dim3A_443 = vector.broadcast %jit3A_442 : f32 to vector<512x512xf32>
    %select_n3A_444 = arith.select %eq3A_441, %broadcast_in_dim3A_443, %select_n3A_434 : vector<512x512xi1>, vector<512x512xf32>
    %reduce_max3A_445 = arith.constant dense<0xFF800000> : vector<512xf32>
    %reduce_max3A_446 = vector.multi_reduction <maximumf>, %select_n3A_444, %reduce_max3A_445 [1] : vector<512x512xf32> to vector<512xf32>
    %broadcast_in_dim3A_447 = vector.shape_cast %reduce_max3A_446 : vector<512xf32> to vector<512x1xf32>
    %argmax3A_448 = tpu.reduce_index %select_n3A_444 {axis = 1 : i32, kind = #tpu.reduction_kind<arg_max>} : vector<512x512xf32> -> vector<512xi32>
    %broadcast_in_dim3A_449 = vector.shape_cast %argmax3A_448 : vector<512xi32> to vector<512x1xi32>
    %eq3A_450 = vector.broadcast %broadcast_in_dim3A_449 : vector<512x1xi32> to vector<512x512xi32>
    %eq3A_451 = arith.cmpi eq, %iota3A_404, %eq3A_450 : vector<512x512xi32>
    %jit3A_452 = arith.constant -1.000000e+30 : f32
    %broadcast_in_dim3A_453 = vector.broadcast %jit3A_452 : f32 to vector<512x512xf32>
    %select_n3A_454 = arith.select %eq3A_451, %broadcast_in_dim3A_453, %select_n3A_444 : vector<512x512xi1>, vector<512x512xf32>
    %reduce_max3A_455 = arith.constant dense<0xFF800000> : vector<512xf32>
    %reduce_max3A_456 = vector.multi_reduction <maximumf>, %select_n3A_454, %reduce_max3A_455 [1] : vector<512x512xf32> to vector<512xf32>
    %broadcast_in_dim3A_457 = vector.shape_cast %reduce_max3A_456 : vector<512xf32> to vector<512x1xf32>
    %argmax3A_458 = tpu.reduce_index %select_n3A_454 {axis = 1 : i32, kind = #tpu.reduction_kind<arg_max>} : vector<512x512xf32> -> vector<512xi32>
    %broadcast_in_dim3A_459 = vector.shape_cast %argmax3A_458 : vector<512xi32> to vector<512x1xi32>
    %eq3A_460 = vector.broadcast %broadcast_in_dim3A_459 : vector<512x1xi32> to vector<512x512xi32>
    %eq3A_461 = arith.cmpi eq, %iota3A_404, %eq3A_460 : vector<512x512xi32>
    %jit3A_462 = arith.constant -1.000000e+30 : f32
    %broadcast_in_dim3A_463 = vector.broadcast %jit3A_462 : f32 to vector<512x512xf32>
    %select_n3A_464 = arith.select %eq3A_461, %broadcast_in_dim3A_463, %select_n3A_454 : vector<512x512xi1>, vector<512x512xf32>
    %reduce_max3A_465 = arith.constant dense<0xFF800000> : vector<512xf32>
    %reduce_max3A_466 = vector.multi_reduction <maximumf>, %select_n3A_464, %reduce_max3A_465 [1] : vector<512x512xf32> to vector<512xf32>
    %broadcast_in_dim3A_467 = vector.shape_cast %reduce_max3A_466 : vector<512xf32> to vector<512x1xf32>
    %argmax3A_468 = tpu.reduce_index %select_n3A_464 {axis = 1 : i32, kind = #tpu.reduction_kind<arg_max>} : vector<512x512xf32> -> vector<512xi32>
    %broadcast_in_dim3A_469 = vector.shape_cast %argmax3A_468 : vector<512xi32> to vector<512x1xi32>
    %eq3A_470 = vector.broadcast %broadcast_in_dim3A_469 : vector<512x1xi32> to vector<512x512xi32>
    %eq3A_471 = arith.cmpi eq, %iota3A_404, %eq3A_470 : vector<512x512xi32>
    %jit3A_472 = arith.constant -1.000000e+30 : f32
    %broadcast_in_dim3A_473 = vector.broadcast %jit3A_472 : f32 to vector<512x512xf32>
    %select_n3A_474 = arith.select %eq3A_471, %broadcast_in_dim3A_473, %select_n3A_464 : vector<512x512xi1>, vector<512x512xf32>
    %reduce_max3A_475 = arith.constant dense<0xFF800000> : vector<512xf32>
    %reduce_max3A_476 = vector.multi_reduction <maximumf>, %select_n3A_474, %reduce_max3A_475 [1] : vector<512x512xf32> to vector<512xf32>
    %broadcast_in_dim3A_477 = vector.shape_cast %reduce_max3A_476 : vector<512xf32> to vector<512x1xf32>
    %argmax3A_478 = tpu.reduce_index %select_n3A_474 {axis = 1 : i32, kind = #tpu.reduction_kind<arg_max>} : vector<512x512xf32> -> vector<512xi32>
    %broadcast_in_dim3A_479 = vector.shape_cast %argmax3A_478 : vector<512xi32> to vector<512x1xi32>
    %iota3A_480 = tpu.iota {dimensions = array<i32: 1>} : vector<512x512xi32>
    %reduce_max3A_481 = arith.constant dense<0xFF800000> : vector<512xf32>
    %reduce_max3A_482 = vector.multi_reduction <maximumf>, %dot_general3A_403, %reduce_max3A_481 [1] : vector<512x512xf32> to vector<512xf32>
    %broadcast_in_dim3A_483 = vector.shape_cast %reduce_max3A_482 : vector<512xf32> to vector<512x1xf32>
    %argmax3A_484 = tpu.reduce_index %dot_general3A_403 {axis = 1 : i32, kind = #tpu.reduction_kind<arg_max>} : vector<512x512xf32> -> vector<512xi32>
    %broadcast_in_dim3A_485 = vector.shape_cast %argmax3A_484 : vector<512xi32> to vector<512x1xi32>
    %eq3A_486 = vector.broadcast %broadcast_in_dim3A_485 : vector<512x1xi32> to vector<512x512xi32>
    %eq3A_487 = arith.cmpi eq, %iota3A_480, %eq3A_486 : vector<512x512xi32>
    %jit3A_488 = arith.constant -1.000000e+30 : f32
    %broadcast_in_dim3A_489 = vector.broadcast %jit3A_488 : f32 to vector<512x512xf32>
    %select_n3A_490 = arith.select %eq3A_487, %broadcast_in_dim3A_489, %dot_general3A_403 : vector<512x512xi1>, vector<512x512xf32>
    %reduce_max3A_491 = arith.constant dense<0xFF800000> : vector<512xf32>
    %reduce_max3A_492 = vector.multi_reduction <maximumf>, %select_n3A_490, %reduce_max3A_491 [1] : vector<512x512xf32> to vector<512xf32>
    %broadcast_in_dim3A_493 = vector.shape_cast %reduce_max3A_492 : vector<512xf32> to vector<512x1xf32>
    %argmax3A_494 = tpu.reduce_index %select_n3A_490 {axis = 1 : i32, kind = #tpu.reduction_kind<arg_max>} : vector<512x512xf32> -> vector<512xi32>
    %broadcast_in_dim3A_495 = vector.shape_cast %argmax3A_494 : vector<512xi32> to vector<512x1xi32>
    %eq3A_496 = vector.broadcast %broadcast_in_dim3A_495 : vector<512x1xi32> to vector<512x512xi32>
    %eq3A_497 = arith.cmpi eq, %iota3A_480, %eq3A_496 : vector<512x512xi32>
    %jit3A_498 = arith.constant -1.000000e+30 : f32
    %broadcast_in_dim3A_499 = vector.broadcast %jit3A_498 : f32 to vector<512x512xf32>
    %select_n3A_500 = arith.select %eq3A_497, %broadcast_in_dim3A_499, %select_n3A_490 : vector<512x512xi1>, vector<512x512xf32>
    %reduce_max3A_501 = arith.constant dense<0xFF800000> : vector<512xf32>
    %reduce_max3A_502 = vector.multi_reduction <maximumf>, %select_n3A_500, %reduce_max3A_501 [1] : vector<512x512xf32> to vector<512xf32>
    %broadcast_in_dim3A_503 = vector.shape_cast %reduce_max3A_502 : vector<512xf32> to vector<512x1xf32>
    %argmax3A_504 = tpu.reduce_index %select_n3A_500 {axis = 1 : i32, kind = #tpu.reduction_kind<arg_max>} : vector<512x512xf32> -> vector<512xi32>
    %broadcast_in_dim3A_505 = vector.shape_cast %argmax3A_504 : vector<512xi32> to vector<512x1xi32>
    %eq3A_506 = vector.broadcast %broadcast_in_dim3A_505 : vector<512x1xi32> to vector<512x512xi32>
    %eq3A_507 = arith.cmpi eq, %iota3A_480, %eq3A_506 : vector<512x512xi32>
    %jit3A_508 = arith.constant -1.000000e+30 : f32
    %broadcast_in_dim3A_509 = vector.broadcast %jit3A_508 : f32 to vector<512x512xf32>
    %select_n3A_510 = arith.select %eq3A_507, %broadcast_in_dim3A_509, %select_n3A_500 : vector<512x512xi1>, vector<512x512xf32>
    %reduce_max3A_511 = arith.constant dense<0xFF800000> : vector<512xf32>
    %reduce_max3A_512 = vector.multi_reduction <maximumf>, %select_n3A_510, %reduce_max3A_511 [1] : vector<512x512xf32> to vector<512xf32>
    %broadcast_in_dim3A_513 = vector.shape_cast %reduce_max3A_512 : vector<512xf32> to vector<512x1xf32>
    %argmax3A_514 = tpu.reduce_index %select_n3A_510 {axis = 1 : i32, kind = #tpu.reduction_kind<arg_max>} : vector<512x512xf32> -> vector<512xi32>
    %broadcast_in_dim3A_515 = vector.shape_cast %argmax3A_514 : vector<512xi32> to vector<512x1xi32>
    %eq3A_516 = vector.broadcast %broadcast_in_dim3A_515 : vector<512x1xi32> to vector<512x512xi32>
    %eq3A_517 = arith.cmpi eq, %iota3A_480, %eq3A_516 : vector<512x512xi32>
    %jit3A_518 = arith.constant -1.000000e+30 : f32
    %broadcast_in_dim3A_519 = vector.broadcast %jit3A_518 : f32 to vector<512x512xf32>
    %select_n3A_520 = arith.select %eq3A_517, %broadcast_in_dim3A_519, %select_n3A_510 : vector<512x512xi1>, vector<512x512xf32>
    %reduce_max3A_521 = arith.constant dense<0xFF800000> : vector<512xf32>
    %reduce_max3A_522 = vector.multi_reduction <maximumf>, %select_n3A_520, %reduce_max3A_521 [1] : vector<512x512xf32> to vector<512xf32>
    %broadcast_in_dim3A_523 = vector.shape_cast %reduce_max3A_522 : vector<512xf32> to vector<512x1xf32>
    %argmax3A_524 = tpu.reduce_index %select_n3A_520 {axis = 1 : i32, kind = #tpu.reduction_kind<arg_max>} : vector<512x512xf32> -> vector<512xi32>
    %broadcast_in_dim3A_525 = vector.shape_cast %argmax3A_524 : vector<512xi32> to vector<512x1xi32>
    %eq3A_526 = vector.broadcast %broadcast_in_dim3A_525 : vector<512x1xi32> to vector<512x512xi32>
    %eq3A_527 = arith.cmpi eq, %iota3A_480, %eq3A_526 : vector<512x512xi32>
    %jit3A_528 = arith.constant -1.000000e+30 : f32
    %broadcast_in_dim3A_529 = vector.broadcast %jit3A_528 : f32 to vector<512x512xf32>
    %select_n3A_530 = arith.select %eq3A_527, %broadcast_in_dim3A_529, %select_n3A_520 : vector<512x512xi1>, vector<512x512xf32>
    %reduce_max3A_531 = arith.constant dense<0xFF800000> : vector<512xf32>
    %reduce_max3A_532 = vector.multi_reduction <maximumf>, %select_n3A_530, %reduce_max3A_531 [1] : vector<512x512xf32> to vector<512xf32>
    %broadcast_in_dim3A_533 = vector.shape_cast %reduce_max3A_532 : vector<512xf32> to vector<512x1xf32>
    %argmax3A_534 = tpu.reduce_index %select_n3A_530 {axis = 1 : i32, kind = #tpu.reduction_kind<arg_max>} : vector<512x512xf32> -> vector<512xi32>
    %broadcast_in_dim3A_535 = vector.shape_cast %argmax3A_534 : vector<512xi32> to vector<512x1xi32>
    %eq3A_536 = vector.broadcast %broadcast_in_dim3A_535 : vector<512x1xi32> to vector<512x512xi32>
    %eq3A_537 = arith.cmpi eq, %iota3A_480, %eq3A_536 : vector<512x512xi32>
    %jit3A_538 = arith.constant -1.000000e+30 : f32
    %broadcast_in_dim3A_539 = vector.broadcast %jit3A_538 : f32 to vector<512x512xf32>
    %select_n3A_540 = arith.select %eq3A_537, %broadcast_in_dim3A_539, %select_n3A_530 : vector<512x512xi1>, vector<512x512xf32>
    %reduce_max3A_541 = arith.constant dense<0xFF800000> : vector<512xf32>
    %reduce_max3A_542 = vector.multi_reduction <maximumf>, %select_n3A_540, %reduce_max3A_541 [1] : vector<512x512xf32> to vector<512xf32>
    %broadcast_in_dim3A_543 = vector.shape_cast %reduce_max3A_542 : vector<512xf32> to vector<512x1xf32>
    %argmax3A_544 = tpu.reduce_index %select_n3A_540 {axis = 1 : i32, kind = #tpu.reduction_kind<arg_max>} : vector<512x512xf32> -> vector<512xi32>
    %broadcast_in_dim3A_545 = vector.shape_cast %argmax3A_544 : vector<512xi32> to vector<512x1xi32>
    %eq3A_546 = vector.broadcast %broadcast_in_dim3A_545 : vector<512x1xi32> to vector<512x512xi32>
    %eq3A_547 = arith.cmpi eq, %iota3A_480, %eq3A_546 : vector<512x512xi32>
    %jit3A_548 = arith.constant -1.000000e+30 : f32
    %broadcast_in_dim3A_549 = vector.broadcast %jit3A_548 : f32 to vector<512x512xf32>
    %select_n3A_550 = arith.select %eq3A_547, %broadcast_in_dim3A_549, %select_n3A_540 : vector<512x512xi1>, vector<512x512xf32>
    %reduce_max3A_551 = arith.constant dense<0xFF800000> : vector<512xf32>
    %reduce_max3A_552 = vector.multi_reduction <maximumf>, %select_n3A_550, %reduce_max3A_551 [1] : vector<512x512xf32> to vector<512xf32>
    %broadcast_in_dim3A_553 = vector.shape_cast %reduce_max3A_552 : vector<512xf32> to vector<512x1xf32>
    %argmax3A_554 = tpu.reduce_index %select_n3A_550 {axis = 1 : i32, kind = #tpu.reduction_kind<arg_max>} : vector<512x512xf32> -> vector<512xi32>
    %broadcast_in_dim3A_555 = vector.shape_cast %argmax3A_554 : vector<512xi32> to vector<512x1xi32>
    %concatenate3A_556 = tpu.concatenate %broadcast_in_dim3A_483, %broadcast_in_dim3A_493, %broadcast_in_dim3A_503, %broadcast_in_dim3A_513, %broadcast_in_dim3A_523, %broadcast_in_dim3A_533, %broadcast_in_dim3A_543, %broadcast_in_dim3A_553 in 1 : vector<512x1xf32>, vector<512x1xf32>, vector<512x1xf32>, vector<512x1xf32>, vector<512x1xf32>, vector<512x1xf32>, vector<512x1xf32>, vector<512x1xf32> -> vector<512x8xf32>
    %concatenate3A_557 = tpu.concatenate %broadcast_in_dim3A_485, %broadcast_in_dim3A_495, %broadcast_in_dim3A_505, %broadcast_in_dim3A_515, %broadcast_in_dim3A_525, %broadcast_in_dim3A_535, %broadcast_in_dim3A_545, %broadcast_in_dim3A_555 in 1 : vector<512x1xi32>, vector<512x1xi32>, vector<512x1xi32>, vector<512x1xi32>, vector<512x1xi32>, vector<512x1xi32>, vector<512x1xi32>, vector<512x1xi32> -> vector<512x8xi32>
    %add3A_558 = vector.broadcast %broadcast_in_dim3A_407 : vector<512x1xf32> to vector<512x8xf32>
    %add3A_559 = arith.addf %add3A_558, %concatenate3A_556 : vector<512x8xf32>
    %add3A_560 = vector.broadcast %broadcast_in_dim3A_417 : vector<512x1xf32> to vector<512x8xf32>
    %add3A_561 = arith.addf %add3A_560, %concatenate3A_556 : vector<512x8xf32>
    %add3A_562 = vector.broadcast %broadcast_in_dim3A_427 : vector<512x1xf32> to vector<512x8xf32>
    %add3A_563 = arith.addf %add3A_562, %concatenate3A_556 : vector<512x8xf32>
    %add3A_564 = vector.broadcast %broadcast_in_dim3A_437 : vector<512x1xf32> to vector<512x8xf32>
    %add3A_565 = arith.addf %add3A_564, %concatenate3A_556 : vector<512x8xf32>
    %add3A_566 = vector.broadcast %broadcast_in_dim3A_447 : vector<512x1xf32> to vector<512x8xf32>
    %add3A_567 = arith.addf %add3A_566, %concatenate3A_556 : vector<512x8xf32>
    %add3A_568 = vector.broadcast %broadcast_in_dim3A_457 : vector<512x1xf32> to vector<512x8xf32>
    %add3A_569 = arith.addf %add3A_568, %concatenate3A_556 : vector<512x8xf32>
    %add3A_570 = vector.broadcast %broadcast_in_dim3A_467 : vector<512x1xf32> to vector<512x8xf32>
    %add3A_571 = arith.addf %add3A_570, %concatenate3A_556 : vector<512x8xf32>
    %add3A_572 = vector.broadcast %broadcast_in_dim3A_477 : vector<512x1xf32> to vector<512x8xf32>
    %add3A_573 = arith.addf %add3A_572, %concatenate3A_556 : vector<512x8xf32>
    %concatenate3A_574 = tpu.concatenate %add3A_559, %add3A_561, %add3A_563, %add3A_565, %add3A_567, %add3A_569, %add3A_571, %add3A_573 in 1 : vector<512x8xf32>, vector<512x8xf32>, vector<512x8xf32>, vector<512x8xf32>, vector<512x8xf32>, vector<512x8xf32>, vector<512x8xf32>, vector<512x8xf32> -> vector<512x64xf32>
    %mul3A_575 = arith.constant 512 : i32
    %mul3A_576 = vector.broadcast %mul3A_575 : i32 to vector<512x1xi32>
    %mul3A_577 = arith.muli %broadcast_in_dim3A_409, %mul3A_576 : vector<512x1xi32>
    %add3A_578 = vector.broadcast %mul3A_577 : vector<512x1xi32> to vector<512x8xi32>
    %add3A_579 = arith.addi %add3A_578, %concatenate3A_557 : vector<512x8xi32>
    %mul3A_580 = arith.constant 512 : i32
    %mul3A_581 = vector.broadcast %mul3A_580 : i32 to vector<512x1xi32>
    %mul3A_582 = arith.muli %broadcast_in_dim3A_419, %mul3A_581 : vector<512x1xi32>
    %add3A_583 = vector.broadcast %mul3A_582 : vector<512x1xi32> to vector<512x8xi32>
    %add3A_584 = arith.addi %add3A_583, %concatenate3A_557 : vector<512x8xi32>
    %mul3A_585 = arith.constant 512 : i32
    %mul3A_586 = vector.broadcast %mul3A_585 : i32 to vector<512x1xi32>
    %mul3A_587 = arith.muli %broadcast_in_dim3A_429, %mul3A_586 : vector<512x1xi32>
    %add3A_588 = vector.broadcast %mul3A_587 : vector<512x1xi32> to vector<512x8xi32>
    %add3A_589 = arith.addi %add3A_588, %concatenate3A_557 : vector<512x8xi32>
    %mul3A_590 = arith.constant 512 : i32
    %mul3A_591 = vector.broadcast %mul3A_590 : i32 to vector<512x1xi32>
    %mul3A_592 = arith.muli %broadcast_in_dim3A_439, %mul3A_591 : vector<512x1xi32>
    %add3A_593 = vector.broadcast %mul3A_592 : vector<512x1xi32> to vector<512x8xi32>
    %add3A_594 = arith.addi %add3A_593, %concatenate3A_557 : vector<512x8xi32>
    %mul3A_595 = arith.constant 512 : i32
    %mul3A_596 = vector.broadcast %mul3A_595 : i32 to vector<512x1xi32>
    %mul3A_597 = arith.muli %broadcast_in_dim3A_449, %mul3A_596 : vector<512x1xi32>
    %add3A_598 = vector.broadcast %mul3A_597 : vector<512x1xi32> to vector<512x8xi32>
    %add3A_599 = arith.addi %add3A_598, %concatenate3A_557 : vector<512x8xi32>
    %mul3A_600 = arith.constant 512 : i32
    %mul3A_601 = vector.broadcast %mul3A_600 : i32 to vector<512x1xi32>
    %mul3A_602 = arith.muli %broadcast_in_dim3A_459, %mul3A_601 : vector<512x1xi32>
    %add3A_603 = vector.broadcast %mul3A_602 : vector<512x1xi32> to vector<512x8xi32>
    %add3A_604 = arith.addi %add3A_603, %concatenate3A_557 : vector<512x8xi32>
    %mul3A_605 = arith.constant 512 : i32
    %mul3A_606 = vector.broadcast %mul3A_605 : i32 to vector<512x1xi32>
    %mul3A_607 = arith.muli %broadcast_in_dim3A_469, %mul3A_606 : vector<512x1xi32>
    %add3A_608 = vector.broadcast %mul3A_607 : vector<512x1xi32> to vector<512x8xi32>
    %add3A_609 = arith.addi %add3A_608, %concatenate3A_557 : vector<512x8xi32>
    %mul3A_610 = arith.constant 512 : i32
    %mul3A_611 = vector.broadcast %mul3A_610 : i32 to vector<512x1xi32>
    %mul3A_612 = arith.muli %broadcast_in_dim3A_479, %mul3A_611 : vector<512x1xi32>
    %add3A_613 = vector.broadcast %mul3A_612 : vector<512x1xi32> to vector<512x8xi32>
    %add3A_614 = arith.addi %add3A_613, %concatenate3A_557 : vector<512x8xi32>
    %concatenate3A_615 = tpu.concatenate %add3A_579, %add3A_584, %add3A_589, %add3A_594, %add3A_599, %add3A_604, %add3A_609, %add3A_614 in 1 : vector<512x8xi32>, vector<512x8xi32>, vector<512x8xi32>, vector<512x8xi32>, vector<512x8xi32>, vector<512x8xi32>, vector<512x8xi32>, vector<512x8xi32> -> vector<512x64xi32>
    %iota3A_616 = tpu.iota {dimensions = array<i32: 1>} : vector<512x64xi32>
    %reduce_max3A_617 = arith.constant dense<0xFF800000> : vector<512xf32>
    %reduce_max3A_618 = vector.multi_reduction <maximumf>, %concatenate3A_574, %reduce_max3A_617 [1] : vector<512x64xf32> to vector<512xf32>
    %broadcast_in_dim3A_619 = vector.shape_cast %reduce_max3A_618 : vector<512xf32> to vector<512x1xf32>
    %argmax3A_620 = tpu.reduce_index %concatenate3A_574 {axis = 1 : i32, kind = #tpu.reduction_kind<arg_max>} : vector<512x64xf32> -> vector<512xi32>
    %broadcast_in_dim3A_621 = vector.shape_cast %argmax3A_620 : vector<512xi32> to vector<512x1xi32>
    %eq3A_622 = vector.broadcast %broadcast_in_dim3A_621 : vector<512x1xi32> to vector<512x64xi32>
    %eq3A_623 = arith.cmpi eq, %iota3A_616, %eq3A_622 : vector<512x64xi32>
    %jit3A_624 = arith.constant 0 : i32
    %broadcast_in_dim3A_625 = vector.broadcast %jit3A_624 : i32 to vector<512x64xi32>
    %select_n3A_626 = arith.select %eq3A_623, %concatenate3A_615, %broadcast_in_dim3A_625 : vector<512x64xi1>, vector<512x64xi32>
    %reduce_sum3A_627 = arith.constant dense<0> : vector<512xi32>
    %reduce_sum3A_628 = vector.multi_reduction <add>, %select_n3A_626, %reduce_sum3A_627 [1] : vector<512x64xi32> to vector<512xi32>
    %broadcast_in_dim3A_629 = vector.shape_cast %reduce_sum3A_628 : vector<512xi32> to vector<512x1xi32>
    %jit3A_630 = arith.constant -1.000000e+30 : f32
    %broadcast_in_dim3A_631 = vector.broadcast %jit3A_630 : f32 to vector<512x64xf32>
    %select_n3A_632 = arith.select %eq3A_623, %broadcast_in_dim3A_631, %concatenate3A_574 : vector<512x64xi1>, vector<512x64xf32>
    %reduce_max3A_633 = arith.constant dense<0xFF800000> : vector<512xf32>
    %reduce_max3A_634 = vector.multi_reduction <maximumf>, %select_n3A_632, %reduce_max3A_633 [1] : vector<512x64xf32> to vector<512xf32>
    %broadcast_in_dim3A_635 = vector.shape_cast %reduce_max3A_634 : vector<512xf32> to vector<512x1xf32>
    %argmax3A_636 = tpu.reduce_index %select_n3A_632 {axis = 1 : i32, kind = #tpu.reduction_kind<arg_max>} : vector<512x64xf32> -> vector<512xi32>
    %broadcast_in_dim3A_637 = vector.shape_cast %argmax3A_636 : vector<512xi32> to vector<512x1xi32>
    %eq3A_638 = vector.broadcast %broadcast_in_dim3A_637 : vector<512x1xi32> to vector<512x64xi32>
    %eq3A_639 = arith.cmpi eq, %iota3A_616, %eq3A_638 : vector<512x64xi32>
    %jit3A_640 = arith.constant 0 : i32
    %broadcast_in_dim3A_641 = vector.broadcast %jit3A_640 : i32 to vector<512x64xi32>
    %select_n3A_642 = arith.select %eq3A_639, %concatenate3A_615, %broadcast_in_dim3A_641 : vector<512x64xi1>, vector<512x64xi32>
    %reduce_sum3A_643 = arith.constant dense<0> : vector<512xi32>
    %reduce_sum3A_644 = vector.multi_reduction <add>, %select_n3A_642, %reduce_sum3A_643 [1] : vector<512x64xi32> to vector<512xi32>
    %broadcast_in_dim3A_645 = vector.shape_cast %reduce_sum3A_644 : vector<512xi32> to vector<512x1xi32>
    %jit3A_646 = arith.constant -1.000000e+30 : f32
    %broadcast_in_dim3A_647 = vector.broadcast %jit3A_646 : f32 to vector<512x64xf32>
    %select_n3A_648 = arith.select %eq3A_639, %broadcast_in_dim3A_647, %select_n3A_632 : vector<512x64xi1>, vector<512x64xf32>
    %reduce_max3A_649 = arith.constant dense<0xFF800000> : vector<512xf32>
    %reduce_max3A_650 = vector.multi_reduction <maximumf>, %select_n3A_648, %reduce_max3A_649 [1] : vector<512x64xf32> to vector<512xf32>
    %broadcast_in_dim3A_651 = vector.shape_cast %reduce_max3A_650 : vector<512xf32> to vector<512x1xf32>
    %argmax3A_652 = tpu.reduce_index %select_n3A_648 {axis = 1 : i32, kind = #tpu.reduction_kind<arg_max>} : vector<512x64xf32> -> vector<512xi32>
    %broadcast_in_dim3A_653 = vector.shape_cast %argmax3A_652 : vector<512xi32> to vector<512x1xi32>
    %eq3A_654 = vector.broadcast %broadcast_in_dim3A_653 : vector<512x1xi32> to vector<512x64xi32>
    %eq3A_655 = arith.cmpi eq, %iota3A_616, %eq3A_654 : vector<512x64xi32>
    %jit3A_656 = arith.constant 0 : i32
    %broadcast_in_dim3A_657 = vector.broadcast %jit3A_656 : i32 to vector<512x64xi32>
    %select_n3A_658 = arith.select %eq3A_655, %concatenate3A_615, %broadcast_in_dim3A_657 : vector<512x64xi1>, vector<512x64xi32>
    %reduce_sum3A_659 = arith.constant dense<0> : vector<512xi32>
    %reduce_sum3A_660 = vector.multi_reduction <add>, %select_n3A_658, %reduce_sum3A_659 [1] : vector<512x64xi32> to vector<512xi32>
    %broadcast_in_dim3A_661 = vector.shape_cast %reduce_sum3A_660 : vector<512xi32> to vector<512x1xi32>
    %jit3A_662 = arith.constant -1.000000e+30 : f32
    %broadcast_in_dim3A_663 = vector.broadcast %jit3A_662 : f32 to vector<512x64xf32>
    %select_n3A_664 = arith.select %eq3A_655, %broadcast_in_dim3A_663, %select_n3A_648 : vector<512x64xi1>, vector<512x64xf32>
    %reduce_max3A_665 = arith.constant dense<0xFF800000> : vector<512xf32>
    %reduce_max3A_666 = vector.multi_reduction <maximumf>, %select_n3A_664, %reduce_max3A_665 [1] : vector<512x64xf32> to vector<512xf32>
    %broadcast_in_dim3A_667 = vector.shape_cast %reduce_max3A_666 : vector<512xf32> to vector<512x1xf32>
    %argmax3A_668 = tpu.reduce_index %select_n3A_664 {axis = 1 : i32, kind = #tpu.reduction_kind<arg_max>} : vector<512x64xf32> -> vector<512xi32>
    %broadcast_in_dim3A_669 = vector.shape_cast %argmax3A_668 : vector<512xi32> to vector<512x1xi32>
    %eq3A_670 = vector.broadcast %broadcast_in_dim3A_669 : vector<512x1xi32> to vector<512x64xi32>
    %eq3A_671 = arith.cmpi eq, %iota3A_616, %eq3A_670 : vector<512x64xi32>
    %jit3A_672 = arith.constant 0 : i32
    %broadcast_in_dim3A_673 = vector.broadcast %jit3A_672 : i32 to vector<512x64xi32>
    %select_n3A_674 = arith.select %eq3A_671, %concatenate3A_615, %broadcast_in_dim3A_673 : vector<512x64xi1>, vector<512x64xi32>
    %reduce_sum3A_675 = arith.constant dense<0> : vector<512xi32>
    %reduce_sum3A_676 = vector.multi_reduction <add>, %select_n3A_674, %reduce_sum3A_675 [1] : vector<512x64xi32> to vector<512xi32>
    %broadcast_in_dim3A_677 = vector.shape_cast %reduce_sum3A_676 : vector<512xi32> to vector<512x1xi32>
    %jit3A_678 = arith.constant -1.000000e+30 : f32
    %broadcast_in_dim3A_679 = vector.broadcast %jit3A_678 : f32 to vector<512x64xf32>
    %select_n3A_680 = arith.select %eq3A_671, %broadcast_in_dim3A_679, %select_n3A_664 : vector<512x64xi1>, vector<512x64xf32>
    %reduce_max3A_681 = arith.constant dense<0xFF800000> : vector<512xf32>
    %reduce_max3A_682 = vector.multi_reduction <maximumf>, %select_n3A_680, %reduce_max3A_681 [1] : vector<512x64xf32> to vector<512xf32>
    %broadcast_in_dim3A_683 = vector.shape_cast %reduce_max3A_682 : vector<512xf32> to vector<512x1xf32>
    %argmax3A_684 = tpu.reduce_index %select_n3A_680 {axis = 1 : i32, kind = #tpu.reduction_kind<arg_max>} : vector<512x64xf32> -> vector<512xi32>
    %broadcast_in_dim3A_685 = vector.shape_cast %argmax3A_684 : vector<512xi32> to vector<512x1xi32>
    %eq3A_686 = vector.broadcast %broadcast_in_dim3A_685 : vector<512x1xi32> to vector<512x64xi32>
    %eq3A_687 = arith.cmpi eq, %iota3A_616, %eq3A_686 : vector<512x64xi32>
    %jit3A_688 = arith.constant 0 : i32
    %broadcast_in_dim3A_689 = vector.broadcast %jit3A_688 : i32 to vector<512x64xi32>
    %select_n3A_690 = arith.select %eq3A_687, %concatenate3A_615, %broadcast_in_dim3A_689 : vector<512x64xi1>, vector<512x64xi32>
    %reduce_sum3A_691 = arith.constant dense<0> : vector<512xi32>
    %reduce_sum3A_692 = vector.multi_reduction <add>, %select_n3A_690, %reduce_sum3A_691 [1] : vector<512x64xi32> to vector<512xi32>
    %broadcast_in_dim3A_693 = vector.shape_cast %reduce_sum3A_692 : vector<512xi32> to vector<512x1xi32>
    %jit3A_694 = arith.constant -1.000000e+30 : f32
    %broadcast_in_dim3A_695 = vector.broadcast %jit3A_694 : f32 to vector<512x64xf32>
    %select_n3A_696 = arith.select %eq3A_687, %broadcast_in_dim3A_695, %select_n3A_680 : vector<512x64xi1>, vector<512x64xf32>
    %reduce_max3A_697 = arith.constant dense<0xFF800000> : vector<512xf32>
    %reduce_max3A_698 = vector.multi_reduction <maximumf>, %select_n3A_696, %reduce_max3A_697 [1] : vector<512x64xf32> to vector<512xf32>
    %broadcast_in_dim3A_699 = vector.shape_cast %reduce_max3A_698 : vector<512xf32> to vector<512x1xf32>
    %argmax3A_700 = tpu.reduce_index %select_n3A_696 {axis = 1 : i32, kind = #tpu.reduction_kind<arg_max>} : vector<512x64xf32> -> vector<512xi32>
    %broadcast_in_dim3A_701 = vector.shape_cast %argmax3A_700 : vector<512xi32> to vector<512x1xi32>
    %eq3A_702 = vector.broadcast %broadcast_in_dim3A_701 : vector<512x1xi32> to vector<512x64xi32>
    %eq3A_703 = arith.cmpi eq, %iota3A_616, %eq3A_702 : vector<512x64xi32>
    %jit3A_704 = arith.constant 0 : i32
    %broadcast_in_dim3A_705 = vector.broadcast %jit3A_704 : i32 to vector<512x64xi32>
    %select_n3A_706 = arith.select %eq3A_703, %concatenate3A_615, %broadcast_in_dim3A_705 : vector<512x64xi1>, vector<512x64xi32>
    %reduce_sum3A_707 = arith.constant dense<0> : vector<512xi32>
    %reduce_sum3A_708 = vector.multi_reduction <add>, %select_n3A_706, %reduce_sum3A_707 [1] : vector<512x64xi32> to vector<512xi32>
    %broadcast_in_dim3A_709 = vector.shape_cast %reduce_sum3A_708 : vector<512xi32> to vector<512x1xi32>
    %jit3A_710 = arith.constant -1.000000e+30 : f32
    %broadcast_in_dim3A_711 = vector.broadcast %jit3A_710 : f32 to vector<512x64xf32>
    %select_n3A_712 = arith.select %eq3A_703, %broadcast_in_dim3A_711, %select_n3A_696 : vector<512x64xi1>, vector<512x64xf32>
    %reduce_max3A_713 = arith.constant dense<0xFF800000> : vector<512xf32>
    %reduce_max3A_714 = vector.multi_reduction <maximumf>, %select_n3A_712, %reduce_max3A_713 [1] : vector<512x64xf32> to vector<512xf32>
    %broadcast_in_dim3A_715 = vector.shape_cast %reduce_max3A_714 : vector<512xf32> to vector<512x1xf32>
    %argmax3A_716 = tpu.reduce_index %select_n3A_712 {axis = 1 : i32, kind = #tpu.reduction_kind<arg_max>} : vector<512x64xf32> -> vector<512xi32>
    %broadcast_in_dim3A_717 = vector.shape_cast %argmax3A_716 : vector<512xi32> to vector<512x1xi32>
    %eq3A_718 = vector.broadcast %broadcast_in_dim3A_717 : vector<512x1xi32> to vector<512x64xi32>
    %eq3A_719 = arith.cmpi eq, %iota3A_616, %eq3A_718 : vector<512x64xi32>
    %jit3A_720 = arith.constant 0 : i32
    %broadcast_in_dim3A_721 = vector.broadcast %jit3A_720 : i32 to vector<512x64xi32>
    %select_n3A_722 = arith.select %eq3A_719, %concatenate3A_615, %broadcast_in_dim3A_721 : vector<512x64xi1>, vector<512x64xi32>
    %reduce_sum3A_723 = arith.constant dense<0> : vector<512xi32>
    %reduce_sum3A_724 = vector.multi_reduction <add>, %select_n3A_722, %reduce_sum3A_723 [1] : vector<512x64xi32> to vector<512xi32>
    %broadcast_in_dim3A_725 = vector.shape_cast %reduce_sum3A_724 : vector<512xi32> to vector<512x1xi32>
    %jit3A_726 = arith.constant -1.000000e+30 : f32
    %broadcast_in_dim3A_727 = vector.broadcast %jit3A_726 : f32 to vector<512x64xf32>
    %select_n3A_728 = arith.select %eq3A_719, %broadcast_in_dim3A_727, %select_n3A_712 : vector<512x64xi1>, vector<512x64xf32>
    %reduce_max3A_729 = arith.constant dense<0xFF800000> : vector<512xf32>
    %reduce_max3A_730 = vector.multi_reduction <maximumf>, %select_n3A_728, %reduce_max3A_729 [1] : vector<512x64xf32> to vector<512xf32>
    %broadcast_in_dim3A_731 = vector.shape_cast %reduce_max3A_730 : vector<512xf32> to vector<512x1xf32>
    %argmax3A_732 = tpu.reduce_index %select_n3A_728 {axis = 1 : i32, kind = #tpu.reduction_kind<arg_max>} : vector<512x64xf32> -> vector<512xi32>
    %broadcast_in_dim3A_733 = vector.shape_cast %argmax3A_732 : vector<512xi32> to vector<512x1xi32>
    %eq3A_734 = vector.broadcast %broadcast_in_dim3A_733 : vector<512x1xi32> to vector<512x64xi32>
    %eq3A_735 = arith.cmpi eq, %iota3A_616, %eq3A_734 : vector<512x64xi32>
    %jit3A_736 = arith.constant 0 : i32
    %broadcast_in_dim3A_737 = vector.broadcast %jit3A_736 : i32 to vector<512x64xi32>
    %select_n3A_738 = arith.select %eq3A_735, %concatenate3A_615, %broadcast_in_dim3A_737 : vector<512x64xi1>, vector<512x64xi32>
    %reduce_sum3A_739 = arith.constant dense<0> : vector<512xi32>
    %reduce_sum3A_740 = vector.multi_reduction <add>, %select_n3A_738, %reduce_sum3A_739 [1] : vector<512x64xi32> to vector<512xi32>
    %broadcast_in_dim3A_741 = vector.shape_cast %reduce_sum3A_740 : vector<512xi32> to vector<512x1xi32>
    %concatenate3A_742 = tpu.concatenate %broadcast_in_dim3A_619, %broadcast_in_dim3A_635, %broadcast_in_dim3A_651, %broadcast_in_dim3A_667, %broadcast_in_dim3A_683, %broadcast_in_dim3A_699, %broadcast_in_dim3A_715, %broadcast_in_dim3A_731 in 1 : vector<512x1xf32>, vector<512x1xf32>, vector<512x1xf32>, vector<512x1xf32>, vector<512x1xf32>, vector<512x1xf32>, vector<512x1xf32>, vector<512x1xf32> -> vector<512x8xf32>
    %slice3A_743 = vector.extract_strided_slice %concatenate3A_742 {offsets = [0, 0], sizes = [512, 1], strides = [1, 1]} : vector<512x8xf32> to vector<512x1xf32>
    %sub3A_744 = vector.broadcast %slice3A_743 : vector<512x1xf32> to vector<512x8xf32>
    %sub3A_745 = arith.subf %concatenate3A_742, %sub3A_744 : vector<512x8xf32>
    %exp3A_746 = math.exp %sub3A_745 : vector<512x8xf32>
    %reduce_sum3A_747 = arith.constant dense<0.000000e+00> : vector<512xf32>
    %reduce_sum3A_748 = vector.multi_reduction <add>, %exp3A_746, %reduce_sum3A_747 [1] : vector<512x8xf32> to vector<512xf32>
    %broadcast_in_dim3A_749 = vector.shape_cast %reduce_sum3A_748 : vector<512xf32> to vector<512x1xf32>
    %div3A_750 = vector.broadcast %broadcast_in_dim3A_749 : vector<512x1xf32> to vector<512x8xf32>
    %div3A_751 = arith.divf %exp3A_746, %div3A_750 : vector<512x8xf32>
    %slice3A_752 = vector.extract_strided_slice %div3A_751 {offsets = [0, 0], sizes = [512, 1], strides = [1, 1]} : vector<512x8xf32> to vector<512x1xf32>
    %broadcast_in_dim3A_753 = vector.shape_cast %slice3A_752 : vector<512x1xf32> to vector<512x1xf32>
    %broadcast_in_dim3A_754 = vector.broadcast %broadcast_in_dim3A_753 : vector<512x1xf32> to vector<512x16xf32>
    %slice3A_755 = vector.extract_strided_slice %div3A_751 {offsets = [0, 1], sizes = [512, 1], strides = [1, 1]} : vector<512x8xf32> to vector<512x1xf32>
    %broadcast_in_dim3A_756 = vector.shape_cast %slice3A_755 : vector<512x1xf32> to vector<512x1xf32>
    %broadcast_in_dim3A_757 = vector.broadcast %broadcast_in_dim3A_756 : vector<512x1xf32> to vector<512x16xf32>
    %slice3A_758 = vector.extract_strided_slice %div3A_751 {offsets = [0, 2], sizes = [512, 1], strides = [1, 1]} : vector<512x8xf32> to vector<512x1xf32>
    %broadcast_in_dim3A_759 = vector.shape_cast %slice3A_758 : vector<512x1xf32> to vector<512x1xf32>
    %broadcast_in_dim3A_760 = vector.broadcast %broadcast_in_dim3A_759 : vector<512x1xf32> to vector<512x16xf32>
    %slice3A_761 = vector.extract_strided_slice %div3A_751 {offsets = [0, 3], sizes = [512, 1], strides = [1, 1]} : vector<512x8xf32> to vector<512x1xf32>
    %broadcast_in_dim3A_762 = vector.shape_cast %slice3A_761 : vector<512x1xf32> to vector<512x1xf32>
    %broadcast_in_dim3A_763 = vector.broadcast %broadcast_in_dim3A_762 : vector<512x1xf32> to vector<512x16xf32>
    %slice3A_764 = vector.extract_strided_slice %div3A_751 {offsets = [0, 4], sizes = [512, 1], strides = [1, 1]} : vector<512x8xf32> to vector<512x1xf32>
    %broadcast_in_dim3A_765 = vector.shape_cast %slice3A_764 : vector<512x1xf32> to vector<512x1xf32>
    %broadcast_in_dim3A_766 = vector.broadcast %broadcast_in_dim3A_765 : vector<512x1xf32> to vector<512x16xf32>
    %slice3A_767 = vector.extract_strided_slice %div3A_751 {offsets = [0, 5], sizes = [512, 1], strides = [1, 1]} : vector<512x8xf32> to vector<512x1xf32>
    %broadcast_in_dim3A_768 = vector.shape_cast %slice3A_767 : vector<512x1xf32> to vector<512x1xf32>
    %broadcast_in_dim3A_769 = vector.broadcast %broadcast_in_dim3A_768 : vector<512x1xf32> to vector<512x16xf32>
    %slice3A_770 = vector.extract_strided_slice %div3A_751 {offsets = [0, 6], sizes = [512, 1], strides = [1, 1]} : vector<512x8xf32> to vector<512x1xf32>
    %broadcast_in_dim3A_771 = vector.shape_cast %slice3A_770 : vector<512x1xf32> to vector<512x1xf32>
    %broadcast_in_dim3A_772 = vector.broadcast %broadcast_in_dim3A_771 : vector<512x1xf32> to vector<512x16xf32>
    %slice3A_773 = vector.extract_strided_slice %div3A_751 {offsets = [0, 7], sizes = [512, 1], strides = [1, 1]} : vector<512x8xf32> to vector<512x1xf32>
    %broadcast_in_dim3A_774 = vector.shape_cast %slice3A_773 : vector<512x1xf32> to vector<512x1xf32>
    %broadcast_in_dim3A_775 = vector.broadcast %broadcast_in_dim3A_774 : vector<512x1xf32> to vector<512x16xf32>
    %slice3A_776 = vector.extract_strided_slice %add3A_9 {offsets = [0, 512], sizes = [512, 128], strides = [1, 1]} : vector<512x1024xf32> to vector<512x128xf32>
    %slice3A_777 = vector.extract_strided_slice %add3A_9 {offsets = [0, 640], sizes = [512, 128], strides = [1, 1]} : vector<512x1024xf32> to vector<512x128xf32>
    %get3A_778 = arith.constant 2 : index
    %get3A_779 = arith.constant 0 : index
    %get3A_780 = arith.constant 0 : index
    %get3A_781 = arith.constant 0 : index
    %get3A_782 = vector.load %arg4[%get3A_778, %get3A_779, %get3A_780, %get3A_781] : memref<4x2x512x128xf32, #tpu.memory_space<vmem>>, vector<1x1x512x128xf32>
    %get3A_783 = vector.shape_cast %get3A_782 : vector<1x1x512x128xf32> to vector<512x128xf32>
    %dot_general3A_784 = arith.constant dense<0.000000e+00> : vector<512x512xf32>
    %dot_general3A_785 = tpu.matmul %slice3A_776, %get3A_783, %dot_general3A_784 {dimension_numbers = #tpu.dot_dimension_numbers<[1], [1], [0], [0], [0, 0, 1, 0], [], []>, transpose_lhs_hint = false} : vector<512x128xf32>, vector<512x128xf32>, vector<512x512xf32> -> vector<512x512xf32>
    %get3A_786 = arith.constant 2 : index
    %get3A_787 = arith.constant 1 : index
    %get3A_788 = arith.constant 0 : index
    %get3A_789 = arith.constant 0 : index
    %get3A_790 = vector.load %arg4[%get3A_786, %get3A_787, %get3A_788, %get3A_789] : memref<4x2x512x128xf32, #tpu.memory_space<vmem>>, vector<1x1x512x128xf32>
    %get3A_791 = vector.shape_cast %get3A_790 : vector<1x1x512x128xf32> to vector<512x128xf32>
    %dot_general3A_792 = arith.constant dense<0.000000e+00> : vector<512x512xf32>
    %dot_general3A_793 = tpu.matmul %slice3A_777, %get3A_791, %dot_general3A_792 {dimension_numbers = #tpu.dot_dimension_numbers<[1], [1], [0], [0], [0, 0, 1, 0], [], []>, transpose_lhs_hint = false} : vector<512x128xf32>, vector<512x128xf32>, vector<512x512xf32> -> vector<512x512xf32>
    %iota3A_794 = tpu.iota {dimensions = array<i32: 1>} : vector<512x512xi32>
    %reduce_max3A_795 = arith.constant dense<0xFF800000> : vector<512xf32>
    %reduce_max3A_796 = vector.multi_reduction <maximumf>, %dot_general3A_785, %reduce_max3A_795 [1] : vector<512x512xf32> to vector<512xf32>
    %broadcast_in_dim3A_797 = vector.shape_cast %reduce_max3A_796 : vector<512xf32> to vector<512x1xf32>
    %argmax3A_798 = tpu.reduce_index %dot_general3A_785 {axis = 1 : i32, kind = #tpu.reduction_kind<arg_max>} : vector<512x512xf32> -> vector<512xi32>
    %broadcast_in_dim3A_799 = vector.shape_cast %argmax3A_798 : vector<512xi32> to vector<512x1xi32>
    %eq3A_800 = vector.broadcast %broadcast_in_dim3A_799 : vector<512x1xi32> to vector<512x512xi32>
    %eq3A_801 = arith.cmpi eq, %iota3A_794, %eq3A_800 : vector<512x512xi32>
    %jit3A_802 = arith.constant -1.000000e+30 : f32
    %broadcast_in_dim3A_803 = vector.broadcast %jit3A_802 : f32 to vector<512x512xf32>
    %select_n3A_804 = arith.select %eq3A_801, %broadcast_in_dim3A_803, %dot_general3A_785 : vector<512x512xi1>, vector<512x512xf32>
    %reduce_max3A_805 = arith.constant dense<0xFF800000> : vector<512xf32>
    %reduce_max3A_806 = vector.multi_reduction <maximumf>, %select_n3A_804, %reduce_max3A_805 [1] : vector<512x512xf32> to vector<512xf32>
    %broadcast_in_dim3A_807 = vector.shape_cast %reduce_max3A_806 : vector<512xf32> to vector<512x1xf32>
    %argmax3A_808 = tpu.reduce_index %select_n3A_804 {axis = 1 : i32, kind = #tpu.reduction_kind<arg_max>} : vector<512x512xf32> -> vector<512xi32>
    %broadcast_in_dim3A_809 = vector.shape_cast %argmax3A_808 : vector<512xi32> to vector<512x1xi32>
    %eq3A_810 = vector.broadcast %broadcast_in_dim3A_809 : vector<512x1xi32> to vector<512x512xi32>
    %eq3A_811 = arith.cmpi eq, %iota3A_794, %eq3A_810 : vector<512x512xi32>
    %jit3A_812 = arith.constant -1.000000e+30 : f32
    %broadcast_in_dim3A_813 = vector.broadcast %jit3A_812 : f32 to vector<512x512xf32>
    %select_n3A_814 = arith.select %eq3A_811, %broadcast_in_dim3A_813, %select_n3A_804 : vector<512x512xi1>, vector<512x512xf32>
    %reduce_max3A_815 = arith.constant dense<0xFF800000> : vector<512xf32>
    %reduce_max3A_816 = vector.multi_reduction <maximumf>, %select_n3A_814, %reduce_max3A_815 [1] : vector<512x512xf32> to vector<512xf32>
    %broadcast_in_dim3A_817 = vector.shape_cast %reduce_max3A_816 : vector<512xf32> to vector<512x1xf32>
    %argmax3A_818 = tpu.reduce_index %select_n3A_814 {axis = 1 : i32, kind = #tpu.reduction_kind<arg_max>} : vector<512x512xf32> -> vector<512xi32>
    %broadcast_in_dim3A_819 = vector.shape_cast %argmax3A_818 : vector<512xi32> to vector<512x1xi32>
    %eq3A_820 = vector.broadcast %broadcast_in_dim3A_819 : vector<512x1xi32> to vector<512x512xi32>
    %eq3A_821 = arith.cmpi eq, %iota3A_794, %eq3A_820 : vector<512x512xi32>
    %jit3A_822 = arith.constant -1.000000e+30 : f32
    %broadcast_in_dim3A_823 = vector.broadcast %jit3A_822 : f32 to vector<512x512xf32>
    %select_n3A_824 = arith.select %eq3A_821, %broadcast_in_dim3A_823, %select_n3A_814 : vector<512x512xi1>, vector<512x512xf32>
    %reduce_max3A_825 = arith.constant dense<0xFF800000> : vector<512xf32>
    %reduce_max3A_826 = vector.multi_reduction <maximumf>, %select_n3A_824, %reduce_max3A_825 [1] : vector<512x512xf32> to vector<512xf32>
    %broadcast_in_dim3A_827 = vector.shape_cast %reduce_max3A_826 : vector<512xf32> to vector<512x1xf32>
    %argmax3A_828 = tpu.reduce_index %select_n3A_824 {axis = 1 : i32, kind = #tpu.reduction_kind<arg_max>} : vector<512x512xf32> -> vector<512xi32>
    %broadcast_in_dim3A_829 = vector.shape_cast %argmax3A_828 : vector<512xi32> to vector<512x1xi32>
    %eq3A_830 = vector.broadcast %broadcast_in_dim3A_829 : vector<512x1xi32> to vector<512x512xi32>
    %eq3A_831 = arith.cmpi eq, %iota3A_794, %eq3A_830 : vector<512x512xi32>
    %jit3A_832 = arith.constant -1.000000e+30 : f32
    %broadcast_in_dim3A_833 = vector.broadcast %jit3A_832 : f32 to vector<512x512xf32>
    %select_n3A_834 = arith.select %eq3A_831, %broadcast_in_dim3A_833, %select_n3A_824 : vector<512x512xi1>, vector<512x512xf32>
    %reduce_max3A_835 = arith.constant dense<0xFF800000> : vector<512xf32>
    %reduce_max3A_836 = vector.multi_reduction <maximumf>, %select_n3A_834, %reduce_max3A_835 [1] : vector<512x512xf32> to vector<512xf32>
    %broadcast_in_dim3A_837 = vector.shape_cast %reduce_max3A_836 : vector<512xf32> to vector<512x1xf32>
    %argmax3A_838 = tpu.reduce_index %select_n3A_834 {axis = 1 : i32, kind = #tpu.reduction_kind<arg_max>} : vector<512x512xf32> -> vector<512xi32>
    %broadcast_in_dim3A_839 = vector.shape_cast %argmax3A_838 : vector<512xi32> to vector<512x1xi32>
    %eq3A_840 = vector.broadcast %broadcast_in_dim3A_839 : vector<512x1xi32> to vector<512x512xi32>
    %eq3A_841 = arith.cmpi eq, %iota3A_794, %eq3A_840 : vector<512x512xi32>
    %jit3A_842 = arith.constant -1.000000e+30 : f32
    %broadcast_in_dim3A_843 = vector.broadcast %jit3A_842 : f32 to vector<512x512xf32>
    %select_n3A_844 = arith.select %eq3A_841, %broadcast_in_dim3A_843, %select_n3A_834 : vector<512x512xi1>, vector<512x512xf32>
    %reduce_max3A_845 = arith.constant dense<0xFF800000> : vector<512xf32>
    %reduce_max3A_846 = vector.multi_reduction <maximumf>, %select_n3A_844, %reduce_max3A_845 [1] : vector<512x512xf32> to vector<512xf32>
    %broadcast_in_dim3A_847 = vector.shape_cast %reduce_max3A_846 : vector<512xf32> to vector<512x1xf32>
    %argmax3A_848 = tpu.reduce_index %select_n3A_844 {axis = 1 : i32, kind = #tpu.reduction_kind<arg_max>} : vector<512x512xf32> -> vector<512xi32>
    %broadcast_in_dim3A_849 = vector.shape_cast %argmax3A_848 : vector<512xi32> to vector<512x1xi32>
    %eq3A_850 = vector.broadcast %broadcast_in_dim3A_849 : vector<512x1xi32> to vector<512x512xi32>
    %eq3A_851 = arith.cmpi eq, %iota3A_794, %eq3A_850 : vector<512x512xi32>
    %jit3A_852 = arith.constant -1.000000e+30 : f32
    %broadcast_in_dim3A_853 = vector.broadcast %jit3A_852 : f32 to vector<512x512xf32>
    %select_n3A_854 = arith.select %eq3A_851, %broadcast_in_dim3A_853, %select_n3A_844 : vector<512x512xi1>, vector<512x512xf32>
    %reduce_max3A_855 = arith.constant dense<0xFF800000> : vector<512xf32>
    %reduce_max3A_856 = vector.multi_reduction <maximumf>, %select_n3A_854, %reduce_max3A_855 [1] : vector<512x512xf32> to vector<512xf32>
    %broadcast_in_dim3A_857 = vector.shape_cast %reduce_max3A_856 : vector<512xf32> to vector<512x1xf32>
    %argmax3A_858 = tpu.reduce_index %select_n3A_854 {axis = 1 : i32, kind = #tpu.reduction_kind<arg_max>} : vector<512x512xf32> -> vector<512xi32>
    %broadcast_in_dim3A_859 = vector.shape_cast %argmax3A_858 : vector<512xi32> to vector<512x1xi32>
    %eq3A_860 = vector.broadcast %broadcast_in_dim3A_859 : vector<512x1xi32> to vector<512x512xi32>
    %eq3A_861 = arith.cmpi eq, %iota3A_794, %eq3A_860 : vector<512x512xi32>
    %jit3A_862 = arith.constant -1.000000e+30 : f32
    %broadcast_in_dim3A_863 = vector.broadcast %jit3A_862 : f32 to vector<512x512xf32>
    %select_n3A_864 = arith.select %eq3A_861, %broadcast_in_dim3A_863, %select_n3A_854 : vector<512x512xi1>, vector<512x512xf32>
    %reduce_max3A_865 = arith.constant dense<0xFF800000> : vector<512xf32>
    %reduce_max3A_866 = vector.multi_reduction <maximumf>, %select_n3A_864, %reduce_max3A_865 [1] : vector<512x512xf32> to vector<512xf32>
    %broadcast_in_dim3A_867 = vector.shape_cast %reduce_max3A_866 : vector<512xf32> to vector<512x1xf32>
    %argmax3A_868 = tpu.reduce_index %select_n3A_864 {axis = 1 : i32, kind = #tpu.reduction_kind<arg_max>} : vector<512x512xf32> -> vector<512xi32>
    %broadcast_in_dim3A_869 = vector.shape_cast %argmax3A_868 : vector<512xi32> to vector<512x1xi32>
    %iota3A_870 = tpu.iota {dimensions = array<i32: 1>} : vector<512x512xi32>
    %reduce_max3A_871 = arith.constant dense<0xFF800000> : vector<512xf32>
    %reduce_max3A_872 = vector.multi_reduction <maximumf>, %dot_general3A_793, %reduce_max3A_871 [1] : vector<512x512xf32> to vector<512xf32>
    %broadcast_in_dim3A_873 = vector.shape_cast %reduce_max3A_872 : vector<512xf32> to vector<512x1xf32>
    %argmax3A_874 = tpu.reduce_index %dot_general3A_793 {axis = 1 : i32, kind = #tpu.reduction_kind<arg_max>} : vector<512x512xf32> -> vector<512xi32>
    %broadcast_in_dim3A_875 = vector.shape_cast %argmax3A_874 : vector<512xi32> to vector<512x1xi32>
    %eq3A_876 = vector.broadcast %broadcast_in_dim3A_875 : vector<512x1xi32> to vector<512x512xi32>
    %eq3A_877 = arith.cmpi eq, %iota3A_870, %eq3A_876 : vector<512x512xi32>
    %jit3A_878 = arith.constant -1.000000e+30 : f32
    %broadcast_in_dim3A_879 = vector.broadcast %jit3A_878 : f32 to vector<512x512xf32>
    %select_n3A_880 = arith.select %eq3A_877, %broadcast_in_dim3A_879, %dot_general3A_793 : vector<512x512xi1>, vector<512x512xf32>
    %reduce_max3A_881 = arith.constant dense<0xFF800000> : vector<512xf32>
    %reduce_max3A_882 = vector.multi_reduction <maximumf>, %select_n3A_880, %reduce_max3A_881 [1] : vector<512x512xf32> to vector<512xf32>
    %broadcast_in_dim3A_883 = vector.shape_cast %reduce_max3A_882 : vector<512xf32> to vector<512x1xf32>
    %argmax3A_884 = tpu.reduce_index %select_n3A_880 {axis = 1 : i32, kind = #tpu.reduction_kind<arg_max>} : vector<512x512xf32> -> vector<512xi32>
    %broadcast_in_dim3A_885 = vector.shape_cast %argmax3A_884 : vector<512xi32> to vector<512x1xi32>
    %eq3A_886 = vector.broadcast %broadcast_in_dim3A_885 : vector<512x1xi32> to vector<512x512xi32>
    %eq3A_887 = arith.cmpi eq, %iota3A_870, %eq3A_886 : vector<512x512xi32>
    %jit3A_888 = arith.constant -1.000000e+30 : f32
    %broadcast_in_dim3A_889 = vector.broadcast %jit3A_888 : f32 to vector<512x512xf32>
    %select_n3A_890 = arith.select %eq3A_887, %broadcast_in_dim3A_889, %select_n3A_880 : vector<512x512xi1>, vector<512x512xf32>
    %reduce_max3A_891 = arith.constant dense<0xFF800000> : vector<512xf32>
    %reduce_max3A_892 = vector.multi_reduction <maximumf>, %select_n3A_890, %reduce_max3A_891 [1] : vector<512x512xf32> to vector<512xf32>
    %broadcast_in_dim3A_893 = vector.shape_cast %reduce_max3A_892 : vector<512xf32> to vector<512x1xf32>
    %argmax3A_894 = tpu.reduce_index %select_n3A_890 {axis = 1 : i32, kind = #tpu.reduction_kind<arg_max>} : vector<512x512xf32> -> vector<512xi32>
    %broadcast_in_dim3A_895 = vector.shape_cast %argmax3A_894 : vector<512xi32> to vector<512x1xi32>
    %eq3A_896 = vector.broadcast %broadcast_in_dim3A_895 : vector<512x1xi32> to vector<512x512xi32>
    %eq3A_897 = arith.cmpi eq, %iota3A_870, %eq3A_896 : vector<512x512xi32>
    %jit3A_898 = arith.constant -1.000000e+30 : f32
    %broadcast_in_dim3A_899 = vector.broadcast %jit3A_898 : f32 to vector<512x512xf32>
    %select_n3A_900 = arith.select %eq3A_897, %broadcast_in_dim3A_899, %select_n3A_890 : vector<512x512xi1>, vector<512x512xf32>
    %reduce_max3A_901 = arith.constant dense<0xFF800000> : vector<512xf32>
    %reduce_max3A_902 = vector.multi_reduction <maximumf>, %select_n3A_900, %reduce_max3A_901 [1] : vector<512x512xf32> to vector<512xf32>
    %broadcast_in_dim3A_903 = vector.shape_cast %reduce_max3A_902 : vector<512xf32> to vector<512x1xf32>
    %argmax3A_904 = tpu.reduce_index %select_n3A_900 {axis = 1 : i32, kind = #tpu.reduction_kind<arg_max>} : vector<512x512xf32> -> vector<512xi32>
    %broadcast_in_dim3A_905 = vector.shape_cast %argmax3A_904 : vector<512xi32> to vector<512x1xi32>
    %eq3A_906 = vector.broadcast %broadcast_in_dim3A_905 : vector<512x1xi32> to vector<512x512xi32>
    %eq3A_907 = arith.cmpi eq, %iota3A_870, %eq3A_906 : vector<512x512xi32>
    %jit3A_908 = arith.constant -1.000000e+30 : f32
    %broadcast_in_dim3A_909 = vector.broadcast %jit3A_908 : f32 to vector<512x512xf32>
    %select_n3A_910 = arith.select %eq3A_907, %broadcast_in_dim3A_909, %select_n3A_900 : vector<512x512xi1>, vector<512x512xf32>
    %reduce_max3A_911 = arith.constant dense<0xFF800000> : vector<512xf32>
    %reduce_max3A_912 = vector.multi_reduction <maximumf>, %select_n3A_910, %reduce_max3A_911 [1] : vector<512x512xf32> to vector<512xf32>
    %broadcast_in_dim3A_913 = vector.shape_cast %reduce_max3A_912 : vector<512xf32> to vector<512x1xf32>
    %argmax3A_914 = tpu.reduce_index %select_n3A_910 {axis = 1 : i32, kind = #tpu.reduction_kind<arg_max>} : vector<512x512xf32> -> vector<512xi32>
    %broadcast_in_dim3A_915 = vector.shape_cast %argmax3A_914 : vector<512xi32> to vector<512x1xi32>
    %eq3A_916 = vector.broadcast %broadcast_in_dim3A_915 : vector<512x1xi32> to vector<512x512xi32>
    %eq3A_917 = arith.cmpi eq, %iota3A_870, %eq3A_916 : vector<512x512xi32>
    %jit3A_918 = arith.constant -1.000000e+30 : f32
    %broadcast_in_dim3A_919 = vector.broadcast %jit3A_918 : f32 to vector<512x512xf32>
    %select_n3A_920 = arith.select %eq3A_917, %broadcast_in_dim3A_919, %select_n3A_910 : vector<512x512xi1>, vector<512x512xf32>
    %reduce_max3A_921 = arith.constant dense<0xFF800000> : vector<512xf32>
    %reduce_max3A_922 = vector.multi_reduction <maximumf>, %select_n3A_920, %reduce_max3A_921 [1] : vector<512x512xf32> to vector<512xf32>
    %broadcast_in_dim3A_923 = vector.shape_cast %reduce_max3A_922 : vector<512xf32> to vector<512x1xf32>
    %argmax3A_924 = tpu.reduce_index %select_n3A_920 {axis = 1 : i32, kind = #tpu.reduction_kind<arg_max>} : vector<512x512xf32> -> vector<512xi32>
    %broadcast_in_dim3A_925 = vector.shape_cast %argmax3A_924 : vector<512xi32> to vector<512x1xi32>
    %eq3A_926 = vector.broadcast %broadcast_in_dim3A_925 : vector<512x1xi32> to vector<512x512xi32>
    %eq3A_927 = arith.cmpi eq, %iota3A_870, %eq3A_926 : vector<512x512xi32>
    %jit3A_928 = arith.constant -1.000000e+30 : f32
    %broadcast_in_dim3A_929 = vector.broadcast %jit3A_928 : f32 to vector<512x512xf32>
    %select_n3A_930 = arith.select %eq3A_927, %broadcast_in_dim3A_929, %select_n3A_920 : vector<512x512xi1>, vector<512x512xf32>
    %reduce_max3A_931 = arith.constant dense<0xFF800000> : vector<512xf32>
    %reduce_max3A_932 = vector.multi_reduction <maximumf>, %select_n3A_930, %reduce_max3A_931 [1] : vector<512x512xf32> to vector<512xf32>
    %broadcast_in_dim3A_933 = vector.shape_cast %reduce_max3A_932 : vector<512xf32> to vector<512x1xf32>
    %argmax3A_934 = tpu.reduce_index %select_n3A_930 {axis = 1 : i32, kind = #tpu.reduction_kind<arg_max>} : vector<512x512xf32> -> vector<512xi32>
    %broadcast_in_dim3A_935 = vector.shape_cast %argmax3A_934 : vector<512xi32> to vector<512x1xi32>
    %eq3A_936 = vector.broadcast %broadcast_in_dim3A_935 : vector<512x1xi32> to vector<512x512xi32>
    %eq3A_937 = arith.cmpi eq, %iota3A_870, %eq3A_936 : vector<512x512xi32>
    %jit3A_938 = arith.constant -1.000000e+30 : f32
    %broadcast_in_dim3A_939 = vector.broadcast %jit3A_938 : f32 to vector<512x512xf32>
    %select_n3A_940 = arith.select %eq3A_937, %broadcast_in_dim3A_939, %select_n3A_930 : vector<512x512xi1>, vector<512x512xf32>
    %reduce_max3A_941 = arith.constant dense<0xFF800000> : vector<512xf32>
    %reduce_max3A_942 = vector.multi_reduction <maximumf>, %select_n3A_940, %reduce_max3A_941 [1] : vector<512x512xf32> to vector<512xf32>
    %broadcast_in_dim3A_943 = vector.shape_cast %reduce_max3A_942 : vector<512xf32> to vector<512x1xf32>
    %argmax3A_944 = tpu.reduce_index %select_n3A_940 {axis = 1 : i32, kind = #tpu.reduction_kind<arg_max>} : vector<512x512xf32> -> vector<512xi32>
    %broadcast_in_dim3A_945 = vector.shape_cast %argmax3A_944 : vector<512xi32> to vector<512x1xi32>
    %concatenate3A_946 = tpu.concatenate %broadcast_in_dim3A_873, %broadcast_in_dim3A_883, %broadcast_in_dim3A_893, %broadcast_in_dim3A_903, %broadcast_in_dim3A_913, %broadcast_in_dim3A_923, %broadcast_in_dim3A_933, %broadcast_in_dim3A_943 in 1 : vector<512x1xf32>, vector<512x1xf32>, vector<512x1xf32>, vector<512x1xf32>, vector<512x1xf32>, vector<512x1xf32>, vector<512x1xf32>, vector<512x1xf32> -> vector<512x8xf32>
    %concatenate3A_947 = tpu.concatenate %broadcast_in_dim3A_875, %broadcast_in_dim3A_885, %broadcast_in_dim3A_895, %broadcast_in_dim3A_905, %broadcast_in_dim3A_915, %broadcast_in_dim3A_925, %broadcast_in_dim3A_935, %broadcast_in_dim3A_945 in 1 : vector<512x1xi32>, vector<512x1xi32>, vector<512x1xi32>, vector<512x1xi32>, vector<512x1xi32>, vector<512x1xi32>, vector<512x1xi32>, vector<512x1xi32> -> vector<512x8xi32>
    %add3A_948 = vector.broadcast %broadcast_in_dim3A_797 : vector<512x1xf32> to vector<512x8xf32>
    %add3A_949 = arith.addf %add3A_948, %concatenate3A_946 : vector<512x8xf32>
    %add3A_950 = vector.broadcast %broadcast_in_dim3A_807 : vector<512x1xf32> to vector<512x8xf32>
    %add3A_951 = arith.addf %add3A_950, %concatenate3A_946 : vector<512x8xf32>
    %add3A_952 = vector.broadcast %broadcast_in_dim3A_817 : vector<512x1xf32> to vector<512x8xf32>
    %add3A_953 = arith.addf %add3A_952, %concatenate3A_946 : vector<512x8xf32>
    %add3A_954 = vector.broadcast %broadcast_in_dim3A_827 : vector<512x1xf32> to vector<512x8xf32>
    %add3A_955 = arith.addf %add3A_954, %concatenate3A_946 : vector<512x8xf32>
    %add3A_956 = vector.broadcast %broadcast_in_dim3A_837 : vector<512x1xf32> to vector<512x8xf32>
    %add3A_957 = arith.addf %add3A_956, %concatenate3A_946 : vector<512x8xf32>
    %add3A_958 = vector.broadcast %broadcast_in_dim3A_847 : vector<512x1xf32> to vector<512x8xf32>
    %add3A_959 = arith.addf %add3A_958, %concatenate3A_946 : vector<512x8xf32>
    %add3A_960 = vector.broadcast %broadcast_in_dim3A_857 : vector<512x1xf32> to vector<512x8xf32>
    %add3A_961 = arith.addf %add3A_960, %concatenate3A_946 : vector<512x8xf32>
    %add3A_962 = vector.broadcast %broadcast_in_dim3A_867 : vector<512x1xf32> to vector<512x8xf32>
    %add3A_963 = arith.addf %add3A_962, %concatenate3A_946 : vector<512x8xf32>
    %concatenate3A_964 = tpu.concatenate %add3A_949, %add3A_951, %add3A_953, %add3A_955, %add3A_957, %add3A_959, %add3A_961, %add3A_963 in 1 : vector<512x8xf32>, vector<512x8xf32>, vector<512x8xf32>, vector<512x8xf32>, vector<512x8xf32>, vector<512x8xf32>, vector<512x8xf32>, vector<512x8xf32> -> vector<512x64xf32>
    %mul3A_965 = arith.constant 512 : i32
    %mul3A_966 = vector.broadcast %mul3A_965 : i32 to vector<512x1xi32>
    %mul3A_967 = arith.muli %broadcast_in_dim3A_799, %mul3A_966 : vector<512x1xi32>
    %add3A_968 = vector.broadcast %mul3A_967 : vector<512x1xi32> to vector<512x8xi32>
    %add3A_969 = arith.addi %add3A_968, %concatenate3A_947 : vector<512x8xi32>
    %mul3A_970 = arith.constant 512 : i32
    %mul3A_971 = vector.broadcast %mul3A_970 : i32 to vector<512x1xi32>
    %mul3A_972 = arith.muli %broadcast_in_dim3A_809, %mul3A_971 : vector<512x1xi32>
    %add3A_973 = vector.broadcast %mul3A_972 : vector<512x1xi32> to vector<512x8xi32>
    %add3A_974 = arith.addi %add3A_973, %concatenate3A_947 : vector<512x8xi32>
    %mul3A_975 = arith.constant 512 : i32
    %mul3A_976 = vector.broadcast %mul3A_975 : i32 to vector<512x1xi32>
    %mul3A_977 = arith.muli %broadcast_in_dim3A_819, %mul3A_976 : vector<512x1xi32>
    %add3A_978 = vector.broadcast %mul3A_977 : vector<512x1xi32> to vector<512x8xi32>
    %add3A_979 = arith.addi %add3A_978, %concatenate3A_947 : vector<512x8xi32>
    %mul3A_980 = arith.constant 512 : i32
    %mul3A_981 = vector.broadcast %mul3A_980 : i32 to vector<512x1xi32>
    %mul3A_982 = arith.muli %broadcast_in_dim3A_829, %mul3A_981 : vector<512x1xi32>
    %add3A_983 = vector.broadcast %mul3A_982 : vector<512x1xi32> to vector<512x8xi32>
    %add3A_984 = arith.addi %add3A_983, %concatenate3A_947 : vector<512x8xi32>
    %mul3A_985 = arith.constant 512 : i32
    %mul3A_986 = vector.broadcast %mul3A_985 : i32 to vector<512x1xi32>
    %mul3A_987 = arith.muli %broadcast_in_dim3A_839, %mul3A_986 : vector<512x1xi32>
    %add3A_988 = vector.broadcast %mul3A_987 : vector<512x1xi32> to vector<512x8xi32>
    %add3A_989 = arith.addi %add3A_988, %concatenate3A_947 : vector<512x8xi32>
    %mul3A_990 = arith.constant 512 : i32
    %mul3A_991 = vector.broadcast %mul3A_990 : i32 to vector<512x1xi32>
    %mul3A_992 = arith.muli %broadcast_in_dim3A_849, %mul3A_991 : vector<512x1xi32>
    %add3A_993 = vector.broadcast %mul3A_992 : vector<512x1xi32> to vector<512x8xi32>
    %add3A_994 = arith.addi %add3A_993, %concatenate3A_947 : vector<512x8xi32>
    %mul3A_995 = arith.constant 512 : i32
    %mul3A_996 = vector.broadcast %mul3A_995 : i32 to vector<512x1xi32>
    %mul3A_997 = arith.muli %broadcast_in_dim3A_859, %mul3A_996 : vector<512x1xi32>
    %add3A_998 = vector.broadcast %mul3A_997 : vector<512x1xi32> to vector<512x8xi32>
    %add3A_999 = arith.addi %add3A_998, %concatenate3A_947 : vector<512x8xi32>
    %mul3A_1000 = arith.constant 512 : i32
    %mul3A_1001 = vector.broadcast %mul3A_1000 : i32 to vector<512x1xi32>
    %mul3A_1002 = arith.muli %broadcast_in_dim3A_869, %mul3A_1001 : vector<512x1xi32>
    %add3A_1003 = vector.broadcast %mul3A_1002 : vector<512x1xi32> to vector<512x8xi32>
    %add3A_1004 = arith.addi %add3A_1003, %concatenate3A_947 : vector<512x8xi32>
    %concatenate3A_1005 = tpu.concatenate %add3A_969, %add3A_974, %add3A_979, %add3A_984, %add3A_989, %add3A_994, %add3A_999, %add3A_1004 in 1 : vector<512x8xi32>, vector<512x8xi32>, vector<512x8xi32>, vector<512x8xi32>, vector<512x8xi32>, vector<512x8xi32>, vector<512x8xi32>, vector<512x8xi32> -> vector<512x64xi32>
    %iota3A_1006 = tpu.iota {dimensions = array<i32: 1>} : vector<512x64xi32>
    %reduce_max3A_1007 = arith.constant dense<0xFF800000> : vector<512xf32>
    %reduce_max3A_1008 = vector.multi_reduction <maximumf>, %concatenate3A_964, %reduce_max3A_1007 [1] : vector<512x64xf32> to vector<512xf32>
    %broadcast_in_dim3A_1009 = vector.shape_cast %reduce_max3A_1008 : vector<512xf32> to vector<512x1xf32>
    %argmax3A_1010 = tpu.reduce_index %concatenate3A_964 {axis = 1 : i32, kind = #tpu.reduction_kind<arg_max>} : vector<512x64xf32> -> vector<512xi32>
    %broadcast_in_dim3A_1011 = vector.shape_cast %argmax3A_1010 : vector<512xi32> to vector<512x1xi32>
    %eq3A_1012 = vector.broadcast %broadcast_in_dim3A_1011 : vector<512x1xi32> to vector<512x64xi32>
    %eq3A_1013 = arith.cmpi eq, %iota3A_1006, %eq3A_1012 : vector<512x64xi32>
    %jit3A_1014 = arith.constant 0 : i32
    %broadcast_in_dim3A_1015 = vector.broadcast %jit3A_1014 : i32 to vector<512x64xi32>
    %select_n3A_1016 = arith.select %eq3A_1013, %concatenate3A_1005, %broadcast_in_dim3A_1015 : vector<512x64xi1>, vector<512x64xi32>
    %reduce_sum3A_1017 = arith.constant dense<0> : vector<512xi32>
    %reduce_sum3A_1018 = vector.multi_reduction <add>, %select_n3A_1016, %reduce_sum3A_1017 [1] : vector<512x64xi32> to vector<512xi32>
    %broadcast_in_dim3A_1019 = vector.shape_cast %reduce_sum3A_1018 : vector<512xi32> to vector<512x1xi32>
    %jit3A_1020 = arith.constant -1.000000e+30 : f32
    %broadcast_in_dim3A_1021 = vector.broadcast %jit3A_1020 : f32 to vector<512x64xf32>
    %select_n3A_1022 = arith.select %eq3A_1013, %broadcast_in_dim3A_1021, %concatenate3A_964 : vector<512x64xi1>, vector<512x64xf32>
    %reduce_max3A_1023 = arith.constant dense<0xFF800000> : vector<512xf32>
    %reduce_max3A_1024 = vector.multi_reduction <maximumf>, %select_n3A_1022, %reduce_max3A_1023 [1] : vector<512x64xf32> to vector<512xf32>
    %broadcast_in_dim3A_1025 = vector.shape_cast %reduce_max3A_1024 : vector<512xf32> to vector<512x1xf32>
    %argmax3A_1026 = tpu.reduce_index %select_n3A_1022 {axis = 1 : i32, kind = #tpu.reduction_kind<arg_max>} : vector<512x64xf32> -> vector<512xi32>
    %broadcast_in_dim3A_1027 = vector.shape_cast %argmax3A_1026 : vector<512xi32> to vector<512x1xi32>
    %eq3A_1028 = vector.broadcast %broadcast_in_dim3A_1027 : vector<512x1xi32> to vector<512x64xi32>
    %eq3A_1029 = arith.cmpi eq, %iota3A_1006, %eq3A_1028 : vector<512x64xi32>
    %jit3A_1030 = arith.constant 0 : i32
    %broadcast_in_dim3A_1031 = vector.broadcast %jit3A_1030 : i32 to vector<512x64xi32>
    %select_n3A_1032 = arith.select %eq3A_1029, %concatenate3A_1005, %broadcast_in_dim3A_1031 : vector<512x64xi1>, vector<512x64xi32>
    %reduce_sum3A_1033 = arith.constant dense<0> : vector<512xi32>
    %reduce_sum3A_1034 = vector.multi_reduction <add>, %select_n3A_1032, %reduce_sum3A_1033 [1] : vector<512x64xi32> to vector<512xi32>
    %broadcast_in_dim3A_1035 = vector.shape_cast %reduce_sum3A_1034 : vector<512xi32> to vector<512x1xi32>
    %jit3A_1036 = arith.constant -1.000000e+30 : f32
    %broadcast_in_dim3A_1037 = vector.broadcast %jit3A_1036 : f32 to vector<512x64xf32>
    %select_n3A_1038 = arith.select %eq3A_1029, %broadcast_in_dim3A_1037, %select_n3A_1022 : vector<512x64xi1>, vector<512x64xf32>
    %reduce_max3A_1039 = arith.constant dense<0xFF800000> : vector<512xf32>
    %reduce_max3A_1040 = vector.multi_reduction <maximumf>, %select_n3A_1038, %reduce_max3A_1039 [1] : vector<512x64xf32> to vector<512xf32>
    %broadcast_in_dim3A_1041 = vector.shape_cast %reduce_max3A_1040 : vector<512xf32> to vector<512x1xf32>
    %argmax3A_1042 = tpu.reduce_index %select_n3A_1038 {axis = 1 : i32, kind = #tpu.reduction_kind<arg_max>} : vector<512x64xf32> -> vector<512xi32>
    %broadcast_in_dim3A_1043 = vector.shape_cast %argmax3A_1042 : vector<512xi32> to vector<512x1xi32>
    %eq3A_1044 = vector.broadcast %broadcast_in_dim3A_1043 : vector<512x1xi32> to vector<512x64xi32>
    %eq3A_1045 = arith.cmpi eq, %iota3A_1006, %eq3A_1044 : vector<512x64xi32>
    %jit3A_1046 = arith.constant 0 : i32
    %broadcast_in_dim3A_1047 = vector.broadcast %jit3A_1046 : i32 to vector<512x64xi32>
    %select_n3A_1048 = arith.select %eq3A_1045, %concatenate3A_1005, %broadcast_in_dim3A_1047 : vector<512x64xi1>, vector<512x64xi32>
    %reduce_sum3A_1049 = arith.constant dense<0> : vector<512xi32>
    %reduce_sum3A_1050 = vector.multi_reduction <add>, %select_n3A_1048, %reduce_sum3A_1049 [1] : vector<512x64xi32> to vector<512xi32>
    %broadcast_in_dim3A_1051 = vector.shape_cast %reduce_sum3A_1050 : vector<512xi32> to vector<512x1xi32>
    %jit3A_1052 = arith.constant -1.000000e+30 : f32
    %broadcast_in_dim3A_1053 = vector.broadcast %jit3A_1052 : f32 to vector<512x64xf32>
    %select_n3A_1054 = arith.select %eq3A_1045, %broadcast_in_dim3A_1053, %select_n3A_1038 : vector<512x64xi1>, vector<512x64xf32>
    %reduce_max3A_1055 = arith.constant dense<0xFF800000> : vector<512xf32>
    %reduce_max3A_1056 = vector.multi_reduction <maximumf>, %select_n3A_1054, %reduce_max3A_1055 [1] : vector<512x64xf32> to vector<512xf32>
    %broadcast_in_dim3A_1057 = vector.shape_cast %reduce_max3A_1056 : vector<512xf32> to vector<512x1xf32>
    %argmax3A_1058 = tpu.reduce_index %select_n3A_1054 {axis = 1 : i32, kind = #tpu.reduction_kind<arg_max>} : vector<512x64xf32> -> vector<512xi32>
    %broadcast_in_dim3A_1059 = vector.shape_cast %argmax3A_1058 : vector<512xi32> to vector<512x1xi32>
    %eq3A_1060 = vector.broadcast %broadcast_in_dim3A_1059 : vector<512x1xi32> to vector<512x64xi32>
    %eq3A_1061 = arith.cmpi eq, %iota3A_1006, %eq3A_1060 : vector<512x64xi32>
    %jit3A_1062 = arith.constant 0 : i32
    %broadcast_in_dim3A_1063 = vector.broadcast %jit3A_1062 : i32 to vector<512x64xi32>
    %select_n3A_1064 = arith.select %eq3A_1061, %concatenate3A_1005, %broadcast_in_dim3A_1063 : vector<512x64xi1>, vector<512x64xi32>
    %reduce_sum3A_1065 = arith.constant dense<0> : vector<512xi32>
    %reduce_sum3A_1066 = vector.multi_reduction <add>, %select_n3A_1064, %reduce_sum3A_1065 [1] : vector<512x64xi32> to vector<512xi32>
    %broadcast_in_dim3A_1067 = vector.shape_cast %reduce_sum3A_1066 : vector<512xi32> to vector<512x1xi32>
    %jit3A_1068 = arith.constant -1.000000e+30 : f32
    %broadcast_in_dim3A_1069 = vector.broadcast %jit3A_1068 : f32 to vector<512x64xf32>
    %select_n3A_1070 = arith.select %eq3A_1061, %broadcast_in_dim3A_1069, %select_n3A_1054 : vector<512x64xi1>, vector<512x64xf32>
    %reduce_max3A_1071 = arith.constant dense<0xFF800000> : vector<512xf32>
    %reduce_max3A_1072 = vector.multi_reduction <maximumf>, %select_n3A_1070, %reduce_max3A_1071 [1] : vector<512x64xf32> to vector<512xf32>
    %broadcast_in_dim3A_1073 = vector.shape_cast %reduce_max3A_1072 : vector<512xf32> to vector<512x1xf32>
    %argmax3A_1074 = tpu.reduce_index %select_n3A_1070 {axis = 1 : i32, kind = #tpu.reduction_kind<arg_max>} : vector<512x64xf32> -> vector<512xi32>
    %broadcast_in_dim3A_1075 = vector.shape_cast %argmax3A_1074 : vector<512xi32> to vector<512x1xi32>
    %eq3A_1076 = vector.broadcast %broadcast_in_dim3A_1075 : vector<512x1xi32> to vector<512x64xi32>
    %eq3A_1077 = arith.cmpi eq, %iota3A_1006, %eq3A_1076 : vector<512x64xi32>
    %jit3A_1078 = arith.constant 0 : i32
    %broadcast_in_dim3A_1079 = vector.broadcast %jit3A_1078 : i32 to vector<512x64xi32>
    %select_n3A_1080 = arith.select %eq3A_1077, %concatenate3A_1005, %broadcast_in_dim3A_1079 : vector<512x64xi1>, vector<512x64xi32>
    %reduce_sum3A_1081 = arith.constant dense<0> : vector<512xi32>
    %reduce_sum3A_1082 = vector.multi_reduction <add>, %select_n3A_1080, %reduce_sum3A_1081 [1] : vector<512x64xi32> to vector<512xi32>
    %broadcast_in_dim3A_1083 = vector.shape_cast %reduce_sum3A_1082 : vector<512xi32> to vector<512x1xi32>
    %jit3A_1084 = arith.constant -1.000000e+30 : f32
    %broadcast_in_dim3A_1085 = vector.broadcast %jit3A_1084 : f32 to vector<512x64xf32>
    %select_n3A_1086 = arith.select %eq3A_1077, %broadcast_in_dim3A_1085, %select_n3A_1070 : vector<512x64xi1>, vector<512x64xf32>
    %reduce_max3A_1087 = arith.constant dense<0xFF800000> : vector<512xf32>
    %reduce_max3A_1088 = vector.multi_reduction <maximumf>, %select_n3A_1086, %reduce_max3A_1087 [1] : vector<512x64xf32> to vector<512xf32>
    %broadcast_in_dim3A_1089 = vector.shape_cast %reduce_max3A_1088 : vector<512xf32> to vector<512x1xf32>
    %argmax3A_1090 = tpu.reduce_index %select_n3A_1086 {axis = 1 : i32, kind = #tpu.reduction_kind<arg_max>} : vector<512x64xf32> -> vector<512xi32>
    %broadcast_in_dim3A_1091 = vector.shape_cast %argmax3A_1090 : vector<512xi32> to vector<512x1xi32>
    %eq3A_1092 = vector.broadcast %broadcast_in_dim3A_1091 : vector<512x1xi32> to vector<512x64xi32>
    %eq3A_1093 = arith.cmpi eq, %iota3A_1006, %eq3A_1092 : vector<512x64xi32>
    %jit3A_1094 = arith.constant 0 : i32
    %broadcast_in_dim3A_1095 = vector.broadcast %jit3A_1094 : i32 to vector<512x64xi32>
    %select_n3A_1096 = arith.select %eq3A_1093, %concatenate3A_1005, %broadcast_in_dim3A_1095 : vector<512x64xi1>, vector<512x64xi32>
    %reduce_sum3A_1097 = arith.constant dense<0> : vector<512xi32>
    %reduce_sum3A_1098 = vector.multi_reduction <add>, %select_n3A_1096, %reduce_sum3A_1097 [1] : vector<512x64xi32> to vector<512xi32>
    %broadcast_in_dim3A_1099 = vector.shape_cast %reduce_sum3A_1098 : vector<512xi32> to vector<512x1xi32>
    %jit3A_1100 = arith.constant -1.000000e+30 : f32
    %broadcast_in_dim3A_1101 = vector.broadcast %jit3A_1100 : f32 to vector<512x64xf32>
    %select_n3A_1102 = arith.select %eq3A_1093, %broadcast_in_dim3A_1101, %select_n3A_1086 : vector<512x64xi1>, vector<512x64xf32>
    %reduce_max3A_1103 = arith.constant dense<0xFF800000> : vector<512xf32>
    %reduce_max3A_1104 = vector.multi_reduction <maximumf>, %select_n3A_1102, %reduce_max3A_1103 [1] : vector<512x64xf32> to vector<512xf32>
    %broadcast_in_dim3A_1105 = vector.shape_cast %reduce_max3A_1104 : vector<512xf32> to vector<512x1xf32>
    %argmax3A_1106 = tpu.reduce_index %select_n3A_1102 {axis = 1 : i32, kind = #tpu.reduction_kind<arg_max>} : vector<512x64xf32> -> vector<512xi32>
    %broadcast_in_dim3A_1107 = vector.shape_cast %argmax3A_1106 : vector<512xi32> to vector<512x1xi32>
    %eq3A_1108 = vector.broadcast %broadcast_in_dim3A_1107 : vector<512x1xi32> to vector<512x64xi32>
    %eq3A_1109 = arith.cmpi eq, %iota3A_1006, %eq3A_1108 : vector<512x64xi32>
    %jit3A_1110 = arith.constant 0 : i32
    %broadcast_in_dim3A_1111 = vector.broadcast %jit3A_1110 : i32 to vector<512x64xi32>
    %select_n3A_1112 = arith.select %eq3A_1109, %concatenate3A_1005, %broadcast_in_dim3A_1111 : vector<512x64xi1>, vector<512x64xi32>
    %reduce_sum3A_1113 = arith.constant dense<0> : vector<512xi32>
    %reduce_sum3A_1114 = vector.multi_reduction <add>, %select_n3A_1112, %reduce_sum3A_1113 [1] : vector<512x64xi32> to vector<512xi32>
    %broadcast_in_dim3A_1115 = vector.shape_cast %reduce_sum3A_1114 : vector<512xi32> to vector<512x1xi32>
    %jit3A_1116 = arith.constant -1.000000e+30 : f32
    %broadcast_in_dim3A_1117 = vector.broadcast %jit3A_1116 : f32 to vector<512x64xf32>
    %select_n3A_1118 = arith.select %eq3A_1109, %broadcast_in_dim3A_1117, %select_n3A_1102 : vector<512x64xi1>, vector<512x64xf32>
    %reduce_max3A_1119 = arith.constant dense<0xFF800000> : vector<512xf32>
    %reduce_max3A_1120 = vector.multi_reduction <maximumf>, %select_n3A_1118, %reduce_max3A_1119 [1] : vector<512x64xf32> to vector<512xf32>
    %broadcast_in_dim3A_1121 = vector.shape_cast %reduce_max3A_1120 : vector<512xf32> to vector<512x1xf32>
    %argmax3A_1122 = tpu.reduce_index %select_n3A_1118 {axis = 1 : i32, kind = #tpu.reduction_kind<arg_max>} : vector<512x64xf32> -> vector<512xi32>
    %broadcast_in_dim3A_1123 = vector.shape_cast %argmax3A_1122 : vector<512xi32> to vector<512x1xi32>
    %eq3A_1124 = vector.broadcast %broadcast_in_dim3A_1123 : vector<512x1xi32> to vector<512x64xi32>
    %eq3A_1125 = arith.cmpi eq, %iota3A_1006, %eq3A_1124 : vector<512x64xi32>
    %jit3A_1126 = arith.constant 0 : i32
    %broadcast_in_dim3A_1127 = vector.broadcast %jit3A_1126 : i32 to vector<512x64xi32>
    %select_n3A_1128 = arith.select %eq3A_1125, %concatenate3A_1005, %broadcast_in_dim3A_1127 : vector<512x64xi1>, vector<512x64xi32>
    %reduce_sum3A_1129 = arith.constant dense<0> : vector<512xi32>
    %reduce_sum3A_1130 = vector.multi_reduction <add>, %select_n3A_1128, %reduce_sum3A_1129 [1] : vector<512x64xi32> to vector<512xi32>
    %broadcast_in_dim3A_1131 = vector.shape_cast %reduce_sum3A_1130 : vector<512xi32> to vector<512x1xi32>
    %concatenate3A_1132 = tpu.concatenate %broadcast_in_dim3A_1009, %broadcast_in_dim3A_1025, %broadcast_in_dim3A_1041, %broadcast_in_dim3A_1057, %broadcast_in_dim3A_1073, %broadcast_in_dim3A_1089, %broadcast_in_dim3A_1105, %broadcast_in_dim3A_1121 in 1 : vector<512x1xf32>, vector<512x1xf32>, vector<512x1xf32>, vector<512x1xf32>, vector<512x1xf32>, vector<512x1xf32>, vector<512x1xf32>, vector<512x1xf32> -> vector<512x8xf32>
    %slice3A_1133 = vector.extract_strided_slice %concatenate3A_1132 {offsets = [0, 0], sizes = [512, 1], strides = [1, 1]} : vector<512x8xf32> to vector<512x1xf32>
    %sub3A_1134 = vector.broadcast %slice3A_1133 : vector<512x1xf32> to vector<512x8xf32>
    %sub3A_1135 = arith.subf %concatenate3A_1132, %sub3A_1134 : vector<512x8xf32>
    %exp3A_1136 = math.exp %sub3A_1135 : vector<512x8xf32>
    %reduce_sum3A_1137 = arith.constant dense<0.000000e+00> : vector<512xf32>
    %reduce_sum3A_1138 = vector.multi_reduction <add>, %exp3A_1136, %reduce_sum3A_1137 [1] : vector<512x8xf32> to vector<512xf32>
    %broadcast_in_dim3A_1139 = vector.shape_cast %reduce_sum3A_1138 : vector<512xf32> to vector<512x1xf32>
    %div3A_1140 = vector.broadcast %broadcast_in_dim3A_1139 : vector<512x1xf32> to vector<512x8xf32>
    %div3A_1141 = arith.divf %exp3A_1136, %div3A_1140 : vector<512x8xf32>
    %slice3A_1142 = vector.extract_strided_slice %div3A_1141 {offsets = [0, 0], sizes = [512, 1], strides = [1, 1]} : vector<512x8xf32> to vector<512x1xf32>
    %broadcast_in_dim3A_1143 = vector.shape_cast %slice3A_1142 : vector<512x1xf32> to vector<512x1xf32>
    %broadcast_in_dim3A_1144 = vector.broadcast %broadcast_in_dim3A_1143 : vector<512x1xf32> to vector<512x16xf32>
    %slice3A_1145 = vector.extract_strided_slice %div3A_1141 {offsets = [0, 1], sizes = [512, 1], strides = [1, 1]} : vector<512x8xf32> to vector<512x1xf32>
    %broadcast_in_dim3A_1146 = vector.shape_cast %slice3A_1145 : vector<512x1xf32> to vector<512x1xf32>
    %broadcast_in_dim3A_1147 = vector.broadcast %broadcast_in_dim3A_1146 : vector<512x1xf32> to vector<512x16xf32>
    %slice3A_1148 = vector.extract_strided_slice %div3A_1141 {offsets = [0, 2], sizes = [512, 1], strides = [1, 1]} : vector<512x8xf32> to vector<512x1xf32>
    %broadcast_in_dim3A_1149 = vector.shape_cast %slice3A_1148 : vector<512x1xf32> to vector<512x1xf32>
    %broadcast_in_dim3A_1150 = vector.broadcast %broadcast_in_dim3A_1149 : vector<512x1xf32> to vector<512x16xf32>
    %slice3A_1151 = vector.extract_strided_slice %div3A_1141 {offsets = [0, 3], sizes = [512, 1], strides = [1, 1]} : vector<512x8xf32> to vector<512x1xf32>
    %broadcast_in_dim3A_1152 = vector.shape_cast %slice3A_1151 : vector<512x1xf32> to vector<512x1xf32>
    %broadcast_in_dim3A_1153 = vector.broadcast %broadcast_in_dim3A_1152 : vector<512x1xf32> to vector<512x16xf32>
    %slice3A_1154 = vector.extract_strided_slice %div3A_1141 {offsets = [0, 4], sizes = [512, 1], strides = [1, 1]} : vector<512x8xf32> to vector<512x1xf32>
    %broadcast_in_dim3A_1155 = vector.shape_cast %slice3A_1154 : vector<512x1xf32> to vector<512x1xf32>
    %broadcast_in_dim3A_1156 = vector.broadcast %broadcast_in_dim3A_1155 : vector<512x1xf32> to vector<512x16xf32>
    %slice3A_1157 = vector.extract_strided_slice %div3A_1141 {offsets = [0, 5], sizes = [512, 1], strides = [1, 1]} : vector<512x8xf32> to vector<512x1xf32>
    %broadcast_in_dim3A_1158 = vector.shape_cast %slice3A_1157 : vector<512x1xf32> to vector<512x1xf32>
    %broadcast_in_dim3A_1159 = vector.broadcast %broadcast_in_dim3A_1158 : vector<512x1xf32> to vector<512x16xf32>
    %slice3A_1160 = vector.extract_strided_slice %div3A_1141 {offsets = [0, 6], sizes = [512, 1], strides = [1, 1]} : vector<512x8xf32> to vector<512x1xf32>
    %broadcast_in_dim3A_1161 = vector.shape_cast %slice3A_1160 : vector<512x1xf32> to vector<512x1xf32>
    %broadcast_in_dim3A_1162 = vector.broadcast %broadcast_in_dim3A_1161 : vector<512x1xf32> to vector<512x16xf32>
    %slice3A_1163 = vector.extract_strided_slice %div3A_1141 {offsets = [0, 7], sizes = [512, 1], strides = [1, 1]} : vector<512x8xf32> to vector<512x1xf32>
    %broadcast_in_dim3A_1164 = vector.shape_cast %slice3A_1163 : vector<512x1xf32> to vector<512x1xf32>
    %broadcast_in_dim3A_1165 = vector.broadcast %broadcast_in_dim3A_1164 : vector<512x1xf32> to vector<512x16xf32>
    %slice3A_1166 = vector.extract_strided_slice %add3A_9 {offsets = [0, 768], sizes = [512, 128], strides = [1, 1]} : vector<512x1024xf32> to vector<512x128xf32>
    %slice3A_1167 = vector.extract_strided_slice %add3A_9 {offsets = [0, 896], sizes = [512, 128], strides = [1, 1]} : vector<512x1024xf32> to vector<512x128xf32>
    %get3A_1168 = arith.constant 3 : index
    %get3A_1169 = arith.constant 0 : index
    %get3A_1170 = arith.constant 0 : index
    %get3A_1171 = arith.constant 0 : index
    %get3A_1172 = vector.load %arg4[%get3A_1168, %get3A_1169, %get3A_1170, %get3A_1171] : memref<4x2x512x128xf32, #tpu.memory_space<vmem>>, vector<1x1x512x128xf32>
    %get3A_1173 = vector.shape_cast %get3A_1172 : vector<1x1x512x128xf32> to vector<512x128xf32>
    %dot_general3A_1174 = arith.constant dense<0.000000e+00> : vector<512x512xf32>
    %dot_general3A_1175 = tpu.matmul %slice3A_1166, %get3A_1173, %dot_general3A_1174 {dimension_numbers = #tpu.dot_dimension_numbers<[1], [1], [0], [0], [0, 0, 1, 0], [], []>, transpose_lhs_hint = false} : vector<512x128xf32>, vector<512x128xf32>, vector<512x512xf32> -> vector<512x512xf32>
    %get3A_1176 = arith.constant 3 : index
    %get3A_1177 = arith.constant 1 : index
    %get3A_1178 = arith.constant 0 : index
    %get3A_1179 = arith.constant 0 : index
    %get3A_1180 = vector.load %arg4[%get3A_1176, %get3A_1177, %get3A_1178, %get3A_1179] : memref<4x2x512x128xf32, #tpu.memory_space<vmem>>, vector<1x1x512x128xf32>
    %get3A_1181 = vector.shape_cast %get3A_1180 : vector<1x1x512x128xf32> to vector<512x128xf32>
    %dot_general3A_1182 = arith.constant dense<0.000000e+00> : vector<512x512xf32>
    %dot_general3A_1183 = tpu.matmul %slice3A_1167, %get3A_1181, %dot_general3A_1182 {dimension_numbers = #tpu.dot_dimension_numbers<[1], [1], [0], [0], [0, 0, 1, 0], [], []>, transpose_lhs_hint = false} : vector<512x128xf32>, vector<512x128xf32>, vector<512x512xf32> -> vector<512x512xf32>
    %iota3A_1184 = tpu.iota {dimensions = array<i32: 1>} : vector<512x512xi32>
    %reduce_max3A_1185 = arith.constant dense<0xFF800000> : vector<512xf32>
    %reduce_max3A_1186 = vector.multi_reduction <maximumf>, %dot_general3A_1175, %reduce_max3A_1185 [1] : vector<512x512xf32> to vector<512xf32>
    %broadcast_in_dim3A_1187 = vector.shape_cast %reduce_max3A_1186 : vector<512xf32> to vector<512x1xf32>
    %argmax3A_1188 = tpu.reduce_index %dot_general3A_1175 {axis = 1 : i32, kind = #tpu.reduction_kind<arg_max>} : vector<512x512xf32> -> vector<512xi32>
    %broadcast_in_dim3A_1189 = vector.shape_cast %argmax3A_1188 : vector<512xi32> to vector<512x1xi32>
    %eq3A_1190 = vector.broadcast %broadcast_in_dim3A_1189 : vector<512x1xi32> to vector<512x512xi32>
    %eq3A_1191 = arith.cmpi eq, %iota3A_1184, %eq3A_1190 : vector<512x512xi32>
    %jit3A_1192 = arith.constant -1.000000e+30 : f32
    %broadcast_in_dim3A_1193 = vector.broadcast %jit3A_1192 : f32 to vector<512x512xf32>
    %select_n3A_1194 = arith.select %eq3A_1191, %broadcast_in_dim3A_1193, %dot_general3A_1175 : vector<512x512xi1>, vector<512x512xf32>
    %reduce_max3A_1195 = arith.constant dense<0xFF800000> : vector<512xf32>
    %reduce_max3A_1196 = vector.multi_reduction <maximumf>, %select_n3A_1194, %reduce_max3A_1195 [1] : vector<512x512xf32> to vector<512xf32>
    %broadcast_in_dim3A_1197 = vector.shape_cast %reduce_max3A_1196 : vector<512xf32> to vector<512x1xf32>
    %argmax3A_1198 = tpu.reduce_index %select_n3A_1194 {axis = 1 : i32, kind = #tpu.reduction_kind<arg_max>} : vector<512x512xf32> -> vector<512xi32>
    %broadcast_in_dim3A_1199 = vector.shape_cast %argmax3A_1198 : vector<512xi32> to vector<512x1xi32>
    %eq3A_1200 = vector.broadcast %broadcast_in_dim3A_1199 : vector<512x1xi32> to vector<512x512xi32>
    %eq3A_1201 = arith.cmpi eq, %iota3A_1184, %eq3A_1200 : vector<512x512xi32>
    %jit3A_1202 = arith.constant -1.000000e+30 : f32
    %broadcast_in_dim3A_1203 = vector.broadcast %jit3A_1202 : f32 to vector<512x512xf32>
    %select_n3A_1204 = arith.select %eq3A_1201, %broadcast_in_dim3A_1203, %select_n3A_1194 : vector<512x512xi1>, vector<512x512xf32>
    %reduce_max3A_1205 = arith.constant dense<0xFF800000> : vector<512xf32>
    %reduce_max3A_1206 = vector.multi_reduction <maximumf>, %select_n3A_1204, %reduce_max3A_1205 [1] : vector<512x512xf32> to vector<512xf32>
    %broadcast_in_dim3A_1207 = vector.shape_cast %reduce_max3A_1206 : vector<512xf32> to vector<512x1xf32>
    %argmax3A_1208 = tpu.reduce_index %select_n3A_1204 {axis = 1 : i32, kind = #tpu.reduction_kind<arg_max>} : vector<512x512xf32> -> vector<512xi32>
    %broadcast_in_dim3A_1209 = vector.shape_cast %argmax3A_1208 : vector<512xi32> to vector<512x1xi32>
    %eq3A_1210 = vector.broadcast %broadcast_in_dim3A_1209 : vector<512x1xi32> to vector<512x512xi32>
    %eq3A_1211 = arith.cmpi eq, %iota3A_1184, %eq3A_1210 : vector<512x512xi32>
    %jit3A_1212 = arith.constant -1.000000e+30 : f32
    %broadcast_in_dim3A_1213 = vector.broadcast %jit3A_1212 : f32 to vector<512x512xf32>
    %select_n3A_1214 = arith.select %eq3A_1211, %broadcast_in_dim3A_1213, %select_n3A_1204 : vector<512x512xi1>, vector<512x512xf32>
    %reduce_max3A_1215 = arith.constant dense<0xFF800000> : vector<512xf32>
    %reduce_max3A_1216 = vector.multi_reduction <maximumf>, %select_n3A_1214, %reduce_max3A_1215 [1] : vector<512x512xf32> to vector<512xf32>
    %broadcast_in_dim3A_1217 = vector.shape_cast %reduce_max3A_1216 : vector<512xf32> to vector<512x1xf32>
    %argmax3A_1218 = tpu.reduce_index %select_n3A_1214 {axis = 1 : i32, kind = #tpu.reduction_kind<arg_max>} : vector<512x512xf32> -> vector<512xi32>
    %broadcast_in_dim3A_1219 = vector.shape_cast %argmax3A_1218 : vector<512xi32> to vector<512x1xi32>
    %eq3A_1220 = vector.broadcast %broadcast_in_dim3A_1219 : vector<512x1xi32> to vector<512x512xi32>
    %eq3A_1221 = arith.cmpi eq, %iota3A_1184, %eq3A_1220 : vector<512x512xi32>
    %jit3A_1222 = arith.constant -1.000000e+30 : f32
    %broadcast_in_dim3A_1223 = vector.broadcast %jit3A_1222 : f32 to vector<512x512xf32>
    %select_n3A_1224 = arith.select %eq3A_1221, %broadcast_in_dim3A_1223, %select_n3A_1214 : vector<512x512xi1>, vector<512x512xf32>
    %reduce_max3A_1225 = arith.constant dense<0xFF800000> : vector<512xf32>
    %reduce_max3A_1226 = vector.multi_reduction <maximumf>, %select_n3A_1224, %reduce_max3A_1225 [1] : vector<512x512xf32> to vector<512xf32>
    %broadcast_in_dim3A_1227 = vector.shape_cast %reduce_max3A_1226 : vector<512xf32> to vector<512x1xf32>
    %argmax3A_1228 = tpu.reduce_index %select_n3A_1224 {axis = 1 : i32, kind = #tpu.reduction_kind<arg_max>} : vector<512x512xf32> -> vector<512xi32>
    %broadcast_in_dim3A_1229 = vector.shape_cast %argmax3A_1228 : vector<512xi32> to vector<512x1xi32>
    %eq3A_1230 = vector.broadcast %broadcast_in_dim3A_1229 : vector<512x1xi32> to vector<512x512xi32>
    %eq3A_1231 = arith.cmpi eq, %iota3A_1184, %eq3A_1230 : vector<512x512xi32>
    %jit3A_1232 = arith.constant -1.000000e+30 : f32
    %broadcast_in_dim3A_1233 = vector.broadcast %jit3A_1232 : f32 to vector<512x512xf32>
    %select_n3A_1234 = arith.select %eq3A_1231, %broadcast_in_dim3A_1233, %select_n3A_1224 : vector<512x512xi1>, vector<512x512xf32>
    %reduce_max3A_1235 = arith.constant dense<0xFF800000> : vector<512xf32>
    %reduce_max3A_1236 = vector.multi_reduction <maximumf>, %select_n3A_1234, %reduce_max3A_1235 [1] : vector<512x512xf32> to vector<512xf32>
    %broadcast_in_dim3A_1237 = vector.shape_cast %reduce_max3A_1236 : vector<512xf32> to vector<512x1xf32>
    %argmax3A_1238 = tpu.reduce_index %select_n3A_1234 {axis = 1 : i32, kind = #tpu.reduction_kind<arg_max>} : vector<512x512xf32> -> vector<512xi32>
    %broadcast_in_dim3A_1239 = vector.shape_cast %argmax3A_1238 : vector<512xi32> to vector<512x1xi32>
    %eq3A_1240 = vector.broadcast %broadcast_in_dim3A_1239 : vector<512x1xi32> to vector<512x512xi32>
    %eq3A_1241 = arith.cmpi eq, %iota3A_1184, %eq3A_1240 : vector<512x512xi32>
    %jit3A_1242 = arith.constant -1.000000e+30 : f32
    %broadcast_in_dim3A_1243 = vector.broadcast %jit3A_1242 : f32 to vector<512x512xf32>
    %select_n3A_1244 = arith.select %eq3A_1241, %broadcast_in_dim3A_1243, %select_n3A_1234 : vector<512x512xi1>, vector<512x512xf32>
    %reduce_max3A_1245 = arith.constant dense<0xFF800000> : vector<512xf32>
    %reduce_max3A_1246 = vector.multi_reduction <maximumf>, %select_n3A_1244, %reduce_max3A_1245 [1] : vector<512x512xf32> to vector<512xf32>
    %broadcast_in_dim3A_1247 = vector.shape_cast %reduce_max3A_1246 : vector<512xf32> to vector<512x1xf32>
    %argmax3A_1248 = tpu.reduce_index %select_n3A_1244 {axis = 1 : i32, kind = #tpu.reduction_kind<arg_max>} : vector<512x512xf32> -> vector<512xi32>
    %broadcast_in_dim3A_1249 = vector.shape_cast %argmax3A_1248 : vector<512xi32> to vector<512x1xi32>
    %eq3A_1250 = vector.broadcast %broadcast_in_dim3A_1249 : vector<512x1xi32> to vector<512x512xi32>
    %eq3A_1251 = arith.cmpi eq, %iota3A_1184, %eq3A_1250 : vector<512x512xi32>
    %jit3A_1252 = arith.constant -1.000000e+30 : f32
    %broadcast_in_dim3A_1253 = vector.broadcast %jit3A_1252 : f32 to vector<512x512xf32>
    %select_n3A_1254 = arith.select %eq3A_1251, %broadcast_in_dim3A_1253, %select_n3A_1244 : vector<512x512xi1>, vector<512x512xf32>
    %reduce_max3A_1255 = arith.constant dense<0xFF800000> : vector<512xf32>
    %reduce_max3A_1256 = vector.multi_reduction <maximumf>, %select_n3A_1254, %reduce_max3A_1255 [1] : vector<512x512xf32> to vector<512xf32>
    %broadcast_in_dim3A_1257 = vector.shape_cast %reduce_max3A_1256 : vector<512xf32> to vector<512x1xf32>
    %argmax3A_1258 = tpu.reduce_index %select_n3A_1254 {axis = 1 : i32, kind = #tpu.reduction_kind<arg_max>} : vector<512x512xf32> -> vector<512xi32>
    %broadcast_in_dim3A_1259 = vector.shape_cast %argmax3A_1258 : vector<512xi32> to vector<512x1xi32>
    %iota3A_1260 = tpu.iota {dimensions = array<i32: 1>} : vector<512x512xi32>
    %reduce_max3A_1261 = arith.constant dense<0xFF800000> : vector<512xf32>
    %reduce_max3A_1262 = vector.multi_reduction <maximumf>, %dot_general3A_1183, %reduce_max3A_1261 [1] : vector<512x512xf32> to vector<512xf32>
    %broadcast_in_dim3A_1263 = vector.shape_cast %reduce_max3A_1262 : vector<512xf32> to vector<512x1xf32>
    %argmax3A_1264 = tpu.reduce_index %dot_general3A_1183 {axis = 1 : i32, kind = #tpu.reduction_kind<arg_max>} : vector<512x512xf32> -> vector<512xi32>
    %broadcast_in_dim3A_1265 = vector.shape_cast %argmax3A_1264 : vector<512xi32> to vector<512x1xi32>
    %eq3A_1266 = vector.broadcast %broadcast_in_dim3A_1265 : vector<512x1xi32> to vector<512x512xi32>
    %eq3A_1267 = arith.cmpi eq, %iota3A_1260, %eq3A_1266 : vector<512x512xi32>
    %jit3A_1268 = arith.constant -1.000000e+30 : f32
    %broadcast_in_dim3A_1269 = vector.broadcast %jit3A_1268 : f32 to vector<512x512xf32>
    %select_n3A_1270 = arith.select %eq3A_1267, %broadcast_in_dim3A_1269, %dot_general3A_1183 : vector<512x512xi1>, vector<512x512xf32>
    %reduce_max3A_1271 = arith.constant dense<0xFF800000> : vector<512xf32>
    %reduce_max3A_1272 = vector.multi_reduction <maximumf>, %select_n3A_1270, %reduce_max3A_1271 [1] : vector<512x512xf32> to vector<512xf32>
    %broadcast_in_dim3A_1273 = vector.shape_cast %reduce_max3A_1272 : vector<512xf32> to vector<512x1xf32>
    %argmax3A_1274 = tpu.reduce_index %select_n3A_1270 {axis = 1 : i32, kind = #tpu.reduction_kind<arg_max>} : vector<512x512xf32> -> vector<512xi32>
    %broadcast_in_dim3A_1275 = vector.shape_cast %argmax3A_1274 : vector<512xi32> to vector<512x1xi32>
    %eq3A_1276 = vector.broadcast %broadcast_in_dim3A_1275 : vector<512x1xi32> to vector<512x512xi32>
    %eq3A_1277 = arith.cmpi eq, %iota3A_1260, %eq3A_1276 : vector<512x512xi32>
    %jit3A_1278 = arith.constant -1.000000e+30 : f32
    %broadcast_in_dim3A_1279 = vector.broadcast %jit3A_1278 : f32 to vector<512x512xf32>
    %select_n3A_1280 = arith.select %eq3A_1277, %broadcast_in_dim3A_1279, %select_n3A_1270 : vector<512x512xi1>, vector<512x512xf32>
    %reduce_max3A_1281 = arith.constant dense<0xFF800000> : vector<512xf32>
    %reduce_max3A_1282 = vector.multi_reduction <maximumf>, %select_n3A_1280, %reduce_max3A_1281 [1] : vector<512x512xf32> to vector<512xf32>
    %broadcast_in_dim3A_1283 = vector.shape_cast %reduce_max3A_1282 : vector<512xf32> to vector<512x1xf32>
    %argmax3A_1284 = tpu.reduce_index %select_n3A_1280 {axis = 1 : i32, kind = #tpu.reduction_kind<arg_max>} : vector<512x512xf32> -> vector<512xi32>
    %broadcast_in_dim3A_1285 = vector.shape_cast %argmax3A_1284 : vector<512xi32> to vector<512x1xi32>
    %eq3A_1286 = vector.broadcast %broadcast_in_dim3A_1285 : vector<512x1xi32> to vector<512x512xi32>
    %eq3A_1287 = arith.cmpi eq, %iota3A_1260, %eq3A_1286 : vector<512x512xi32>
    %jit3A_1288 = arith.constant -1.000000e+30 : f32
    %broadcast_in_dim3A_1289 = vector.broadcast %jit3A_1288 : f32 to vector<512x512xf32>
    %select_n3A_1290 = arith.select %eq3A_1287, %broadcast_in_dim3A_1289, %select_n3A_1280 : vector<512x512xi1>, vector<512x512xf32>
    %reduce_max3A_1291 = arith.constant dense<0xFF800000> : vector<512xf32>
    %reduce_max3A_1292 = vector.multi_reduction <maximumf>, %select_n3A_1290, %reduce_max3A_1291 [1] : vector<512x512xf32> to vector<512xf32>
    %broadcast_in_dim3A_1293 = vector.shape_cast %reduce_max3A_1292 : vector<512xf32> to vector<512x1xf32>
    %argmax3A_1294 = tpu.reduce_index %select_n3A_1290 {axis = 1 : i32, kind = #tpu.reduction_kind<arg_max>} : vector<512x512xf32> -> vector<512xi32>
    %broadcast_in_dim3A_1295 = vector.shape_cast %argmax3A_1294 : vector<512xi32> to vector<512x1xi32>
    %eq3A_1296 = vector.broadcast %broadcast_in_dim3A_1295 : vector<512x1xi32> to vector<512x512xi32>
    %eq3A_1297 = arith.cmpi eq, %iota3A_1260, %eq3A_1296 : vector<512x512xi32>
    %jit3A_1298 = arith.constant -1.000000e+30 : f32
    %broadcast_in_dim3A_1299 = vector.broadcast %jit3A_1298 : f32 to vector<512x512xf32>
    %select_n3A_1300 = arith.select %eq3A_1297, %broadcast_in_dim3A_1299, %select_n3A_1290 : vector<512x512xi1>, vector<512x512xf32>
    %reduce_max3A_1301 = arith.constant dense<0xFF800000> : vector<512xf32>
    %reduce_max3A_1302 = vector.multi_reduction <maximumf>, %select_n3A_1300, %reduce_max3A_1301 [1] : vector<512x512xf32> to vector<512xf32>
    %broadcast_in_dim3A_1303 = vector.shape_cast %reduce_max3A_1302 : vector<512xf32> to vector<512x1xf32>
    %argmax3A_1304 = tpu.reduce_index %select_n3A_1300 {axis = 1 : i32, kind = #tpu.reduction_kind<arg_max>} : vector<512x512xf32> -> vector<512xi32>
    %broadcast_in_dim3A_1305 = vector.shape_cast %argmax3A_1304 : vector<512xi32> to vector<512x1xi32>
    %eq3A_1306 = vector.broadcast %broadcast_in_dim3A_1305 : vector<512x1xi32> to vector<512x512xi32>
    %eq3A_1307 = arith.cmpi eq, %iota3A_1260, %eq3A_1306 : vector<512x512xi32>
    %jit3A_1308 = arith.constant -1.000000e+30 : f32
    %broadcast_in_dim3A_1309 = vector.broadcast %jit3A_1308 : f32 to vector<512x512xf32>
    %select_n3A_1310 = arith.select %eq3A_1307, %broadcast_in_dim3A_1309, %select_n3A_1300 : vector<512x512xi1>, vector<512x512xf32>
    %reduce_max3A_1311 = arith.constant dense<0xFF800000> : vector<512xf32>
    %reduce_max3A_1312 = vector.multi_reduction <maximumf>, %select_n3A_1310, %reduce_max3A_1311 [1] : vector<512x512xf32> to vector<512xf32>
    %broadcast_in_dim3A_1313 = vector.shape_cast %reduce_max3A_1312 : vector<512xf32> to vector<512x1xf32>
    %argmax3A_1314 = tpu.reduce_index %select_n3A_1310 {axis = 1 : i32, kind = #tpu.reduction_kind<arg_max>} : vector<512x512xf32> -> vector<512xi32>
    %broadcast_in_dim3A_1315 = vector.shape_cast %argmax3A_1314 : vector<512xi32> to vector<512x1xi32>
    %eq3A_1316 = vector.broadcast %broadcast_in_dim3A_1315 : vector<512x1xi32> to vector<512x512xi32>
    %eq3A_1317 = arith.cmpi eq, %iota3A_1260, %eq3A_1316 : vector<512x512xi32>
    %jit3A_1318 = arith.constant -1.000000e+30 : f32
    %broadcast_in_dim3A_1319 = vector.broadcast %jit3A_1318 : f32 to vector<512x512xf32>
    %select_n3A_1320 = arith.select %eq3A_1317, %broadcast_in_dim3A_1319, %select_n3A_1310 : vector<512x512xi1>, vector<512x512xf32>
    %reduce_max3A_1321 = arith.constant dense<0xFF800000> : vector<512xf32>
    %reduce_max3A_1322 = vector.multi_reduction <maximumf>, %select_n3A_1320, %reduce_max3A_1321 [1] : vector<512x512xf32> to vector<512xf32>
    %broadcast_in_dim3A_1323 = vector.shape_cast %reduce_max3A_1322 : vector<512xf32> to vector<512x1xf32>
    %argmax3A_1324 = tpu.reduce_index %select_n3A_1320 {axis = 1 : i32, kind = #tpu.reduction_kind<arg_max>} : vector<512x512xf32> -> vector<512xi32>
    %broadcast_in_dim3A_1325 = vector.shape_cast %argmax3A_1324 : vector<512xi32> to vector<512x1xi32>
    %eq3A_1326 = vector.broadcast %broadcast_in_dim3A_1325 : vector<512x1xi32> to vector<512x512xi32>
    %eq3A_1327 = arith.cmpi eq, %iota3A_1260, %eq3A_1326 : vector<512x512xi32>
    %jit3A_1328 = arith.constant -1.000000e+30 : f32
    %broadcast_in_dim3A_1329 = vector.broadcast %jit3A_1328 : f32 to vector<512x512xf32>
    %select_n3A_1330 = arith.select %eq3A_1327, %broadcast_in_dim3A_1329, %select_n3A_1320 : vector<512x512xi1>, vector<512x512xf32>
    %reduce_max3A_1331 = arith.constant dense<0xFF800000> : vector<512xf32>
    %reduce_max3A_1332 = vector.multi_reduction <maximumf>, %select_n3A_1330, %reduce_max3A_1331 [1] : vector<512x512xf32> to vector<512xf32>
    %broadcast_in_dim3A_1333 = vector.shape_cast %reduce_max3A_1332 : vector<512xf32> to vector<512x1xf32>
    %argmax3A_1334 = tpu.reduce_index %select_n3A_1330 {axis = 1 : i32, kind = #tpu.reduction_kind<arg_max>} : vector<512x512xf32> -> vector<512xi32>
    %broadcast_in_dim3A_1335 = vector.shape_cast %argmax3A_1334 : vector<512xi32> to vector<512x1xi32>
    %concatenate3A_1336 = tpu.concatenate %broadcast_in_dim3A_1263, %broadcast_in_dim3A_1273, %broadcast_in_dim3A_1283, %broadcast_in_dim3A_1293, %broadcast_in_dim3A_1303, %broadcast_in_dim3A_1313, %broadcast_in_dim3A_1323, %broadcast_in_dim3A_1333 in 1 : vector<512x1xf32>, vector<512x1xf32>, vector<512x1xf32>, vector<512x1xf32>, vector<512x1xf32>, vector<512x1xf32>, vector<512x1xf32>, vector<512x1xf32> -> vector<512x8xf32>
    %concatenate3A_1337 = tpu.concatenate %broadcast_in_dim3A_1265, %broadcast_in_dim3A_1275, %broadcast_in_dim3A_1285, %broadcast_in_dim3A_1295, %broadcast_in_dim3A_1305, %broadcast_in_dim3A_1315, %broadcast_in_dim3A_1325, %broadcast_in_dim3A_1335 in 1 : vector<512x1xi32>, vector<512x1xi32>, vector<512x1xi32>, vector<512x1xi32>, vector<512x1xi32>, vector<512x1xi32>, vector<512x1xi32>, vector<512x1xi32> -> vector<512x8xi32>
    %add3A_1338 = vector.broadcast %broadcast_in_dim3A_1187 : vector<512x1xf32> to vector<512x8xf32>
    %add3A_1339 = arith.addf %add3A_1338, %concatenate3A_1336 : vector<512x8xf32>
    %add3A_1340 = vector.broadcast %broadcast_in_dim3A_1197 : vector<512x1xf32> to vector<512x8xf32>
    %add3A_1341 = arith.addf %add3A_1340, %concatenate3A_1336 : vector<512x8xf32>
    %add3A_1342 = vector.broadcast %broadcast_in_dim3A_1207 : vector<512x1xf32> to vector<512x8xf32>
    %add3A_1343 = arith.addf %add3A_1342, %concatenate3A_1336 : vector<512x8xf32>
    %add3A_1344 = vector.broadcast %broadcast_in_dim3A_1217 : vector<512x1xf32> to vector<512x8xf32>
    %add3A_1345 = arith.addf %add3A_1344, %concatenate3A_1336 : vector<512x8xf32>
    %add3A_1346 = vector.broadcast %broadcast_in_dim3A_1227 : vector<512x1xf32> to vector<512x8xf32>
    %add3A_1347 = arith.addf %add3A_1346, %concatenate3A_1336 : vector<512x8xf32>
    %add3A_1348 = vector.broadcast %broadcast_in_dim3A_1237 : vector<512x1xf32> to vector<512x8xf32>
    %add3A_1349 = arith.addf %add3A_1348, %concatenate3A_1336 : vector<512x8xf32>
    %add3A_1350 = vector.broadcast %broadcast_in_dim3A_1247 : vector<512x1xf32> to vector<512x8xf32>
    %add3A_1351 = arith.addf %add3A_1350, %concatenate3A_1336 : vector<512x8xf32>
    %add3A_1352 = vector.broadcast %broadcast_in_dim3A_1257 : vector<512x1xf32> to vector<512x8xf32>
    %add3A_1353 = arith.addf %add3A_1352, %concatenate3A_1336 : vector<512x8xf32>
    %concatenate3A_1354 = tpu.concatenate %add3A_1339, %add3A_1341, %add3A_1343, %add3A_1345, %add3A_1347, %add3A_1349, %add3A_1351, %add3A_1353 in 1 : vector<512x8xf32>, vector<512x8xf32>, vector<512x8xf32>, vector<512x8xf32>, vector<512x8xf32>, vector<512x8xf32>, vector<512x8xf32>, vector<512x8xf32> -> vector<512x64xf32>
    %mul3A_1355 = arith.constant 512 : i32
    %mul3A_1356 = vector.broadcast %mul3A_1355 : i32 to vector<512x1xi32>
    %mul3A_1357 = arith.muli %broadcast_in_dim3A_1189, %mul3A_1356 : vector<512x1xi32>
    %add3A_1358 = vector.broadcast %mul3A_1357 : vector<512x1xi32> to vector<512x8xi32>
    %add3A_1359 = arith.addi %add3A_1358, %concatenate3A_1337 : vector<512x8xi32>
    %mul3A_1360 = arith.constant 512 : i32
    %mul3A_1361 = vector.broadcast %mul3A_1360 : i32 to vector<512x1xi32>
    %mul3A_1362 = arith.muli %broadcast_in_dim3A_1199, %mul3A_1361 : vector<512x1xi32>
    %add3A_1363 = vector.broadcast %mul3A_1362 : vector<512x1xi32> to vector<512x8xi32>
    %add3A_1364 = arith.addi %add3A_1363, %concatenate3A_1337 : vector<512x8xi32>
    %mul3A_1365 = arith.constant 512 : i32
    %mul3A_1366 = vector.broadcast %mul3A_1365 : i32 to vector<512x1xi32>
    %mul3A_1367 = arith.muli %broadcast_in_dim3A_1209, %mul3A_1366 : vector<512x1xi32>
    %add3A_1368 = vector.broadcast %mul3A_1367 : vector<512x1xi32> to vector<512x8xi32>
    %add3A_1369 = arith.addi %add3A_1368, %concatenate3A_1337 : vector<512x8xi32>
    %mul3A_1370 = arith.constant 512 : i32
    %mul3A_1371 = vector.broadcast %mul3A_1370 : i32 to vector<512x1xi32>
    %mul3A_1372 = arith.muli %broadcast_in_dim3A_1219, %mul3A_1371 : vector<512x1xi32>
    %add3A_1373 = vector.broadcast %mul3A_1372 : vector<512x1xi32> to vector<512x8xi32>
    %add3A_1374 = arith.addi %add3A_1373, %concatenate3A_1337 : vector<512x8xi32>
    %mul3A_1375 = arith.constant 512 : i32
    %mul3A_1376 = vector.broadcast %mul3A_1375 : i32 to vector<512x1xi32>
    %mul3A_1377 = arith.muli %broadcast_in_dim3A_1229, %mul3A_1376 : vector<512x1xi32>
    %add3A_1378 = vector.broadcast %mul3A_1377 : vector<512x1xi32> to vector<512x8xi32>
    %add3A_1379 = arith.addi %add3A_1378, %concatenate3A_1337 : vector<512x8xi32>
    %mul3A_1380 = arith.constant 512 : i32
    %mul3A_1381 = vector.broadcast %mul3A_1380 : i32 to vector<512x1xi32>
    %mul3A_1382 = arith.muli %broadcast_in_dim3A_1239, %mul3A_1381 : vector<512x1xi32>
    %add3A_1383 = vector.broadcast %mul3A_1382 : vector<512x1xi32> to vector<512x8xi32>
    %add3A_1384 = arith.addi %add3A_1383, %concatenate3A_1337 : vector<512x8xi32>
    %mul3A_1385 = arith.constant 512 : i32
    %mul3A_1386 = vector.broadcast %mul3A_1385 : i32 to vector<512x1xi32>
    %mul3A_1387 = arith.muli %broadcast_in_dim3A_1249, %mul3A_1386 : vector<512x1xi32>
    %add3A_1388 = vector.broadcast %mul3A_1387 : vector<512x1xi32> to vector<512x8xi32>
    %add3A_1389 = arith.addi %add3A_1388, %concatenate3A_1337 : vector<512x8xi32>
    %mul3A_1390 = arith.constant 512 : i32
    %mul3A_1391 = vector.broadcast %mul3A_1390 : i32 to vector<512x1xi32>
    %mul3A_1392 = arith.muli %broadcast_in_dim3A_1259, %mul3A_1391 : vector<512x1xi32>
    %add3A_1393 = vector.broadcast %mul3A_1392 : vector<512x1xi32> to vector<512x8xi32>
    %add3A_1394 = arith.addi %add3A_1393, %concatenate3A_1337 : vector<512x8xi32>
    %concatenate3A_1395 = tpu.concatenate %add3A_1359, %add3A_1364, %add3A_1369, %add3A_1374, %add3A_1379, %add3A_1384, %add3A_1389, %add3A_1394 in 1 : vector<512x8xi32>, vector<512x8xi32>, vector<512x8xi32>, vector<512x8xi32>, vector<512x8xi32>, vector<512x8xi32>, vector<512x8xi32>, vector<512x8xi32> -> vector<512x64xi32>
    %iota3A_1396 = tpu.iota {dimensions = array<i32: 1>} : vector<512x64xi32>
    %reduce_max3A_1397 = arith.constant dense<0xFF800000> : vector<512xf32>
    %reduce_max3A_1398 = vector.multi_reduction <maximumf>, %concatenate3A_1354, %reduce_max3A_1397 [1] : vector<512x64xf32> to vector<512xf32>
    %broadcast_in_dim3A_1399 = vector.shape_cast %reduce_max3A_1398 : vector<512xf32> to vector<512x1xf32>
    %argmax3A_1400 = tpu.reduce_index %concatenate3A_1354 {axis = 1 : i32, kind = #tpu.reduction_kind<arg_max>} : vector<512x64xf32> -> vector<512xi32>
    %broadcast_in_dim3A_1401 = vector.shape_cast %argmax3A_1400 : vector<512xi32> to vector<512x1xi32>
    %eq3A_1402 = vector.broadcast %broadcast_in_dim3A_1401 : vector<512x1xi32> to vector<512x64xi32>
    %eq3A_1403 = arith.cmpi eq, %iota3A_1396, %eq3A_1402 : vector<512x64xi32>
    %jit3A_1404 = arith.constant 0 : i32
    %broadcast_in_dim3A_1405 = vector.broadcast %jit3A_1404 : i32 to vector<512x64xi32>
    %select_n3A_1406 = arith.select %eq3A_1403, %concatenate3A_1395, %broadcast_in_dim3A_1405 : vector<512x64xi1>, vector<512x64xi32>
    %reduce_sum3A_1407 = arith.constant dense<0> : vector<512xi32>
    %reduce_sum3A_1408 = vector.multi_reduction <add>, %select_n3A_1406, %reduce_sum3A_1407 [1] : vector<512x64xi32> to vector<512xi32>
    %broadcast_in_dim3A_1409 = vector.shape_cast %reduce_sum3A_1408 : vector<512xi32> to vector<512x1xi32>
    %jit3A_1410 = arith.constant -1.000000e+30 : f32
    %broadcast_in_dim3A_1411 = vector.broadcast %jit3A_1410 : f32 to vector<512x64xf32>
    %select_n3A_1412 = arith.select %eq3A_1403, %broadcast_in_dim3A_1411, %concatenate3A_1354 : vector<512x64xi1>, vector<512x64xf32>
    %reduce_max3A_1413 = arith.constant dense<0xFF800000> : vector<512xf32>
    %reduce_max3A_1414 = vector.multi_reduction <maximumf>, %select_n3A_1412, %reduce_max3A_1413 [1] : vector<512x64xf32> to vector<512xf32>
    %broadcast_in_dim3A_1415 = vector.shape_cast %reduce_max3A_1414 : vector<512xf32> to vector<512x1xf32>
    %argmax3A_1416 = tpu.reduce_index %select_n3A_1412 {axis = 1 : i32, kind = #tpu.reduction_kind<arg_max>} : vector<512x64xf32> -> vector<512xi32>
    %broadcast_in_dim3A_1417 = vector.shape_cast %argmax3A_1416 : vector<512xi32> to vector<512x1xi32>
    %eq3A_1418 = vector.broadcast %broadcast_in_dim3A_1417 : vector<512x1xi32> to vector<512x64xi32>
    %eq3A_1419 = arith.cmpi eq, %iota3A_1396, %eq3A_1418 : vector<512x64xi32>
    %jit3A_1420 = arith.constant 0 : i32
    %broadcast_in_dim3A_1421 = vector.broadcast %jit3A_1420 : i32 to vector<512x64xi32>
    %select_n3A_1422 = arith.select %eq3A_1419, %concatenate3A_1395, %broadcast_in_dim3A_1421 : vector<512x64xi1>, vector<512x64xi32>
    %reduce_sum3A_1423 = arith.constant dense<0> : vector<512xi32>
    %reduce_sum3A_1424 = vector.multi_reduction <add>, %select_n3A_1422, %reduce_sum3A_1423 [1] : vector<512x64xi32> to vector<512xi32>
    %broadcast_in_dim3A_1425 = vector.shape_cast %reduce_sum3A_1424 : vector<512xi32> to vector<512x1xi32>
    %jit3A_1426 = arith.constant -1.000000e+30 : f32
    %broadcast_in_dim3A_1427 = vector.broadcast %jit3A_1426 : f32 to vector<512x64xf32>
    %select_n3A_1428 = arith.select %eq3A_1419, %broadcast_in_dim3A_1427, %select_n3A_1412 : vector<512x64xi1>, vector<512x64xf32>
    %reduce_max3A_1429 = arith.constant dense<0xFF800000> : vector<512xf32>
    %reduce_max3A_1430 = vector.multi_reduction <maximumf>, %select_n3A_1428, %reduce_max3A_1429 [1] : vector<512x64xf32> to vector<512xf32>
    %broadcast_in_dim3A_1431 = vector.shape_cast %reduce_max3A_1430 : vector<512xf32> to vector<512x1xf32>
    %argmax3A_1432 = tpu.reduce_index %select_n3A_1428 {axis = 1 : i32, kind = #tpu.reduction_kind<arg_max>} : vector<512x64xf32> -> vector<512xi32>
    %broadcast_in_dim3A_1433 = vector.shape_cast %argmax3A_1432 : vector<512xi32> to vector<512x1xi32>
    %eq3A_1434 = vector.broadcast %broadcast_in_dim3A_1433 : vector<512x1xi32> to vector<512x64xi32>
    %eq3A_1435 = arith.cmpi eq, %iota3A_1396, %eq3A_1434 : vector<512x64xi32>
    %jit3A_1436 = arith.constant 0 : i32
    %broadcast_in_dim3A_1437 = vector.broadcast %jit3A_1436 : i32 to vector<512x64xi32>
    %select_n3A_1438 = arith.select %eq3A_1435, %concatenate3A_1395, %broadcast_in_dim3A_1437 : vector<512x64xi1>, vector<512x64xi32>
    %reduce_sum3A_1439 = arith.constant dense<0> : vector<512xi32>
    %reduce_sum3A_1440 = vector.multi_reduction <add>, %select_n3A_1438, %reduce_sum3A_1439 [1] : vector<512x64xi32> to vector<512xi32>
    %broadcast_in_dim3A_1441 = vector.shape_cast %reduce_sum3A_1440 : vector<512xi32> to vector<512x1xi32>
    %jit3A_1442 = arith.constant -1.000000e+30 : f32
    %broadcast_in_dim3A_1443 = vector.broadcast %jit3A_1442 : f32 to vector<512x64xf32>
    %select_n3A_1444 = arith.select %eq3A_1435, %broadcast_in_dim3A_1443, %select_n3A_1428 : vector<512x64xi1>, vector<512x64xf32>
    %reduce_max3A_1445 = arith.constant dense<0xFF800000> : vector<512xf32>
    %reduce_max3A_1446 = vector.multi_reduction <maximumf>, %select_n3A_1444, %reduce_max3A_1445 [1] : vector<512x64xf32> to vector<512xf32>
    %broadcast_in_dim3A_1447 = vector.shape_cast %reduce_max3A_1446 : vector<512xf32> to vector<512x1xf32>
    %argmax3A_1448 = tpu.reduce_index %select_n3A_1444 {axis = 1 : i32, kind = #tpu.reduction_kind<arg_max>} : vector<512x64xf32> -> vector<512xi32>
    %broadcast_in_dim3A_1449 = vector.shape_cast %argmax3A_1448 : vector<512xi32> to vector<512x1xi32>
    %eq3A_1450 = vector.broadcast %broadcast_in_dim3A_1449 : vector<512x1xi32> to vector<512x64xi32>
    %eq3A_1451 = arith.cmpi eq, %iota3A_1396, %eq3A_1450 : vector<512x64xi32>
    %jit3A_1452 = arith.constant 0 : i32
    %broadcast_in_dim3A_1453 = vector.broadcast %jit3A_1452 : i32 to vector<512x64xi32>
    %select_n3A_1454 = arith.select %eq3A_1451, %concatenate3A_1395, %broadcast_in_dim3A_1453 : vector<512x64xi1>, vector<512x64xi32>
    %reduce_sum3A_1455 = arith.constant dense<0> : vector<512xi32>
    %reduce_sum3A_1456 = vector.multi_reduction <add>, %select_n3A_1454, %reduce_sum3A_1455 [1] : vector<512x64xi32> to vector<512xi32>
    %broadcast_in_dim3A_1457 = vector.shape_cast %reduce_sum3A_1456 : vector<512xi32> to vector<512x1xi32>
    %jit3A_1458 = arith.constant -1.000000e+30 : f32
    %broadcast_in_dim3A_1459 = vector.broadcast %jit3A_1458 : f32 to vector<512x64xf32>
    %select_n3A_1460 = arith.select %eq3A_1451, %broadcast_in_dim3A_1459, %select_n3A_1444 : vector<512x64xi1>, vector<512x64xf32>
    %reduce_max3A_1461 = arith.constant dense<0xFF800000> : vector<512xf32>
    %reduce_max3A_1462 = vector.multi_reduction <maximumf>, %select_n3A_1460, %reduce_max3A_1461 [1] : vector<512x64xf32> to vector<512xf32>
    %broadcast_in_dim3A_1463 = vector.shape_cast %reduce_max3A_1462 : vector<512xf32> to vector<512x1xf32>
    %argmax3A_1464 = tpu.reduce_index %select_n3A_1460 {axis = 1 : i32, kind = #tpu.reduction_kind<arg_max>} : vector<512x64xf32> -> vector<512xi32>
    %broadcast_in_dim3A_1465 = vector.shape_cast %argmax3A_1464 : vector<512xi32> to vector<512x1xi32>
    %eq3A_1466 = vector.broadcast %broadcast_in_dim3A_1465 : vector<512x1xi32> to vector<512x64xi32>
    %eq3A_1467 = arith.cmpi eq, %iota3A_1396, %eq3A_1466 : vector<512x64xi32>
    %jit3A_1468 = arith.constant 0 : i32
    %broadcast_in_dim3A_1469 = vector.broadcast %jit3A_1468 : i32 to vector<512x64xi32>
    %select_n3A_1470 = arith.select %eq3A_1467, %concatenate3A_1395, %broadcast_in_dim3A_1469 : vector<512x64xi1>, vector<512x64xi32>
    %reduce_sum3A_1471 = arith.constant dense<0> : vector<512xi32>
    %reduce_sum3A_1472 = vector.multi_reduction <add>, %select_n3A_1470, %reduce_sum3A_1471 [1] : vector<512x64xi32> to vector<512xi32>
    %broadcast_in_dim3A_1473 = vector.shape_cast %reduce_sum3A_1472 : vector<512xi32> to vector<512x1xi32>
    %jit3A_1474 = arith.constant -1.000000e+30 : f32
    %broadcast_in_dim3A_1475 = vector.broadcast %jit3A_1474 : f32 to vector<512x64xf32>
    %select_n3A_1476 = arith.select %eq3A_1467, %broadcast_in_dim3A_1475, %select_n3A_1460 : vector<512x64xi1>, vector<512x64xf32>
    %reduce_max3A_1477 = arith.constant dense<0xFF800000> : vector<512xf32>
    %reduce_max3A_1478 = vector.multi_reduction <maximumf>, %select_n3A_1476, %reduce_max3A_1477 [1] : vector<512x64xf32> to vector<512xf32>
    %broadcast_in_dim3A_1479 = vector.shape_cast %reduce_max3A_1478 : vector<512xf32> to vector<512x1xf32>
    %argmax3A_1480 = tpu.reduce_index %select_n3A_1476 {axis = 1 : i32, kind = #tpu.reduction_kind<arg_max>} : vector<512x64xf32> -> vector<512xi32>
    %broadcast_in_dim3A_1481 = vector.shape_cast %argmax3A_1480 : vector<512xi32> to vector<512x1xi32>
    %eq3A_1482 = vector.broadcast %broadcast_in_dim3A_1481 : vector<512x1xi32> to vector<512x64xi32>
    %eq3A_1483 = arith.cmpi eq, %iota3A_1396, %eq3A_1482 : vector<512x64xi32>
    %jit3A_1484 = arith.constant 0 : i32
    %broadcast_in_dim3A_1485 = vector.broadcast %jit3A_1484 : i32 to vector<512x64xi32>
    %select_n3A_1486 = arith.select %eq3A_1483, %concatenate3A_1395, %broadcast_in_dim3A_1485 : vector<512x64xi1>, vector<512x64xi32>
    %reduce_sum3A_1487 = arith.constant dense<0> : vector<512xi32>
    %reduce_sum3A_1488 = vector.multi_reduction <add>, %select_n3A_1486, %reduce_sum3A_1487 [1] : vector<512x64xi32> to vector<512xi32>
    %broadcast_in_dim3A_1489 = vector.shape_cast %reduce_sum3A_1488 : vector<512xi32> to vector<512x1xi32>
    %jit3A_1490 = arith.constant -1.000000e+30 : f32
    %broadcast_in_dim3A_1491 = vector.broadcast %jit3A_1490 : f32 to vector<512x64xf32>
    %select_n3A_1492 = arith.select %eq3A_1483, %broadcast_in_dim3A_1491, %select_n3A_1476 : vector<512x64xi1>, vector<512x64xf32>
    %reduce_max3A_1493 = arith.constant dense<0xFF800000> : vector<512xf32>
    %reduce_max3A_1494 = vector.multi_reduction <maximumf>, %select_n3A_1492, %reduce_max3A_1493 [1] : vector<512x64xf32> to vector<512xf32>
    %broadcast_in_dim3A_1495 = vector.shape_cast %reduce_max3A_1494 : vector<512xf32> to vector<512x1xf32>
    %argmax3A_1496 = tpu.reduce_index %select_n3A_1492 {axis = 1 : i32, kind = #tpu.reduction_kind<arg_max>} : vector<512x64xf32> -> vector<512xi32>
    %broadcast_in_dim3A_1497 = vector.shape_cast %argmax3A_1496 : vector<512xi32> to vector<512x1xi32>
    %eq3A_1498 = vector.broadcast %broadcast_in_dim3A_1497 : vector<512x1xi32> to vector<512x64xi32>
    %eq3A_1499 = arith.cmpi eq, %iota3A_1396, %eq3A_1498 : vector<512x64xi32>
    %jit3A_1500 = arith.constant 0 : i32
    %broadcast_in_dim3A_1501 = vector.broadcast %jit3A_1500 : i32 to vector<512x64xi32>
    %select_n3A_1502 = arith.select %eq3A_1499, %concatenate3A_1395, %broadcast_in_dim3A_1501 : vector<512x64xi1>, vector<512x64xi32>
    %reduce_sum3A_1503 = arith.constant dense<0> : vector<512xi32>
    %reduce_sum3A_1504 = vector.multi_reduction <add>, %select_n3A_1502, %reduce_sum3A_1503 [1] : vector<512x64xi32> to vector<512xi32>
    %broadcast_in_dim3A_1505 = vector.shape_cast %reduce_sum3A_1504 : vector<512xi32> to vector<512x1xi32>
    %jit3A_1506 = arith.constant -1.000000e+30 : f32
    %broadcast_in_dim3A_1507 = vector.broadcast %jit3A_1506 : f32 to vector<512x64xf32>
    %select_n3A_1508 = arith.select %eq3A_1499, %broadcast_in_dim3A_1507, %select_n3A_1492 : vector<512x64xi1>, vector<512x64xf32>
    %reduce_max3A_1509 = arith.constant dense<0xFF800000> : vector<512xf32>
    %reduce_max3A_1510 = vector.multi_reduction <maximumf>, %select_n3A_1508, %reduce_max3A_1509 [1] : vector<512x64xf32> to vector<512xf32>
    %broadcast_in_dim3A_1511 = vector.shape_cast %reduce_max3A_1510 : vector<512xf32> to vector<512x1xf32>
    %argmax3A_1512 = tpu.reduce_index %select_n3A_1508 {axis = 1 : i32, kind = #tpu.reduction_kind<arg_max>} : vector<512x64xf32> -> vector<512xi32>
    %broadcast_in_dim3A_1513 = vector.shape_cast %argmax3A_1512 : vector<512xi32> to vector<512x1xi32>
    %eq3A_1514 = vector.broadcast %broadcast_in_dim3A_1513 : vector<512x1xi32> to vector<512x64xi32>
    %eq3A_1515 = arith.cmpi eq, %iota3A_1396, %eq3A_1514 : vector<512x64xi32>
    %jit3A_1516 = arith.constant 0 : i32
    %broadcast_in_dim3A_1517 = vector.broadcast %jit3A_1516 : i32 to vector<512x64xi32>
    %select_n3A_1518 = arith.select %eq3A_1515, %concatenate3A_1395, %broadcast_in_dim3A_1517 : vector<512x64xi1>, vector<512x64xi32>
    %reduce_sum3A_1519 = arith.constant dense<0> : vector<512xi32>
    %reduce_sum3A_1520 = vector.multi_reduction <add>, %select_n3A_1518, %reduce_sum3A_1519 [1] : vector<512x64xi32> to vector<512xi32>
    %broadcast_in_dim3A_1521 = vector.shape_cast %reduce_sum3A_1520 : vector<512xi32> to vector<512x1xi32>
    %concatenate3A_1522 = tpu.concatenate %broadcast_in_dim3A_1399, %broadcast_in_dim3A_1415, %broadcast_in_dim3A_1431, %broadcast_in_dim3A_1447, %broadcast_in_dim3A_1463, %broadcast_in_dim3A_1479, %broadcast_in_dim3A_1495, %broadcast_in_dim3A_1511 in 1 : vector<512x1xf32>, vector<512x1xf32>, vector<512x1xf32>, vector<512x1xf32>, vector<512x1xf32>, vector<512x1xf32>, vector<512x1xf32>, vector<512x1xf32> -> vector<512x8xf32>
    %slice3A_1523 = vector.extract_strided_slice %concatenate3A_1522 {offsets = [0, 0], sizes = [512, 1], strides = [1, 1]} : vector<512x8xf32> to vector<512x1xf32>
    %sub3A_1524 = vector.broadcast %slice3A_1523 : vector<512x1xf32> to vector<512x8xf32>
    %sub3A_1525 = arith.subf %concatenate3A_1522, %sub3A_1524 : vector<512x8xf32>
    %exp3A_1526 = math.exp %sub3A_1525 : vector<512x8xf32>
    %reduce_sum3A_1527 = arith.constant dense<0.000000e+00> : vector<512xf32>
    %reduce_sum3A_1528 = vector.multi_reduction <add>, %exp3A_1526, %reduce_sum3A_1527 [1] : vector<512x8xf32> to vector<512xf32>
    %broadcast_in_dim3A_1529 = vector.shape_cast %reduce_sum3A_1528 : vector<512xf32> to vector<512x1xf32>
    %div3A_1530 = vector.broadcast %broadcast_in_dim3A_1529 : vector<512x1xf32> to vector<512x8xf32>
    %div3A_1531 = arith.divf %exp3A_1526, %div3A_1530 : vector<512x8xf32>
    %slice3A_1532 = vector.extract_strided_slice %div3A_1531 {offsets = [0, 0], sizes = [512, 1], strides = [1, 1]} : vector<512x8xf32> to vector<512x1xf32>
    %broadcast_in_dim3A_1533 = vector.shape_cast %slice3A_1532 : vector<512x1xf32> to vector<512x1xf32>
    %broadcast_in_dim3A_1534 = vector.broadcast %broadcast_in_dim3A_1533 : vector<512x1xf32> to vector<512x16xf32>
    %slice3A_1535 = vector.extract_strided_slice %div3A_1531 {offsets = [0, 1], sizes = [512, 1], strides = [1, 1]} : vector<512x8xf32> to vector<512x1xf32>
    %broadcast_in_dim3A_1536 = vector.shape_cast %slice3A_1535 : vector<512x1xf32> to vector<512x1xf32>
    %broadcast_in_dim3A_1537 = vector.broadcast %broadcast_in_dim3A_1536 : vector<512x1xf32> to vector<512x16xf32>
    %slice3A_1538 = vector.extract_strided_slice %div3A_1531 {offsets = [0, 2], sizes = [512, 1], strides = [1, 1]} : vector<512x8xf32> to vector<512x1xf32>
    %broadcast_in_dim3A_1539 = vector.shape_cast %slice3A_1538 : vector<512x1xf32> to vector<512x1xf32>
    %broadcast_in_dim3A_1540 = vector.broadcast %broadcast_in_dim3A_1539 : vector<512x1xf32> to vector<512x16xf32>
    %slice3A_1541 = vector.extract_strided_slice %div3A_1531 {offsets = [0, 3], sizes = [512, 1], strides = [1, 1]} : vector<512x8xf32> to vector<512x1xf32>
    %broadcast_in_dim3A_1542 = vector.shape_cast %slice3A_1541 : vector<512x1xf32> to vector<512x1xf32>
    %broadcast_in_dim3A_1543 = vector.broadcast %broadcast_in_dim3A_1542 : vector<512x1xf32> to vector<512x16xf32>
    %slice3A_1544 = vector.extract_strided_slice %div3A_1531 {offsets = [0, 4], sizes = [512, 1], strides = [1, 1]} : vector<512x8xf32> to vector<512x1xf32>
    %broadcast_in_dim3A_1545 = vector.shape_cast %slice3A_1544 : vector<512x1xf32> to vector<512x1xf32>
    %broadcast_in_dim3A_1546 = vector.broadcast %broadcast_in_dim3A_1545 : vector<512x1xf32> to vector<512x16xf32>
    %slice3A_1547 = vector.extract_strided_slice %div3A_1531 {offsets = [0, 5], sizes = [512, 1], strides = [1, 1]} : vector<512x8xf32> to vector<512x1xf32>
    %broadcast_in_dim3A_1548 = vector.shape_cast %slice3A_1547 : vector<512x1xf32> to vector<512x1xf32>
    %broadcast_in_dim3A_1549 = vector.broadcast %broadcast_in_dim3A_1548 : vector<512x1xf32> to vector<512x16xf32>
    %slice3A_1550 = vector.extract_strided_slice %div3A_1531 {offsets = [0, 6], sizes = [512, 1], strides = [1, 1]} : vector<512x8xf32> to vector<512x1xf32>
    %broadcast_in_dim3A_1551 = vector.shape_cast %slice3A_1550 : vector<512x1xf32> to vector<512x1xf32>
    %broadcast_in_dim3A_1552 = vector.broadcast %broadcast_in_dim3A_1551 : vector<512x1xf32> to vector<512x16xf32>
    %slice3A_1553 = vector.extract_strided_slice %div3A_1531 {offsets = [0, 7], sizes = [512, 1], strides = [1, 1]} : vector<512x8xf32> to vector<512x1xf32>
    %broadcast_in_dim3A_1554 = vector.shape_cast %slice3A_1553 : vector<512x1xf32> to vector<512x1xf32>
    %broadcast_in_dim3A_1555 = vector.broadcast %broadcast_in_dim3A_1554 : vector<512x1xf32> to vector<512x16xf32>
    %concatenate3A_1556 = tpu.concatenate %broadcast_in_dim3A_242, %broadcast_in_dim3A_258, %broadcast_in_dim3A_274, %broadcast_in_dim3A_290, %broadcast_in_dim3A_306, %broadcast_in_dim3A_322, %broadcast_in_dim3A_338, %broadcast_in_dim3A_354, %broadcast_in_dim3A_629, %broadcast_in_dim3A_645, %broadcast_in_dim3A_661, %broadcast_in_dim3A_677, %broadcast_in_dim3A_693, %broadcast_in_dim3A_709, %broadcast_in_dim3A_725, %broadcast_in_dim3A_741, %broadcast_in_dim3A_1019, %broadcast_in_dim3A_1035, %broadcast_in_dim3A_1051, %broadcast_in_dim3A_1067, %broadcast_in_dim3A_1083, %broadcast_in_dim3A_1099, %broadcast_in_dim3A_1115, %broadcast_in_dim3A_1131, %broadcast_in_dim3A_1409, %broadcast_in_dim3A_1425, %broadcast_in_dim3A_1441, %broadcast_in_dim3A_1457, %broadcast_in_dim3A_1473, %broadcast_in_dim3A_1489, %broadcast_in_dim3A_1505, %broadcast_in_dim3A_1521 in 1 : vector<512x1xi32>, vector<512x1xi32>, vector<512x1xi32>, vector<512x1xi32>, vector<512x1xi32>, vector<512x1xi32>, vector<512x1xi32>, vector<512x1xi32>, vector<512x1xi32>, vector<512x1xi32>, vector<512x1xi32>, vector<512x1xi32>, vector<512x1xi32>, vector<512x1xi32>, vector<512x1xi32>, vector<512x1xi32>, vector<512x1xi32>, vector<512x1xi32>, vector<512x1xi32>, vector<512x1xi32>, vector<512x1xi32>, vector<512x1xi32>, vector<512x1xi32>, vector<512x1xi32>, vector<512x1xi32>, vector<512x1xi32>, vector<512x1xi32>, vector<512x1xi32>, vector<512x1xi32>, vector<512x1xi32>, vector<512x1xi32>, vector<512x1xi32> -> vector<512x32xi32>
    %swap3A = arith.constant 0 : index
    %swap3A_1557 = arith.constant 0 : index
    %swap3A_1558 = vector.load %arg5[%swap3A, %swap3A_1557] : memref<512x32xi32, #tpu.memory_space<vmem>>, vector<512x32xi32>
    tpu.vector_store %arg5[%swap3A, %swap3A_1557], %concatenate3A_1556 {strides = array<i32>} : memref<512x32xi32, #tpu.memory_space<vmem>>, vector<512x32xi32>,
    %concatenate3A_1559 = tpu.concatenate %broadcast_in_dim3A_364, %broadcast_in_dim3A_367, %broadcast_in_dim3A_370, %broadcast_in_dim3A_373, %broadcast_in_dim3A_376, %broadcast_in_dim3A_379, %broadcast_in_dim3A_382, %broadcast_in_dim3A_385, %broadcast_in_dim3A_754, %broadcast_in_dim3A_757, %broadcast_in_dim3A_760, %broadcast_in_dim3A_763, %broadcast_in_dim3A_766, %broadcast_in_dim3A_769, %broadcast_in_dim3A_772, %broadcast_in_dim3A_775, %broadcast_in_dim3A_1144, %broadcast_in_dim3A_1147, %broadcast_in_dim3A_1150, %broadcast_in_dim3A_1153, %broadcast_in_dim3A_1156, %broadcast_in_dim3A_1159, %broadcast_in_dim3A_1162, %broadcast_in_dim3A_1165, %broadcast_in_dim3A_1534, %broadcast_in_dim3A_1537, %broadcast_in_dim3A_1540, %broadcast_in_dim3A_1543, %broadcast_in_dim3A_1546, %broadcast_in_dim3A_1549, %broadcast_in_dim3A_1552, %broadcast_in_dim3A_1555 in 1 : vector<512x16xf32>, vector<512x16xf32>, vector<512x16xf32>, vector<512x16xf32>, vector<512x16xf32>, vector<512x16xf32>, vector<512x16xf32>, vector<512x16xf32>, vector<512x16xf32>, vector<512x16xf32>, vector<512x16xf32>, vector<512x16xf32>, vector<512x16xf32>, vector<512x16xf32>, vector<512x16xf32>, vector<512x16xf32>, vector<512x16xf32>, vector<512x16xf32>, vector<512x16xf32>, vector<512x16xf32>, vector<512x16xf32>, vector<512x16xf32>, vector<512x16xf32>, vector<512x16xf32>, vector<512x16xf32>, vector<512x16xf32>, vector<512x16xf32>, vector<512x16xf32>, vector<512x16xf32>, vector<512x16xf32>, vector<512x16xf32>, vector<512x16xf32> -> vector<512x512xf32>
    %swap3A_1560 = arith.constant 0 : index
    %swap3A_1561 = arith.constant 0 : index
    %swap3A_1562 = vector.load %arg6[%swap3A_1560, %swap3A_1561] : memref<512x512xf32, #tpu.memory_space<vmem>>, vector<512x512xf32>
    tpu.vector_store %arg6[%swap3A_1560, %swap3A_1561], %concatenate3A_1559 {strides = array<i32>} : memref<512x512xf32, #tpu.memory_space<vmem>>, vector<512x512xf32>,
    return
  }
  func.func @transform_0(%arg0: i32) -> (i32, i32) {
    %c0_i32 = arith.constant 0 : i32
    %c0_i32_0 = arith.constant 0 : i32
    return %arg0, %c0_i32 : i32, i32
  }
  func.func @transform_1(%arg0: i32) -> (i32, i32) {
    %c0_i32 = arith.constant 0 : i32
    %c0_i32_0 = arith.constant 0 : i32
    %c0_i32_1 = arith.constant 0 : i32
    return %c0_i32, %c0_i32_0 : i32, i32
  }
  func.func @transform_2(%arg0: i32) -> (i32, i32) {
    %c0_i32 = arith.constant 0 : i32
    %c0_i32_0 = arith.constant 0 : i32
    %c0_i32_1 = arith.constant 0 : i32
    return %c0_i32, %c0_i32_0 : i32, i32
  }
  func.func @transform_3(%arg0: i32) -> (i32, i32, i32, i32) {
    %c0_i32 = arith.constant 0 : i32
    %c0_i32_0 = arith.constant 0 : i32
    %c0_i32_1 = arith.constant 0 : i32
    %c0_i32_2 = arith.constant 0 : i32
    %c0_i32_3 = arith.constant 0 : i32
    return %c0_i32, %c0_i32_0, %c0_i32_1, %c0_i32_2 : i32, i32, i32, i32
  }
  func.func @transform_4(%arg0: i32) -> (i32, i32) {
    %c0_i32 = arith.constant 0 : i32
    %c0_i32_0 = arith.constant 0 : i32
    return %arg0, %c0_i32 : i32, i32
  }
  func.func @transform_5(%arg0: i32) -> (i32, i32) {
    %c0_i32 = arith.constant 0 : i32
    %c0_i32_0 = arith.constant 0 : i32
    return %arg0, %c0_i32 : i32, i32
  }
}

</mosaic_0001>

<sc_bundles>
// kernel: kernel.4.cloned.1.call-start
scs
__scs_entry_jumppad:
0x0: {  	(pc) =	sbr.rel $0x88, $3  }
0x1: {  	(tag) =	ssettag $0x0;
	lr =	simm.s32 $0x1  }
0x2: {  	[smem:$0x3F9C] =	sst lr;
	_ =	strace $0xD0000000  }
0x3: {  	_ = 	snop  }
0x4: {  	_ = 	snop  }
0x5: {  	_ = 	snop  }
0x6: {  	_ = 	snop  }
0x7: {  	_ = 	snop  }
__scs_overlays_trampoline_lowered:
0x8: {  	[smem:$0x3FAB] =	sst s0  }
0x9: {  	[smem:$0x3FAC] =	sst s1  }
0xa: {  	[smem:$0x3FAD] =	sst s2  }
0xb: {  	[smem:$0x3FAE] =	sst s3  }
0xc: {  	[smem:$0x3FAF] =	sst s4  }
0xd: {  	[smem:$0x3FB0] =	sst s5  }
0xe: {  	[smem:$0x3FB1] =	sst s6  }
0xf: {  	[smem:$0x3FB2] =	sst s7  }
0x10: {  	[smem:$0x3FB3] =	sst s8  }
0x11: {  	[smem:$0x3FB4] =	sst s9;
	s0 =	simm.s32 @!p0 $0x0  }
0x12: {  	s1 =	sld [smem:$0x3F9A];
	s0 =	simm.s32 @p0 $0x1  }
0x13: {  	[smem:$0x3FB5] =	sst s0;
	s0 =	simm.s32 @!p1 $0x0  }
0x14: {  	s2 =	sld [smem:$0x3F99];
	s0 =	simm.s32 @p1 $0x1  }
0x15: {  	[smem:$0x3FB6] =	sst s0;
	s0 =	simm.s32 @!p2 $0x0  }
0x16: {  	s3 =	sld [smem:$0x3FDB];
	s0 =	simm.s32 @p2 $0x1  }
0x17: {  	s4 =	simm.s32 $0x1BF5;
	[smem:$0x3FB8] =	sst s0  }
0x18: {  	s0 =	sld [smem:$0x3F9B];
	_ =	swait.ge [sflag:s4], $0x0  }
0x19: {  	s7 =	sld [smem:$0x3F9C]  }
0x1a: {  	s8 =	sadd.s32 $0xFFFFE003, lr  }
0x1b: {  	s9 =	sadd.s32 $0xFFFFFEF7, lr;
	s5 =	simm.s32 $0xFFFFFFFF;
	p2 =	slt.u32 s8, $0xFFFFF086  }
0x1c: {  	p1 =	slt.u32 s9, $0xF7A;
	s5 =	simm.s32 @!p2 $0x0  }
0x1d: {  	s5 =	simm.s32 @p1 $0x1;
	p0 =	seq.s32 s7, s2  }
0x1e: {  	s7 =	smul.u32 @!p0 $0xF7A, s2;
	p2 =	seq.s32 @!p0 s5, $0x0  }
0x1f: {  	s9 =	smul.u32 $0xF7A, s1;
	s8 =	simm.s32 @!p0 $0x1BF5;
	p2 =	por !p2, p0  }
0x20: {  	[sflag:s8] =	ssyncset.s32 @!p0 $0xFFFFF086;
	s6 =	sadd.s32 @!p0 s3, s7;
	s7 =	simm.s32 @!p0 $0x108  }
0x21: {  	s3 =	sadd.s32 s3, s9;
	s6 =	sadd.s32 @!p0 $0x88, s6;
	s7 =	simm.s32 @p2 $0x1082  }
0x22: {  	[simem:s7], [sflag:s8] =	dma.local @!p0 [hbm:s6], $0xF7A  }
0x23: {  	s9 =	sor.u32 $0xD0000000, s2;
	s6 =	simm.s32 $0x108;
	_ =	swait.ge @!p0 [sflag:s8], $0x0  }
0x24: {  	s3 =	sadd.s32 $0x88, s3;
	s6 =	simm.s32 @!p1 $0x1082;
	[sflag:s4] =	ssyncset.s32 $0xFFFFF086  }
0x25: {  	[simem:s6], [sflag:s4] =	dma.local [hbm:s3], $0xF7A  }
0x26: {  	[smem:$0x3F9C] =	sst s1;
	(tag) =	ssettag s2;
	_ =	strace s9  }
0x27: {  	s1 =	sld [smem:$0x3FAC]  }
0x28: {  	s2 =	sld [smem:$0x3FAD]  }
0x29: {  	s4 =	sld [smem:$0x3FAF]  }
0x2a: {  	p0 =	seq.s32 s5, $0x0;
	s5 =	sld [smem:$0x3FB0]  }
0x2b: {  	s6 =	sld [smem:$0x3FB1]  }
0x2c: {  	s7 =	sld [smem:$0x3FB2]  }
0x2d: {  	s3 =	simm.s32 $0x108;
	s8 =	sld [smem:$0x3FB3]  }
0x2e: {  	s3 =	simm.s32 @!p0 $0x1082;
	s9 =	sld [smem:$0x3FB4]  }
0x2f: {  	lr =	sadd.s32 s0, s3;
	s0 =	sld [smem:$0x3FAB]  }
0x30: {  	s3 =	sld [smem:$0x3FAE]  }
0x31: {  	[smem:$0x3FB7] =	sst s10  }
0x32: {  	s10 =	sld [smem:$0x3FB5];
	_ =	sdelay $0x3  }
0x33: {  	p0 =	seq.s32 s10, $0x1;
	s10 =	sld [smem:$0x3FB7];
	_ =	sdelay $0x3  }
0x34: {  	[smem:$0x3FB7] =	sst s10  }
0x35: {  	s10 =	sld [smem:$0x3FB6];
	_ =	sdelay $0x3  }
0x36: {  	p1 =	seq.s32 s10, $0x1;
	s10 =	sld [smem:$0x3FB7];
	_ =	sdelay $0x3  }
0x37: {  	[smem:$0x3FB7] =	sst s10  }
0x38: {  	s10 =	sld [smem:$0x3FB8]  }
0x39: {  	_ = 	snop;
	(pc) =	sbr.ind lr, $3  }
0x3a: {  	_ = 	snop  }
0x3b: {  	_ = 	snop  }
0x3c: {  	p2 =	seq.s32 s10, $0x1;
	s10 =	sld [smem:$0x3FB7]  }
0x3d: {  	_ =	shalt  }
0x3e: {  	_ =	shalt  }
0x3f: {  	_ =	shalt  }
0x40: {  	_ =	shalt  }
0x41: {  	_ =	shalt  }
0x42: {  	_ =	shalt  }
0x43: {  	_ =	shalt  }
0x44: {  	_ =	shalt  }
0x45: {  	_ =	shalt  }
0x46: {  	_ =	shalt  }
0x47: {  	_ =	shalt  }
0x48: {  	_ =	shalt  }
0x49: {  	_ =	shalt  }
0x4a: {  	_ =	shalt  }
0x4b: {  	_ =	shalt  }
0x4c: {  	_ =	shalt  }
0x4d: {  	_ =	shalt  }
0x4e: {  	_ =	shalt  }
0x4f: {  	_ =	shalt  }
0x50: {  	_ =	shalt  }
0x51: {  	_ =	shalt  }
0x52: {  	_ =	shalt  }
0x53: {  	_ =	shalt  }
0x54: {  	_ =	shalt  }
0x55: {  	_ =	shalt  }
0x56: {  	_ =	shalt  }
0x57: {  	_ =	shalt  }
0x58: {  	_ =	shalt  }
0x59: {  	_ =	shalt  }
0x5a: {  	_ =	shalt  }
0x5b: {  	_ =	shalt  }
0x5c: {  	_ =	shalt  }
0x5d: {  	_ =	shalt  }
0x5e: {  	_ =	shalt  }
0x5f: {  	_ =	shalt  }
0x60: {  	_ =	shalt  }
0x61: {  	_ =	shalt  }
0x62: {  	_ =	shalt  }
0x63: {  	_ =	shalt  }
0x64: {  	_ =	shalt  }
0x65: {  	_ =	shalt  }
0x66: {  	_ =	shalt  }
0x67: {  	_ =	shalt  }
0x68: {  	_ =	shalt  }
0x69: {  	_ =	shalt  }
0x6a: {  	_ =	shalt  }
0x6b: {  	_ =	shalt  }
0x6c: {  	_ =	shalt  }
0x6d: {  	_ =	shalt  }
0x6e: {  	_ =	shalt  }
0x6f: {  	_ =	shalt  }
0x70: {  	_ =	shalt  }
0x71: {  	_ =	shalt  }
0x72: {  	_ =	shalt  }
0x73: {  	_ =	shalt  }
0x74: {  	_ =	shalt  }
0x75: {  	_ =	shalt  }
0x76: {  	_ =	shalt  }
0x77: {  	_ =	shalt  }
0x78: {  	_ =	shalt  }
0x79: {  	_ =	shalt  }
0x7a: {  	_ =	shalt  }
0x7b: {  	_ =	shalt  }
0x7c: {  	_ =	shalt  }
0x7d: {  	_ =	shalt  }
0x7e: {  	_ =	shalt  }
0x7f: {  	_ =	shalt  }
0x80: {  	_ =	shalt  }
0x81: {  	_ =	shalt  }
0x82: {  	_ =	shalt  }
0x83: {  	_ =	shalt  }
0x84: {  	_ =	shalt  }
0x85: {  	_ =	shalt  }
0x86: {  	_ =	shalt  }
0x87: {  	_ =	shalt  }
.Lfunc_end0:
.L_simem_size_0:
called_computation_lowered:
.L_overlay_start_0:
0x88: {  	s2 =	sld [smem:$0x3FD9]  }
0x89: {  	s3 =	sld [smem:$0x3FFE];
	_ =	sdelay $0x1  }
0x8a: {  	s1 =	srdreg.scid  }
0x8b: {  	s0 =	sand.u32 $0x1, s1  }
0x8c: {  	s17 =	sshll.u32 s0, $0xA;
	s2 =	sadd.s32 s3, s2  }
0x8d: {  	s2 =	sadd.s32 s2, s17  }
0x8e: {  	[smem:$0x3FC3] =	sst s2  }
0x8f: {  	_ = 	snop  }
0x90: {  	s2 =	sld [smem:$0x3FC5]  }
0x91: {  	s18 =	sld [smem:$0x3FD0];
	(tm) =	ssettm $0x1  }
0x92: {  	s4 =	sld [smem:$0x3FFB];
	_ =	sdelay $0x3  }
0x93: {  	_ =	strace s4  }
0x94: {  	s4 =	sld [smem:$0x3FFC];
	_ =	sdelay $0x3  }
0x95: {  	_ =	strace s4  }
0x96: {  	s4 =	sld [smem:$0x3FFD];
	_ =	sdelay $0x3  }
0x97: {  	_ =	strace s4  }
0x98: {  	_ =	strace $0x8FFFFFFF  }
0x99: {  	s19 =	sld [smem:$0x3FDB];
	_ =	sdelay $0x1  }
0x9a: {  	s5 =	simm.s32 $_scs_section_size  }
0x9b: {  	s6 =	simm.s32 $_size__tile_overlayer_lowered;
	s7 =	simm.s32 $_tile_overlayer_lowered  }
0x9c: {  	s22 =	simm.s32 $0x1BFF;
	s21 =	sshll.u32 s7, $0x1;
	s4 =	sadd.s32 s5, s19  }
0x9d: {  	s8 =	simm.s32 $0x0;
	s20 =	sshll.u32 s6, $0x1;
	s6 =	sadd.s32 s21, s4  }
0x9e: {  	[timem:s8], [sflag:s22] =	dma.local [hbm:s6], s20  }
0x9f: {  	_ =	swait.ge [sflag:s22], s20  }
0xa0: {  	s5 =	ssub.s32 $0x0, s20;
	[sflag:s22] =	ssyncset.done $0x0  }
0xa1: {  	[sflag:s22] =	ssyncadd.s32 s5;
	_ =	sdelay $0x1  }
0xa2: {  	s23 =	simm.s32 $0x1B8B  }
0xa3: {  	_ =	swait.ge [sflag:s23], $0x1  }
0xa4: {  	[sflag:s23] =	ssyncset.done $0x0  }
0xa5: {  	s25 =	simm.s32 $0x1B8E;
	s24 =	sld [smem:$0x3FFE];
	[sflag:s23] =	ssyncadd.s32 $0xFFFFFFFF  }
0xa6: {  	s26 =	simm.s32 $execute0_lowered;
	[smem:$0x3FD2] =	sst s25  }
0xa7: {  	s6 =	sshll.u32 s26, $0x1;
	_ =	strace $0x80000046;
	[dreg:$0x1] =	wrdreg $0xFFFFFFFF  }
0xa8: {  	s28 =	simm.s32 $_size_execute0_lowered;
	s4 =	sadd.s32 s4, s6;
	[dreg:$0x0] =	wrdreg $0x0  }
0xa9: {  	s6 =	sshll.u32 s28, $0x1;
	[dreg:$0x2] =	wrdreg s4  }
0xaa: {  	[dreg:$0x3] =	wrdreg s6  }
0xab: {  	[dreg:$0x4] =	wrdreg $0xC0  }
0xac: {  	_ =	task [dreg:s8], $0x5FFFF  }
0xad: {  	[dreg:$0x1] =	wrdreg $0xFFFFFFFF  }
0xae: {  	[dreg:$0x0] =	wrdreg $0x60  }
0xaf: {  	[dreg:$0x2] =	wrdreg s2  }
0xb0: {  	[dreg:$0x3] =	wrdreg s24  }
0xb1: {  	[dreg:$0x4] =	wrdreg s18  }
0xb2: {  	[dreg:$0x5] =	wrdreg $0x9  }
0xb3: {  	_ =	task.clear_ibuf [dreg:s8], $0x6FFFF;
	_ =	strace $0x90000046  }
0xb4: {  	s29 =	simm.s32 $0x9;
	_ =	strace $0x80000048  }
0xb5: {  	_ =	swait.ge [sflag:s29], $0x1  }
0xb6: {  	[sflag:s29] =	ssyncadd.s32 $0xFFFFFFFF  }
0xb7: {  	_ =	strace $0x90000048  }
0xb8: {  	_ =	sfence  }
0xb9: {  	s30 =	sld [smem:$0x0];
	_ =	sdelay $0x2  }
0xba: {  	s31 =	sshll.u32 s1, $0xD;
	s1 =	sshrl.u32 s1, $0x2  }
0xbb: {  	s3 =	sand.u32 $0x4000, s31;
	s1 =	sadd.s32 s1, s30  }
0xbc: {  	s0 =	sor.u32 s3, s0;
	s1 =	sshll.u32 s1, $0x11  }
0xbd: {  	s0 =	sor.u32 s1, s0  }
0xbe: {  	s0 =	sadd.s32 $0x8F2B, s0  }
0xbf: {  	[sflag:s0] =	ssyncadd.remote.s32 $0x1  }
0xc0: {  	_ =	sfence.sel $0xFFFF  }
0xc1: {  	[dreg:$0x0] =	wrdreg $0xFFFFFFFF;
	(pc) =	sbr.abs _section_cstart, $3  }
0xc2: {  	[dreg:$0x1] =	wrdreg $0xFFFFFFFF  }
0xc3: {  	_ =	task.clear_ibuf [dreg:s8], $0x2FFFF;
	_ =	strace $0x9FFFFFFF  }
0xc4: {  	(tm) =	ssettm $0x7FFFFFFF  }
0xc5: {  	_ =	shalt  }
tec
execute0_lowered:
.L_overlay_start_1:
0x0: {  	(tag) =	ssettag $0x1  }
0x1: {  	s1 =	rddreg [dreg:$0x0]  }
0x2: {  	s0 =	rddreg [dreg:$0x1];
	s2 =	srdreg.scid  }
0x3: {  	s4 =	stileid.u32;
	s3 =	rddreg [dreg:$0x2];
	s30 =	simm.s32 $0x100  }
0x4: {  	s31 =	simm.s32 $0x400;
	s19 =	simm.s32 $0x10000;
	s20 =	simm.s32 $0x10800  }
0x5: {  	s21 =	simm.s32 $0x11000;
	s22 =	simm.s32 $0x11800;
	s23 =	simm.s32 $0x12400  }
0x6: {  	s28 =	simm.s32 $0x2;
	s29 =	simm.s32 $0x4;
	s9 =	simm.s32 $0x0  }
0x7: {  	s2 =	sand.u32 $0x1, s2;
	s5 =	sshll.u32 s4, $0x1;
	s4 =	simm.s32 $0x0  }
0x8: {  	s6 =	sor.u32 s2, s5;
	[smem:$0x7FF] =	sst s4;
	s2 =	ssub.s32 $0x2, s2  }
0x9: {  	s5 =	sshll.u32 s6, $0xA;
	_ =	strace $0x80000047;
	s8 =	sshrl.u32 s2, $0x1  }
0xa: {  	s6 =	sshll.u32 s6, $0xD;
	s7 =	sadd.s32 s5, s0;
	s5 =	sadd.s32 $0xE00, s0  }
.Ltmp0:
0xb: {  	v2 =	vlaneseq.u32;
	s24 =	ssub.s32 s2, s8;
	s25 =	sadd.s32 $0x40E00, s7;
	(pc) =	sbr.rel .LBB2_1-.Ltmp0, $4  }
0xc: {  	v0 =	vand.u32 $0x7, v2;
	v1 =	vshrl.u32 v2, $0x3;
	s8 =	sadd.s32 $0x100, s1;
	s26 =	sadd.s32 s5, s6;
	[dreg:$0x4] =	wrdreg s25  }
0xd: {  	v63 =	vor.u32 $0x8, v2;
	v62 =	vmul.u32 $0x8, v1;
	[tilespmem:$0x1FFD0] =	vst v0;
	s0 =	smax.u32 s24, $0x1;
	s24 =	simm.s32 $0x1;
	[dreg:$0x5] =	wrdreg s26  }
0xe: {  	[tilespmem:$0x1FFF0] =	vst v63;
	s2 =	sadd.s32 $0x20, s26;
	[dreg:$0x7] =	wrdreg s0;
	s25 =	simm.s32 $0x3  }
0xf: {  	vm0 =	vmmov $0xffff;
	[tilespmem:$0x1FFE0] =	vst v62;
	s26 =	simm.s32 $0x12800;
	[dreg:$0x6] =	wrdreg s2;
	s2 =	simm.s32 $0x12C00  }
.LBB2_15:
0x10: {  	s0 =	simm.s32 $0x5  }
0x11: {  	_ =	swait.ge [sflag:s0], $0x400  }
0x12: {  	[sflag:s0] =	ssyncset.done $0x0  }
0x13: {  	s7 =	simm.s32 $0x6;
	[sflag:s0] =	ssyncadd.s32 $0xFFFFFC00  }
0x14: {  	_ =	swait.ge [sflag:s7], $0x400  }
0x15: {  	s9 =	rddreg [dreg:$0x8]  }
0x16: {  	s18 =	rddreg [dreg:$0x7];
	s9 =	sadd.s32 $0x1, s9  }
0x17: {  	p0 =	sne.s32 s9, s18  }
.Ltmp1:
0x18: {  	_ = 	snop;
	(pc) =	sbr.rel @!p0 .LBB2_16-.Ltmp1, $3  }
0x19: {  	_ =	sdelay $0x1  }
0x1a: {  	[sflag:s7] =	ssyncset.done $0x0  }
0x1b: {  	[sflag:s7] =	ssyncadd.s32 $0xFFFFFC00  }
.LBB2_1:
0x1c: {  	[dreg:$0x8] =	wrdreg s9  }
0x1d: {  	s0 =	rddreg [dreg:$0x4];
	s10 =	simm.s32 $0x7  }
0x1e: {  	[tilespmem:s4], [sflag:$0x7] =	stream.linear.gather [hbm4b:s0+s4], $0x2000, $0x38;
	[tilespmem:$0x13000] =	vst v63  }
0x1f: {  	_ =	swait.ge [sflag:s10], $0x2000  }
0x20: {  	[sflag:s10] =	ssyncset.done $0x0  }
0x21: {  	[sflag:s10] =	ssyncadd.s32 $0xFFFFE000  }
0x22: {  	v3 =	vld [tilespmem:$0x0];
	_ =	sdelay $0x2  }
0x23: {  	v0 =	vld [tilespmem:$0x1FFD0];
	_ =	sdelay $0x1  }
0x24: {  	v1 =	vld [tilespmem:$0x1FFE0];
	v4 =	vshll.u32 v3, $0x2  }
0x25: {  	v3 =	vand.u32 $0x7, v3;
	v4 =	vand.u32 $0xFFFFFFE0, v4  }
0x26: {  	v2 =	vld [tilespmem:$0x1FFF0];
	v3 =	vor.u32 v3, v4  }
0x27: {  	v4 =	vperm.xlane v3, v0;
	_ =	sdelay $0x1  }
0x28: {  	v4 =	vadd.s32 v1, v4;
	_ =	sdelay $0x1  }
0x29: {  	v3 =	vperm.xlane v3, v2;
	_ =	sdelay $0x1  }
0x2a: {  	s11 =	simm.s32 $0x2000;
	v3 =	vadd.s32 v1, v3  }
0x2b: {  	[tilespmem:s11], [sflag:$0x1] =	stream.indirect_vreg.gather [hbm4b:s1+s4], $0x80, v4, vm0, $0xb8;
	[tilespmem:$0x13000] =	vst v63  }
0x2c: {  	s12 =	simm.s32 $0x2800  }
0x2d: {  	[tilespmem:s12], [sflag:$0x1] =	stream.indirect_vreg.gather [hbm4b:s8+s4], $0x80, v4, vm0, $0xb8;
	[tilespmem:$0x13000] =	vst v63  }
0x2e: {  	s13 =	simm.s32 $0x3000  }
0x2f: {  	[tilespmem:s13], [sflag:$0x1] =	stream.indirect_vreg.gather [hbm4b:s1+s4], $0x80, v3, vm0, $0xb8;
	[tilespmem:$0x13000] =	vst v63  }
0x30: {  	s14 =	simm.s32 $0x3800  }
0x31: {  	[tilespmem:s14], [sflag:$0x1] =	stream.indirect_vreg.gather [hbm4b:s8+s4], $0x80, v3, vm0, $0xb8;
	[tilespmem:$0x13000] =	vst v63  }
0x32: {  	v3 =	vld [tilespmem:$0x10];
	_ =	sdelay $0x4  }
0x33: {  	v57 =	vshll.u32 v3, $0x2  }
0x34: {  	v3 =	vand.u32 $0x7, v3;
	v4 =	vand.u32 $0xFFFFFFE0, v57  }
0x35: {  	v3 =	vor.u32 v3, v4  }
0x36: {  	v4 =	vperm.xlane v3, v0;
	_ =	sdelay $0x1  }
0x37: {  	v4 =	vadd.s32 v1, v4;
	_ =	sdelay $0x1  }
0x38: {  	v3 =	vperm.xlane v3, v2;
	_ =	sdelay $0x1  }
0x39: {  	s15 =	simm.s32 $0x4000;
	v3 =	vadd.s32 v1, v3  }
0x3a: {  	[tilespmem:s15], [sflag:$0x1] =	stream.indirect_vreg.gather [hbm4b:s1+s4], $0x80, v4, vm0, $0xb8;
	[tilespmem:$0x13000] =	vst v63  }
0x3b: {  	s16 =	simm.s32 $0x4800  }
0x3c: {  	[tilespmem:s16], [sflag:$0x1] =	stream.indirect_vreg.gather [hbm4b:s8+s4], $0x80, v4, vm0, $0xb8;
	[tilespmem:$0x13000] =	vst v63  }
0x3d: {  	s17 =	simm.s32 $0x5000  }
0x3e: {  	[tilespmem:s17], [sflag:$0x1] =	stream.indirect_vreg.gather [hbm4b:s1+s4], $0x80, v3, vm0, $0xb8;
	[tilespmem:$0x13000] =	vst v63  }
0x3f: {  	s18 =	simm.s32 $0x5800  }
0x40: {  	[tilespmem:s18], [sflag:$0x1] =	stream.indirect_vreg.gather [hbm4b:s8+s4], $0x80, v3, vm0, $0xb8;
	[tilespmem:$0x13000] =	vst v63  }
0x41: {  	v3 =	vld [tilespmem:$0x20];
	_ =	sdelay $0x4  }
0x42: {  	v58 =	vshll.u32 v3, $0x2  }
0x43: {  	v3 =	vand.u32 $0x7, v3;
	v4 =	vand.u32 $0xFFFFFFE0, v58  }
0x44: {  	v3 =	vor.u32 v3, v4  }
0x45: {  	v4 =	vperm.xlane v3, v0;
	_ =	sdelay $0x1  }
0x46: {  	v4 =	vadd.s32 v1, v4;
	_ =	sdelay $0x1  }
0x47: {  	v3 =	vperm.xlane v3, v2;
	_ =	sdelay $0x1  }
0x48: {  	s7 =	simm.s32 $0x6000;
	v3 =	vadd.s32 v1, v3  }
0x49: {  	[tilespmem:s7], [sflag:$0x1] =	stream.indirect_vreg.gather [hbm4b:s1+s4], $0x80, v4, vm0, $0xb8;
	[tilespmem:$0x13000] =	vst v63  }
0x4a: {  	s9 =	simm.s32 $0x6800  }
0x4b: {  	[tilespmem:s9], [sflag:$0x1] =	stream.indirect_vreg.gather [hbm4b:s8+s4], $0x80, v4, vm0, $0xb8;
	[tilespmem:$0x13000] =	vst v63  }
0x4c: {  	s10 =	simm.s32 $0x7000  }
0x4d: {  	[tilespmem:s10], [sflag:$0x1] =	stream.indirect_vreg.gather [hbm4b:s1+s4], $0x80, v3, vm0, $0xb8;
	[tilespmem:$0x13000] =	vst v63  }
0x4e: {  	s11 =	simm.s32 $0x7800  }
0x4f: {  	[tilespmem:s11], [sflag:$0x1] =	stream.indirect_vreg.gather [hbm4b:s8+s4], $0x80, v3, vm0, $0xb8;
	[tilespmem:$0x13000] =	vst v63  }
0x50: {  	v3 =	vld [tilespmem:$0x30];
	_ =	sdelay $0x4  }
0x51: {  	v59 =	vshll.u32 v3, $0x2  }
0x52: {  	v3 =	vand.u32 $0x7, v3;
	v4 =	vand.u32 $0xFFFFFFE0, v59  }
0x53: {  	v3 =	vor.u32 v3, v4  }
0x54: {  	v4 =	vperm.xlane v3, v0;
	_ =	sdelay $0x1  }
0x55: {  	v4 =	vadd.s32 v1, v4;
	_ =	sdelay $0x1  }
0x56: {  	v3 =	vperm.xlane v3, v2;
	_ =	sdelay $0x1  }
0x57: {  	s12 =	simm.s32 $0x8000;
	v3 =	vadd.s32 v1, v3  }
0x58: {  	[tilespmem:s12], [sflag:$0x1] =	stream.indirect_vreg.gather [hbm4b:s1+s4], $0x80, v4, vm0, $0xb8;
	[tilespmem:$0x13000] =	vst v63  }
0x59: {  	s13 =	simm.s32 $0x8800  }
0x5a: {  	[tilespmem:s13], [sflag:$0x1] =	stream.indirect_vreg.gather [hbm4b:s8+s4], $0x80, v4, vm0, $0xb8;
	[tilespmem:$0x13000] =	vst v63  }
0x5b: {  	s14 =	simm.s32 $0x9000  }
0x5c: {  	[tilespmem:s14], [sflag:$0x1] =	stream.indirect_vreg.gather [hbm4b:s1+s4], $0x80, v3, vm0, $0xb8;
	[tilespmem:$0x13000] =	vst v63  }
0x5d: {  	s15 =	simm.s32 $0x9800  }
0x5e: {  	[tilespmem:s15], [sflag:$0x1] =	stream.indirect_vreg.gather [hbm4b:s8+s4], $0x80, v3, vm0, $0xb8;
	[tilespmem:$0x13000] =	vst v63  }
0x5f: {  	s16 =	rddreg [dreg:$0x5];
	s7 =	simm.s32 $0x12000  }
0x60: {  	[tilespmem:s7], [sflag:$0x3] =	stream.strided.gather [hbm4b:s16+s30], $0x400, s31, s30, $0x38;
	[tilespmem:$0x13000] =	vst v63  }
0x61: {  	v3 =	vld [tilespmem:$0x80];
	_ =	sdelay $0x4  }
0x62: {  	v60 =	vshll.u32 v3, $0x2  }
0x63: {  	v3 =	vand.u32 $0x7, v3;
	v4 =	vand.u32 $0xFFFFFFE0, v60  }
0x64: {  	v3 =	vor.u32 v3, v4  }
0x65: {  	v4 =	vperm.xlane v3, v0;
	_ =	sdelay $0x1  }
0x66: {  	v4 =	vadd.s32 v1, v4;
	_ =	sdelay $0x1  }
0x67: {  	v3 =	vperm.xlane v3, v2;
	_ =	sdelay $0x1  }
0x68: {  	s17 =	simm.s32 $0xA000;
	v3 =	vadd.s32 v1, v3  }
0x69: {  	[tilespmem:s17], [sflag:$0x2] =	stream.indirect_vreg.gather [hbm4b:s1+s4], $0x80, v4, vm0, $0xb8;
	[tilespmem:$0x13000] =	vst v63  }
0x6a: {  	s18 =	simm.s32 $0xA800  }
0x6b: {  	[tilespmem:s18], [sflag:$0x2] =	stream.indirect_vreg.gather [hbm4b:s8+s4], $0x80, v4, vm0, $0xb8;
	[tilespmem:$0x13000] =	vst v63  }
0x6c: {  	s7 =	simm.s32 $0xB000  }
0x6d: {  	[tilespmem:s7], [sflag:$0x2] =	stream.indirect_vreg.gather [hbm4b:s1+s4], $0x80, v3, vm0, $0xb8;
	[tilespmem:$0x13000] =	vst v63  }
0x6e: {  	s9 =	simm.s32 $0xB800  }
0x6f: {  	[tilespmem:s9], [sflag:$0x2] =	stream.indirect_vreg.gather [hbm4b:s8+s4], $0x80, v3, vm0, $0xb8;
	[tilespmem:$0x13000] =	vst v63  }
0x70: {  	v3 =	vld [tilespmem:$0x90];
	_ =	sdelay $0x4  }
0x71: {  	v61 =	vshll.u32 v3, $0x2  }
0x72: {  	v3 =	vand.u32 $0x7, v3;
	v4 =	vand.u32 $0xFFFFFFE0, v61  }
0x73: {  	v3 =	vor.u32 v3, v4  }
0x74: {  	v4 =	vperm.xlane v3, v0;
	_ =	sdelay $0x1  }
0x75: {  	v4 =	vadd.s32 v1, v4;
	_ =	sdelay $0x1  }
0x76: {  	v3 =	vperm.xlane v3, v2;
	_ =	sdelay $0x1  }
0x77: {  	s10 =	simm.s32 $0xC000;
	v3 =	vadd.s32 v1, v3  }
0x78: {  	[tilespmem:s10], [sflag:$0x2] =	stream.indirect_vreg.gather [hbm4b:s1+s4], $0x80, v4, vm0, $0xb8;
	[tilespmem:$0x13000] =	vst v63  }
0x79: {  	s11 =	simm.s32 $0xC800  }
0x7a: {  	[tilespmem:s11], [sflag:$0x2] =	stream.indirect_vreg.gather [hbm4b:s8+s4], $0x80, v4, vm0, $0xb8;
	[tilespmem:$0x13000] =	vst v63  }
0x7b: {  	s12 =	simm.s32 $0xD000  }
0x7c: {  	[tilespmem:s12], [sflag:$0x2] =	stream.indirect_vreg.gather [hbm4b:s1+s4], $0x80, v3, vm0, $0xb8;
	[tilespmem:$0x13000] =	vst v63  }
0x7d: {  	s13 =	simm.s32 $0xD800  }
0x7e: {  	[tilespmem:s13], [sflag:$0x2] =	stream.indirect_vreg.gather [hbm4b:s8+s4], $0x80, v3, vm0, $0xb8;
	[tilespmem:$0x13000] =	vst v63  }
0x7f: {  	v3 =	vld [tilespmem:$0xA0];
	_ =	sdelay $0x4  }
0x80: {  	v62 =	vshll.u32 v3, $0x2  }
0x81: {  	v3 =	vand.u32 $0x7, v3;
	v4 =	vand.u32 $0xFFFFFFE0, v62  }
0x82: {  	v3 =	vor.u32 v3, v4  }
0x83: {  	v4 =	vperm.xlane v3, v0;
	_ =	sdelay $0x1  }
0x84: {  	v4 =	vadd.s32 v1, v4;
	_ =	sdelay $0x1  }
0x85: {  	v3 =	vperm.xlane v3, v2;
	_ =	sdelay $0x1  }
0x86: {  	s14 =	simm.s32 $0xE000;
	v3 =	vadd.s32 v1, v3  }
0x87: {  	[tilespmem:s14], [sflag:$0x2] =	stream.indirect_vreg.gather [hbm4b:s1+s4], $0x80, v4, vm0, $0xb8;
	[tilespmem:$0x13000] =	vst v63  }
0x88: {  	s15 =	simm.s32 $0xE800  }
0x89: {  	[tilespmem:s15], [sflag:$0x2] =	stream.indirect_vreg.gather [hbm4b:s8+s4], $0x80, v4, vm0, $0xb8;
	[tilespmem:$0x13000] =	vst v63  }
0x8a: {  	s16 =	simm.s32 $0xF000  }
0x8b: {  	[tilespmem:s16], [sflag:$0x2] =	stream.indirect_vreg.gather [hbm4b:s1+s4], $0x80, v3, vm0, $0xb8;
	[tilespmem:$0x13000] =	vst v63  }
0x8c: {  	s17 =	simm.s32 $0xF800  }
0x8d: {  	[tilespmem:s17], [sflag:$0x2] =	stream.indirect_vreg.gather [hbm4b:s8+s4], $0x80, v3, vm0, $0xb8;
	[tilespmem:$0x13000] =	vst v63  }
0x8e: {  	v3 =	vld [tilespmem:$0xB0];
	_ =	sdelay $0x4  }
0x8f: {  	v63 =	vshll.u32 v3, $0x2  }
0x90: {  	v3 =	vand.u32 $0x7, v3;
	v4 =	vand.u32 $0xFFFFFFE0, v63  }
0x91: {  	v3 =	vor.u32 v3, v4  }
0x92: {  	v4 =	vperm.xlane v3, v0;
	_ =	sdelay $0x1  }
0x93: {  	v4 =	vadd.s32 v1, v4;
	_ =	sdelay $0x1  }
0x94: {  	v3 =	vperm.xlane v3, v2;
	_ =	sdelay $0x1  }
0x95: {  	v3 =	vadd.s32 v1, v3  }
0x96: {  	[tilespmem:s19], [sflag:$0x2] =	stream.indirect_vreg.gather [hbm4b:s1+s4], $0x80, v4, vm0, $0xb8;
	[tilespmem:$0x13000] =	vst v63  }
0x97: {  	_ = 	snop  }
0x98: {  	[tilespmem:s20], [sflag:$0x2] =	stream.indirect_vreg.gather [hbm4b:s8+s4], $0x80, v4, vm0, $0xb8;
	[tilespmem:$0x13000] =	vst v63  }
0x99: {  	_ = 	snop  }
0x9a: {  	[tilespmem:s21], [sflag:$0x2] =	stream.indirect_vreg.gather [hbm4b:s1+s4], $0x80, v3, vm0, $0xb8;
	[tilespmem:$0x13000] =	vst v63  }
.Ltmp2:
0x9b: {  	_ = 	snop;
	(pc) =	sbr.rel .LBB2_2-.Ltmp2, $4  }
0x9c: {  	_ = 	snop  }
0x9d: {  	[tilespmem:s22], [sflag:$0x2] =	stream.indirect_vreg.gather [hbm4b:s8+s4], $0x80, v3, vm0, $0xb8;
	[tilespmem:$0x13000] =	vst v63  }
0x9e: {  	s0 =	simm.s32 $0x0;
	s18 =	rddreg [dreg:$0x6]  }
0x9f: {  	[tilespmem:s23], [sflag:$0x4] =	stream.strided.gather [hbm4b:s18+s30], $0x400, s31, s30, $0x38;
	[tilespmem:$0x13000] =	vst v63  }
.LBB2_14:
0xa0: {  	s0 =	sadd.s32 $0x1, s0  }
0xa1: {  	p0 =	sne.s32 s0, $0x20  }
.Ltmp3:
0xa2: {  	_ = 	snop;
	(pc) =	sbr.rel @!p0 .LBB2_15-.Ltmp3, $4  }
0xa3: {  	_ = 	snop  }
0xa4: {  	s9 =	sadd.s32 s3, s11  }
0xa5: {  	s7 =	sadd.s32 s7, s9  }
0xa6: {  	[hbm4b:s7+s30] =	stream.strided.scatter [tilespmem:s2], [sflag:$0x6], $0x400, s31, s30, $0x38;
	[tilespmem:$0x13000] =	vst v63  }
.LBB2_2:
0xa7: {  	_ =	swait.ge [sflag:s24], $0x8000  }
0xa8: {  	[sflag:s24] =	ssyncset.done $0x0  }
0xa9: {  	[sflag:s24] =	ssyncadd.s32 $0xFFFF8000  }
0xaa: {  	_ =	swait.ge [sflag:s25], $0x400  }
0xab: {  	p0 =	seq.s32 s0, $0x0;
	[sflag:s25] =	ssyncset.done $0x0  }
0xac: {  	s9 =	simm.s32 $0x0;
	s7 =	simm.s32 @!p0 $0x5;
	[sflag:s25] =	ssyncadd.s32 $0xFFFFFC00  }
0xad: {  	s16 =	sand.u32 $0x70, s9;
	_ =	swait.ge @!p0 [sflag:s7], $0x400  }
0xae: {  	s10 =	sand.u32 $0x300, s9;
	s11 =	sand.u32 $0x3000, s9;
	[sflag:s7] =	ssyncset.done @!p0 $0x0  }
0xaf: {  	s9 =	sand.u32 $0x380, s9;
	[sflag:s7] =	ssyncadd.s32 @!p0 $0xFFFFFC00;
	s7 =	sor.u32 s16, s10  }
0xb0: {  	s15 =	sor.u32 s9, s11;
	v3 =	vld [tilespmem:s7+$0x12000]  }
0xb1: {  	v4 =	vld [tilespmem:s15+$0x2C70]  }
0xb2: {  	v6 =	vld [tilespmem:s15+$0x2000]  }
0xb3: {  	v7 =	vld [tilespmem:s15+$0x2010]  }
0xb4: {  	v8 =	vld [tilespmem:s15+$0x2020]  }
0xb5: {  	v9 =	vld [tilespmem:s15+$0x2030]  }
0xb6: {  	v10 =	vld [tilespmem:s15+$0x2040]  }
0xb7: {  	v11 =	vld [tilespmem:s15+$0x2050]  }
0xb8: {  	v12 =	vld [tilespmem:s15+$0x2060]  }
0xb9: {  	v13 =	vld [tilespmem:s15+$0x2070]  }
0xba: {  	v14 =	vld [tilespmem:s15+$0x2400]  }
0xbb: {  	v34 =	vld [tilespmem:s15+$0x2C00]  }
0xbc: {  	v15 =	vld [tilespmem:s15+$0x2410]  }
0xbd: {  	v16 =	vld [tilespmem:s15+$0x2420]  }
0xbe: {  	v5 =	vimm.f32 $0.0e+00;
	v17 =	vld [tilespmem:s15+$0x2430];
	v4 =	vmul.f32 v4, v3  }
0xbf: {  	v35 =	vimm.f32 $0.0e+00;
	v18 =	vld [tilespmem:s15+$0x2440];
	v6 =	vmul.f32 v6, v3;
	v7 =	vmul.f32 v7, v3  }
0xc0: {  	v19 =	vld [tilespmem:s15+$0x2450];
	v8 =	vmul.f32 v8, v3;
	v44 =	vmul.f32 v34, v3;
	v34 =	vimm.f32 $0.0e+00  }
0xc1: {  	v20 =	vld [tilespmem:s15+$0x2460];
	v4 =	vadd.f32 v4, v5;
	v31 =	vadd.f32 v6, v5;
	v6 =	vmul.f32 v9, v3  }
0xc2: {  	v27 =	vld [tilespmem:s15+$0x2860];
	v9 =	vmul.f32 v10, v3;
	v32 =	vadd.f32 v7, v5;
	v7 =	vmul.f32 v11, v3  }
0xc3: {  	v28 =	vadd.f32 v8, v5;
	v8 =	vld [tilespmem:s15+$0x2800];
	v11 =	vmul.f32 v14, v3;
	v29 =	vadd.f32 v6, v5  }
0xc4: {  	v10 =	vld [tilespmem:s15+$0x2470];
	v6 =	vmul.f32 v12, v3;
	v22 =	vadd.f32 v7, v5;
	v7 =	vmul.f32 v13, v3  }
0xc5: {  	v21 =	vadd.f32 v9, v5;
	v12 =	vmul.f32 v16, v3;
	v23 =	vadd.f32 v11, v5;
	v11 =	vld [tilespmem:s15+$0x2840]  }
0xc6: {  	v9 =	vld [tilespmem:s15+$0x2810];
	v26 =	vadd.f32 v6, v5;
	v6 =	vmul.f32 v15, v3;
	v30 =	vadd.f32 v7, v5  }
0xc7: {  	v13 =	vld [tilespmem:s15+$0x2820];
	v7 =	vmul.f32 v17, v3;
	v16 =	vadd.f32 v12, v5;
	v12 =	vmul.f32 v20, v3  }
0xc8: {  	v14 =	vld [tilespmem:s15+$0x2830];
	v8 =	vmul.f32 v8, v3;
	v24 =	vadd.f32 v6, v5;
	v6 =	vmul.f32 v18, v3  }
0xc9: {  	v33 =	vld [tilespmem:s15+$0x2870];
	v17 =	vadd.f32 v7, v5;
	v7 =	vmul.f32 v19, v3;
	v18 =	vadd.f32 v12, v5  }
0xca: {  	v15 =	vld [tilespmem:s15+$0x2850];
	v11 =	vmul.f32 v11, v3;
	v20 =	vadd.f32 v6, v5;
	v6 =	vmul.f32 v10, v3  }
0xcb: {  	v12 =	vadd.f32 v8, v5;
	v8 =	vld [tilespmem:s15+$0x2C10];
	v25 =	vadd.f32 v7, v5;
	v7 =	vmul.f32 v9, v3  }
0xcc: {  	s17 =	sshll.u32 s0, $0x8;
	v11 =	vadd.f32 v11, v5;
	v19 =	vadd.f32 v6, v5;
	v6 =	vmul.f32 v13, v3  }
0xcd: {  	s18 =	sshll.u32 s0, $0x6;
	s14 =	simm.s32 $0x10;
	s12 =	simm.s32 $0x200;
	v38 =	vld [tilespmem:s15+$0x2C20];
	v9 =	vadd.f32 v7, v5;
	v7 =	vmul.f32 v14, v3;
	v13 =	vmul.f32 v27, v3  }
0xce: {  	s13 =	simm.s32 $0x20;
	s14 =	sand.u32 $0x70, s14;
	s9 =	simm.s32 $0x80;
	v37 =	vld [tilespmem:s15+$0x2C30];
	v27 =	vmul.f32 v33, v3;
	v33 =	vimm.f32 $0.0e+00;
	v10 =	vadd.f32 v6, v5  }
0xcf: {  	s11 =	sand.u32 $0x40, s18;
	s18 =	sand.u32 $0x380, s9;
	s10 =	sshll.u32 s0, $0x1;
	v36 =	vld [tilespmem:s15+$0x2C40];
	v6 =	vmul.f32 v15, v3;
	v14 =	vadd.f32 v7, v5;
	v7 =	vadd.f32 v13, v5  }
0xd0: {  	s16 =	sand.u32 $0x3000, s12;
	s7 =	sand.u32 $0x1E00, s17;
	s17 =	sand.u32 $0x300, s13;
	v39 =	vld [tilespmem:s15+$0x2C50];
	v13 =	vadd.f32 v27, v5;
	v43 =	vmul.f32 v8, v3;
	v27 =	vimm.f32 $0.0e+00  }
0xd1: {  	v40 =	vld [tilespmem:s15+$0x2C60];
	s7 =	sor.u32 s6, s7;
	s17 =	sor.u32 s14, s17;
	s14 =	simm.s32 $0x20;
	v8 =	vimm.f32 $0.0e+00;
	v15 =	vadd.f32 v6, v5;
	v6 =	vimm.f32 $0.0e+00  }
.LBB2_3:
0xd2: {  	p1 =	sne.s32 s14, $0x1F0;
	v41 =	vld [tilespmem:s17+$0x12000];
	s15 =	sor.u32 s18, s16;
	v5 =	vadd.f32 v44, v5;
	v38 =	vmul.f32 v38, v3  }
0xd3: {  	v42 =	vld [tilespmem:s15+$0x2C70];
	v35 =	vadd.f32 v43, v35;
	v37 =	vmul.f32 v37, v3  }
0xd4: {  	v43 =	vld [tilespmem:s15+$0x2000];
	v34 =	vadd.f32 v38, v34;
	v36 =	vmul.f32 v36, v3  }
0xd5: {  	v38 =	vld [tilespmem:s15+$0x2010];
	v33 =	vadd.f32 v37, v33;
	v37 =	vmul.f32 v39, v3  }
0xd6: {  	v39 =	vld [tilespmem:s15+$0x2020];
	v27 =	vadd.f32 v36, v27;
	v36 =	vmul.f32 v40, v3  }
0xd7: {  	v40 =	vld [tilespmem:s15+$0x2030];
	v8 =	vadd.f32 v37, v8;
	v3 =	vmov v41  }
0xd8: {  	v37 =	vld [tilespmem:s15+$0x2040];
	v41 =	vmul.f32 v42, v3;
	v6 =	vadd.f32 v36, v6  }
0xd9: {  	v36 =	vmul.f32 v43, v3;
	v42 =	vld [tilespmem:s15+$0x2050]  }
0xda: {  	v38 =	vmul.f32 v38, v3;
	v43 =	vld [tilespmem:s15+$0x2060];
	v4 =	vadd.f32 v41, v4  }
0xdb: {  	v31 =	vadd.f32 v36, v31;
	v36 =	vmul.f32 v39, v3;
	v39 =	vld [tilespmem:s15+$0x2070]  }
0xdc: {  	v32 =	vadd.f32 v38, v32;
	v38 =	vmul.f32 v40, v3;
	v40 =	vld [tilespmem:s15+$0x2400]  }
0xdd: {  	v28 =	vadd.f32 v36, v28;
	v36 =	vmul.f32 v37, v3;
	v37 =	vld [tilespmem:s15+$0x2410]  }
0xde: {  	v29 =	vadd.f32 v38, v29;
	v38 =	vmul.f32 v42, v3;
	v41 =	vld [tilespmem:s15+$0x2420]  }
0xdf: {  	v21 =	vadd.f32 v36, v21;
	v36 =	vmul.f32 v43, v3;
	v42 =	vld [tilespmem:s15+$0x2430]  }
0xe0: {  	v22 =	vadd.f32 v38, v22;
	v38 =	vmul.f32 v39, v3;
	v39 =	vld [tilespmem:s15+$0x2440]  }
0xe1: {  	v26 =	vadd.f32 v36, v26;
	v36 =	vmul.f32 v40, v3;
	v40 =	vld [tilespmem:s15+$0x2450]  }
0xe2: {  	v30 =	vadd.f32 v38, v30;
	v37 =	vmul.f32 v37, v3;
	v38 =	vld [tilespmem:s15+$0x2460]  }
0xe3: {  	v23 =	vadd.f32 v36, v23;
	v36 =	vmul.f32 v41, v3;
	v41 =	vld [tilespmem:s15+$0x2470]  }
0xe4: {  	v24 =	vadd.f32 v37, v24;
	v37 =	vmul.f32 v42, v3;
	v42 =	vld [tilespmem:s15+$0x2800]  }
0xe5: {  	v16 =	vadd.f32 v36, v16;
	v36 =	vmul.f32 v39, v3;
	v39 =	vld [tilespmem:s15+$0x2810]  }
0xe6: {  	v17 =	vadd.f32 v37, v17;
	v37 =	vmul.f32 v40, v3;
	v40 =	vld [tilespmem:s15+$0x2820]  }
0xe7: {  	v20 =	vadd.f32 v36, v20;
	v36 =	vmul.f32 v38, v3;
	v38 =	vld [tilespmem:s15+$0x2830]  }
0xe8: {  	v25 =	vadd.f32 v37, v25;
	v37 =	vmul.f32 v41, v3;
	v41 =	vld [tilespmem:s15+$0x2840]  }
0xe9: {  	v18 =	vadd.f32 v36, v18;
	v36 =	vmul.f32 v42, v3;
	v42 =	vld [tilespmem:s15+$0x2850]  }
0xea: {  	v19 =	vadd.f32 v37, v19;
	v37 =	vmul.f32 v39, v3;
	v39 =	vld [tilespmem:s15+$0x2860]  }
0xeb: {  	v12 =	vadd.f32 v36, v12;
	v36 =	vmul.f32 v40, v3;
	v40 =	vld [tilespmem:s15+$0x2870]  }
0xec: {  	v9 =	vadd.f32 v37, v9;
	v37 =	vmul.f32 v38, v3;
	v43 =	vld [tilespmem:s15+$0x2C00]  }
0xed: {  	v10 =	vadd.f32 v36, v10;
	v36 =	vmul.f32 v41, v3;
	v41 =	vld [tilespmem:s15+$0x2C10]  }
.Ltmp4:
0xee: {  	v14 =	vadd.f32 v37, v14;
	v42 =	vmul.f32 v42, v3;
	v38 =	vld [tilespmem:s15+$0x2C20];
	(pc) =	sbr.rel @p1 .LBB2_3-.Ltmp4, $4  }
0xef: {  	v11 =	vadd.f32 v36, v11;
	v39 =	vmul.f32 v39, v3;
	v37 =	vld [tilespmem:s15+$0x2C30]  }
0xf0: {  	s9 =	sadd.s32 $0x80, s9;
	s12 =	sadd.s32 $0x200, s12;
	s13 =	sadd.s32 $0x20, s13;
	v15 =	vadd.f32 v42, v15;
	v40 =	vmul.f32 v40, v3;
	v36 =	vld [tilespmem:s15+$0x2C40]  }
0xf1: {  	s17 =	sand.u32 $0x70, s14;
	s18 =	sand.u32 $0x300, s13;
	s16 =	sand.u32 $0x3000, s12;
	v7 =	vadd.f32 v39, v7;
	v44 =	vmul.f32 v43, v3;
	v39 =	vld [tilespmem:s15+$0x2C50]  }
0xf2: {  	s14 =	sadd.s32 $0x10, s14;
	s17 =	sor.u32 s17, s18;
	s18 =	sand.u32 $0x380, s9;
	v13 =	vadd.f32 v40, v13;
	v43 =	vmul.f32 v41, v3;
	v40 =	vld [tilespmem:s15+$0x2C60]  }
0xf3: {  	s9 =	sor.u32 s18, s16  }
0xf4: {  	v42 =	vld [tilespmem:s9+$0x2860];
	_ =	sdelay $0x3  }
0xf5: {  	v41 =	vld [tilespmem:s17+$0x12000]  }
0xf6: {  	[tilespmem:$0x1FF50] =	vst v42;
	v42 =	vld [tilespmem:s9+$0x2870]  }
0xf7: {  	v0 =	vld [tilespmem:s9+$0x2C70]  }
0xf8: {  	v45 =	vld [tilespmem:s9+$0x2000]  }
0xf9: {  	v46 =	vld [tilespmem:s9+$0x2010]  }
0xfa: {  	v47 =	vld [tilespmem:s9+$0x2020]  }
0xfb: {  	[tilespmem:$0x1FF60] =	vst v42;
	v42 =	vld [tilespmem:s9+$0x2C00]  }
0xfc: {  	v48 =	vld [tilespmem:s9+$0x2030]  }
0xfd: {  	v49 =	vld [tilespmem:s9+$0x2040]  }
0xfe: {  	v50 =	vld [tilespmem:s9+$0x2050]  }
0xff: {  	v51 =	vld [tilespmem:s9+$0x2060]  }
0x100: {  	[tilespmem:$0x1FF70] =	vst v42;
	v42 =	vld [tilespmem:s9+$0x2C10]  }
0x101: {  	v52 =	vld [tilespmem:s9+$0x2070]  }
0x102: {  	v53 =	vld [tilespmem:s9+$0x2400]  }
0x103: {  	v54 =	vld [tilespmem:s9+$0x2410]  }
0x104: {  	v55 =	vld [tilespmem:s9+$0x2420]  }
0x105: {  	[tilespmem:$0x1FF80] =	vst v42;
	v42 =	vld [tilespmem:s9+$0x2C20]  }
0x106: {  	v56 =	vld [tilespmem:s9+$0x2430]  }
0x107: {  	v57 =	vld [tilespmem:s9+$0x2440]  }
0x108: {  	v58 =	vld [tilespmem:s9+$0x2450]  }
0x109: {  	v59 =	vld [tilespmem:s9+$0x2460]  }
0x10a: {  	[tilespmem:$0x1FF90] =	vst v42;
	v42 =	vld [tilespmem:s9+$0x2C30]  }
0x10b: {  	v60 =	vld [tilespmem:s9+$0x2470]  }
0x10c: {  	v61 =	vld [tilespmem:s9+$0x2800]  }
0x10d: {  	v2 =	vld [tilespmem:s9+$0x2840]  }
0x10e: {  	v62 =	vld [tilespmem:s9+$0x2810]  }
0x10f: {  	[tilespmem:$0x1FFA0] =	vst v42;
	v42 =	vld [tilespmem:s9+$0x2C40]  }
0x110: {  	v63 =	vld [tilespmem:s9+$0x2820]  }
0x111: {  	v1 =	vld [tilespmem:s9+$0x2850];
	v45 =	vmul.f32 v45, v41;
	v50 =	vmul.f32 v50, v41  }
0x112: {  	[tilespmem:$0x1FFC0] =	vst v0;
	v0 =	vld [tilespmem:s9+$0x2830];
	v2 =	vmul.f32 v2, v41  }
0x113: {  	v31 =	vadd.f32 v45, v31;
	v45 =	vmul.f32 v47, v41;
	v47 =	vld [tilespmem:s9+$0x2C50];
	v22 =	vadd.f32 v50, v22  }
0x114: {  	v2 =	vadd.f32 v2, v11;
	v11 =	vld [tilespmem:$0x1FF50];
	[tilespmem:$0x1FFB0] =	vst v42  }
0x115: {  	v46 =	vmul.f32 v46, v41;
	v42 =	vld [tilespmem:s9+$0x2C60];
	[tilespmem:$0x12850] =	vst v22;
	v22 =	vmul.f32 v54, v41  }
0x116: {  	[tilespmem:$0x12800] =	vst v31;
	v31 =	vmul.f32 v49, v41  }
0x117: {  	v32 =	vadd.f32 v46, v32;
	v22 =	vadd.f32 v22, v24;
	v24 =	vmul.f32 v56, v41  }
0x118: {  	v21 =	vadd.f32 v31, v21  }
0x119: {  	v46 =	vmul.f32 v48, v41;
	v11 =	vmul.f32 v11, v41;
	[tilespmem:$0x12810] =	vst v32;
	v17 =	vadd.f32 v24, v17  }
0x11a: {  	v28 =	vadd.f32 v45, v28;
	v0 =	vmul.f32 v0, v41;
	[tilespmem:$0x12840] =	vst v21;
	v21 =	vmul.f32 v53, v41  }
0x11b: {  	v29 =	vadd.f32 v46, v29;
	v7 =	vadd.f32 v11, v7;
	v11 =	vld [tilespmem:$0x1FF70];
	[tilespmem:$0x12930] =	vst v17;
	v17 =	vmul.f32 v60, v41  }
0x11c: {  	v0 =	vadd.f32 v0, v14;
	v14 =	vld [tilespmem:$0x1FF60];
	[tilespmem:$0x12820] =	vst v28;
	v21 =	vadd.f32 v21, v23;
	v23 =	vmul.f32 v55, v41  }
0x11d: {  	[tilespmem:$0x12830] =	vst v29;
	v17 =	vadd.f32 v17, v19;
	v19 =	vmul.f32 v62, v41  }
0x11e: {  	v1 =	vmul.f32 v1, v41;
	[tilespmem:$0x12A30] =	vst v0;
	v16 =	vadd.f32 v23, v16  }
0x11f: {  	v5 =	vadd.f32 v44, v5;
	[tilespmem:$0x12A40] =	vst v2;
	v9 =	vadd.f32 v19, v9  }
0x120: {  	v1 =	vadd.f32 v1, v15;
	v11 =	vmul.f32 v11, v41;
	[tilespmem:$0x12920] =	vst v16;
	v16 =	vmul.f32 v59, v41  }
0x121: {  	v14 =	vmul.f32 v14, v41;
	[tilespmem:$0x12A10] =	vst v9;
	v9 =	vmul.f32 v37, v3  }
0x122: {  	v5 =	vadd.f32 v11, v5;
	v28 =	vmul.f32 v51, v41;
	[tilespmem:$0x12A50] =	vst v1;
	v16 =	vadd.f32 v16, v18  }
0x123: {  	[tilespmem:$0x12A60] =	vst v7;
	v2 =	vadd.f32 v9, v33;
	v9 =	vadd.f32 v14, v13;
	v13 =	vld [tilespmem:$0x1FF80]  }
0x124: {  	v11 =	vld [tilespmem:$0x1FF90];
	[tilespmem:$0x12B00] =	vst v5;
	v26 =	vadd.f32 v28, v26;
	v18 =	vmul.f32 v61, v41  }
0x125: {  	[tilespmem:$0x12960] =	vst v16;
	v16 =	vmul.f32 v63, v41  }
0x126: {  	[tilespmem:$0x12860] =	vst v26;
	v12 =	vadd.f32 v18, v12  }
0x127: {  	[tilespmem:$0x12970] =	vst v17;
	v17 =	vmul.f32 v38, v3;
	v10 =	vadd.f32 v16, v10  }
0x128: {  	[tilespmem:$0x12A00] =	vst v12;
	v12 =	vadd.f32 v43, v35;
	v13 =	vmul.f32 v13, v41  }
0x129: {  	v11 =	vmul.f32 v11, v41;
	v1 =	vmul.f32 v39, v3;
	[tilespmem:$0x12A20] =	vst v10;
	v10 =	vadd.f32 v17, v34  }
0x12a: {  	v29 =	vmul.f32 v52, v41;
	[tilespmem:$0x12910] =	vst v22;
	v7 =	vadd.f32 v13, v12;
	v12 =	vld [tilespmem:$0x1FFA0]  }
0x12b: {  	v5 =	vmul.f32 v47, v41;
	v1 =	vadd.f32 v1, v8;
	[tilespmem:$0x12A70] =	vst v9;
	v9 =	vadd.f32 v11, v10;
	v10 =	vld [tilespmem:$0x1FFB0]  }
0x12c: {  	v28 =	vadd.f32 v29, v30;
	[tilespmem:$0x12900] =	vst v21;
	v21 =	vmul.f32 v57, v41  }
0x12d: {  	v22 =	vmul.f32 v58, v41;
	v1 =	vadd.f32 v5, v1;
	[tilespmem:$0x12B10] =	vst v7;
	v7 =	vld [tilespmem:$0x1FFC0]  }
0x12e: {  	v0 =	vmul.f32 v36, v3;
	[tilespmem:$0x12870] =	vst v28;
	v20 =	vadd.f32 v21, v20  }
0x12f: {  	[tilespmem:$0x12B50] =	vst v1;
	v21 =	vadd.f32 v22, v25;
	v3 =	vmul.f32 v40, v3;
	v12 =	vmul.f32 v12, v41  }
0x130: {  	v0 =	vadd.f32 v0, v27;
	[tilespmem:$0x12940] =	vst v20;
	v10 =	vmul.f32 v10, v41  }
0x131: {  	[tilespmem:$0x12950] =	vst v21;
	v3 =	vadd.f32 v3, v6;
	v6 =	vmul.f32 v42, v41;
	v2 =	vadd.f32 v12, v2  }
0x132: {  	[tilespmem:$0x12B20] =	vst v9;
	v0 =	vadd.f32 v10, v0;
	v7 =	vmul.f32 v7, v41  }
0x133: {  	[tilespmem:$0x12B30] =	vst v2;
	v2 =	vadd.f32 v6, v3  }
0x134: {  	s15 =	simm.s32 $0x0;
	[tilespmem:$0x12B40] =	vst v0;
	v0 =	vadd.f32 v7, v4  }
0x135: {  	s12 =	sand.u32 $0x70, s15;
	s13 =	sand.u32 $0x300, s15;
	s14 =	sand.u32 $0x3000, s15;
	[tilespmem:$0x12B60] =	vst v2  }
0x136: {  	s12 =	sor.u32 s12, s13;
	s16 =	sor.u32 s14, s15;
	[tilespmem:$0x12B70] =	vst v0  }
0x137: {  	s17 =	sor.u32 $0x4C00, s16;
	v4 =	vld [tilespmem:s12+$0x12080]  }
0x138: {  	v0 =	vld [tilespmem:s17+$0x2070]  }
0x139: {  	v1 =	vld [tilespmem:s17+$0x2000]  }
0x13a: {  	v2 =	vld [tilespmem:s17+$0x2010]  }
0x13b: {  	v5 =	vld [tilespmem:s17+$0x2020]  }
0x13c: {  	v6 =	vld [tilespmem:s17+$0x2030]  }
0x13d: {  	v7 =	vld [tilespmem:s17+$0x2040]  }
0x13e: {  	s9 =	sand.u32 $0x380, s15;
	v10 =	vld [tilespmem:s17+$0x2050]  }
0x13f: {  	s9 =	sor.u32 s9, s14;
	v13 =	vld [tilespmem:s17+$0x2060]  }
0x140: {  	v14 =	vld [tilespmem:s9+$0x6000]  }
0x141: {  	v15 =	vld [tilespmem:s9+$0x6010]  }
0x142: {  	v63 =	vld [tilespmem:s9+$0x6800]  }
0x143: {  	v16 =	vld [tilespmem:s9+$0x6020]  }
0x144: {  	v33 =	vimm.f32 $0.0e+00;
	v17 =	vld [tilespmem:s9+$0x6030]  }
0x145: {  	v35 =	vimm.f32 $0.0e+00;
	v34 =	vimm.f32 $0.0e+00;
	v18 =	vld [tilespmem:s9+$0x6040];
	v0 =	vmul.f32 v0, v4  }
0x146: {  	v12 =	vimm.f32 $0.0e+00;
	v19 =	vld [tilespmem:s9+$0x6050];
	v1 =	vmul.f32 v1, v4;
	v2 =	vmul.f32 v2, v4  }
0x147: {  	v20 =	vld [tilespmem:s9+$0x6060];
	v43 =	vmul.f32 v63, v4;
	v3 =	vadd.f32 v0, v12;
	v0 =	vmul.f32 v5, v4  }
0x148: {  	v21 =	vld [tilespmem:s9+$0x6070];
	v5 =	vmul.f32 v6, v4;
	v11 =	vadd.f32 v1, v12;
	v1 =	vmul.f32 v7, v4  }
0x149: {  	v22 =	vld [tilespmem:s9+$0x6410];
	v8 =	vadd.f32 v2, v12;
	v9 =	vadd.f32 v0, v12;
	v0 =	vmul.f32 v10, v4  }
0x14a: {  	v2 =	vld [tilespmem:s9+$0x6400];
	v6 =	vadd.f32 v1, v12;
	v1 =	vmul.f32 v13, v4;
	v13 =	vmul.f32 v14, v4  }
0x14b: {  	v5 =	vadd.f32 v5, v12;
	v14 =	vld [tilespmem:s9+$0x6420];
	v7 =	vadd.f32 v0, v12;
	v0 =	vmul.f32 v15, v4  }
0x14c: {  	v10 =	vadd.f32 v1, v12;
	v30 =	vadd.f32 v13, v12;
	v1 =	vmul.f32 v17, v4;
	v13 =	vld [tilespmem:s9+$0x6440]  }
0x14d: {  	v15 =	vmul.f32 v16, v4;
	v16 =	vld [tilespmem:s9+$0x6430];
	v31 =	vadd.f32 v0, v12;
	v0 =	vmul.f32 v18, v4  }
0x14e: {  	v17 =	vmul.f32 v20, v4;
	v26 =	vadd.f32 v1, v12;
	v1 =	vmul.f32 v19, v4;
	v18 =	vld [tilespmem:s9+$0x6460]  }
0x14f: {  	v20 =	vld [tilespmem:s9+$0x6470];
	v2 =	vmul.f32 v2, v4;
	v25 =	vadd.f32 v15, v12;
	v29 =	vadd.f32 v0, v12  }
0x150: {  	v15 =	vld [tilespmem:s9+$0x6450];
	v0 =	vmul.f32 v21, v4;
	v32 =	vadd.f32 v1, v12;
	v1 =	vmul.f32 v22, v4  }
0x151: {  	v27 =	vadd.f32 v17, v12;
	v24 =	vadd.f32 v2, v12;
	v2 =	vld [tilespmem:s9+$0x6810];
	v13 =	vmul.f32 v13, v4  }
0x152: {  	v28 =	vadd.f32 v0, v12;
	v0 =	vmul.f32 v14, v4;
	v22 =	vadd.f32 v1, v12  }
0x153: {  	v41 =	vld [tilespmem:s9+$0x6820];
	v1 =	vmul.f32 v16, v4;
	v14 =	vmul.f32 v18, v4;
	v19 =	vadd.f32 v13, v12  }
0x154: {  	v39 =	vld [tilespmem:s9+$0x6830];
	v18 =	vimm.f32 $0.0e+00;
	v13 =	vimm.f32 $0.0e+00;
	v23 =	vadd.f32 v0, v12  }
0x155: {  	s18 =	simm.s32 $0x10;
	s13 =	simm.s32 $0x200;
	v36 =	vld [tilespmem:s9+$0x6840];
	v0 =	vmul.f32 v15, v4;
	v21 =	vadd.f32 v1, v12;
	v1 =	vmul.f32 v20, v4  }
0x156: {  	s16 =	sand.u32 $0x3000, s13;
	s15 =	simm.s32 $0x20;
	s14 =	simm.s32 $0x20;
	v37 =	vld [tilespmem:s9+$0x6850];
	v44 =	vmul.f32 v2, v4;
	v20 =	vimm.f32 $0.0e+00;
	v15 =	vadd.f32 v14, v12  }
0x157: {  	s12 =	simm.s32 $0x80;
	s17 =	sand.u32 $0x70, s18;
	s18 =	sand.u32 $0x300, s14;
	v42 =	vld [tilespmem:s9+$0x6860];
	v14 =	vimm.f32 $0.0e+00;
	v17 =	vadd.f32 v0, v12;
	v16 =	vadd.f32 v1, v12  }
.LBB2_5:
0x158: {  	p1 =	sne.s32 s15, $0x1F0;
	s17 =	sor.u32 s17, s18;
	s18 =	sor.u32 s16, s12;
	v12 =	vadd.f32 v43, v12;
	v0 =	vmul.f32 v41, v4;
	v1 =	vld [tilespmem:s9+$0x6870]  }
0x159: {  	s9 =	sand.u32 $0x380, s12;
	v2 =	vld [tilespmem:s17+$0x12080];
	s17 =	sor.u32 $0x4C00, s18;
	v35 =	vadd.f32 v44, v35;
	v38 =	vmul.f32 v39, v4  }
0x15a: {  	s9 =	sor.u32 s9, s16;
	v39 =	vld [tilespmem:s17+$0x2070];
	v34 =	vadd.f32 v0, v34;
	v0 =	vmul.f32 v36, v4  }
0x15b: {  	v36 =	vld [tilespmem:s17+$0x2000];
	v33 =	vadd.f32 v38, v33;
	v37 =	vmul.f32 v37, v4  }
0x15c: {  	v38 =	vld [tilespmem:s17+$0x2010];
	v20 =	vadd.f32 v0, v20;
	v0 =	vmul.f32 v42, v4  }
0x15d: {  	v40 =	vld [tilespmem:s17+$0x2020];
	v18 =	vadd.f32 v37, v18;
	v1 =	vmul.f32 v1, v4  }
0x15e: {  	v37 =	vld [tilespmem:s17+$0x2030];
	v14 =	vadd.f32 v0, v14;
	v4 =	vmov v2  }
0x15f: {  	v0 =	vld [tilespmem:s17+$0x2040];
	v2 =	vmul.f32 v39, v4;
	v13 =	vadd.f32 v1, v13  }
0x160: {  	v1 =	vmul.f32 v36, v4;
	v36 =	vld [tilespmem:s17+$0x2050]  }
0x161: {  	v38 =	vmul.f32 v38, v4;
	v39 =	vld [tilespmem:s17+$0x2060];
	v3 =	vadd.f32 v2, v3  }
0x162: {  	v2 =	vld [tilespmem:s9+$0x6000];
	v11 =	vadd.f32 v1, v11;
	v1 =	vmul.f32 v40, v4  }
0x163: {  	v40 =	vld [tilespmem:s9+$0x6010];
	v8 =	vadd.f32 v38, v8;
	v37 =	vmul.f32 v37, v4  }
0x164: {  	v38 =	vld [tilespmem:s9+$0x6020];
	v9 =	vadd.f32 v1, v9;
	v0 =	vmul.f32 v0, v4  }
0x165: {  	v1 =	vld [tilespmem:s9+$0x6030];
	v5 =	vadd.f32 v37, v5;
	v36 =	vmul.f32 v36, v4  }
0x166: {  	v37 =	vld [tilespmem:s9+$0x6040];
	v6 =	vadd.f32 v0, v6;
	v0 =	vmul.f32 v39, v4  }
0x167: {  	v2 =	vmul.f32 v2, v4;
	v39 =	vld [tilespmem:s9+$0x6050];
	v7 =	vadd.f32 v36, v7  }
0x168: {  	v36 =	vmul.f32 v40, v4;
	v40 =	vld [tilespmem:s9+$0x6060];
	v10 =	vadd.f32 v0, v10  }
0x169: {  	v30 =	vadd.f32 v2, v30;
	v0 =	vmul.f32 v38, v4;
	v2 =	vld [tilespmem:s9+$0x6070]  }
0x16a: {  	v31 =	vadd.f32 v36, v31;
	v1 =	vmul.f32 v1, v4;
	v36 =	vld [tilespmem:s9+$0x6400]  }
0x16b: {  	v25 =	vadd.f32 v0, v25;
	v0 =	vmul.f32 v37, v4;
	v37 =	vld [tilespmem:s9+$0x6410]  }
0x16c: {  	v26 =	vadd.f32 v1, v26;
	v1 =	vmul.f32 v39, v4;
	v38 =	vld [tilespmem:s9+$0x6420]  }
0x16d: {  	v29 =	vadd.f32 v0, v29;
	v0 =	vmul.f32 v40, v4;
	v39 =	vld [tilespmem:s9+$0x6430]  }
0x16e: {  	v32 =	vadd.f32 v1, v32;
	v1 =	vmul.f32 v2, v4;
	v2 =	vld [tilespmem:s9+$0x6440]  }
0x16f: {  	v27 =	vadd.f32 v0, v27;
	v0 =	vmul.f32 v36, v4;
	v36 =	vld [tilespmem:s9+$0x6450]  }
0x170: {  	v28 =	vadd.f32 v1, v28;
	v1 =	vmul.f32 v37, v4;
	v37 =	vld [tilespmem:s9+$0x6460]  }
0x171: {  	v24 =	vadd.f32 v0, v24;
	v0 =	vmul.f32 v38, v4;
	v38 =	vld [tilespmem:s9+$0x6470]  }
0x172: {  	v22 =	vadd.f32 v1, v22;
	v1 =	vmul.f32 v39, v4;
	v40 =	vld [tilespmem:s9+$0x6800]  }
0x173: {  	v23 =	vadd.f32 v0, v23;
	v0 =	vmul.f32 v2, v4;
	v2 =	vld [tilespmem:s9+$0x6810]  }
.Ltmp5:
0x174: {  	v21 =	vadd.f32 v1, v21;
	v1 =	vmul.f32 v36, v4;
	v41 =	vld [tilespmem:s9+$0x6820];
	(pc) =	sbr.rel @p1 .LBB2_5-.Ltmp5, $4  }
0x175: {  	v19 =	vadd.f32 v0, v19;
	v0 =	vmul.f32 v37, v4;
	v39 =	vld [tilespmem:s9+$0x6830]  }
0x176: {  	s12 =	sadd.s32 $0x80, s12;
	v17 =	vadd.f32 v1, v17;
	v1 =	vmul.f32 v38, v4;
	v36 =	vld [tilespmem:s9+$0x6840]  }
0x177: {  	s13 =	sadd.s32 $0x200, s13;
	s14 =	sadd.s32 $0x20, s14;
	s17 =	sand.u32 $0x70, s15;
	v15 =	vadd.f32 v0, v15;
	v43 =	vmul.f32 v40, v4;
	v37 =	vld [tilespmem:s9+$0x6850]  }
0x178: {  	s18 =	sand.u32 $0x300, s14;
	s16 =	sand.u32 $0x3000, s13;
	s15 =	sadd.s32 $0x10, s15;
	v16 =	vadd.f32 v1, v16;
	v44 =	vmul.f32 v2, v4;
	v42 =	vld [tilespmem:s9+$0x6860]  }
0x179: {  	s13 =	sor.u32 s17, s18;
	s14 =	sor.u32 s16, s12;
	v49 =	vld [tilespmem:s9+$0x6870]  }
0x17a: {  	v38 =	vld [tilespmem:s13+$0x12080];
	s17 =	sor.u32 $0x4C00, s14  }
0x17b: {  	v0 =	vld [tilespmem:s17+$0x2070]  }
0x17c: {  	v62 =	vld [tilespmem:s17+$0x2000]  }
0x17d: {  	v63 =	vld [tilespmem:s17+$0x2010]  }
0x17e: {  	v40 =	vld [tilespmem:s17+$0x2020]  }
0x17f: {  	v45 =	vld [tilespmem:s17+$0x2030]  }
0x180: {  	v46 =	vld [tilespmem:s17+$0x2040]  }
0x181: {  	s18 =	sand.u32 $0x380, s12;
	v47 =	vld [tilespmem:s17+$0x2050]  }
0x182: {  	s12 =	sor.u32 s18, s16;
	v48 =	vld [tilespmem:s17+$0x2060]  }
0x183: {  	v50 =	vld [tilespmem:s12+$0x6000]  }
0x184: {  	v51 =	vld [tilespmem:s12+$0x6010]  }
0x185: {  	v52 =	vld [tilespmem:s12+$0x6020]  }
0x186: {  	v53 =	vld [tilespmem:s12+$0x6030]  }
0x187: {  	v54 =	vld [tilespmem:s12+$0x6040]  }
0x188: {  	v55 =	vld [tilespmem:s12+$0x6050]  }
0x189: {  	v56 =	vld [tilespmem:s12+$0x6060]  }
0x18a: {  	v57 =	vld [tilespmem:s12+$0x6070]  }
0x18b: {  	v58 =	vld [tilespmem:s12+$0x6400]  }
0x18c: {  	v59 =	vld [tilespmem:s12+$0x6410]  }
0x18d: {  	v60 =	vld [tilespmem:s12+$0x6420]  }
0x18e: {  	v61 =	vld [tilespmem:s12+$0x6430]  }
0x18f: {  	v1 =	vld [tilespmem:s12+$0x6470]  }
0x190: {  	v2 =	vld [tilespmem:s12+$0x6800]  }
0x191: {  	[tilespmem:$0x1FED0] =	vst v62;
	v62 =	vld [tilespmem:s12+$0x6440]  }
0x192: {  	[tilespmem:$0x1FEE0] =	vst v63;
	v63 =	vld [tilespmem:s12+$0x6450]  }
0x193: {  	[tilespmem:$0x1FF40] =	vst v0;
	v0 =	vld [tilespmem:s12+$0x6460]  }
0x194: {  	[tilespmem:$0x1FEF0] =	vst v40;
	v40 =	vld [tilespmem:s12+$0x6810]  }
0x195: {  	[tilespmem:$0x1FF00] =	vst v45;
	v45 =	vld [tilespmem:s12+$0x6820]  }
0x196: {  	[tilespmem:$0x1FF10] =	vst v46;
	v46 =	vld [tilespmem:s12+$0x6830];
	v50 =	vmul.f32 v50, v38  }
0x197: {  	[tilespmem:$0x1FF20] =	vst v47;
	v47 =	vld [tilespmem:s12+$0x6840];
	v51 =	vmul.f32 v51, v38  }
0x198: {  	v12 =	vadd.f32 v43, v12;
	[tilespmem:$0x1FF30] =	vst v48;
	v48 =	vld [tilespmem:s12+$0x6850];
	v1 =	vmul.f32 v1, v38;
	v30 =	vadd.f32 v50, v30  }
0x199: {  	v2 =	vmul.f32 v2, v38;
	v50 =	vmul.f32 v52, v38;
	v52 =	vld [tilespmem:s12+$0x6860];
	v31 =	vadd.f32 v51, v31  }
0x19a: {  	v51 =	vmul.f32 v53, v38;
	v53 =	vld [tilespmem:s12+$0x6870];
	v1 =	vadd.f32 v1, v16;
	[tilespmem:$0x12880] =	vst v30  }
0x19b: {  	v2 =	vadd.f32 v2, v12;
	[tilespmem:$0x12890] =	vst v31  }
0x19c: {  	v25 =	vadd.f32 v50, v25;
	v50 =	vmul.f32 v54, v38;
	[tilespmem:$0x129F0] =	vst v1  }
0x19d: {  	v26 =	vadd.f32 v51, v26;
	v51 =	vmul.f32 v55, v38;
	[tilespmem:$0x12A80] =	vst v2  }
0x19e: {  	v54 =	vmul.f32 v56, v38;
	v29 =	vadd.f32 v50, v29;
	[tilespmem:$0x128A0] =	vst v25  }
0x19f: {  	v56 =	vmul.f32 v57, v38;
	v55 =	vadd.f32 v51, v32;
	[tilespmem:$0x128B0] =	vst v26  }
0x1a0: {  	v43 =	vmul.f32 v49, v4;
	v57 =	vmul.f32 v58, v38;
	v25 =	vadd.f32 v54, v27;
	[tilespmem:$0x128C0] =	vst v29  }
0x1a1: {  	v58 =	vmul.f32 v59, v38;
	v59 =	vmul.f32 v60, v38;
	v26 =	vadd.f32 v56, v28;
	[tilespmem:$0x128D0] =	vst v55  }
0x1a2: {  	v60 =	vadd.f32 v44, v35;
	v31 =	vmul.f32 v39, v4;
	v24 =	vadd.f32 v57, v24;
	[tilespmem:$0x128E0] =	vst v25  }
0x1a3: {  	v2 =	vadd.f32 v43, v13;
	v30 =	vmul.f32 v62, v38;
	v22 =	vadd.f32 v58, v22;
	[tilespmem:$0x128F0] =	vst v26  }
0x1a4: {  	v0 =	vmul.f32 v0, v38;
	v35 =	vmul.f32 v40, v38;
	v23 =	vadd.f32 v59, v23;
	[tilespmem:$0x12980] =	vst v24  }
0x1a5: {  	v40 =	vmul.f32 v46, v38;
	v28 =	vmul.f32 v61, v38;
	v19 =	vadd.f32 v30, v19;
	[tilespmem:$0x12990] =	vst v22  }
0x1a6: {  	v32 =	vmul.f32 v63, v38;
	v0 =	vadd.f32 v0, v15;
	v39 =	vadd.f32 v35, v60;
	[tilespmem:$0x129A0] =	vst v23  }
0x1a7: {  	v49 =	vld [tilespmem:$0x1FED0];
	v29 =	vmul.f32 v41, v4;
	v21 =	vadd.f32 v28, v21;
	v22 =	vadd.f32 v31, v33;
	[tilespmem:$0x129C0] =	vst v19  }
0x1a8: {  	v50 =	vld [tilespmem:$0x1FEE0];
	v17 =	vadd.f32 v32, v17;
	v33 =	vmul.f32 v36, v4;
	v36 =	vmul.f32 v45, v38;
	[tilespmem:$0x129E0] =	vst v0  }
0x1a9: {  	v45 =	vmul.f32 v48, v38;
	v48 =	vmul.f32 v53, v38;
	[tilespmem:$0x12A90] =	vst v39;
	v24 =	vadd.f32 v29, v34  }
0x1aa: {  	v54 =	vld [tilespmem:$0x1FF00];
	[tilespmem:$0x129B0] =	vst v21;
	v34 =	vmul.f32 v37, v4;
	v15 =	vadd.f32 v33, v20;
	v44 =	vadd.f32 v40, v22  }
0x1ab: {  	v61 =	vld [tilespmem:$0x1FF40];
	[tilespmem:$0x129D0] =	vst v17;
	v37 =	vmul.f32 v42, v4;
	v42 =	vmul.f32 v47, v38;
	v2 =	vadd.f32 v48, v2  }
0x1ac: {  	v47 =	vmul.f32 v52, v38;
	v4 =	vmul.f32 v49, v38;
	v52 =	vld [tilespmem:$0x1FEF0];
	v12 =	vadd.f32 v36, v24;
	[tilespmem:$0x12AB0] =	vst v44  }
0x1ad: {  	v56 =	vld [tilespmem:$0x1FF10];
	v13 =	vmul.f32 v50, v38;
	v46 =	vadd.f32 v42, v15;
	[tilespmem:$0x12AF0] =	vst v2  }
0x1ae: {  	v58 =	vld [tilespmem:$0x1FF20];
	v41 =	vadd.f32 v34, v18;
	v51 =	vadd.f32 v4, v11;
	[tilespmem:$0x12AA0] =	vst v12  }
0x1af: {  	v0 =	vadd.f32 v37, v14;
	v53 =	vadd.f32 v13, v8;
	[tilespmem:$0x12AC0] =	vst v46  }
0x1b0: {  	v60 =	vld [tilespmem:$0x1FF30];
	v2 =	vmul.f32 v61, v38;
	v8 =	vmul.f32 v54, v38;
	v1 =	vadd.f32 v45, v41;
	[tilespmem:$0x12B80] =	vst v51  }
0x1b1: {  	v0 =	vadd.f32 v47, v0;
	v4 =	vmul.f32 v52, v38;
	[tilespmem:$0x12B90] =	vst v53  }
0x1b2: {  	v63 =	vadd.f32 v2, v3;
	v57 =	vadd.f32 v8, v5;
	[tilespmem:$0x12AD0] =	vst v1  }
0x1b3: {  	v5 =	vmul.f32 v58, v38;
	[tilespmem:$0x12AE0] =	vst v0;
	v55 =	vadd.f32 v4, v9;
	v4 =	vmul.f32 v56, v38  }
0x1b4: {  	p1 =	seq.s32 s0, $0x1F;
	[tilespmem:$0x12BF0] =	vst v63  }
.Ltmp6:
0x1b5: {  	v5 =	vadd.f32 v5, v7;
	[tilespmem:$0x12BB0] =	vst v57;
	v59 =	vadd.f32 v4, v6;
	v4 =	vmul.f32 v60, v38;
	(pc) =	sbr.rel @p1 .LBB2_8-.Ltmp6, $4  }
0x1b6: {  	[tilespmem:$0x12BA0] =	vst v55  }
0x1b7: {  	[tilespmem:$0x12BD0] =	vst v5;
	v62 =	vadd.f32 v4, v10  }
0x1b8: {  	[tilespmem:$0x12BC0] =	vst v59  }
0x1b9: {  	[tilespmem:$0x12BE0] =	vst v62  }
0x1ba: {  	s9 =	sadd.s32 $0x2, s10  }
0x1bb: {  	s12 =	sshll.u32 s9, $0x7  }
0x1bc: {  	s13 =	sand.u32 $0x3FFFFF80, s12  }
0x1bd: {  	v0 =	vld [tilespmem:s13+$0x0];
	_ =	sdelay $0x2  }
0x1be: {  	v2 =	vld [tilespmem:$0x1FFD0];
	_ =	sdelay $0x1  }
0x1bf: {  	v3 =	vld [tilespmem:$0x1FFE0];
	v1 =	vshll.u32 v0, $0x2  }
0x1c0: {  	v0 =	vand.u32 $0x7, v0;
	v1 =	vand.u32 $0xFFFFFFE0, v1  }
0x1c1: {  	v4 =	vld [tilespmem:$0x1FFF0];
	v0 =	vor.u32 v0, v1  }
0x1c2: {  	v1 =	vperm.xlane v0, v2;
	_ =	sdelay $0x1  }
0x1c3: {  	v1 =	vadd.s32 v3, v1;
	_ =	sdelay $0x1  }
0x1c4: {  	v0 =	vperm.xlane v0, v4;
	_ =	sdelay $0x1  }
0x1c5: {  	s14 =	simm.s32 $0x2000;
	v0 =	vadd.s32 v3, v0  }
0x1c6: {  	[tilespmem:s14], [sflag:$0x1] =	stream.indirect_vreg.gather [hbm4b:s1+s4], $0x80, v1, vm0, $0xb8;
	[tilespmem:$0x13000] =	vst v63  }
0x1c7: {  	s16 =	simm.s32 $0x2800  }
0x1c8: {  	[tilespmem:s16], [sflag:$0x1] =	stream.indirect_vreg.gather [hbm4b:s8+s4], $0x80, v1, vm0, $0xb8;
	[tilespmem:$0x13000] =	vst v63  }
0x1c9: {  	s17 =	simm.s32 $0x3000  }
0x1ca: {  	[tilespmem:s17], [sflag:$0x1] =	stream.indirect_vreg.gather [hbm4b:s1+s4], $0x80, v0, vm0, $0xb8;
	[tilespmem:$0x13000] =	vst v63  }
0x1cb: {  	s18 =	simm.s32 $0x3800  }
0x1cc: {  	[tilespmem:s18], [sflag:$0x1] =	stream.indirect_vreg.gather [hbm4b:s8+s4], $0x80, v0, vm0, $0xb8;
	[tilespmem:$0x13000] =	vst v63  }
0x1cd: {  	v0 =	vld [tilespmem:s13+$0x10];
	_ =	sdelay $0x4  }
0x1ce: {  	v61 =	vshll.u32 v0, $0x2  }
0x1cf: {  	v0 =	vand.u32 $0x7, v0;
	v1 =	vand.u32 $0xFFFFFFE0, v61  }
0x1d0: {  	v0 =	vor.u32 v0, v1  }
0x1d1: {  	v1 =	vperm.xlane v0, v2;
	_ =	sdelay $0x1  }
0x1d2: {  	v1 =	vadd.s32 v3, v1;
	_ =	sdelay $0x1  }
0x1d3: {  	v0 =	vperm.xlane v0, v4;
	_ =	sdelay $0x1  }
0x1d4: {  	s15 =	simm.s32 $0x4000;
	v0 =	vadd.s32 v3, v0  }
0x1d5: {  	[tilespmem:s15], [sflag:$0x1] =	stream.indirect_vreg.gather [hbm4b:s1+s4], $0x80, v1, vm0, $0xb8;
	[tilespmem:$0x13000] =	vst v63  }
0x1d6: {  	s16 =	simm.s32 $0x4800  }
0x1d7: {  	[tilespmem:s16], [sflag:$0x1] =	stream.indirect_vreg.gather [hbm4b:s8+s4], $0x80, v1, vm0, $0xb8;
	[tilespmem:$0x13000] =	vst v63  }
0x1d8: {  	s17 =	simm.s32 $0x5000  }
0x1d9: {  	[tilespmem:s17], [sflag:$0x1] =	stream.indirect_vreg.gather [hbm4b:s1+s4], $0x80, v0, vm0, $0xb8;
	[tilespmem:$0x13000] =	vst v63  }
0x1da: {  	s18 =	simm.s32 $0x5800  }
0x1db: {  	[tilespmem:s18], [sflag:$0x1] =	stream.indirect_vreg.gather [hbm4b:s8+s4], $0x80, v0, vm0, $0xb8;
	[tilespmem:$0x13000] =	vst v63  }
0x1dc: {  	v0 =	vld [tilespmem:s13+$0x20];
	_ =	sdelay $0x4  }
0x1dd: {  	v62 =	vshll.u32 v0, $0x2  }
0x1de: {  	v0 =	vand.u32 $0x7, v0;
	v1 =	vand.u32 $0xFFFFFFE0, v62  }
0x1df: {  	v0 =	vor.u32 v0, v1  }
0x1e0: {  	v1 =	vperm.xlane v0, v2;
	_ =	sdelay $0x1  }
0x1e1: {  	v1 =	vadd.s32 v3, v1;
	_ =	sdelay $0x1  }
0x1e2: {  	v0 =	vperm.xlane v0, v4;
	_ =	sdelay $0x1  }
0x1e3: {  	s15 =	simm.s32 $0x6000;
	v0 =	vadd.s32 v3, v0  }
0x1e4: {  	[tilespmem:s15], [sflag:$0x1] =	stream.indirect_vreg.gather [hbm4b:s1+s4], $0x80, v1, vm0, $0xb8;
	[tilespmem:$0x13000] =	vst v63  }
0x1e5: {  	s16 =	simm.s32 $0x6800  }
0x1e6: {  	[tilespmem:s16], [sflag:$0x1] =	stream.indirect_vreg.gather [hbm4b:s8+s4], $0x80, v1, vm0, $0xb8;
	[tilespmem:$0x13000] =	vst v63  }
0x1e7: {  	s17 =	simm.s32 $0x7000  }
0x1e8: {  	[tilespmem:s17], [sflag:$0x1] =	stream.indirect_vreg.gather [hbm4b:s1+s4], $0x80, v0, vm0, $0xb8;
	[tilespmem:$0x13000] =	vst v63  }
0x1e9: {  	s18 =	simm.s32 $0x7800  }
0x1ea: {  	[tilespmem:s18], [sflag:$0x1] =	stream.indirect_vreg.gather [hbm4b:s8+s4], $0x80, v0, vm0, $0xb8;
	[tilespmem:$0x13000] =	vst v63  }
0x1eb: {  	v0 =	vld [tilespmem:s13+$0x30];
	_ =	sdelay $0x4  }
0x1ec: {  	v63 =	vshll.u32 v0, $0x2  }
0x1ed: {  	v0 =	vand.u32 $0x7, v0;
	v1 =	vand.u32 $0xFFFFFFE0, v63  }
0x1ee: {  	v0 =	vor.u32 v0, v1  }
0x1ef: {  	v1 =	vperm.xlane v0, v2;
	_ =	sdelay $0x1  }
0x1f0: {  	v1 =	vadd.s32 v3, v1;
	_ =	sdelay $0x1  }
0x1f1: {  	v0 =	vperm.xlane v0, v4;
	_ =	sdelay $0x1  }
0x1f2: {  	s14 =	simm.s32 $0x8000;
	v0 =	vadd.s32 v3, v0  }
0x1f3: {  	[tilespmem:s14], [sflag:$0x1] =	stream.indirect_vreg.gather [hbm4b:s1+s4], $0x80, v1, vm0, $0xb8;
	[tilespmem:$0x13000] =	vst v63  }
0x1f4: {  	s9 =	sshll.u32 s9, $0x5;
	s15 =	simm.s32 $0x8800  }
0x1f5: {  	[tilespmem:s15], [sflag:$0x1] =	stream.indirect_vreg.gather [hbm4b:s8+s4], $0x80, v1, vm0, $0xb8;
	[tilespmem:$0x13000] =	vst v63  }
0x1f6: {  	s12 =	sadd.s32 s6, s12;
	s9 =	sand.u32 $0x40, s9;
	s16 =	simm.s32 $0x9000  }
0x1f7: {  	[tilespmem:s16], [sflag:$0x1] =	stream.indirect_vreg.gather [hbm4b:s1+s4], $0x80, v0, vm0, $0xb8;
	[tilespmem:$0x13000] =	vst v63  }
0x1f8: {  	s12 =	sand.u32 $0x7FE00, s12;
	s9 =	sadd.s32 s5, s9;
	s17 =	simm.s32 $0x9800  }
0x1f9: {  	[tilespmem:s17], [sflag:$0x1] =	stream.indirect_vreg.gather [hbm4b:s8+s4], $0x80, v0, vm0, $0xb8;
	[tilespmem:$0x13000] =	vst v63  }
0x1fa: {  	s9 =	sadd.s32 s12, s9;
	s18 =	simm.s32 $0x12000  }
0x1fb: {  	[tilespmem:s18], [sflag:$0x3] =	stream.strided.gather [hbm4b:s9+s30], $0x400, s31, s30, $0x38;
	[tilespmem:$0x13000] =	vst v63  }
.LBB2_8:
0x1fc: {  	s9 =	sadd.s32 s3, s11  }
0x1fd: {  	s9 =	sadd.s32 s7, s9  }
0x1fe: {  	[hbm4b:s9+s30] =	stream.strided.scatter [tilespmem:s26], [sflag:$0x5], $0x400, s31, s30, $0x38;
	[tilespmem:$0x13000] =	vst v63  }
0x1ff: {  	_ =	swait.ge [sflag:s28], $0x8000  }
0x200: {  	[sflag:s28] =	ssyncset.done $0x0  }
0x201: {  	[sflag:s28] =	ssyncadd.s32 $0xFFFF8000  }
0x202: {  	_ =	swait.ge [sflag:s29], $0x400  }
0x203: {  	[sflag:s29] =	ssyncset.done $0x0  }
0x204: {  	s12 =	simm.s32 $0x0;
	s9 =	simm.s32 @!p0 $0x6;
	[sflag:s29] =	ssyncadd.s32 $0xFFFFFC00  }
0x205: {  	s13 =	sand.u32 $0x70, s12;
	_ =	swait.ge @!p0 [sflag:s9], $0x400  }
0x206: {  	s14 =	sand.u32 $0x300, s12;
	s15 =	sand.u32 $0x3000, s12;
	[sflag:s9] =	ssyncset.done @!p0 $0x0  }
0x207: {  	s14 =	sor.u32 s13, s14;
	s16 =	sor.u32 s15, s12;
	[sflag:s9] =	ssyncadd.s32 @!p0 $0xFFFFFC00  }
0x208: {  	s13 =	sor.u32 $0x8C00, s16;
	v4 =	vld [tilespmem:s14+$0x12400]  }
0x209: {  	v0 =	vld [tilespmem:s13+$0x2070]  }
0x20a: {  	v1 =	vld [tilespmem:s13+$0x2000]  }
0x20b: {  	v2 =	vld [tilespmem:s13+$0x2010]  }
0x20c: {  	v5 =	vld [tilespmem:s13+$0x2020]  }
0x20d: {  	v6 =	vld [tilespmem:s13+$0x2030]  }
0x20e: {  	v7 =	vld [tilespmem:s13+$0x2040]  }
0x20f: {  	s17 =	sand.u32 $0x380, s12;
	v10 =	vld [tilespmem:s13+$0x2050]  }
0x210: {  	s9 =	sor.u32 s17, s15;
	v13 =	vld [tilespmem:s13+$0x2060]  }
0x211: {  	v14 =	vld [tilespmem:s9+$0xA000]  }
0x212: {  	v15 =	vld [tilespmem:s9+$0xA010]  }
0x213: {  	v16 =	vld [tilespmem:s9+$0xA020]  }
0x214: {  	v17 =	vld [tilespmem:s9+$0xA030]  }
0x215: {  	v18 =	vld [tilespmem:s9+$0xA040];
	v0 =	vmul.f32 v0, v4  }
0x216: {  	v12 =	vimm.f32 $0.0e+00;
	v35 =	vimm.f32 $0.0e+00;
	v19 =	vld [tilespmem:s9+$0xA050];
	v1 =	vmul.f32 v1, v4  }
0x217: {  	v34 =	vimm.f32 $0.0e+00;
	v20 =	vld [tilespmem:s9+$0xA060];
	v3 =	vadd.f32 v0, v12;
	v0 =	vmul.f32 v5, v4  }
0x218: {  	v21 =	vld [tilespmem:s9+$0xA070];
	v2 =	vmul.f32 v2, v4;
	v11 =	vadd.f32 v1, v12;
	v1 =	vmul.f32 v7, v4  }
0x219: {  	v22 =	vld [tilespmem:s9+$0xA410];
	v5 =	vmul.f32 v6, v4;
	v9 =	vadd.f32 v0, v12;
	v0 =	vmul.f32 v10, v4  }
0x21a: {  	v8 =	vadd.f32 v2, v12;
	v2 =	vld [tilespmem:s9+$0xA400];
	v6 =	vadd.f32 v1, v12;
	v1 =	vmul.f32 v13, v4  }
0x21b: {  	v33 =	vimm.f32 $0.0e+00;
	v13 =	vmul.f32 v14, v4;
	v14 =	vld [tilespmem:s9+$0xA420];
	v7 =	vadd.f32 v0, v12  }
0x21c: {  	v0 =	vmul.f32 v15, v4;
	v15 =	vmul.f32 v16, v4;
	v16 =	vld [tilespmem:s9+$0xA430];
	v10 =	vadd.f32 v1, v12  }
0x21d: {  	v30 =	vadd.f32 v13, v12;
	v1 =	vmul.f32 v17, v4;
	v13 =	vld [tilespmem:s9+$0xA440];
	v17 =	vmul.f32 v20, v4  }
0x21e: {  	v31 =	vadd.f32 v0, v12;
	v25 =	vadd.f32 v15, v12;
	v0 =	vmul.f32 v18, v4;
	v15 =	vld [tilespmem:s9+$0xA450]  }
0x21f: {  	v5 =	vadd.f32 v5, v12;
	v26 =	vadd.f32 v1, v12;
	v1 =	vmul.f32 v19, v4;
	v18 =	vld [tilespmem:s9+$0xA460]  }
0x220: {  	v2 =	vmul.f32 v2, v4;
	v27 =	vadd.f32 v17, v12;
	v17 =	vld [tilespmem:s9+$0xA800];
	v29 =	vadd.f32 v0, v12  }
0x221: {  	v19 =	vld [tilespmem:s9+$0xA470];
	v0 =	vmul.f32 v21, v4;
	v32 =	vadd.f32 v1, v12;
	v1 =	vmul.f32 v22, v4  }
0x222: {  	v24 =	vadd.f32 v2, v12;
	v2 =	vld [tilespmem:s9+$0xA810];
	v21 =	vimm.f32 $0.0e+00;
	v13 =	vmul.f32 v13, v4  }
0x223: {  	v28 =	vadd.f32 v0, v12;
	v0 =	vmul.f32 v14, v4;
	v22 =	vadd.f32 v1, v12  }
0x224: {  	v41 =	vld [tilespmem:s9+$0xA820];
	v1 =	vmul.f32 v16, v4;
	v14 =	vmul.f32 v18, v4;
	v18 =	vadd.f32 v13, v12  }
0x225: {  	v38 =	vld [tilespmem:s9+$0xA830];
	v43 =	vmul.f32 v17, v4;
	v13 =	vimm.f32 $0.0e+00;
	v23 =	vadd.f32 v0, v12  }
0x226: {  	s11 =	sor.u32 $0x20, s11;
	s18 =	simm.s32 $0x10;
	s12 =	simm.s32 $0x80;
	v36 =	vld [tilespmem:s9+$0xA840];
	v0 =	vmul.f32 v15, v4;
	v20 =	vadd.f32 v1, v12;
	v1 =	vmul.f32 v19, v4  }
0x227: {  	s17 =	sand.u32 $0x70, s18;
	v37 =	vld [tilespmem:s9+$0xA850];
	s13 =	simm.s32 $0x200;
	s14 =	simm.s32 $0x20;
	v44 =	vmul.f32 v2, v4;
	v19 =	vimm.f32 $0.0e+00;
	v15 =	vadd.f32 v14, v12  }
0x228: {  	s15 =	simm.s32 $0x20;
	v42 =	vld [tilespmem:s9+$0xA860];
	s18 =	sand.u32 $0x300, s14;
	s16 =	sand.u32 $0x3000, s13;
	v14 =	vimm.f32 $0.0e+00;
	v16 =	vadd.f32 v0, v12;
	v17 =	vadd.f32 v1, v12  }
.LBB2_9:
0x229: {  	p0 =	sne.s32 s15, $0x1F0;
	s17 =	sor.u32 s17, s18;
	s18 =	sor.u32 s16, s12;
	v12 =	vadd.f32 v43, v12;
	v0 =	vmul.f32 v41, v4;
	v1 =	vld [tilespmem:s9+$0xA870]  }
0x22a: {  	s9 =	sand.u32 $0x380, s12;
	v2 =	vld [tilespmem:s17+$0x12400];
	s17 =	sor.u32 $0x8C00, s18;
	v35 =	vadd.f32 v44, v35;
	v38 =	vmul.f32 v38, v4  }
0x22b: {  	s9 =	sor.u32 s9, s16;
	v39 =	vld [tilespmem:s17+$0x2070];
	v34 =	vadd.f32 v0, v34;
	v0 =	vmul.f32 v36, v4  }
0x22c: {  	v36 =	vld [tilespmem:s17+$0x2000];
	v33 =	vadd.f32 v38, v33;
	v37 =	vmul.f32 v37, v4  }
0x22d: {  	v38 =	vld [tilespmem:s17+$0x2010];
	v21 =	vadd.f32 v0, v21;
	v0 =	vmul.f32 v42, v4  }
0x22e: {  	v40 =	vld [tilespmem:s17+$0x2020];
	v19 =	vadd.f32 v37, v19;
	v1 =	vmul.f32 v1, v4  }
0x22f: {  	v37 =	vld [tilespmem:s17+$0x2030];
	v14 =	vadd.f32 v0, v14;
	v4 =	vmov v2  }
0x230: {  	v0 =	vld [tilespmem:s17+$0x2040];
	v2 =	vmul.f32 v39, v4;
	v13 =	vadd.f32 v1, v13  }
0x231: {  	v1 =	vmul.f32 v36, v4;
	v36 =	vld [tilespmem:s17+$0x2050]  }
0x232: {  	v38 =	vmul.f32 v38, v4;
	v39 =	vld [tilespmem:s17+$0x2060];
	v3 =	vadd.f32 v2, v3  }
0x233: {  	v2 =	vld [tilespmem:s9+$0xA000];
	v11 =	vadd.f32 v1, v11;
	v1 =	vmul.f32 v40, v4  }
0x234: {  	v40 =	vld [tilespmem:s9+$0xA010];
	v8 =	vadd.f32 v38, v8;
	v37 =	vmul.f32 v37, v4  }
0x235: {  	v38 =	vld [tilespmem:s9+$0xA020];
	v9 =	vadd.f32 v1, v9;
	v0 =	vmul.f32 v0, v4  }
0x236: {  	v1 =	vld [tilespmem:s9+$0xA030];
	v5 =	vadd.f32 v37, v5;
	v36 =	vmul.f32 v36, v4  }
0x237: {  	v37 =	vld [tilespmem:s9+$0xA040];
	v6 =	vadd.f32 v0, v6;
	v0 =	vmul.f32 v39, v4  }
0x238: {  	v2 =	vmul.f32 v2, v4;
	v39 =	vld [tilespmem:s9+$0xA050];
	v7 =	vadd.f32 v36, v7  }
0x239: {  	v36 =	vmul.f32 v40, v4;
	v40 =	vld [tilespmem:s9+$0xA060];
	v10 =	vadd.f32 v0, v10  }
0x23a: {  	v30 =	vadd.f32 v2, v30;
	v0 =	vmul.f32 v38, v4;
	v2 =	vld [tilespmem:s9+$0xA070]  }
0x23b: {  	v31 =	vadd.f32 v36, v31;
	v1 =	vmul.f32 v1, v4;
	v36 =	vld [tilespmem:s9+$0xA400]  }
0x23c: {  	v25 =	vadd.f32 v0, v25;
	v0 =	vmul.f32 v37, v4;
	v37 =	vld [tilespmem:s9+$0xA410]  }
0x23d: {  	v26 =	vadd.f32 v1, v26;
	v1 =	vmul.f32 v39, v4;
	v38 =	vld [tilespmem:s9+$0xA420]  }
0x23e: {  	v29 =	vadd.f32 v0, v29;
	v0 =	vmul.f32 v40, v4;
	v39 =	vld [tilespmem:s9+$0xA430]  }
0x23f: {  	v32 =	vadd.f32 v1, v32;
	v1 =	vmul.f32 v2, v4;
	v2 =	vld [tilespmem:s9+$0xA440]  }
0x240: {  	v27 =	vadd.f32 v0, v27;
	v0 =	vmul.f32 v36, v4;
	v36 =	vld [tilespmem:s9+$0xA450]  }
0x241: {  	v28 =	vadd.f32 v1, v28;
	v1 =	vmul.f32 v37, v4;
	v37 =	vld [tilespmem:s9+$0xA460]  }
0x242: {  	v24 =	vadd.f32 v0, v24;
	v0 =	vmul.f32 v38, v4;
	v40 =	vld [tilespmem:s9+$0xA470]  }
0x243: {  	v22 =	vadd.f32 v1, v22;
	v1 =	vmul.f32 v39, v4;
	v39 =	vld [tilespmem:s9+$0xA800]  }
0x244: {  	v23 =	vadd.f32 v0, v23;
	v0 =	vmul.f32 v2, v4;
	v2 =	vld [tilespmem:s9+$0xA810]  }
.Ltmp7:
0x245: {  	v20 =	vadd.f32 v1, v20;
	v1 =	vmul.f32 v36, v4;
	v41 =	vld [tilespmem:s9+$0xA820];
	(pc) =	sbr.rel @p0 .LBB2_9-.Ltmp7, $4  }
0x246: {  	v18 =	vadd.f32 v0, v18;
	v0 =	vmul.f32 v37, v4;
	v38 =	vld [tilespmem:s9+$0xA830]  }
0x247: {  	s12 =	sadd.s32 $0x80, s12;
	v16 =	vadd.f32 v1, v16;
	v1 =	vmul.f32 v40, v4;
	v36 =	vld [tilespmem:s9+$0xA840]  }
0x248: {  	s13 =	sadd.s32 $0x200, s13;
	s14 =	sadd.s32 $0x20, s14;
	s17 =	sand.u32 $0x70, s15;
	v15 =	vadd.f32 v0, v15;
	v43 =	vmul.f32 v39, v4;
	v37 =	vld [tilespmem:s9+$0xA850]  }
0x249: {  	s18 =	sand.u32 $0x300, s14;
	s16 =	sand.u32 $0x3000, s13;
	s15 =	sadd.s32 $0x10, s15;
	v17 =	vadd.f32 v1, v17;
	v44 =	vmul.f32 v2, v4;
	v42 =	vld [tilespmem:s9+$0xA860]  }
0x24a: {  	s14 =	sor.u32 s16, s12  }
0x24b: {  	s15 =	sor.u32 $0x8C00, s14  }
0x24c: {  	v0 =	vld [tilespmem:s15+$0x2070];
	_ =	sdelay $0x4  }
0x24d: {  	[tilespmem:$0x1FEC0] =	vst v0;
	v0 =	vld [tilespmem:s15+$0x2000];
	_ =	sdelay $0x4  }
0x24e: {  	[tilespmem:$0x1FE50] =	vst v0;
	v0 =	vld [tilespmem:s15+$0x2010]  }
0x24f: {  	s13 =	sor.u32 s17, s18;
	v49 =	vld [tilespmem:s9+$0xA870];
	s17 =	sand.u32 $0x380, s12  }
0x250: {  	v39 =	vld [tilespmem:s13+$0x12400];
	s12 =	sor.u32 s17, s16  }
0x251: {  	v50 =	vld [tilespmem:s12+$0xA000]  }
0x252: {  	v51 =	vld [tilespmem:s12+$0xA010]  }
0x253: {  	[tilespmem:$0x1FE60] =	vst v0;
	v0 =	vld [tilespmem:s15+$0x2020]  }
0x254: {  	v52 =	vld [tilespmem:s12+$0xA020]  }
0x255: {  	v53 =	vld [tilespmem:s12+$0xA030]  }
0x256: {  	v54 =	vld [tilespmem:s12+$0xA040]  }
0x257: {  	v55 =	vld [tilespmem:s12+$0xA050]  }
0x258: {  	[tilespmem:$0x1FE70] =	vst v0;
	v0 =	vld [tilespmem:s15+$0x2030]  }
0x259: {  	v56 =	vld [tilespmem:s12+$0xA060]  }
0x25a: {  	v57 =	vld [tilespmem:s12+$0xA070]  }
0x25b: {  	v58 =	vld [tilespmem:s12+$0xA400]  }
0x25c: {  	v59 =	vld [tilespmem:s12+$0xA410]  }
0x25d: {  	[tilespmem:$0x1FE80] =	vst v0;
	v0 =	vld [tilespmem:s15+$0x2040]  }
0x25e: {  	v60 =	vld [tilespmem:s12+$0xA420]  }
0x25f: {  	v61 =	vld [tilespmem:s12+$0xA430]  }
0x260: {  	v62 =	vld [tilespmem:s12+$0xA440]  }
0x261: {  	v63 =	vld [tilespmem:s12+$0xA450]  }
0x262: {  	[tilespmem:$0x1FE90] =	vst v0;
	v0 =	vld [tilespmem:s15+$0x2050]  }
0x263: {  	v1 =	vld [tilespmem:s12+$0xA470]  }
0x264: {  	v2 =	vld [tilespmem:s12+$0xA800]  }
0x265: {  	v40 =	vld [tilespmem:s12+$0xA810]  }
0x266: {  	v45 =	vld [tilespmem:s12+$0xA820]  }
0x267: {  	v50 =	vmul.f32 v50, v39;
	[tilespmem:$0x1FEA0] =	vst v0;
	v0 =	vld [tilespmem:s15+$0x2060]  }
0x268: {  	v46 =	vld [tilespmem:s12+$0xA830]  }
0x269: {  	v47 =	vld [tilespmem:s12+$0xA840];
	v51 =	vmul.f32 v51, v39;
	v30 =	vadd.f32 v50, v30;
	v50 =	vmul.f32 v52, v39  }
0x26a: {  	v48 =	vld [tilespmem:s12+$0xA850]  }
0x26b: {  	v52 =	vld [tilespmem:s12+$0xA860];
	v31 =	vadd.f32 v51, v31;
	v51 =	vmul.f32 v53, v39;
	v25 =	vadd.f32 v50, v25  }
0x26c: {  	v53 =	vld [tilespmem:s12+$0xA870];
	[tilespmem:$0x1FEB0] =	vst v0  }
0x26d: {  	v26 =	vadd.f32 v51, v26;
	v0 =	vld [tilespmem:s12+$0xA460];
	[tilespmem:$0x12C20] =	vst v25;
	v25 =	vmul.f32 v56, v39;
	_ =	sdelay $0x1  }
0x26e: {  	[tilespmem:$0x12C30] =	vst v26;
	v26 =	vmul.f32 v57, v39;
	v25 =	vadd.f32 v25, v27;
	_ =	sdelay $0x1  }
0x26f: {  	v1 =	vmul.f32 v1, v39;
	v26 =	vadd.f32 v26, v28;
	[tilespmem:$0x12C60] =	vst v25;
	v25 =	vmul.f32 v60, v39  }
0x270: {  	v12 =	vadd.f32 v43, v12;
	v2 =	vmul.f32 v2, v39;
	v28 =	vmul.f32 v59, v39  }
0x271: {  	[tilespmem:$0x12C70] =	vst v26;
	v26 =	vmul.f32 v61, v39;
	v23 =	vadd.f32 v25, v23;
	v25 =	vmul.f32 v62, v39  }
0x272: {  	v2 =	vadd.f32 v2, v12;
	v27 =	vmul.f32 v58, v39;
	v22 =	vadd.f32 v28, v22  }
0x273: {  	v20 =	vadd.f32 v26, v20;
	v26 =	vmul.f32 v63, v39;
	v18 =	vadd.f32 v25, v18  }
0x274: {  	v24 =	vadd.f32 v27, v24;
	v27 =	vadd.f32 v44, v35;
	v0 =	vmul.f32 v0, v39;
	[tilespmem:$0x12D10] =	vst v22  }
0x275: {  	v22 =	vmul.f32 v38, v4;
	v16 =	vadd.f32 v26, v16;
	[tilespmem:$0x12D40] =	vst v18;
	v18 =	vmul.f32 v40, v39  }
0x276: {  	v1 =	vadd.f32 v1, v17;
	v17 =	vmul.f32 v37, v4;
	[tilespmem:$0x12E00] =	vst v2;
	v0 =	vadd.f32 v0, v15  }
0x277: {  	v22 =	vadd.f32 v22, v33;
	[tilespmem:$0x12D50] =	vst v16;
	v16 =	vadd.f32 v18, v27;
	v18 =	vmul.f32 v46, v39  }
0x278: {  	v2 =	vmul.f32 v49, v4;
	[tilespmem:$0x12D00] =	vst v24;
	v24 =	vmul.f32 v41, v4  }
0x279: {  	v15 =	vmul.f32 v36, v4;
	[tilespmem:$0x12D60] =	vst v0;
	v0 =	vmul.f32 v42, v4;
	v4 =	vadd.f32 v18, v22;
	_ =	sdelay $0x1  }
0x27a: {  	[tilespmem:$0x12E30] =	vst v4;
	v4 =	vld [tilespmem:$0x1FE50];
	_ =	sdelay $0x2  }
0x27b: {  	[tilespmem:$0x12D70] =	vst v1;
	v1 =	vadd.f32 v17, v19;
	v18 =	vmul.f32 v48, v39  }
0x27c: {  	v12 =	vmul.f32 v45, v39;
	v2 =	vadd.f32 v2, v13  }
0x27d: {  	v13 =	vld [tilespmem:$0x1FE60];
	v24 =	vadd.f32 v24, v34;
	v1 =	vadd.f32 v18, v1;
	v4 =	vmul.f32 v4, v39  }
0x27e: {  	v17 =	vmul.f32 v47, v39;
	v15 =	vadd.f32 v15, v21  }
0x27f: {  	v12 =	vadd.f32 v12, v24;
	[tilespmem:$0x12E50] =	vst v1;
	v1 =	vadd.f32 v4, v11;
	v4 =	vld [tilespmem:$0x1FE70]  }
0x280: {  	v0 =	vadd.f32 v0, v14;
	v14 =	vadd.f32 v17, v15;
	v15 =	vmul.f32 v52, v39;
	_ =	sdelay $0x1  }
0x281: {  	v13 =	vmul.f32 v13, v39;
	[tilespmem:$0x12E20] =	vst v12;
	v12 =	vmul.f32 v53, v39;
	v0 =	vadd.f32 v15, v0  }
0x282: {  	[tilespmem:$0x12C00] =	vst v30  }
0x283: {  	v2 =	vadd.f32 v12, v2;
	[tilespmem:$0x12E60] =	vst v0;
	v0 =	vadd.f32 v13, v8;
	v8 =	vld [tilespmem:$0x1FE80];
	v4 =	vmul.f32 v4, v39  }
0x284: {  	v30 =	vmul.f32 v54, v39;
	[tilespmem:$0x12C10] =	vst v31  }
0x285: {  	v31 =	vmul.f32 v55, v39;
	[tilespmem:$0x12E70] =	vst v2;
	v2 =	vadd.f32 v4, v9;
	v4 =	vld [tilespmem:$0x1FE90]  }
0x286: {  	v29 =	vadd.f32 v30, v29  }
0x287: {  	v30 =	vadd.f32 v31, v32  }
0x288: {  	[tilespmem:$0x12C40] =	vst v29;
	v8 =	vmul.f32 v8, v39  }
0x289: {  	[tilespmem:$0x12C50] =	vst v30  }
0x28a: {  	[tilespmem:$0x12F00] =	vst v1;
	v1 =	vadd.f32 v8, v5;
	v5 =	vld [tilespmem:$0x1FEA0];
	v4 =	vmul.f32 v4, v39  }
0x28b: {  	[tilespmem:$0x12F20] =	vst v2;
	v2 =	vld [tilespmem:$0x1FEC0]  }
0x28c: {  	[tilespmem:$0x12F10] =	vst v0;
	v0 =	vadd.f32 v4, v6;
	v4 =	vld [tilespmem:$0x1FEB0]  }
0x28d: {  	[tilespmem:$0x12D20] =	vst v23  }
0x28e: {  	[tilespmem:$0x12D30] =	vst v20  }
0x28f: {  	[tilespmem:$0x12E40] =	vst v14;
	v5 =	vmul.f32 v5, v39  }
0x290: {  	[tilespmem:$0x12E10] =	vst v16;
	v2 =	vmul.f32 v2, v39  }
0x291: {  	[tilespmem:$0x12F30] =	vst v1;
	v5 =	vadd.f32 v5, v7;
	v4 =	vmul.f32 v4, v39  }
0x292: {  	[tilespmem:$0x12F40] =	vst v0;
	v0 =	vadd.f32 v2, v3  }
0x293: {  	s18 =	simm.s32 $0x0;
	[tilespmem:$0x12F50] =	vst v5;
	v1 =	vadd.f32 v4, v10  }
0x294: {  	s13 =	sand.u32 $0x70, s18;
	s14 =	sand.u32 $0x300, s18;
	s15 =	sand.u32 $0x3000, s18;
	[tilespmem:$0x12F70] =	vst v0  }
0x295: {  	s16 =	sor.u32 s15, s18;
	s12 =	sor.u32 s13, s14;
	[tilespmem:$0x12F60] =	vst v1  }
0x296: {  	s17 =	sor.u32 $0xCC00, s16;
	v4 =	vld [tilespmem:s12+$0x12480]  }
0x297: {  	v0 =	vld [tilespmem:s17+$0x2070]  }
0x298: {  	v1 =	vld [tilespmem:s17+$0x2000]  }
0x299: {  	v2 =	vld [tilespmem:s17+$0x2010]  }
0x29a: {  	v5 =	vld [tilespmem:s17+$0x2020]  }
0x29b: {  	v6 =	vld [tilespmem:s17+$0x2030]  }
0x29c: {  	v7 =	vld [tilespmem:s17+$0x2040]  }
0x29d: {  	s9 =	sand.u32 $0x380, s18;
	v10 =	vld [tilespmem:s17+$0x2050]  }
0x29e: {  	s9 =	sor.u32 s9, s15;
	v13 =	vld [tilespmem:s17+$0x2060]  }
0x29f: {  	v14 =	vld [tilespmem:s9+$0xE000]  }
0x2a0: {  	v15 =	vld [tilespmem:s9+$0xE010]  }
0x2a1: {  	v63 =	vld [tilespmem:s9+$0xE800]  }
0x2a2: {  	v16 =	vld [tilespmem:s9+$0xE020]  }
0x2a3: {  	v35 =	vimm.f32 $0.0e+00;
	v17 =	vld [tilespmem:s9+$0xE030]  }
0x2a4: {  	v34 =	vimm.f32 $0.0e+00;
	v33 =	vimm.f32 $0.0e+00;
	v18 =	vld [tilespmem:s9+$0xE040];
	v0 =	vmul.f32 v0, v4  }
0x2a5: {  	v12 =	vimm.f32 $0.0e+00;
	v19 =	vld [tilespmem:s9+$0xE050];
	v1 =	vmul.f32 v1, v4;
	v2 =	vmul.f32 v2, v4  }
0x2a6: {  	v20 =	vld [tilespmem:s9+$0xE060];
	v43 =	vmul.f32 v63, v4;
	v3 =	vadd.f32 v0, v12;
	v0 =	vmul.f32 v5, v4  }
0x2a7: {  	v21 =	vld [tilespmem:s9+$0xE070];
	v5 =	vmul.f32 v6, v4;
	v11 =	vadd.f32 v1, v12;
	v1 =	vmul.f32 v7, v4  }
0x2a8: {  	v22 =	vld [tilespmem:s9+$0xE410];
	v8 =	vadd.f32 v2, v12;
	v9 =	vadd.f32 v0, v12;
	v0 =	vmul.f32 v10, v4  }
0x2a9: {  	v2 =	vld [tilespmem:s9+$0xE400];
	v6 =	vadd.f32 v1, v12;
	v1 =	vmul.f32 v13, v4;
	v13 =	vmul.f32 v14, v4  }
0x2aa: {  	v5 =	vadd.f32 v5, v12;
	v14 =	vld [tilespmem:s9+$0xE420];
	v7 =	vadd.f32 v0, v12;
	v0 =	vmul.f32 v15, v4  }
0x2ab: {  	v10 =	vadd.f32 v1, v12;
	v30 =	vadd.f32 v13, v12;
	v1 =	vmul.f32 v17, v4;
	v13 =	vld [tilespmem:s9+$0xE440]  }
0x2ac: {  	v15 =	vmul.f32 v16, v4;
	v16 =	vld [tilespmem:s9+$0xE430];
	v31 =	vadd.f32 v0, v12;
	v0 =	vmul.f32 v18, v4  }
0x2ad: {  	v17 =	vmul.f32 v20, v4;
	v26 =	vadd.f32 v1, v12;
	v1 =	vmul.f32 v19, v4;
	v18 =	vld [tilespmem:s9+$0xE460]  }
0x2ae: {  	v20 =	vld [tilespmem:s9+$0xE470];
	v2 =	vmul.f32 v2, v4;
	v25 =	vadd.f32 v15, v12;
	v29 =	vadd.f32 v0, v12  }
0x2af: {  	v15 =	vld [tilespmem:s9+$0xE450];
	v0 =	vmul.f32 v21, v4;
	v32 =	vadd.f32 v1, v12;
	v1 =	vmul.f32 v22, v4  }
0x2b0: {  	v27 =	vadd.f32 v17, v12;
	v24 =	vadd.f32 v2, v12;
	v2 =	vld [tilespmem:s9+$0xE810];
	v13 =	vmul.f32 v13, v4  }
0x2b1: {  	v28 =	vadd.f32 v0, v12;
	v0 =	vmul.f32 v14, v4;
	v22 =	vadd.f32 v1, v12  }
0x2b2: {  	v41 =	vld [tilespmem:s9+$0xE820];
	v1 =	vmul.f32 v16, v4;
	v14 =	vmul.f32 v18, v4;
	v19 =	vadd.f32 v13, v12  }
0x2b3: {  	v39 =	vld [tilespmem:s9+$0xE830];
	v18 =	vimm.f32 $0.0e+00;
	v13 =	vimm.f32 $0.0e+00;
	v23 =	vadd.f32 v0, v12  }
0x2b4: {  	s18 =	simm.s32 $0x10;
	s13 =	simm.s32 $0x200;
	v36 =	vld [tilespmem:s9+$0xE840];
	v0 =	vmul.f32 v15, v4;
	v21 =	vadd.f32 v1, v12;
	v1 =	vmul.f32 v20, v4  }
0x2b5: {  	s15 =	simm.s32 $0x20;
	s14 =	simm.s32 $0x20;
	s16 =	sand.u32 $0x3000, s13;
	v37 =	vld [tilespmem:s9+$0xE850];
	v44 =	vmul.f32 v2, v4;
	v20 =	vimm.f32 $0.0e+00;
	v15 =	vadd.f32 v14, v12  }
0x2b6: {  	s12 =	simm.s32 $0x80;
	s17 =	sand.u32 $0x70, s18;
	s18 =	sand.u32 $0x300, s14;
	v42 =	vld [tilespmem:s9+$0xE860];
	v14 =	vimm.f32 $0.0e+00;
	v17 =	vadd.f32 v0, v12;
	v16 =	vadd.f32 v1, v12  }
.LBB2_11:
0x2b7: {  	p0 =	sne.s32 s15, $0x1F0;
	s17 =	sor.u32 s17, s18;
	s18 =	sor.u32 s16, s12;
	v12 =	vadd.f32 v43, v12;
	v0 =	vmul.f32 v41, v4;
	v1 =	vld [tilespmem:s9+$0xE870]  }
0x2b8: {  	s9 =	sand.u32 $0x380, s12;
	v2 =	vld [tilespmem:s17+$0x12480];
	s17 =	sor.u32 $0xCC00, s18;
	v35 =	vadd.f32 v44, v35;
	v38 =	vmul.f32 v39, v4  }
0x2b9: {  	s9 =	sor.u32 s9, s16;
	v39 =	vld [tilespmem:s17+$0x2070];
	v34 =	vadd.f32 v0, v34;
	v0 =	vmul.f32 v36, v4  }
0x2ba: {  	v36 =	vld [tilespmem:s17+$0x2000];
	v33 =	vadd.f32 v38, v33;
	v37 =	vmul.f32 v37, v4  }
0x2bb: {  	v38 =	vld [tilespmem:s17+$0x2010];
	v20 =	vadd.f32 v0, v20;
	v0 =	vmul.f32 v42, v4  }
0x2bc: {  	v40 =	vld [tilespmem:s17+$0x2020];
	v18 =	vadd.f32 v37, v18;
	v1 =	vmul.f32 v1, v4  }
0x2bd: {  	v37 =	vld [tilespmem:s17+$0x2030];
	v14 =	vadd.f32 v0, v14;
	v4 =	vmov v2  }
0x2be: {  	v0 =	vld [tilespmem:s17+$0x2040];
	v2 =	vmul.f32 v39, v4;
	v13 =	vadd.f32 v1, v13  }
0x2bf: {  	v1 =	vmul.f32 v36, v4;
	v36 =	vld [tilespmem:s17+$0x2050]  }
0x2c0: {  	v38 =	vmul.f32 v38, v4;
	v39 =	vld [tilespmem:s17+$0x2060];
	v3 =	vadd.f32 v2, v3  }
0x2c1: {  	v2 =	vld [tilespmem:s9+$0xE000];
	v11 =	vadd.f32 v1, v11;
	v1 =	vmul.f32 v40, v4  }
0x2c2: {  	v40 =	vld [tilespmem:s9+$0xE010];
	v8 =	vadd.f32 v38, v8;
	v37 =	vmul.f32 v37, v4  }
0x2c3: {  	v38 =	vld [tilespmem:s9+$0xE020];
	v9 =	vadd.f32 v1, v9;
	v0 =	vmul.f32 v0, v4  }
0x2c4: {  	v1 =	vld [tilespmem:s9+$0xE030];
	v5 =	vadd.f32 v37, v5;
	v36 =	vmul.f32 v36, v4  }
0x2c5: {  	v37 =	vld [tilespmem:s9+$0xE040];
	v6 =	vadd.f32 v0, v6;
	v0 =	vmul.f32 v39, v4  }
0x2c6: {  	v2 =	vmul.f32 v2, v4;
	v39 =	vld [tilespmem:s9+$0xE050];
	v7 =	vadd.f32 v36, v7  }
0x2c7: {  	v36 =	vmul.f32 v40, v4;
	v40 =	vld [tilespmem:s9+$0xE060];
	v10 =	vadd.f32 v0, v10  }
0x2c8: {  	v30 =	vadd.f32 v2, v30;
	v0 =	vmul.f32 v38, v4;
	v2 =	vld [tilespmem:s9+$0xE070]  }
0x2c9: {  	v31 =	vadd.f32 v36, v31;
	v1 =	vmul.f32 v1, v4;
	v36 =	vld [tilespmem:s9+$0xE400]  }
0x2ca: {  	v25 =	vadd.f32 v0, v25;
	v0 =	vmul.f32 v37, v4;
	v37 =	vld [tilespmem:s9+$0xE410]  }
0x2cb: {  	v26 =	vadd.f32 v1, v26;
	v1 =	vmul.f32 v39, v4;
	v38 =	vld [tilespmem:s9+$0xE420]  }
0x2cc: {  	v29 =	vadd.f32 v0, v29;
	v0 =	vmul.f32 v40, v4;
	v39 =	vld [tilespmem:s9+$0xE430]  }
0x2cd: {  	v32 =	vadd.f32 v1, v32;
	v1 =	vmul.f32 v2, v4;
	v2 =	vld [tilespmem:s9+$0xE440]  }
0x2ce: {  	v27 =	vadd.f32 v0, v27;
	v0 =	vmul.f32 v36, v4;
	v36 =	vld [tilespmem:s9+$0xE450]  }
0x2cf: {  	v28 =	vadd.f32 v1, v28;
	v1 =	vmul.f32 v37, v4;
	v37 =	vld [tilespmem:s9+$0xE460]  }
0x2d0: {  	v24 =	vadd.f32 v0, v24;
	v0 =	vmul.f32 v38, v4;
	v38 =	vld [tilespmem:s9+$0xE470]  }
0x2d1: {  	v22 =	vadd.f32 v1, v22;
	v1 =	vmul.f32 v39, v4;
	v40 =	vld [tilespmem:s9+$0xE800]  }
0x2d2: {  	v23 =	vadd.f32 v0, v23;
	v0 =	vmul.f32 v2, v4;
	v2 =	vld [tilespmem:s9+$0xE810]  }
.Ltmp8:
0x2d3: {  	v21 =	vadd.f32 v1, v21;
	v1 =	vmul.f32 v36, v4;
	v41 =	vld [tilespmem:s9+$0xE820];
	(pc) =	sbr.rel @p0 .LBB2_11-.Ltmp8, $4  }
0x2d4: {  	v19 =	vadd.f32 v0, v19;
	v0 =	vmul.f32 v37, v4;
	v39 =	vld [tilespmem:s9+$0xE830]  }
0x2d5: {  	s12 =	sadd.s32 $0x80, s12;
	v17 =	vadd.f32 v1, v17;
	v1 =	vmul.f32 v38, v4;
	v36 =	vld [tilespmem:s9+$0xE840]  }
0x2d6: {  	s13 =	sadd.s32 $0x200, s13;
	s14 =	sadd.s32 $0x20, s14;
	s17 =	sand.u32 $0x70, s15;
	v15 =	vadd.f32 v0, v15;
	v43 =	vmul.f32 v40, v4;
	v37 =	vld [tilespmem:s9+$0xE850]  }
0x2d7: {  	s18 =	sand.u32 $0x300, s14;
	s16 =	sand.u32 $0x3000, s13;
	s15 =	sadd.s32 $0x10, s15;
	v16 =	vadd.f32 v1, v16;
	v44 =	vmul.f32 v2, v4;
	v42 =	vld [tilespmem:s9+$0xE860]  }
0x2d8: {  	s13 =	sor.u32 s17, s18;
	s14 =	sor.u32 s16, s12;
	v49 =	vld [tilespmem:s9+$0xE870]  }
0x2d9: {  	v38 =	vld [tilespmem:s13+$0x12480];
	s17 =	sor.u32 $0xCC00, s14  }
0x2da: {  	v0 =	vld [tilespmem:s17+$0x2070]  }
0x2db: {  	v62 =	vld [tilespmem:s17+$0x2000]  }
0x2dc: {  	v63 =	vld [tilespmem:s17+$0x2010]  }
0x2dd: {  	v40 =	vld [tilespmem:s17+$0x2020]  }
0x2de: {  	v45 =	vld [tilespmem:s17+$0x2030]  }
0x2df: {  	v46 =	vld [tilespmem:s17+$0x2040]  }
0x2e0: {  	s18 =	sand.u32 $0x380, s12;
	v47 =	vld [tilespmem:s17+$0x2050]  }
0x2e1: {  	s12 =	sor.u32 s18, s16;
	v48 =	vld [tilespmem:s17+$0x2060]  }
0x2e2: {  	v50 =	vld [tilespmem:s12+$0xE000]  }
0x2e3: {  	v51 =	vld [tilespmem:s12+$0xE010]  }
0x2e4: {  	v52 =	vld [tilespmem:s12+$0xE020]  }
0x2e5: {  	v53 =	vld [tilespmem:s12+$0xE030]  }
0x2e6: {  	v54 =	vld [tilespmem:s12+$0xE040]  }
0x2e7: {  	v55 =	vld [tilespmem:s12+$0xE050]  }
0x2e8: {  	v56 =	vld [tilespmem:s12+$0xE060]  }
0x2e9: {  	v57 =	vld [tilespmem:s12+$0xE070]  }
0x2ea: {  	v58 =	vld [tilespmem:s12+$0xE400]  }
0x2eb: {  	v59 =	vld [tilespmem:s12+$0xE410]  }
0x2ec: {  	v60 =	vld [tilespmem:s12+$0xE420]  }
0x2ed: {  	v61 =	vld [tilespmem:s12+$0xE430]  }
0x2ee: {  	v1 =	vld [tilespmem:s12+$0xE470]  }
0x2ef: {  	v2 =	vld [tilespmem:s12+$0xE800]  }
0x2f0: {  	[tilespmem:$0x1FDD0] =	vst v62;
	v62 =	vld [tilespmem:s12+$0xE440]  }
0x2f1: {  	[tilespmem:$0x1FDE0] =	vst v63;
	v63 =	vld [tilespmem:s12+$0xE450]  }
0x2f2: {  	[tilespmem:$0x1FE40] =	vst v0;
	v0 =	vld [tilespmem:s12+$0xE460]  }
0x2f3: {  	[tilespmem:$0x1FDF0] =	vst v40;
	v40 =	vld [tilespmem:s12+$0xE810]  }
0x2f4: {  	[tilespmem:$0x1FE00] =	vst v45;
	v45 =	vld [tilespmem:s12+$0xE820]  }
0x2f5: {  	[tilespmem:$0x1FE10] =	vst v46;
	v46 =	vld [tilespmem:s12+$0xE830];
	v50 =	vmul.f32 v50, v38  }
0x2f6: {  	[tilespmem:$0x1FE20] =	vst v47;
	v47 =	vld [tilespmem:s12+$0xE840];
	v51 =	vmul.f32 v51, v38  }
0x2f7: {  	v12 =	vadd.f32 v43, v12;
	[tilespmem:$0x1FE30] =	vst v48;
	v48 =	vld [tilespmem:s12+$0xE850];
	v1 =	vmul.f32 v1, v38;
	v30 =	vadd.f32 v50, v30  }
0x2f8: {  	v2 =	vmul.f32 v2, v38;
	v50 =	vmul.f32 v52, v38;
	v52 =	vld [tilespmem:s12+$0xE860];
	v31 =	vadd.f32 v51, v31  }
0x2f9: {  	v51 =	vmul.f32 v53, v38;
	v53 =	vld [tilespmem:s12+$0xE870];
	v1 =	vadd.f32 v1, v16;
	[tilespmem:$0x12C80] =	vst v30  }
0x2fa: {  	v2 =	vadd.f32 v2, v12;
	[tilespmem:$0x12C90] =	vst v31  }
0x2fb: {  	v25 =	vadd.f32 v50, v25;
	v50 =	vmul.f32 v54, v38;
	[tilespmem:$0x12DF0] =	vst v1  }
0x2fc: {  	v26 =	vadd.f32 v51, v26;
	v51 =	vmul.f32 v55, v38;
	[tilespmem:$0x12E80] =	vst v2  }
0x2fd: {  	v54 =	vmul.f32 v56, v38;
	v29 =	vadd.f32 v50, v29;
	[tilespmem:$0x12CA0] =	vst v25  }
0x2fe: {  	v56 =	vmul.f32 v57, v38;
	v55 =	vadd.f32 v51, v32;
	[tilespmem:$0x12CB0] =	vst v26  }
0x2ff: {  	v43 =	vmul.f32 v49, v4;
	v57 =	vmul.f32 v58, v38;
	v25 =	vadd.f32 v54, v27;
	[tilespmem:$0x12CC0] =	vst v29  }
0x300: {  	v58 =	vmul.f32 v59, v38;
	v59 =	vmul.f32 v60, v38;
	v26 =	vadd.f32 v56, v28;
	[tilespmem:$0x12CD0] =	vst v55  }
0x301: {  	v60 =	vadd.f32 v44, v35;
	v31 =	vmul.f32 v39, v4;
	v24 =	vadd.f32 v57, v24;
	[tilespmem:$0x12CE0] =	vst v25  }
0x302: {  	v2 =	vadd.f32 v43, v13;
	v30 =	vmul.f32 v62, v38;
	v22 =	vadd.f32 v58, v22;
	[tilespmem:$0x12CF0] =	vst v26  }
0x303: {  	v0 =	vmul.f32 v0, v38;
	v35 =	vmul.f32 v40, v38;
	v23 =	vadd.f32 v59, v23;
	[tilespmem:$0x12D80] =	vst v24  }
0x304: {  	v40 =	vmul.f32 v46, v38;
	v28 =	vmul.f32 v61, v38;
	v19 =	vadd.f32 v30, v19;
	[tilespmem:$0x12D90] =	vst v22  }
0x305: {  	v32 =	vmul.f32 v63, v38;
	v0 =	vadd.f32 v0, v15;
	v39 =	vadd.f32 v35, v60;
	[tilespmem:$0x12DA0] =	vst v23  }
0x306: {  	v49 =	vld [tilespmem:$0x1FDD0];
	v29 =	vmul.f32 v41, v4;
	v21 =	vadd.f32 v28, v21;
	v22 =	vadd.f32 v31, v33;
	[tilespmem:$0x12DC0] =	vst v19  }
0x307: {  	v50 =	vld [tilespmem:$0x1FDE0];
	v17 =	vadd.f32 v32, v17;
	v33 =	vmul.f32 v36, v4;
	v36 =	vmul.f32 v45, v38;
	[tilespmem:$0x12DE0] =	vst v0  }
0x308: {  	v45 =	vmul.f32 v48, v38;
	v48 =	vmul.f32 v53, v38;
	[tilespmem:$0x12E90] =	vst v39;
	v24 =	vadd.f32 v29, v34  }
0x309: {  	v54 =	vld [tilespmem:$0x1FE00];
	[tilespmem:$0x12DB0] =	vst v21;
	v34 =	vmul.f32 v37, v4;
	v15 =	vadd.f32 v33, v20;
	v44 =	vadd.f32 v40, v22  }
0x30a: {  	v61 =	vld [tilespmem:$0x1FE40];
	[tilespmem:$0x12DD0] =	vst v17;
	v37 =	vmul.f32 v42, v4;
	v42 =	vmul.f32 v47, v38;
	v2 =	vadd.f32 v48, v2  }
0x30b: {  	v47 =	vmul.f32 v52, v38;
	v4 =	vmul.f32 v49, v38;
	v52 =	vld [tilespmem:$0x1FDF0];
	v12 =	vadd.f32 v36, v24;
	[tilespmem:$0x12EB0] =	vst v44  }
0x30c: {  	v56 =	vld [tilespmem:$0x1FE10];
	v13 =	vmul.f32 v50, v38;
	v46 =	vadd.f32 v42, v15;
	[tilespmem:$0x12EF0] =	vst v2  }
0x30d: {  	v58 =	vld [tilespmem:$0x1FE20];
	v41 =	vadd.f32 v34, v18;
	v51 =	vadd.f32 v4, v11;
	[tilespmem:$0x12EA0] =	vst v12  }
0x30e: {  	v0 =	vadd.f32 v37, v14;
	v53 =	vadd.f32 v13, v8;
	[tilespmem:$0x12EC0] =	vst v46  }
0x30f: {  	v60 =	vld [tilespmem:$0x1FE30];
	v2 =	vmul.f32 v61, v38;
	v8 =	vmul.f32 v54, v38;
	v1 =	vadd.f32 v45, v41;
	[tilespmem:$0x12F80] =	vst v51  }
0x310: {  	v0 =	vadd.f32 v47, v0;
	v4 =	vmul.f32 v52, v38;
	[tilespmem:$0x12F90] =	vst v53  }
0x311: {  	v63 =	vadd.f32 v2, v3;
	v57 =	vadd.f32 v8, v5;
	[tilespmem:$0x12ED0] =	vst v1  }
0x312: {  	v5 =	vmul.f32 v58, v38;
	[tilespmem:$0x12EE0] =	vst v0;
	v55 =	vadd.f32 v4, v9;
	v4 =	vmul.f32 v56, v38  }
0x313: {  	[tilespmem:$0x12FF0] =	vst v63  }
.Ltmp9:
0x314: {  	v5 =	vadd.f32 v5, v7;
	[tilespmem:$0x12FB0] =	vst v57;
	v59 =	vadd.f32 v4, v6;
	v4 =	vmul.f32 v60, v38;
	(pc) =	sbr.rel @p1 .LBB2_14-.Ltmp9, $4  }
0x315: {  	[tilespmem:$0x12FA0] =	vst v55  }
0x316: {  	[tilespmem:$0x12FD0] =	vst v5;
	v62 =	vadd.f32 v4, v10  }
0x317: {  	[tilespmem:$0x12FC0] =	vst v59  }
0x318: {  	[tilespmem:$0x12FE0] =	vst v62  }
0x319: {  	s9 =	sadd.s32 $0x3, s10  }
0x31a: {  	s10 =	sshll.u32 s9, $0x7  }
0x31b: {  	s12 =	sand.u32 $0x3FFFFF80, s10  }
0x31c: {  	v0 =	vld [tilespmem:s12+$0x0];
	_ =	sdelay $0x2  }
0x31d: {  	v2 =	vld [tilespmem:$0x1FFD0];
	_ =	sdelay $0x1  }
0x31e: {  	v3 =	vld [tilespmem:$0x1FFE0];
	v1 =	vshll.u32 v0, $0x2  }
0x31f: {  	v0 =	vand.u32 $0x7, v0;
	v1 =	vand.u32 $0xFFFFFFE0, v1  }
0x320: {  	v4 =	vld [tilespmem:$0x1FFF0];
	v0 =	vor.u32 v0, v1  }
0x321: {  	v1 =	vperm.xlane v0, v2;
	_ =	sdelay $0x1  }
0x322: {  	v1 =	vadd.s32 v3, v1;
	_ =	sdelay $0x1  }
0x323: {  	v0 =	vperm.xlane v0, v4;
	_ =	sdelay $0x1  }
0x324: {  	s13 =	simm.s32 $0xA000;
	v0 =	vadd.s32 v3, v0  }
0x325: {  	[tilespmem:s13], [sflag:$0x2] =	stream.indirect_vreg.gather [hbm4b:s1+s4], $0x80, v1, vm0, $0xb8;
	[tilespmem:$0x13000] =	vst v63  }
0x326: {  	s18 =	simm.s32 $0xA800  }
0x327: {  	[tilespmem:s18], [sflag:$0x2] =	stream.indirect_vreg.gather [hbm4b:s8+s4], $0x80, v1, vm0, $0xb8;
	[tilespmem:$0x13000] =	vst v63  }
0x328: {  	s14 =	simm.s32 $0xB000  }
0x329: {  	[tilespmem:s14], [sflag:$0x2] =	stream.indirect_vreg.gather [hbm4b:s1+s4], $0x80, v0, vm0, $0xb8;
	[tilespmem:$0x13000] =	vst v63  }
0x32a: {  	s15 =	simm.s32 $0xB800  }
0x32b: {  	[tilespmem:s15], [sflag:$0x2] =	stream.indirect_vreg.gather [hbm4b:s8+s4], $0x80, v0, vm0, $0xb8;
	[tilespmem:$0x13000] =	vst v63  }
0x32c: {  	v0 =	vld [tilespmem:s12+$0x10];
	_ =	sdelay $0x4  }
0x32d: {  	v61 =	vshll.u32 v0, $0x2  }
0x32e: {  	v0 =	vand.u32 $0x7, v0;
	v1 =	vand.u32 $0xFFFFFFE0, v61  }
0x32f: {  	v0 =	vor.u32 v0, v1  }
0x330: {  	v1 =	vperm.xlane v0, v2;
	_ =	sdelay $0x1  }
0x331: {  	v1 =	vadd.s32 v3, v1;
	_ =	sdelay $0x1  }
0x332: {  	v0 =	vperm.xlane v0, v4;
	_ =	sdelay $0x1  }
0x333: {  	s16 =	simm.s32 $0xC000;
	v0 =	vadd.s32 v3, v0  }
0x334: {  	[tilespmem:s16], [sflag:$0x2] =	stream.indirect_vreg.gather [hbm4b:s1+s4], $0x80, v1, vm0, $0xb8;
	[tilespmem:$0x13000] =	vst v63  }
0x335: {  	s17 =	simm.s32 $0xC800  }
0x336: {  	[tilespmem:s17], [sflag:$0x2] =	stream.indirect_vreg.gather [hbm4b:s8+s4], $0x80, v1, vm0, $0xb8;
	[tilespmem:$0x13000] =	vst v63  }
0x337: {  	s18 =	simm.s32 $0xD000  }
0x338: {  	[tilespmem:s18], [sflag:$0x2] =	stream.indirect_vreg.gather [hbm4b:s1+s4], $0x80, v0, vm0, $0xb8;
	[tilespmem:$0x13000] =	vst v63  }
0x339: {  	s14 =	simm.s32 $0xD800  }
0x33a: {  	[tilespmem:s14], [sflag:$0x2] =	stream.indirect_vreg.gather [hbm4b:s8+s4], $0x80, v0, vm0, $0xb8;
	[tilespmem:$0x13000] =	vst v63  }
0x33b: {  	v0 =	vld [tilespmem:s12+$0x20];
	_ =	sdelay $0x4  }
0x33c: {  	v62 =	vshll.u32 v0, $0x2  }
0x33d: {  	v0 =	vand.u32 $0x7, v0;
	v1 =	vand.u32 $0xFFFFFFE0, v62  }
0x33e: {  	v0 =	vor.u32 v0, v1  }
0x33f: {  	v1 =	vperm.xlane v0, v2;
	_ =	sdelay $0x1  }
0x340: {  	v1 =	vadd.s32 v3, v1;
	_ =	sdelay $0x1  }
0x341: {  	v0 =	vperm.xlane v0, v4;
	_ =	sdelay $0x1  }
0x342: {  	s15 =	simm.s32 $0xE000;
	v0 =	vadd.s32 v3, v0  }
0x343: {  	[tilespmem:s15], [sflag:$0x2] =	stream.indirect_vreg.gather [hbm4b:s1+s4], $0x80, v1, vm0, $0xb8;
	[tilespmem:$0x13000] =	vst v63  }
0x344: {  	s16 =	simm.s32 $0xE800  }
0x345: {  	[tilespmem:s16], [sflag:$0x2] =	stream.indirect_vreg.gather [hbm4b:s8+s4], $0x80, v1, vm0, $0xb8;
	[tilespmem:$0x13000] =	vst v63  }
0x346: {  	s17 =	simm.s32 $0xF000  }
0x347: {  	[tilespmem:s17], [sflag:$0x2] =	stream.indirect_vreg.gather [hbm4b:s1+s4], $0x80, v0, vm0, $0xb8;
	[tilespmem:$0x13000] =	vst v63  }
0x348: {  	s18 =	simm.s32 $0xF800  }
0x349: {  	[tilespmem:s18], [sflag:$0x2] =	stream.indirect_vreg.gather [hbm4b:s8+s4], $0x80, v0, vm0, $0xb8;
	[tilespmem:$0x13000] =	vst v63  }
0x34a: {  	v0 =	vld [tilespmem:s12+$0x30];
	_ =	sdelay $0x4  }
0x34b: {  	v63 =	vshll.u32 v0, $0x2  }
0x34c: {  	v0 =	vand.u32 $0x7, v0;
	v1 =	vand.u32 $0xFFFFFFE0, v63  }
0x34d: {  	v0 =	vor.u32 v0, v1  }
0x34e: {  	v1 =	vperm.xlane v0, v2;
	_ =	sdelay $0x1  }
0x34f: {  	v1 =	vadd.s32 v3, v1;
	_ =	sdelay $0x1  }
0x350: {  	v0 =	vperm.xlane v0, v4;
	_ =	sdelay $0x1  }
0x351: {  	v0 =	vadd.s32 v3, v0  }
0x352: {  	[tilespmem:s19], [sflag:$0x2] =	stream.indirect_vreg.gather [hbm4b:s1+s4], $0x80, v1, vm0, $0xb8;
	[tilespmem:$0x13000] =	vst v63  }
0x353: {  	_ = 	snop  }
0x354: {  	[tilespmem:s20], [sflag:$0x2] =	stream.indirect_vreg.gather [hbm4b:s8+s4], $0x80, v1, vm0, $0xb8;
	[tilespmem:$0x13000] =	vst v63  }
0x355: {  	s9 =	sshll.u32 s9, $0x5  }
0x356: {  	[tilespmem:s21], [sflag:$0x2] =	stream.indirect_vreg.gather [hbm4b:s1+s4], $0x80, v0, vm0, $0xb8;
	[tilespmem:$0x13000] =	vst v63  }
.Ltmp10:
0x357: {  	s10 =	sadd.s32 s6, s10;
	s9 =	sand.u32 $0x60, s9;
	(pc) =	sbr.rel .LBB2_14-.Ltmp10, $4  }
0x358: {  	s10 =	sand.u32 $0x7FE00, s10;
	s9 =	sadd.s32 s5, s9  }
0x359: {  	[tilespmem:s22], [sflag:$0x2] =	stream.indirect_vreg.gather [hbm4b:s8+s4], $0x80, v0, vm0, $0xb8;
	[tilespmem:$0x13000] =	vst v63  }
0x35a: {  	s9 =	sadd.s32 s10, s9  }
0x35b: {  	[tilespmem:s23], [sflag:$0x4] =	stream.strided.gather [hbm4b:s9+s30], $0x400, s31, s30, $0x38;
	[tilespmem:$0x13000] =	vst v63  }
.LBB2_16:
0x35c: {  	_ =	sfence.sel $0x180000  }
0x35d: {  	[bflag:$0x0] =	sbarrier.arrive $0xFFFF  }
0x35e: {  	_ =	strace $0x90000047  }
0x35f: {  	s0 =	stileid.u32;
	[bflag:$0x2] =	sbarrier.arrive $0xFFFF  }
0x360: {  	p0 =	sne.s32 s0, $0x0;
	s0 =	rddreg [dreg:$0x3]  }
0x361: {  	s0 =	sadd.s32 @!p0 $0x100000, s0  }
0x362: {  	[sflag:s0] =	ssyncadd.tile.s32 @!p0 $0x1;
	_ =	shalt  }
.Lfunc_end2:
_tile_overlayer_lowered:
.L_overlay_start_2:
0x363: {  	(tag) =	ssettag $0x2  }
0x364: {  	s0 =	rddreg [dreg:$0x0];
	s2 =	stileid.u32  }
0x365: {  	s1 =	rddreg [dreg:$0x1];
	p0 =	sne.s32 s2, $0x0  }
0x366: {  	s3 =	rddreg [dreg:$0x2];
	[bflag:$0x3] =	sbarrier.arrive $0xFFFF;
	s2 =	simm.s32 @!p0 $0x1C07  }
0x367: {  	[timem:s3], [sflag:s2] =	dma.local @!p0 [hbm:s0], s1  }
0x368: {  	s0 =	simm.s32 @!p0 $0x7  }
0x369: {  	_ =	swait.ge @!p0 [sflag:s0], s1  }
0x36a: {  	s1 =	ssub.s32 @!p0 $0x0, s1;
	[sflag:s0] =	ssyncset.done @!p0 $0x0  }
0x36b: {  	[sflag:s0] =	ssyncadd.s32 @!p0 s1  }
0x36c: {  	[bflag:$0x3] =	sbarrier.arrive $0xFFFF  }
0x36d: {  	_ =	shalt  }

</sc_bundles>
